<compile_context>
chip_gen: v7x
topology: tpu7x:2x2x1
jax: 0.10.2.dev20260603
libtpu: 0.0.44.dev20260713+nightly
codegen_flags: <defaults>
</compile_context>

<pallas_src>
import functools

import jax
import jax.numpy as jnp
from jax import lax
from jax.experimental import pallas as pl
from jax.experimental.pallas import tpu as pltpu
from jax.experimental.pallas import tpu_sc as plsc

_N = 10000
_E = 320000
_D = 32
_HH = 64

_NW = 32
_EPW = _E // _NW
_K = 80
_NCHUNK = _EPW // _K

_UND = _E // 2
_EPW_H = _UND // _NW
_KH = 40
_NCHUNK_H = _EPW_H // _KH

_WCHUNK = 640


def _copy_out_rows(src_sh, dst_view, s):
    off = pl.multiple_of(s * _WCHUNK, 128)

    @pl.when(s < 15)
    def _():
        pltpu.sync_copy(src_sh.at[pl.ds(off, _WCHUNK)],
                        dst_view.at[pl.ds(off, _WCHUNK)])

    @pl.when(s == 15)
    def _():
        pltpu.sync_copy(src_sh.at[pl.ds(15 * _WCHUNK, _N - 15 * _WCHUNK)],
                        dst_view.at[pl.ds(15 * _WCHUNK, _N - 15 * _WCHUNK)])


def _relu(x):
    return jnp.maximum(x, 0.0)



def _tc_a_body(x_ref, win_ref, bin_ref, w1_ref, b1_ref, w2_ref, b2_ref,
               h_ref, m_ref):
    h = jnp.dot(x_ref[...], win_ref[...],
                preferred_element_type=jnp.float32) + bin_ref[...]
    h_ref[...] = h
    t = _relu(jnp.dot(h, w1_ref[...],
                      preferred_element_type=jnp.float32) + b1_ref[...])
    m_ref[...] = _relu(jnp.dot(t, w2_ref[...],
                               preferred_element_type=jnp.float32) + b2_ref[...])


def _tc_mid_body(h_ref, accp_ref, degp_ref, uw1a_ref, uw1b_ref, ub1_ref,
                 uw2_ref, ub2_ref, mw1_ref, mb1_ref, mw2_ref, mb2_ref,
                 h1_ref, m1_ref, deg_ref):
    h = h_ref[...]
    acc = accp_ref[0] + accp_ref[1]
    deg = degp_ref[0] + degp_ref[1]
    deg_ref[...] = deg
    agg = acc / jnp.maximum(deg, 1.0)
    t = _relu(jnp.dot(h, uw1a_ref[...], preferred_element_type=jnp.float32)
              + jnp.dot(agg, uw1b_ref[...], preferred_element_type=jnp.float32)
              + ub1_ref[...])
    u = jnp.dot(t, uw2_ref[...], preferred_element_type=jnp.float32) + ub2_ref[...]
    h1 = h + u
    h1_ref[...] = h1
    t2 = _relu(jnp.dot(h1, mw1_ref[...],
                       preferred_element_type=jnp.float32) + mb1_ref[...])
    m1_ref[...] = _relu(jnp.dot(t2, mw2_ref[...],
                                preferred_element_type=jnp.float32) + mb2_ref[...])


def _tc_c_body(h_ref, accp_ref, deg_ref, uw1a_ref, uw1b_ref, ub1_ref,
               uw2_ref, ub2_ref, ha_ref, hb_ref, wa_ref, wb_ref,
               pq_ref):
    h = h_ref[...]
    acc = accp_ref[0] + accp_ref[1]
    deg = deg_ref[...]
    agg = acc / jnp.maximum(deg, 1.0)
    t = _relu(jnp.dot(h, uw1a_ref[...], preferred_element_type=jnp.float32)
              + jnp.dot(agg, uw1b_ref[...], preferred_element_type=jnp.float32)
              + ub1_ref[...])
    u = jnp.dot(t, uw2_ref[...], preferred_element_type=jnp.float32) + ub2_ref[...]
    h2 = h + u
    pq_ref[pl.ds(0, _N), :] = (
        jnp.dot(h2, ha_ref[...], preferred_element_type=jnp.float32)
        + deg * wa_ref[...])
    pq_ref[pl.ds(_N, _N), :] = (
        jnp.dot(h2, hb_ref[...], preferred_element_type=jnp.float32)
        + deg * wb_ref[...])


def _tc_head_body(pg_ref, b1_ref, w2_ref, b2_ref, o_ref):
    x = pg_ref[...]
    z = _relu(x[:, :_HH] + x[:, _HH:] + b1_ref[...])
    s = jnp.sum(z * w2_ref[...], axis=1) + b2_ref[0, 0]
    o_ref[...] = jnp.maximum(s, 0.0) + jnp.log1p(jnp.exp(-jnp.abs(s))) + 1e-6



_MESH = plsc.VectorSubcoreMesh(core_axis_name="c", subcore_axis_name="s")


def _zero_fill_rows(rows_v):
    z16 = jnp.zeros((16,), jnp.float32)
    for r in range(_K):
        rows_v[r, pl.ds(0, 16)] = z16
        rows_v[r, pl.ds(16, 16)] = z16


def _fill_flat(buf, n, value):
    v16 = jnp.full((16,), value, jnp.float32)
    for i in range(n // 16):
        buf[pl.ds(16 * i, 16)] = v16


def _scatter_body(m_hbm, row3_hbm, col3_hbm, acc_out, deg_outs,
                  col_all, row_all, rows0, rows1, onesv, acc_sh, deg_sh,
                  sem0, sem1):
    c = lax.axis_index("c")
    s = lax.axis_index("s")
    wid = c * 16 + s
    with_deg = deg_outs is not None

    _zero_fill_rows(rows0)
    if with_deg:
        _fill_flat(onesv, _K, 0.0)
    nblk = _N // _K
    for k in range(8):
        blk = s + 16 * k
        @pl.when(blk < nblk)
        def _():
            off = pl.multiple_of(blk * _K, 16)
            pltpu.sync_copy(rows0, acc_sh.at[pl.ds(off, _K)])
            if with_deg:
                pltpu.sync_copy(onesv, deg_sh.at[pl.ds(off, _K)])
    if with_deg:
        _fill_flat(onesv, _K, 1.0)

    pltpu.sync_copy(col3_hbm.at[wid], col_all)
    pltpu.sync_copy(row3_hbm.at[wid], row_all)
    plsc.subcore_barrier()

    def start_gather(j, buf, sem):
        return pltpu.async_copy(m_hbm.at[col_all.at[j]], buf, sem)

    def wait_gather(buf, sem):
        pltpu.make_async_copy(m_hbm.at[col_all.at[0]], buf, sem).wait()

    def scatter(j, buf):
        pltpu.sync_copy(buf, acc_sh.at[row_all.at[j]], add=True)
        if with_deg:
            pltpu.sync_copy(onesv, deg_sh.at[row_all.at[j]], add=True)

    start_gather(0, rows0, sem0)

    def pair(jj, carry):
        j0 = 2 * jj
        start_gather(j0 + 1, rows1, sem1)
        wait_gather(rows0, sem0)
        scatter(j0, rows0)
        start_gather(j0 + 2, rows0, sem0)
        wait_gather(rows1, sem1)
        scatter(j0 + 1, rows1)
        return carry

    lax.fori_loop(0, (_NCHUNK - 1) // 2, pair, 0)
    wait_gather(rows0, sem0)
    scatter(_NCHUNK - 1, rows0)
    plsc.subcore_barrier()

    _copy_out_rows(acc_sh, acc_out.at[c], s)

    if with_deg:
        deg0_out, deg1_out = deg_outs

        @pl.when(c == 0)
        def _():
            _copy_out_rows(deg_sh, deg0_out, s)

        @pl.when(c == 1)
        def _():
            _copy_out_rows(deg_sh, deg1_out, s)


@functools.partial(
    pl.kernel,
    out_type=[
        jax.ShapeDtypeStruct((2, _N, _D), jnp.float32),
        jax.ShapeDtypeStruct((_N,), jnp.float32),
        jax.ShapeDtypeStruct((_N,), jnp.float32),
    ],
    mesh=_MESH,
    compiler_params=pltpu.CompilerParams(use_tc_tiling_on_sc=False),
    scratch_types=[
        pltpu.VMEM((_NCHUNK, _K), jnp.int32),
        pltpu.VMEM((_NCHUNK, _K), jnp.int32),
        pltpu.VMEM((_K, _D), jnp.float32),
        pltpu.VMEM((_K, _D), jnp.float32),
        pltpu.VMEM((_K,), jnp.float32),
        pltpu.VMEM_SHARED((_N, _D), jnp.float32),
        pltpu.VMEM_SHARED((_N,), jnp.float32),
        pltpu.SemaphoreType.DMA,
        pltpu.SemaphoreType.DMA,
    ],
)
def _sc_scatter_deg(m_hbm, row3_hbm, col3_hbm, acc_out, deg0_out, deg1_out,
                    col_all, row_all, rows0, rows1, onesv, acc_sh, deg_sh,
                    sem0, sem1):
    _scatter_body(m_hbm, row3_hbm, col3_hbm, acc_out, (deg0_out, deg1_out),
                  col_all, row_all, rows0, rows1, onesv, acc_sh, deg_sh,
                  sem0, sem1)


@functools.partial(
    pl.kernel,
    out_type=[
        jax.ShapeDtypeStruct((2, _N, _D), jnp.float32),
    ],
    mesh=_MESH,
    compiler_params=pltpu.CompilerParams(use_tc_tiling_on_sc=False),
    scratch_types=[
        pltpu.VMEM((_NCHUNK, _K), jnp.int32),
        pltpu.VMEM((_NCHUNK, _K), jnp.int32),
        pltpu.VMEM((_K, _D), jnp.float32),
        pltpu.VMEM((_K, _D), jnp.float32),
        pltpu.VMEM_SHARED((_N, _D), jnp.float32),
        pltpu.SemaphoreType.DMA,
        pltpu.SemaphoreType.DMA,
    ],
)
def _sc_scatter(m_hbm, row3_hbm, col3_hbm, acc_out,
                col_all, row_all, rows0, rows1, acc_sh, sem0, sem1):
    _scatter_body(m_hbm, row3_hbm, col3_hbm, acc_out, None,
                  col_all, row_all, rows0, rows1, None, acc_sh, None,
                  sem0, sem1)


@functools.partial(
    pl.kernel,
    out_type=[
        jax.ShapeDtypeStruct((_UND, 2 * _HH), jnp.float32),
    ],
    mesh=_MESH,
    compiler_params=pltpu.CompilerParams(use_tc_tiling_on_sc=False),
    scratch_types=[
        pltpu.VMEM((_NCHUNK_H, _KH), jnp.int32),
        pltpu.VMEM((_NCHUNK_H, _KH), jnp.int32),
        pltpu.VMEM((_KH, _HH), jnp.float32),
        pltpu.VMEM((_KH, _HH), jnp.float32),
        pltpu.VMEM((_KH, _HH), jnp.float32),
        pltpu.VMEM((_KH, _HH), jnp.float32),
        pltpu.SemaphoreType.DMA,
        pltpu.SemaphoreType.DMA,
        pltpu.SemaphoreType.DMA,
        pltpu.SemaphoreType.DMA,
    ],
)
def _sc_head_gather(pq_hbm, src3_hbm, dst3_hbm, pg_out,
                    src_all, dst_all, pv0, qv0, pv1, qv1, sp0, sq0, sp1, sq1):
    c = lax.axis_index("c")
    s = lax.axis_index("s")
    wid = c * 16 + s
    base = wid * _EPW_H

    pltpu.sync_copy(src3_hbm.at[wid], src_all)
    pltpu.sync_copy(dst3_hbm.at[wid], dst_all)

    def start(j, pv, qv, sp, sq):
        pltpu.async_copy(pq_hbm.at[src_all.at[j]], pv, sp)
        pltpu.async_copy(pq_hbm.at[dst_all.at[j]], qv, sq)

    def wait(pv, qv, sp, sq):
        pltpu.make_async_copy(pq_hbm.at[src_all.at[0]], pv, sp).wait()
        pltpu.make_async_copy(pq_hbm.at[dst_all.at[0]], qv, sq).wait()

    def writeout(j, pv, qv):
        off = pl.multiple_of(base + j * _KH, 8)
        pltpu.sync_copy(pv, pg_out.at[pl.ds(off, _KH), pl.ds(0, _HH)])
        pltpu.sync_copy(qv, pg_out.at[pl.ds(off, _KH), pl.ds(_HH, _HH)])

    start(0, pv0, qv0, sp0, sq0)

    def pair(jj, carry):
        j0 = 2 * jj
        start(j0 + 1, pv1, qv1, sp1, sq1)
        wait(pv0, qv0, sp0, sq0)
        writeout(j0, pv0, qv0)
        start(j0 + 2, pv0, qv0, sp0, sq0)
        wait(pv1, qv1, sp1, sq1)
        writeout(j0 + 1, pv1, qv1)
        return carry

    lax.fori_loop(0, (_NCHUNK_H - 1) // 2, pair, 0)
    wait(pv0, qv0, sp0, sq0)
    writeout(_NCHUNK_H - 1, pv0, qv0)



def kernel(node_features, edge_index, w_in, b_in, msg_w1, msg_b1, msg_w2,
           msg_b2, upd_w1, upd_b1, upd_w2, upd_b2, head_w1, head_b1,
           head_w2, head_b2):
    f32 = jnp.float32
    row = edge_index[0]
    col = edge_index[1]
    row3 = row.reshape(_NW, _NCHUNK, _K)
    col3 = col.reshape(_NW, _NCHUNK, _K)
    src3 = row[:_UND].reshape(_NW, _NCHUNK_H, _KH)
    dst3 = (col[:_UND] + _N).reshape(_NW, _NCHUNK_H, _KH)

    h0, m0 = pl.pallas_call(
        _tc_a_body,
        out_shape=[jax.ShapeDtypeStruct((_N, _D), f32),
                   jax.ShapeDtypeStruct((_N, _D), f32)],
    )(node_features, w_in, b_in.reshape(1, _D),
      msg_w1[0], msg_b1[0].reshape(1, _D), msg_w2[0], msg_b2[0].reshape(1, _D))

    acc0p, deg0p, deg1p = _sc_scatter_deg(m0, row3, col3)
    degp = jnp.stack([deg0p, deg1p])

    h1, m1, deg = pl.pallas_call(
        _tc_mid_body,
        out_shape=[jax.ShapeDtypeStruct((_N, _D), f32),
                   jax.ShapeDtypeStruct((_N, _D), f32),
                   jax.ShapeDtypeStruct((_N, 1), f32)],
    )(h0, acc0p, degp.reshape(2, _N, 1),
      upd_w1[0][:_D], upd_w1[0][_D:], upd_b1[0].reshape(1, _D),
      upd_w2[0], upd_b2[0].reshape(1, _D),
      msg_w1[1], msg_b1[1].reshape(1, _D), msg_w2[1], msg_b2[1].reshape(1, _D))

    (acc1p,) = _sc_scatter(m1, row3, col3)

    pq_tab = pl.pallas_call(
        _tc_c_body,
        out_shape=jax.ShapeDtypeStruct((2 * _N, _HH), f32),
    )(h1, acc1p, deg,
      upd_w1[1][:_D], upd_w1[1][_D:], upd_b1[1].reshape(1, _D),
      upd_w2[1], upd_b2[1].reshape(1, _D),
      head_w1[:_D], head_w1[_D:2 * _D],
      head_w1[2 * _D].reshape(1, _HH), head_w1[2 * _D + 1].reshape(1, _HH))

    (pg,) = _sc_head_gather(pq_tab, src3, dst3)

    blk = 256
    grid = _UND // blk
    z = pl.pallas_call(
        _tc_head_body,
        grid=(grid,),
        in_specs=[
            pl.BlockSpec((blk, 2 * _HH), lambda i: (i, 0)),
            pl.BlockSpec((1, _HH), lambda i: (0, 0)),
            pl.BlockSpec((1, _HH), lambda i: (0, 0)),
            pl.BlockSpec((1, 1), lambda i: (0, 0)),
        ],
        out_specs=pl.BlockSpec((blk,), lambda i: (i,)),
        out_shape=jax.ShapeDtypeStruct((_UND,), f32),
    )(pg, head_b1.reshape(1, _HH), head_w2.reshape(1, _HH),
      head_b2.reshape(1, 1))

    return jnp.concatenate([z, z], axis=0).reshape(_E, 1)

# --- scband reference (transcript-rebuilt; emitter-appended) ---
"""Pipeline reference for scband-edge-weight-predictor-36455682408726 (READ-ONLY COPY).

The authoritative reference and input builder live on the scoring server;
editing this copy changes nothing except your own understanding.
"""

import jax, jax.numpy as jnp
import numpy as np

N = 10000
E = 320000
D_IN = 128
D = 32
L = 2
HEAD_IN = 2 * D + 2
HH = 64


def setup_inputs(seed: int = 0) -> dict:
    key = jax.random.key(seed)
    ks = jax.random.split(key, 12)
    x = jax.random.normal(ks[0], (N, D_IN), jnp.float32)
    edge_index = jax.random.randint(ks[1], (2, E), 0, N, dtype=jnp.int32)

    def w(k, shape):
        return jax.random.normal(k, shape, jnp.float32) * 0.05

    return {
        "node_features": x,
        "edge_index": edge_index,
        "w_in": w(ks[2], (D_IN, D)), "b_in": jnp.zeros((D,), jnp.float32),
        "msg_w1": w(ks[3], (L, D, D)), "msg_b1": jnp.zeros((L, D), jnp.float32),
        "msg_w2": w(ks[4], (L, D, D)), "msg_b2": jnp.zeros((L, D), jnp.float32),
        "upd_w1": w(ks[5], (L, 2 * D, D)), "upd_b1": jnp.zeros((L, D), jnp.float32),
        "upd_w2": w(ks[6], (L, D, D)), "upd_b2": jnp.zeros((L, D), jnp.float32),
        "head_w1": w(ks[7], (HEAD_IN, HH)), "head_b1": jnp.zeros((HH,), jnp.float32),
        "head_w2": w(ks[8], (HH, 1)), "head_b2": jnp.zeros((1,), jnp.float32),
    }


def _forward(node_features, edge_index, w_in, b_in, msg_w1, msg_b1, msg_w2, msg_b2,
             upd_w1, upd_b1, upd_w2, upd_b2, head_w1, head_b1, head_w2, head_b2):
    h = node_features @ w_in + b_in
    row = edge_index[0]
    col = edge_index[1]
    n = node_features.shape[0]
    for l in range(L):
        # NeighborAggregator: msg_mlp on gathered source features
        m = jax.nn.relu(h[col] @ msg_w1[l] + msg_b1[l])
        m = jax.nn.relu(m @ msg_w2[l] + msg_b2[l])
        # index_add_ -> segment_sum on destination (row)
        agg = jax.ops.segment_sum(m, row, num_segments=n)
        deg = jnp.clip(jnp.bincount(row, length=n), 1, None).astype(jnp.float32)[:, None]
        agg = agg / deg
        u = jax.nn.relu(jnp.concatenate([h, agg], axis=1) @ upd_w1[l] + upd_b1[l])
        u = u @ upd_w2[l] + upd_b2[l]
        h = h + u  # residual in EdgeWeightPredictor.forward
    deg = jnp.bincount(row, length=n).astype(jnp.float32)
    und = edge_index.shape[1] // 2
    src = row[:und]
    dst = col[:und]
    edge_feat = jnp.concatenate(
        [h[src], h[dst], deg[src][:, None], deg[dst][:, None]], axis=1)
    z = jax.nn.relu(edge_feat @ head_w1 + head_b1) @ head_w2 + head_b2
    w_half = jax.nn.softplus(z) + 1e-06
    return jnp.concatenate([w_half, w_half], axis=0)


def reference(node_features, edge_index, w_in, b_in, msg_w1, msg_b1, msg_w2, msg_b2,
              upd_w1, upd_b1, upd_w2, upd_b2, head_w1, head_b1, head_w2, head_b2):
    return _forward(node_features, edge_index, w_in, b_in, msg_w1, msg_b1, msg_w2,
                    msg_b2, upd_w1, upd_b1, upd_w2, upd_b2, head_w1, head_b1,
                    head_w2, head_b2)

if __name__ == "__main__":
    import jax
    _d = setup_inputs()
    print(jax.jit(kernel)(*tuple(_d.values())))

</pallas_src>

<mosaic_0001>
#map = affine_map<(d0, d1) -> (0, 0)>
#map1 = affine_map<(d0, d1) -> (0, 0, 0)>
module attributes {stable_mosaic.version = 14 : i64} {
  func.func @_sc_scatter(%arg0: i32, %arg1: i32, %arg2: memref<10000x32xf32, #tpu.memory_space<hbm>>, %arg3: memref<32x125x80xi32, #tpu.memory_space<hbm>>, %arg4: memref<32x125x80xi32, #tpu.memory_space<hbm>>, %arg5: memref<2x10000x32xf32, #tpu.memory_space<hbm>>, %arg6: memref<125x80xi32, #tpu.memory_space<vmem>>, %arg7: memref<125x80xi32, #tpu.memory_space<vmem>>, %arg8: memref<80x32xf32, #tpu.memory_space<vmem>>, %arg9: memref<80x32xf32, #tpu.memory_space<vmem>>, %arg10: memref<10000x32xf32, #tpu.memory_space<vmem_shared>>, %arg11: memref<!tpu.dma_semaphore, #tpu.memory_space<semaphore_mem>>, %arg12: memref<!tpu.dma_semaphore, #tpu.memory_space<semaphore_mem>>) attributes {dimension_semantics = [#tpu.dimension_semantics<core_parallel>, #tpu.dimension_semantics<subcore_parallel>], iteration_bounds = array<i64: 2, 16>, scalar_prefetch = 0 : i64, scratch_operands = 7 : i64, tpu.core_type = #tpu.core_type<sc_vector_subcore>, window_params = [{transform_indices = #map}, {transform_indices = #map1}, {transform_indices = #map1}, {transform_indices = #map1}]} {
    %mul3A = arith.constant 16 : i32
    %mul3A_0 = arith.muli %arg0, %mul3A : i32
    %add3A = arith.addi %mul3A_0, %arg1 : i32
    %broadcast_in_dim3A = arith.constant 0.000000e+00 : f32
    %broadcast_in_dim3A_1 = vector.broadcast %broadcast_in_dim3A : f32 to vector<16xf32>
    %swap3A = arith.constant 0 : i32
    %swap3A_2 = arith.index_cast %swap3A : i32 to index
    %swap3A_3 = arith.constant 0 : index
    %swap3A_4 = tpu.vector_load %arg8[%swap3A_2, %swap3A_3] {strides = array<i32>} : memref<80x32xf32, #tpu.memory_space<vmem>>, vector<1x16xf32>,
    %swap3A_5 = vector.shape_cast %swap3A_4 : vector<1x16xf32> to vector<16xf32>
    %swap3A_6 = vector.shape_cast %broadcast_in_dim3A_1 : vector<16xf32> to vector<1x16xf32>
    tpu.vector_store %arg8[%swap3A_2, %swap3A_3], %swap3A_6 {strides = array<i32>} : memref<80x32xf32, #tpu.memory_space<vmem>>, vector<1x16xf32>,
    %swap3A_7 = arith.constant 0 : i32
    %swap3A_8 = arith.index_cast %swap3A_7 : i32 to index
    %swap3A_9 = arith.constant 16 : index
    %swap3A_10 = tpu.vector_load %arg8[%swap3A_8, %swap3A_9] {strides = array<i32>} : memref<80x32xf32, #tpu.memory_space<vmem>>, vector<1x16xf32>,
    %swap3A_11 = vector.shape_cast %swap3A_10 : vector<1x16xf32> to vector<16xf32>
    %swap3A_12 = vector.shape_cast %broadcast_in_dim3A_1 : vector<16xf32> to vector<1x16xf32>
    tpu.vector_store %arg8[%swap3A_8, %swap3A_9], %swap3A_12 {strides = array<i32>} : memref<80x32xf32, #tpu.memory_space<vmem>>, vector<1x16xf32>,
    %swap3A_13 = arith.constant 1 : i32
    %swap3A_14 = arith.index_cast %swap3A_13 : i32 to index
    %swap3A_15 = arith.constant 0 : index
    %swap3A_16 = tpu.vector_load %arg8[%swap3A_14, %swap3A_15] {strides = array<i32>} : memref<80x32xf32, #tpu.memory_space<vmem>>, vector<1x16xf32>,
    %swap3A_17 = vector.shape_cast %swap3A_16 : vector<1x16xf32> to vector<16xf32>
    %swap3A_18 = vector.shape_cast %broadcast_in_dim3A_1 : vector<16xf32> to vector<1x16xf32>
    tpu.vector_store %arg8[%swap3A_14, %swap3A_15], %swap3A_18 {strides = array<i32>} : memref<80x32xf32, #tpu.memory_space<vmem>>, vector<1x16xf32>,
    %swap3A_19 = arith.constant 1 : i32
    %swap3A_20 = arith.index_cast %swap3A_19 : i32 to index
    %swap3A_21 = arith.constant 16 : index
    %swap3A_22 = tpu.vector_load %arg8[%swap3A_20, %swap3A_21] {strides = array<i32>} : memref<80x32xf32, #tpu.memory_space<vmem>>, vector<1x16xf32>,
    %swap3A_23 = vector.shape_cast %swap3A_22 : vector<1x16xf32> to vector<16xf32>
    %swap3A_24 = vector.shape_cast %broadcast_in_dim3A_1 : vector<16xf32> to vector<1x16xf32>
    tpu.vector_store %arg8[%swap3A_20, %swap3A_21], %swap3A_24 {strides = array<i32>} : memref<80x32xf32, #tpu.memory_space<vmem>>, vector<1x16xf32>,
    %swap3A_25 = arith.constant 2 : i32
    %swap3A_26 = arith.index_cast %swap3A_25 : i32 to index
    %swap3A_27 = arith.constant 0 : index
    %swap3A_28 = tpu.vector_load %arg8[%swap3A_26, %swap3A_27] {strides = array<i32>} : memref<80x32xf32, #tpu.memory_space<vmem>>, vector<1x16xf32>,
    %swap3A_29 = vector.shape_cast %swap3A_28 : vector<1x16xf32> to vector<16xf32>
    %swap3A_30 = vector.shape_cast %broadcast_in_dim3A_1 : vector<16xf32> to vector<1x16xf32>
    tpu.vector_store %arg8[%swap3A_26, %swap3A_27], %swap3A_30 {strides = array<i32>} : memref<80x32xf32, #tpu.memory_space<vmem>>, vector<1x16xf32>,
    %swap3A_31 = arith.constant 2 : i32
    %swap3A_32 = arith.index_cast %swap3A_31 : i32 to index
    %swap3A_33 = arith.constant 16 : index
    %swap3A_34 = tpu.vector_load %arg8[%swap3A_32, %swap3A_33] {strides = array<i32>} : memref<80x32xf32, #tpu.memory_space<vmem>>, vector<1x16xf32>,
    %swap3A_35 = vector.shape_cast %swap3A_34 : vector<1x16xf32> to vector<16xf32>
    %swap3A_36 = vector.shape_cast %broadcast_in_dim3A_1 : vector<16xf32> to vector<1x16xf32>
    tpu.vector_store %arg8[%swap3A_32, %swap3A_33], %swap3A_36 {strides = array<i32>} : memref<80x32xf32, #tpu.memory_space<vmem>>, vector<1x16xf32>,
    %swap3A_37 = arith.constant 3 : i32
    %swap3A_38 = arith.index_cast %swap3A_37 : i32 to index
    %swap3A_39 = arith.constant 0 : index
    %swap3A_40 = tpu.vector_load %arg8[%swap3A_38, %swap3A_39] {strides = array<i32>} : memref<80x32xf32, #tpu.memory_space<vmem>>, vector<1x16xf32>,
    %swap3A_41 = vector.shape_cast %swap3A_40 : vector<1x16xf32> to vector<16xf32>
    %swap3A_42 = vector.shape_cast %broadcast_in_dim3A_1 : vector<16xf32> to vector<1x16xf32>
    tpu.vector_store %arg8[%swap3A_38, %swap3A_39], %swap3A_42 {strides = array<i32>} : memref<80x32xf32, #tpu.memory_space<vmem>>, vector<1x16xf32>,
    %swap3A_43 = arith.constant 3 : i32
    %swap3A_44 = arith.index_cast %swap3A_43 : i32 to index
    %swap3A_45 = arith.constant 16 : index
    %swap3A_46 = tpu.vector_load %arg8[%swap3A_44, %swap3A_45] {strides = array<i32>} : memref<80x32xf32, #tpu.memory_space<vmem>>, vector<1x16xf32>,
    %swap3A_47 = vector.shape_cast %swap3A_46 : vector<1x16xf32> to vector<16xf32>
    %swap3A_48 = vector.shape_cast %broadcast_in_dim3A_1 : vector<16xf32> to vector<1x16xf32>
    tpu.vector_store %arg8[%swap3A_44, %swap3A_45], %swap3A_48 {strides = array<i32>} : memref<80x32xf32, #tpu.memory_space<vmem>>, vector<1x16xf32>,
    %swap3A_49 = arith.constant 4 : i32
    %swap3A_50 = arith.index_cast %swap3A_49 : i32 to index
    %swap3A_51 = arith.constant 0 : index
    %swap3A_52 = tpu.vector_load %arg8[%swap3A_50, %swap3A_51] {strides = array<i32>} : memref<80x32xf32, #tpu.memory_space<vmem>>, vector<1x16xf32>,
    %swap3A_53 = vector.shape_cast %swap3A_52 : vector<1x16xf32> to vector<16xf32>
    %swap3A_54 = vector.shape_cast %broadcast_in_dim3A_1 : vector<16xf32> to vector<1x16xf32>
    tpu.vector_store %arg8[%swap3A_50, %swap3A_51], %swap3A_54 {strides = array<i32>} : memref<80x32xf32, #tpu.memory_space<vmem>>, vector<1x16xf32>,
    %swap3A_55 = arith.constant 4 : i32
    %swap3A_56 = arith.index_cast %swap3A_55 : i32 to index
    %swap3A_57 = arith.constant 16 : index
    %swap3A_58 = tpu.vector_load %arg8[%swap3A_56, %swap3A_57] {strides = array<i32>} : memref<80x32xf32, #tpu.memory_space<vmem>>, vector<1x16xf32>,
    %swap3A_59 = vector.shape_cast %swap3A_58 : vector<1x16xf32> to vector<16xf32>
    %swap3A_60 = vector.shape_cast %broadcast_in_dim3A_1 : vector<16xf32> to vector<1x16xf32>
    tpu.vector_store %arg8[%swap3A_56, %swap3A_57], %swap3A_60 {strides = array<i32>} : memref<80x32xf32, #tpu.memory_space<vmem>>, vector<1x16xf32>,
    %swap3A_61 = arith.constant 5 : i32
    %swap3A_62 = arith.index_cast %swap3A_61 : i32 to index
    %swap3A_63 = arith.constant 0 : index
    %swap3A_64 = tpu.vector_load %arg8[%swap3A_62, %swap3A_63] {strides = array<i32>} : memref<80x32xf32, #tpu.memory_space<vmem>>, vector<1x16xf32>,
    %swap3A_65 = vector.shape_cast %swap3A_64 : vector<1x16xf32> to vector<16xf32>
    %swap3A_66 = vector.shape_cast %broadcast_in_dim3A_1 : vector<16xf32> to vector<1x16xf32>
    tpu.vector_store %arg8[%swap3A_62, %swap3A_63], %swap3A_66 {strides = array<i32>} : memref<80x32xf32, #tpu.memory_space<vmem>>, vector<1x16xf32>,
    %swap3A_67 = arith.constant 5 : i32
    %swap3A_68 = arith.index_cast %swap3A_67 : i32 to index
    %swap3A_69 = arith.constant 16 : index
    %swap3A_70 = tpu.vector_load %arg8[%swap3A_68, %swap3A_69] {strides = array<i32>} : memref<80x32xf32, #tpu.memory_space<vmem>>, vector<1x16xf32>,
    %swap3A_71 = vector.shape_cast %swap3A_70 : vector<1x16xf32> to vector<16xf32>
    %swap3A_72 = vector.shape_cast %broadcast_in_dim3A_1 : vector<16xf32> to vector<1x16xf32>
    tpu.vector_store %arg8[%swap3A_68, %swap3A_69], %swap3A_72 {strides = array<i32>} : memref<80x32xf32, #tpu.memory_space<vmem>>, vector<1x16xf32>,
    %swap3A_73 = arith.constant 6 : i32
    %swap3A_74 = arith.index_cast %swap3A_73 : i32 to index
    %swap3A_75 = arith.constant 0 : index
    %swap3A_76 = tpu.vector_load %arg8[%swap3A_74, %swap3A_75] {strides = array<i32>} : memref<80x32xf32, #tpu.memory_space<vmem>>, vector<1x16xf32>,
    %swap3A_77 = vector.shape_cast %swap3A_76 : vector<1x16xf32> to vector<16xf32>
    %swap3A_78 = vector.shape_cast %broadcast_in_dim3A_1 : vector<16xf32> to vector<1x16xf32>
    tpu.vector_store %arg8[%swap3A_74, %swap3A_75], %swap3A_78 {strides = array<i32>} : memref<80x32xf32, #tpu.memory_space<vmem>>, vector<1x16xf32>,
    %swap3A_79 = arith.constant 6 : i32
    %swap3A_80 = arith.index_cast %swap3A_79 : i32 to index
    %swap3A_81 = arith.constant 16 : index
    %swap3A_82 = tpu.vector_load %arg8[%swap3A_80, %swap3A_81] {strides = array<i32>} : memref<80x32xf32, #tpu.memory_space<vmem>>, vector<1x16xf32>,
    %swap3A_83 = vector.shape_cast %swap3A_82 : vector<1x16xf32> to vector<16xf32>
    %swap3A_84 = vector.shape_cast %broadcast_in_dim3A_1 : vector<16xf32> to vector<1x16xf32>
    tpu.vector_store %arg8[%swap3A_80, %swap3A_81], %swap3A_84 {strides = array<i32>} : memref<80x32xf32, #tpu.memory_space<vmem>>, vector<1x16xf32>,
    %swap3A_85 = arith.constant 7 : i32
    %swap3A_86 = arith.index_cast %swap3A_85 : i32 to index
    %swap3A_87 = arith.constant 0 : index
    %swap3A_88 = tpu.vector_load %arg8[%swap3A_86, %swap3A_87] {strides = array<i32>} : memref<80x32xf32, #tpu.memory_space<vmem>>, vector<1x16xf32>,
    %swap3A_89 = vector.shape_cast %swap3A_88 : vector<1x16xf32> to vector<16xf32>
    %swap3A_90 = vector.shape_cast %broadcast_in_dim3A_1 : vector<16xf32> to vector<1x16xf32>
    tpu.vector_store %arg8[%swap3A_86, %swap3A_87], %swap3A_90 {strides = array<i32>} : memref<80x32xf32, #tpu.memory_space<vmem>>, vector<1x16xf32>,
    %swap3A_91 = arith.constant 7 : i32
    %swap3A_92 = arith.index_cast %swap3A_91 : i32 to index
    %swap3A_93 = arith.constant 16 : index
    %swap3A_94 = tpu.vector_load %arg8[%swap3A_92, %swap3A_93] {strides = array<i32>} : memref<80x32xf32, #tpu.memory_space<vmem>>, vector<1x16xf32>,
    %swap3A_95 = vector.shape_cast %swap3A_94 : vector<1x16xf32> to vector<16xf32>
    %swap3A_96 = vector.shape_cast %broadcast_in_dim3A_1 : vector<16xf32> to vector<1x16xf32>
    tpu.vector_store %arg8[%swap3A_92, %swap3A_93], %swap3A_96 {strides = array<i32>} : memref<80x32xf32, #tpu.memory_space<vmem>>, vector<1x16xf32>,
    %swap3A_97 = arith.constant 8 : i32
    %swap3A_98 = arith.index_cast %swap3A_97 : i32 to index
    %swap3A_99 = arith.constant 0 : index
    %swap3A_100 = tpu.vector_load %arg8[%swap3A_98, %swap3A_99] {strides = array<i32>} : memref<80x32xf32, #tpu.memory_space<vmem>>, vector<1x16xf32>,
    %swap3A_101 = vector.shape_cast %swap3A_100 : vector<1x16xf32> to vector<16xf32>
    %swap3A_102 = vector.shape_cast %broadcast_in_dim3A_1 : vector<16xf32> to vector<1x16xf32>
    tpu.vector_store %arg8[%swap3A_98, %swap3A_99], %swap3A_102 {strides = array<i32>} : memref<80x32xf32, #tpu.memory_space<vmem>>, vector<1x16xf32>,
    %swap3A_103 = arith.constant 8 : i32
    %swap3A_104 = arith.index_cast %swap3A_103 : i32 to index
    %swap3A_105 = arith.constant 16 : index
    %swap3A_106 = tpu.vector_load %arg8[%swap3A_104, %swap3A_105] {strides = array<i32>} : memref<80x32xf32, #tpu.memory_space<vmem>>, vector<1x16xf32>,
    %swap3A_107 = vector.shape_cast %swap3A_106 : vector<1x16xf32> to vector<16xf32>
    %swap3A_108 = vector.shape_cast %broadcast_in_dim3A_1 : vector<16xf32> to vector<1x16xf32>
    tpu.vector_store %arg8[%swap3A_104, %swap3A_105], %swap3A_108 {strides = array<i32>} : memref<80x32xf32, #tpu.memory_space<vmem>>, vector<1x16xf32>,
    %swap3A_109 = arith.constant 9 : i32
    %swap3A_110 = arith.index_cast %swap3A_109 : i32 to index
    %swap3A_111 = arith.constant 0 : index
    %swap3A_112 = tpu.vector_load %arg8[%swap3A_110, %swap3A_111] {strides = array<i32>} : memref<80x32xf32, #tpu.memory_space<vmem>>, vector<1x16xf32>,
    %swap3A_113 = vector.shape_cast %swap3A_112 : vector<1x16xf32> to vector<16xf32>
    %swap3A_114 = vector.shape_cast %broadcast_in_dim3A_1 : vector<16xf32> to vector<1x16xf32>
    tpu.vector_store %arg8[%swap3A_110, %swap3A_111], %swap3A_114 {strides = array<i32>} : memref<80x32xf32, #tpu.memory_space<vmem>>, vector<1x16xf32>,
    %swap3A_115 = arith.constant 9 : i32
    %swap3A_116 = arith.index_cast %swap3A_115 : i32 to index
    %swap3A_117 = arith.constant 16 : index
    %swap3A_118 = tpu.vector_load %arg8[%swap3A_116, %swap3A_117] {strides = array<i32>} : memref<80x32xf32, #tpu.memory_space<vmem>>, vector<1x16xf32>,
    %swap3A_119 = vector.shape_cast %swap3A_118 : vector<1x16xf32> to vector<16xf32>
    %swap3A_120 = vector.shape_cast %broadcast_in_dim3A_1 : vector<16xf32> to vector<1x16xf32>
    tpu.vector_store %arg8[%swap3A_116, %swap3A_117], %swap3A_120 {strides = array<i32>} : memref<80x32xf32, #tpu.memory_space<vmem>>, vector<1x16xf32>,
    %swap3A_121 = arith.constant 10 : i32
    %swap3A_122 = arith.index_cast %swap3A_121 : i32 to index
    %swap3A_123 = arith.constant 0 : index
    %swap3A_124 = tpu.vector_load %arg8[%swap3A_122, %swap3A_123] {strides = array<i32>} : memref<80x32xf32, #tpu.memory_space<vmem>>, vector<1x16xf32>,
    %swap3A_125 = vector.shape_cast %swap3A_124 : vector<1x16xf32> to vector<16xf32>
    %swap3A_126 = vector.shape_cast %broadcast_in_dim3A_1 : vector<16xf32> to vector<1x16xf32>
    tpu.vector_store %arg8[%swap3A_122, %swap3A_123], %swap3A_126 {strides = array<i32>} : memref<80x32xf32, #tpu.memory_space<vmem>>, vector<1x16xf32>,
    %swap3A_127 = arith.constant 10 : i32
    %swap3A_128 = arith.index_cast %swap3A_127 : i32 to index
    %swap3A_129 = arith.constant 16 : index
    %swap3A_130 = tpu.vector_load %arg8[%swap3A_128, %swap3A_129] {strides = array<i32>} : memref<80x32xf32, #tpu.memory_space<vmem>>, vector<1x16xf32>,
    %swap3A_131 = vector.shape_cast %swap3A_130 : vector<1x16xf32> to vector<16xf32>
    %swap3A_132 = vector.shape_cast %broadcast_in_dim3A_1 : vector<16xf32> to vector<1x16xf32>
    tpu.vector_store %arg8[%swap3A_128, %swap3A_129], %swap3A_132 {strides = array<i32>} : memref<80x32xf32, #tpu.memory_space<vmem>>, vector<1x16xf32>,
    %swap3A_133 = arith.constant 11 : i32
    %swap3A_134 = arith.index_cast %swap3A_133 : i32 to index
    %swap3A_135 = arith.constant 0 : index
    %swap3A_136 = tpu.vector_load %arg8[%swap3A_134, %swap3A_135] {strides = array<i32>} : memref<80x32xf32, #tpu.memory_space<vmem>>, vector<1x16xf32>,
    %swap3A_137 = vector.shape_cast %swap3A_136 : vector<1x16xf32> to vector<16xf32>
    %swap3A_138 = vector.shape_cast %broadcast_in_dim3A_1 : vector<16xf32> to vector<1x16xf32>
    tpu.vector_store %arg8[%swap3A_134, %swap3A_135], %swap3A_138 {strides = array<i32>} : memref<80x32xf32, #tpu.memory_space<vmem>>, vector<1x16xf32>,
    %swap3A_139 = arith.constant 11 : i32
    %swap3A_140 = arith.index_cast %swap3A_139 : i32 to index
    %swap3A_141 = arith.constant 16 : index
    %swap3A_142 = tpu.vector_load %arg8[%swap3A_140, %swap3A_141] {strides = array<i32>} : memref<80x32xf32, #tpu.memory_space<vmem>>, vector<1x16xf32>,
    %swap3A_143 = vector.shape_cast %swap3A_142 : vector<1x16xf32> to vector<16xf32>
    %swap3A_144 = vector.shape_cast %broadcast_in_dim3A_1 : vector<16xf32> to vector<1x16xf32>
    tpu.vector_store %arg8[%swap3A_140, %swap3A_141], %swap3A_144 {strides = array<i32>} : memref<80x32xf32, #tpu.memory_space<vmem>>, vector<1x16xf32>,
    %swap3A_145 = arith.constant 12 : i32
    %swap3A_146 = arith.index_cast %swap3A_145 : i32 to index
    %swap3A_147 = arith.constant 0 : index
    %swap3A_148 = tpu.vector_load %arg8[%swap3A_146, %swap3A_147] {strides = array<i32>} : memref<80x32xf32, #tpu.memory_space<vmem>>, vector<1x16xf32>,
    %swap3A_149 = vector.shape_cast %swap3A_148 : vector<1x16xf32> to vector<16xf32>
    %swap3A_150 = vector.shape_cast %broadcast_in_dim3A_1 : vector<16xf32> to vector<1x16xf32>
    tpu.vector_store %arg8[%swap3A_146, %swap3A_147], %swap3A_150 {strides = array<i32>} : memref<80x32xf32, #tpu.memory_space<vmem>>, vector<1x16xf32>,
    %swap3A_151 = arith.constant 12 : i32
    %swap3A_152 = arith.index_cast %swap3A_151 : i32 to index
    %swap3A_153 = arith.constant 16 : index
    %swap3A_154 = tpu.vector_load %arg8[%swap3A_152, %swap3A_153] {strides = array<i32>} : memref<80x32xf32, #tpu.memory_space<vmem>>, vector<1x16xf32>,
    %swap3A_155 = vector.shape_cast %swap3A_154 : vector<1x16xf32> to vector<16xf32>
    %swap3A_156 = vector.shape_cast %broadcast_in_dim3A_1 : vector<16xf32> to vector<1x16xf32>
    tpu.vector_store %arg8[%swap3A_152, %swap3A_153], %swap3A_156 {strides = array<i32>} : memref<80x32xf32, #tpu.memory_space<vmem>>, vector<1x16xf32>,
    %swap3A_157 = arith.constant 13 : i32
    %swap3A_158 = arith.index_cast %swap3A_157 : i32 to index
    %swap3A_159 = arith.constant 0 : index
    %swap3A_160 = tpu.vector_load %arg8[%swap3A_158, %swap3A_159] {strides = array<i32>} : memref<80x32xf32, #tpu.memory_space<vmem>>, vector<1x16xf32>,
    %swap3A_161 = vector.shape_cast %swap3A_160 : vector<1x16xf32> to vector<16xf32>
    %swap3A_162 = vector.shape_cast %broadcast_in_dim3A_1 : vector<16xf32> to vector<1x16xf32>
    tpu.vector_store %arg8[%swap3A_158, %swap3A_159], %swap3A_162 {strides = array<i32>} : memref<80x32xf32, #tpu.memory_space<vmem>>, vector<1x16xf32>,
    %swap3A_163 = arith.constant 13 : i32
    %swap3A_164 = arith.index_cast %swap3A_163 : i32 to index
    %swap3A_165 = arith.constant 16 : index
    %swap3A_166 = tpu.vector_load %arg8[%swap3A_164, %swap3A_165] {strides = array<i32>} : memref<80x32xf32, #tpu.memory_space<vmem>>, vector<1x16xf32>,
    %swap3A_167 = vector.shape_cast %swap3A_166 : vector<1x16xf32> to vector<16xf32>
    %swap3A_168 = vector.shape_cast %broadcast_in_dim3A_1 : vector<16xf32> to vector<1x16xf32>
    tpu.vector_store %arg8[%swap3A_164, %swap3A_165], %swap3A_168 {strides = array<i32>} : memref<80x32xf32, #tpu.memory_space<vmem>>, vector<1x16xf32>,
    %swap3A_169 = arith.constant 14 : i32
    %swap3A_170 = arith.index_cast %swap3A_169 : i32 to index
    %swap3A_171 = arith.constant 0 : index
    %swap3A_172 = tpu.vector_load %arg8[%swap3A_170, %swap3A_171] {strides = array<i32>} : memref<80x32xf32, #tpu.memory_space<vmem>>, vector<1x16xf32>,
    %swap3A_173 = vector.shape_cast %swap3A_172 : vector<1x16xf32> to vector<16xf32>
    %swap3A_174 = vector.shape_cast %broadcast_in_dim3A_1 : vector<16xf32> to vector<1x16xf32>
    tpu.vector_store %arg8[%swap3A_170, %swap3A_171], %swap3A_174 {strides = array<i32>} : memref<80x32xf32, #tpu.memory_space<vmem>>, vector<1x16xf32>,
    %swap3A_175 = arith.constant 14 : i32
    %swap3A_176 = arith.index_cast %swap3A_175 : i32 to index
    %swap3A_177 = arith.constant 16 : index
    %swap3A_178 = tpu.vector_load %arg8[%swap3A_176, %swap3A_177] {strides = array<i32>} : memref<80x32xf32, #tpu.memory_space<vmem>>, vector<1x16xf32>,
    %swap3A_179 = vector.shape_cast %swap3A_178 : vector<1x16xf32> to vector<16xf32>
    %swap3A_180 = vector.shape_cast %broadcast_in_dim3A_1 : vector<16xf32> to vector<1x16xf32>
    tpu.vector_store %arg8[%swap3A_176, %swap3A_177], %swap3A_180 {strides = array<i32>} : memref<80x32xf32, #tpu.memory_space<vmem>>, vector<1x16xf32>,
    %swap3A_181 = arith.constant 15 : i32
    %swap3A_182 = arith.index_cast %swap3A_181 : i32 to index
    %swap3A_183 = arith.constant 0 : index
    %swap3A_184 = tpu.vector_load %arg8[%swap3A_182, %swap3A_183] {strides = array<i32>} : memref<80x32xf32, #tpu.memory_space<vmem>>, vector<1x16xf32>,
    %swap3A_185 = vector.shape_cast %swap3A_184 : vector<1x16xf32> to vector<16xf32>
    %swap3A_186 = vector.shape_cast %broadcast_in_dim3A_1 : vector<16xf32> to vector<1x16xf32>
    tpu.vector_store %arg8[%swap3A_182, %swap3A_183], %swap3A_186 {strides = array<i32>} : memref<80x32xf32, #tpu.memory_space<vmem>>, vector<1x16xf32>,
    %swap3A_187 = arith.constant 15 : i32
    %swap3A_188 = arith.index_cast %swap3A_187 : i32 to index
    %swap3A_189 = arith.constant 16 : index
    %swap3A_190 = tpu.vector_load %arg8[%swap3A_188, %swap3A_189] {strides = array<i32>} : memref<80x32xf32, #tpu.memory_space<vmem>>, vector<1x16xf32>,
    %swap3A_191 = vector.shape_cast %swap3A_190 : vector<1x16xf32> to vector<16xf32>
    %swap3A_192 = vector.shape_cast %broadcast_in_dim3A_1 : vector<16xf32> to vector<1x16xf32>
    tpu.vector_store %arg8[%swap3A_188, %swap3A_189], %swap3A_192 {strides = array<i32>} : memref<80x32xf32, #tpu.memory_space<vmem>>, vector<1x16xf32>,
    %swap3A_193 = arith.constant 16 : i32
    %swap3A_194 = arith.index_cast %swap3A_193 : i32 to index
    %swap3A_195 = arith.constant 0 : index
    %swap3A_196 = tpu.vector_load %arg8[%swap3A_194, %swap3A_195] {strides = array<i32>} : memref<80x32xf32, #tpu.memory_space<vmem>>, vector<1x16xf32>,
    %swap3A_197 = vector.shape_cast %swap3A_196 : vector<1x16xf32> to vector<16xf32>
    %swap3A_198 = vector.shape_cast %broadcast_in_dim3A_1 : vector<16xf32> to vector<1x16xf32>
    tpu.vector_store %arg8[%swap3A_194, %swap3A_195], %swap3A_198 {strides = array<i32>} : memref<80x32xf32, #tpu.memory_space<vmem>>, vector<1x16xf32>,
    %swap3A_199 = arith.constant 16 : i32
    %swap3A_200 = arith.index_cast %swap3A_199 : i32 to index
    %swap3A_201 = arith.constant 16 : index
    %swap3A_202 = tpu.vector_load %arg8[%swap3A_200, %swap3A_201] {strides = array<i32>} : memref<80x32xf32, #tpu.memory_space<vmem>>, vector<1x16xf32>,
    %swap3A_203 = vector.shape_cast %swap3A_202 : vector<1x16xf32> to vector<16xf32>
    %swap3A_204 = vector.shape_cast %broadcast_in_dim3A_1 : vector<16xf32> to vector<1x16xf32>
    tpu.vector_store %arg8[%swap3A_200, %swap3A_201], %swap3A_204 {strides = array<i32>} : memref<80x32xf32, #tpu.memory_space<vmem>>, vector<1x16xf32>,
    %swap3A_205 = arith.constant 17 : i32
    %swap3A_206 = arith.index_cast %swap3A_205 : i32 to index
    %swap3A_207 = arith.constant 0 : index
    %swap3A_208 = tpu.vector_load %arg8[%swap3A_206, %swap3A_207] {strides = array<i32>} : memref<80x32xf32, #tpu.memory_space<vmem>>, vector<1x16xf32>,
    %swap3A_209 = vector.shape_cast %swap3A_208 : vector<1x16xf32> to vector<16xf32>
    %swap3A_210 = vector.shape_cast %broadcast_in_dim3A_1 : vector<16xf32> to vector<1x16xf32>
    tpu.vector_store %arg8[%swap3A_206, %swap3A_207], %swap3A_210 {strides = array<i32>} : memref<80x32xf32, #tpu.memory_space<vmem>>, vector<1x16xf32>,
    %swap3A_211 = arith.constant 17 : i32
    %swap3A_212 = arith.index_cast %swap3A_211 : i32 to index
    %swap3A_213 = arith.constant 16 : index
    %swap3A_214 = tpu.vector_load %arg8[%swap3A_212, %swap3A_213] {strides = array<i32>} : memref<80x32xf32, #tpu.memory_space<vmem>>, vector<1x16xf32>,
    %swap3A_215 = vector.shape_cast %swap3A_214 : vector<1x16xf32> to vector<16xf32>
    %swap3A_216 = vector.shape_cast %broadcast_in_dim3A_1 : vector<16xf32> to vector<1x16xf32>
    tpu.vector_store %arg8[%swap3A_212, %swap3A_213], %swap3A_216 {strides = array<i32>} : memref<80x32xf32, #tpu.memory_space<vmem>>, vector<1x16xf32>,
    %swap3A_217 = arith.constant 18 : i32
    %swap3A_218 = arith.index_cast %swap3A_217 : i32 to index
    %swap3A_219 = arith.constant 0 : index
    %swap3A_220 = tpu.vector_load %arg8[%swap3A_218, %swap3A_219] {strides = array<i32>} : memref<80x32xf32, #tpu.memory_space<vmem>>, vector<1x16xf32>,
    %swap3A_221 = vector.shape_cast %swap3A_220 : vector<1x16xf32> to vector<16xf32>
    %swap3A_222 = vector.shape_cast %broadcast_in_dim3A_1 : vector<16xf32> to vector<1x16xf32>
    tpu.vector_store %arg8[%swap3A_218, %swap3A_219], %swap3A_222 {strides = array<i32>} : memref<80x32xf32, #tpu.memory_space<vmem>>, vector<1x16xf32>,
    %swap3A_223 = arith.constant 18 : i32
    %swap3A_224 = arith.index_cast %swap3A_223 : i32 to index
    %swap3A_225 = arith.constant 16 : index
    %swap3A_226 = tpu.vector_load %arg8[%swap3A_224, %swap3A_225] {strides = array<i32>} : memref<80x32xf32, #tpu.memory_space<vmem>>, vector<1x16xf32>,
    %swap3A_227 = vector.shape_cast %swap3A_226 : vector<1x16xf32> to vector<16xf32>
    %swap3A_228 = vector.shape_cast %broadcast_in_dim3A_1 : vector<16xf32> to vector<1x16xf32>
    tpu.vector_store %arg8[%swap3A_224, %swap3A_225], %swap3A_228 {strides = array<i32>} : memref<80x32xf32, #tpu.memory_space<vmem>>, vector<1x16xf32>,
    %swap3A_229 = arith.constant 19 : i32
    %swap3A_230 = arith.index_cast %swap3A_229 : i32 to index
    %swap3A_231 = arith.constant 0 : index
    %swap3A_232 = tpu.vector_load %arg8[%swap3A_230, %swap3A_231] {strides = array<i32>} : memref<80x32xf32, #tpu.memory_space<vmem>>, vector<1x16xf32>,
    %swap3A_233 = vector.shape_cast %swap3A_232 : vector<1x16xf32> to vector<16xf32>
    %swap3A_234 = vector.shape_cast %broadcast_in_dim3A_1 : vector<16xf32> to vector<1x16xf32>
    tpu.vector_store %arg8[%swap3A_230, %swap3A_231], %swap3A_234 {strides = array<i32>} : memref<80x32xf32, #tpu.memory_space<vmem>>, vector<1x16xf32>,
    %swap3A_235 = arith.constant 19 : i32
    %swap3A_236 = arith.index_cast %swap3A_235 : i32 to index
    %swap3A_237 = arith.constant 16 : index
    %swap3A_238 = tpu.vector_load %arg8[%swap3A_236, %swap3A_237] {strides = array<i32>} : memref<80x32xf32, #tpu.memory_space<vmem>>, vector<1x16xf32>,
    %swap3A_239 = vector.shape_cast %swap3A_238 : vector<1x16xf32> to vector<16xf32>
    %swap3A_240 = vector.shape_cast %broadcast_in_dim3A_1 : vector<16xf32> to vector<1x16xf32>
    tpu.vector_store %arg8[%swap3A_236, %swap3A_237], %swap3A_240 {strides = array<i32>} : memref<80x32xf32, #tpu.memory_space<vmem>>, vector<1x16xf32>,
    %swap3A_241 = arith.constant 20 : i32
    %swap3A_242 = arith.index_cast %swap3A_241 : i32 to index
    %swap3A_243 = arith.constant 0 : index
    %swap3A_244 = tpu.vector_load %arg8[%swap3A_242, %swap3A_243] {strides = array<i32>} : memref<80x32xf32, #tpu.memory_space<vmem>>, vector<1x16xf32>,
    %swap3A_245 = vector.shape_cast %swap3A_244 : vector<1x16xf32> to vector<16xf32>
    %swap3A_246 = vector.shape_cast %broadcast_in_dim3A_1 : vector<16xf32> to vector<1x16xf32>
    tpu.vector_store %arg8[%swap3A_242, %swap3A_243], %swap3A_246 {strides = array<i32>} : memref<80x32xf32, #tpu.memory_space<vmem>>, vector<1x16xf32>,
    %swap3A_247 = arith.constant 20 : i32
    %swap3A_248 = arith.index_cast %swap3A_247 : i32 to index
    %swap3A_249 = arith.constant 16 : index
    %swap3A_250 = tpu.vector_load %arg8[%swap3A_248, %swap3A_249] {strides = array<i32>} : memref<80x32xf32, #tpu.memory_space<vmem>>, vector<1x16xf32>,
    %swap3A_251 = vector.shape_cast %swap3A_250 : vector<1x16xf32> to vector<16xf32>
    %swap3A_252 = vector.shape_cast %broadcast_in_dim3A_1 : vector<16xf32> to vector<1x16xf32>
    tpu.vector_store %arg8[%swap3A_248, %swap3A_249], %swap3A_252 {strides = array<i32>} : memref<80x32xf32, #tpu.memory_space<vmem>>, vector<1x16xf32>,
    %swap3A_253 = arith.constant 21 : i32
    %swap3A_254 = arith.index_cast %swap3A_253 : i32 to index
    %swap3A_255 = arith.constant 0 : index
    %swap3A_256 = tpu.vector_load %arg8[%swap3A_254, %swap3A_255] {strides = array<i32>} : memref<80x32xf32, #tpu.memory_space<vmem>>, vector<1x16xf32>,
    %swap3A_257 = vector.shape_cast %swap3A_256 : vector<1x16xf32> to vector<16xf32>
    %swap3A_258 = vector.shape_cast %broadcast_in_dim3A_1 : vector<16xf32> to vector<1x16xf32>
    tpu.vector_store %arg8[%swap3A_254, %swap3A_255], %swap3A_258 {strides = array<i32>} : memref<80x32xf32, #tpu.memory_space<vmem>>, vector<1x16xf32>,
    %swap3A_259 = arith.constant 21 : i32
    %swap3A_260 = arith.index_cast %swap3A_259 : i32 to index
    %swap3A_261 = arith.constant 16 : index
    %swap3A_262 = tpu.vector_load %arg8[%swap3A_260, %swap3A_261] {strides = array<i32>} : memref<80x32xf32, #tpu.memory_space<vmem>>, vector<1x16xf32>,
    %swap3A_263 = vector.shape_cast %swap3A_262 : vector<1x16xf32> to vector<16xf32>
    %swap3A_264 = vector.shape_cast %broadcast_in_dim3A_1 : vector<16xf32> to vector<1x16xf32>
    tpu.vector_store %arg8[%swap3A_260, %swap3A_261], %swap3A_264 {strides = array<i32>} : memref<80x32xf32, #tpu.memory_space<vmem>>, vector<1x16xf32>,
    %swap3A_265 = arith.constant 22 : i32
    %swap3A_266 = arith.index_cast %swap3A_265 : i32 to index
    %swap3A_267 = arith.constant 0 : index
    %swap3A_268 = tpu.vector_load %arg8[%swap3A_266, %swap3A_267] {strides = array<i32>} : memref<80x32xf32, #tpu.memory_space<vmem>>, vector<1x16xf32>,
    %swap3A_269 = vector.shape_cast %swap3A_268 : vector<1x16xf32> to vector<16xf32>
    %swap3A_270 = vector.shape_cast %broadcast_in_dim3A_1 : vector<16xf32> to vector<1x16xf32>
    tpu.vector_store %arg8[%swap3A_266, %swap3A_267], %swap3A_270 {strides = array<i32>} : memref<80x32xf32, #tpu.memory_space<vmem>>, vector<1x16xf32>,
    %swap3A_271 = arith.constant 22 : i32
    %swap3A_272 = arith.index_cast %swap3A_271 : i32 to index
    %swap3A_273 = arith.constant 16 : index
    %swap3A_274 = tpu.vector_load %arg8[%swap3A_272, %swap3A_273] {strides = array<i32>} : memref<80x32xf32, #tpu.memory_space<vmem>>, vector<1x16xf32>,
    %swap3A_275 = vector.shape_cast %swap3A_274 : vector<1x16xf32> to vector<16xf32>
    %swap3A_276 = vector.shape_cast %broadcast_in_dim3A_1 : vector<16xf32> to vector<1x16xf32>
    tpu.vector_store %arg8[%swap3A_272, %swap3A_273], %swap3A_276 {strides = array<i32>} : memref<80x32xf32, #tpu.memory_space<vmem>>, vector<1x16xf32>,
    %swap3A_277 = arith.constant 23 : i32
    %swap3A_278 = arith.index_cast %swap3A_277 : i32 to index
    %swap3A_279 = arith.constant 0 : index
    %swap3A_280 = tpu.vector_load %arg8[%swap3A_278, %swap3A_279] {strides = array<i32>} : memref<80x32xf32, #tpu.memory_space<vmem>>, vector<1x16xf32>,
    %swap3A_281 = vector.shape_cast %swap3A_280 : vector<1x16xf32> to vector<16xf32>
    %swap3A_282 = vector.shape_cast %broadcast_in_dim3A_1 : vector<16xf32> to vector<1x16xf32>
    tpu.vector_store %arg8[%swap3A_278, %swap3A_279], %swap3A_282 {strides = array<i32>} : memref<80x32xf32, #tpu.memory_space<vmem>>, vector<1x16xf32>,
    %swap3A_283 = arith.constant 23 : i32
    %swap3A_284 = arith.index_cast %swap3A_283 : i32 to index
    %swap3A_285 = arith.constant 16 : index
    %swap3A_286 = tpu.vector_load %arg8[%swap3A_284, %swap3A_285] {strides = array<i32>} : memref<80x32xf32, #tpu.memory_space<vmem>>, vector<1x16xf32>,
    %swap3A_287 = vector.shape_cast %swap3A_286 : vector<1x16xf32> to vector<16xf32>
    %swap3A_288 = vector.shape_cast %broadcast_in_dim3A_1 : vector<16xf32> to vector<1x16xf32>
    tpu.vector_store %arg8[%swap3A_284, %swap3A_285], %swap3A_288 {strides = array<i32>} : memref<80x32xf32, #tpu.memory_space<vmem>>, vector<1x16xf32>,
    %swap3A_289 = arith.constant 24 : i32
    %swap3A_290 = arith.index_cast %swap3A_289 : i32 to index
    %swap3A_291 = arith.constant 0 : index
    %swap3A_292 = tpu.vector_load %arg8[%swap3A_290, %swap3A_291] {strides = array<i32>} : memref<80x32xf32, #tpu.memory_space<vmem>>, vector<1x16xf32>,
    %swap3A_293 = vector.shape_cast %swap3A_292 : vector<1x16xf32> to vector<16xf32>
    %swap3A_294 = vector.shape_cast %broadcast_in_dim3A_1 : vector<16xf32> to vector<1x16xf32>
    tpu.vector_store %arg8[%swap3A_290, %swap3A_291], %swap3A_294 {strides = array<i32>} : memref<80x32xf32, #tpu.memory_space<vmem>>, vector<1x16xf32>,
    %swap3A_295 = arith.constant 24 : i32
    %swap3A_296 = arith.index_cast %swap3A_295 : i32 to index
    %swap3A_297 = arith.constant 16 : index
    %swap3A_298 = tpu.vector_load %arg8[%swap3A_296, %swap3A_297] {strides = array<i32>} : memref<80x32xf32, #tpu.memory_space<vmem>>, vector<1x16xf32>,
    %swap3A_299 = vector.shape_cast %swap3A_298 : vector<1x16xf32> to vector<16xf32>
    %swap3A_300 = vector.shape_cast %broadcast_in_dim3A_1 : vector<16xf32> to vector<1x16xf32>
    tpu.vector_store %arg8[%swap3A_296, %swap3A_297], %swap3A_300 {strides = array<i32>} : memref<80x32xf32, #tpu.memory_space<vmem>>, vector<1x16xf32>,
    %swap3A_301 = arith.constant 25 : i32
    %swap3A_302 = arith.index_cast %swap3A_301 : i32 to index
    %swap3A_303 = arith.constant 0 : index
    %swap3A_304 = tpu.vector_load %arg8[%swap3A_302, %swap3A_303] {strides = array<i32>} : memref<80x32xf32, #tpu.memory_space<vmem>>, vector<1x16xf32>,
    %swap3A_305 = vector.shape_cast %swap3A_304 : vector<1x16xf32> to vector<16xf32>
    %swap3A_306 = vector.shape_cast %broadcast_in_dim3A_1 : vector<16xf32> to vector<1x16xf32>
    tpu.vector_store %arg8[%swap3A_302, %swap3A_303], %swap3A_306 {strides = array<i32>} : memref<80x32xf32, #tpu.memory_space<vmem>>, vector<1x16xf32>,
    %swap3A_307 = arith.constant 25 : i32
    %swap3A_308 = arith.index_cast %swap3A_307 : i32 to index
    %swap3A_309 = arith.constant 16 : index
    %swap3A_310 = tpu.vector_load %arg8[%swap3A_308, %swap3A_309] {strides = array<i32>} : memref<80x32xf32, #tpu.memory_space<vmem>>, vector<1x16xf32>,
    %swap3A_311 = vector.shape_cast %swap3A_310 : vector<1x16xf32> to vector<16xf32>
    %swap3A_312 = vector.shape_cast %broadcast_in_dim3A_1 : vector<16xf32> to vector<1x16xf32>
    tpu.vector_store %arg8[%swap3A_308, %swap3A_309], %swap3A_312 {strides = array<i32>} : memref<80x32xf32, #tpu.memory_space<vmem>>, vector<1x16xf32>,
    %swap3A_313 = arith.constant 26 : i32
    %swap3A_314 = arith.index_cast %swap3A_313 : i32 to index
    %swap3A_315 = arith.constant 0 : index
    %swap3A_316 = tpu.vector_load %arg8[%swap3A_314, %swap3A_315] {strides = array<i32>} : memref<80x32xf32, #tpu.memory_space<vmem>>, vector<1x16xf32>,
    %swap3A_317 = vector.shape_cast %swap3A_316 : vector<1x16xf32> to vector<16xf32>
    %swap3A_318 = vector.shape_cast %broadcast_in_dim3A_1 : vector<16xf32> to vector<1x16xf32>
    tpu.vector_store %arg8[%swap3A_314, %swap3A_315], %swap3A_318 {strides = array<i32>} : memref<80x32xf32, #tpu.memory_space<vmem>>, vector<1x16xf32>,
    %swap3A_319 = arith.constant 26 : i32
    %swap3A_320 = arith.index_cast %swap3A_319 : i32 to index
    %swap3A_321 = arith.constant 16 : index
    %swap3A_322 = tpu.vector_load %arg8[%swap3A_320, %swap3A_321] {strides = array<i32>} : memref<80x32xf32, #tpu.memory_space<vmem>>, vector<1x16xf32>,
    %swap3A_323 = vector.shape_cast %swap3A_322 : vector<1x16xf32> to vector<16xf32>
    %swap3A_324 = vector.shape_cast %broadcast_in_dim3A_1 : vector<16xf32> to vector<1x16xf32>
    tpu.vector_store %arg8[%swap3A_320, %swap3A_321], %swap3A_324 {strides = array<i32>} : memref<80x32xf32, #tpu.memory_space<vmem>>, vector<1x16xf32>,
    %swap3A_325 = arith.constant 27 : i32
    %swap3A_326 = arith.index_cast %swap3A_325 : i32 to index
    %swap3A_327 = arith.constant 0 : index
    %swap3A_328 = tpu.vector_load %arg8[%swap3A_326, %swap3A_327] {strides = array<i32>} : memref<80x32xf32, #tpu.memory_space<vmem>>, vector<1x16xf32>,
    %swap3A_329 = vector.shape_cast %swap3A_328 : vector<1x16xf32> to vector<16xf32>
    %swap3A_330 = vector.shape_cast %broadcast_in_dim3A_1 : vector<16xf32> to vector<1x16xf32>
    tpu.vector_store %arg8[%swap3A_326, %swap3A_327], %swap3A_330 {strides = array<i32>} : memref<80x32xf32, #tpu.memory_space<vmem>>, vector<1x16xf32>,
    %swap3A_331 = arith.constant 27 : i32
    %swap3A_332 = arith.index_cast %swap3A_331 : i32 to index
    %swap3A_333 = arith.constant 16 : index
    %swap3A_334 = tpu.vector_load %arg8[%swap3A_332, %swap3A_333] {strides = array<i32>} : memref<80x32xf32, #tpu.memory_space<vmem>>, vector<1x16xf32>,
    %swap3A_335 = vector.shape_cast %swap3A_334 : vector<1x16xf32> to vector<16xf32>
    %swap3A_336 = vector.shape_cast %broadcast_in_dim3A_1 : vector<16xf32> to vector<1x16xf32>
    tpu.vector_store %arg8[%swap3A_332, %swap3A_333], %swap3A_336 {strides = array<i32>} : memref<80x32xf32, #tpu.memory_space<vmem>>, vector<1x16xf32>,
    %swap3A_337 = arith.constant 28 : i32
    %swap3A_338 = arith.index_cast %swap3A_337 : i32 to index
    %swap3A_339 = arith.constant 0 : index
    %swap3A_340 = tpu.vector_load %arg8[%swap3A_338, %swap3A_339] {strides = array<i32>} : memref<80x32xf32, #tpu.memory_space<vmem>>, vector<1x16xf32>,
    %swap3A_341 = vector.shape_cast %swap3A_340 : vector<1x16xf32> to vector<16xf32>
    %swap3A_342 = vector.shape_cast %broadcast_in_dim3A_1 : vector<16xf32> to vector<1x16xf32>
    tpu.vector_store %arg8[%swap3A_338, %swap3A_339], %swap3A_342 {strides = array<i32>} : memref<80x32xf32, #tpu.memory_space<vmem>>, vector<1x16xf32>,
    %swap3A_343 = arith.constant 28 : i32
    %swap3A_344 = arith.index_cast %swap3A_343 : i32 to index
    %swap3A_345 = arith.constant 16 : index
    %swap3A_346 = tpu.vector_load %arg8[%swap3A_344, %swap3A_345] {strides = array<i32>} : memref<80x32xf32, #tpu.memory_space<vmem>>, vector<1x16xf32>,
    %swap3A_347 = vector.shape_cast %swap3A_346 : vector<1x16xf32> to vector<16xf32>
    %swap3A_348 = vector.shape_cast %broadcast_in_dim3A_1 : vector<16xf32> to vector<1x16xf32>
    tpu.vector_store %arg8[%swap3A_344, %swap3A_345], %swap3A_348 {strides = array<i32>} : memref<80x32xf32, #tpu.memory_space<vmem>>, vector<1x16xf32>,
    %swap3A_349 = arith.constant 29 : i32
    %swap3A_350 = arith.index_cast %swap3A_349 : i32 to index
    %swap3A_351 = arith.constant 0 : index
    %swap3A_352 = tpu.vector_load %arg8[%swap3A_350, %swap3A_351] {strides = array<i32>} : memref<80x32xf32, #tpu.memory_space<vmem>>, vector<1x16xf32>,
    %swap3A_353 = vector.shape_cast %swap3A_352 : vector<1x16xf32> to vector<16xf32>
    %swap3A_354 = vector.shape_cast %broadcast_in_dim3A_1 : vector<16xf32> to vector<1x16xf32>
    tpu.vector_store %arg8[%swap3A_350, %swap3A_351], %swap3A_354 {strides = array<i32>} : memref<80x32xf32, #tpu.memory_space<vmem>>, vector<1x16xf32>,
    %swap3A_355 = arith.constant 29 : i32
    %swap3A_356 = arith.index_cast %swap3A_355 : i32 to index
    %swap3A_357 = arith.constant 16 : index
    %swap3A_358 = tpu.vector_load %arg8[%swap3A_356, %swap3A_357] {strides = array<i32>} : memref<80x32xf32, #tpu.memory_space<vmem>>, vector<1x16xf32>,
    %swap3A_359 = vector.shape_cast %swap3A_358 : vector<1x16xf32> to vector<16xf32>
    %swap3A_360 = vector.shape_cast %broadcast_in_dim3A_1 : vector<16xf32> to vector<1x16xf32>
    tpu.vector_store %arg8[%swap3A_356, %swap3A_357], %swap3A_360 {strides = array<i32>} : memref<80x32xf32, #tpu.memory_space<vmem>>, vector<1x16xf32>,
    %swap3A_361 = arith.constant 30 : i32
    %swap3A_362 = arith.index_cast %swap3A_361 : i32 to index
    %swap3A_363 = arith.constant 0 : index
    %swap3A_364 = tpu.vector_load %arg8[%swap3A_362, %swap3A_363] {strides = array<i32>} : memref<80x32xf32, #tpu.memory_space<vmem>>, vector<1x16xf32>,
    %swap3A_365 = vector.shape_cast %swap3A_364 : vector<1x16xf32> to vector<16xf32>
    %swap3A_366 = vector.shape_cast %broadcast_in_dim3A_1 : vector<16xf32> to vector<1x16xf32>
    tpu.vector_store %arg8[%swap3A_362, %swap3A_363], %swap3A_366 {strides = array<i32>} : memref<80x32xf32, #tpu.memory_space<vmem>>, vector<1x16xf32>,
    %swap3A_367 = arith.constant 30 : i32
    %swap3A_368 = arith.index_cast %swap3A_367 : i32 to index
    %swap3A_369 = arith.constant 16 : index
    %swap3A_370 = tpu.vector_load %arg8[%swap3A_368, %swap3A_369] {strides = array<i32>} : memref<80x32xf32, #tpu.memory_space<vmem>>, vector<1x16xf32>,
    %swap3A_371 = vector.shape_cast %swap3A_370 : vector<1x16xf32> to vector<16xf32>
    %swap3A_372 = vector.shape_cast %broadcast_in_dim3A_1 : vector<16xf32> to vector<1x16xf32>
    tpu.vector_store %arg8[%swap3A_368, %swap3A_369], %swap3A_372 {strides = array<i32>} : memref<80x32xf32, #tpu.memory_space<vmem>>, vector<1x16xf32>,
    %swap3A_373 = arith.constant 31 : i32
    %swap3A_374 = arith.index_cast %swap3A_373 : i32 to index
    %swap3A_375 = arith.constant 0 : index
    %swap3A_376 = tpu.vector_load %arg8[%swap3A_374, %swap3A_375] {strides = array<i32>} : memref<80x32xf32, #tpu.memory_space<vmem>>, vector<1x16xf32>,
    %swap3A_377 = vector.shape_cast %swap3A_376 : vector<1x16xf32> to vector<16xf32>
    %swap3A_378 = vector.shape_cast %broadcast_in_dim3A_1 : vector<16xf32> to vector<1x16xf32>
    tpu.vector_store %arg8[%swap3A_374, %swap3A_375], %swap3A_378 {strides = array<i32>} : memref<80x32xf32, #tpu.memory_space<vmem>>, vector<1x16xf32>,
    %swap3A_379 = arith.constant 31 : i32
    %swap3A_380 = arith.index_cast %swap3A_379 : i32 to index
    %swap3A_381 = arith.constant 16 : index
    %swap3A_382 = tpu.vector_load %arg8[%swap3A_380, %swap3A_381] {strides = array<i32>} : memref<80x32xf32, #tpu.memory_space<vmem>>, vector<1x16xf32>,
    %swap3A_383 = vector.shape_cast %swap3A_382 : vector<1x16xf32> to vector<16xf32>
    %swap3A_384 = vector.shape_cast %broadcast_in_dim3A_1 : vector<16xf32> to vector<1x16xf32>
    tpu.vector_store %arg8[%swap3A_380, %swap3A_381], %swap3A_384 {strides = array<i32>} : memref<80x32xf32, #tpu.memory_space<vmem>>, vector<1x16xf32>,
    %swap3A_385 = arith.constant 32 : i32
    %swap3A_386 = arith.index_cast %swap3A_385 : i32 to index
    %swap3A_387 = arith.constant 0 : index
    %swap3A_388 = tpu.vector_load %arg8[%swap3A_386, %swap3A_387] {strides = array<i32>} : memref<80x32xf32, #tpu.memory_space<vmem>>, vector<1x16xf32>,
    %swap3A_389 = vector.shape_cast %swap3A_388 : vector<1x16xf32> to vector<16xf32>
    %swap3A_390 = vector.shape_cast %broadcast_in_dim3A_1 : vector<16xf32> to vector<1x16xf32>
    tpu.vector_store %arg8[%swap3A_386, %swap3A_387], %swap3A_390 {strides = array<i32>} : memref<80x32xf32, #tpu.memory_space<vmem>>, vector<1x16xf32>,
    %swap3A_391 = arith.constant 32 : i32
    %swap3A_392 = arith.index_cast %swap3A_391 : i32 to index
    %swap3A_393 = arith.constant 16 : index
    %swap3A_394 = tpu.vector_load %arg8[%swap3A_392, %swap3A_393] {strides = array<i32>} : memref<80x32xf32, #tpu.memory_space<vmem>>, vector<1x16xf32>,
    %swap3A_395 = vector.shape_cast %swap3A_394 : vector<1x16xf32> to vector<16xf32>
    %swap3A_396 = vector.shape_cast %broadcast_in_dim3A_1 : vector<16xf32> to vector<1x16xf32>
    tpu.vector_store %arg8[%swap3A_392, %swap3A_393], %swap3A_396 {strides = array<i32>} : memref<80x32xf32, #tpu.memory_space<vmem>>, vector<1x16xf32>,
    %swap3A_397 = arith.constant 33 : i32
    %swap3A_398 = arith.index_cast %swap3A_397 : i32 to index
    %swap3A_399 = arith.constant 0 : index
    %swap3A_400 = tpu.vector_load %arg8[%swap3A_398, %swap3A_399] {strides = array<i32>} : memref<80x32xf32, #tpu.memory_space<vmem>>, vector<1x16xf32>,
    %swap3A_401 = vector.shape_cast %swap3A_400 : vector<1x16xf32> to vector<16xf32>
    %swap3A_402 = vector.shape_cast %broadcast_in_dim3A_1 : vector<16xf32> to vector<1x16xf32>
    tpu.vector_store %arg8[%swap3A_398, %swap3A_399], %swap3A_402 {strides = array<i32>} : memref<80x32xf32, #tpu.memory_space<vmem>>, vector<1x16xf32>,
    %swap3A_403 = arith.constant 33 : i32
    %swap3A_404 = arith.index_cast %swap3A_403 : i32 to index
    %swap3A_405 = arith.constant 16 : index
    %swap3A_406 = tpu.vector_load %arg8[%swap3A_404, %swap3A_405] {strides = array<i32>} : memref<80x32xf32, #tpu.memory_space<vmem>>, vector<1x16xf32>,
    %swap3A_407 = vector.shape_cast %swap3A_406 : vector<1x16xf32> to vector<16xf32>
    %swap3A_408 = vector.shape_cast %broadcast_in_dim3A_1 : vector<16xf32> to vector<1x16xf32>
    tpu.vector_store %arg8[%swap3A_404, %swap3A_405], %swap3A_408 {strides = array<i32>} : memref<80x32xf32, #tpu.memory_space<vmem>>, vector<1x16xf32>,
    %swap3A_409 = arith.constant 34 : i32
    %swap3A_410 = arith.index_cast %swap3A_409 : i32 to index
    %swap3A_411 = arith.constant 0 : index
    %swap3A_412 = tpu.vector_load %arg8[%swap3A_410, %swap3A_411] {strides = array<i32>} : memref<80x32xf32, #tpu.memory_space<vmem>>, vector<1x16xf32>,
    %swap3A_413 = vector.shape_cast %swap3A_412 : vector<1x16xf32> to vector<16xf32>
    %swap3A_414 = vector.shape_cast %broadcast_in_dim3A_1 : vector<16xf32> to vector<1x16xf32>
    tpu.vector_store %arg8[%swap3A_410, %swap3A_411], %swap3A_414 {strides = array<i32>} : memref<80x32xf32, #tpu.memory_space<vmem>>, vector<1x16xf32>,
    %swap3A_415 = arith.constant 34 : i32
    %swap3A_416 = arith.index_cast %swap3A_415 : i32 to index
    %swap3A_417 = arith.constant 16 : index
    %swap3A_418 = tpu.vector_load %arg8[%swap3A_416, %swap3A_417] {strides = array<i32>} : memref<80x32xf32, #tpu.memory_space<vmem>>, vector<1x16xf32>,
    %swap3A_419 = vector.shape_cast %swap3A_418 : vector<1x16xf32> to vector<16xf32>
    %swap3A_420 = vector.shape_cast %broadcast_in_dim3A_1 : vector<16xf32> to vector<1x16xf32>
    tpu.vector_store %arg8[%swap3A_416, %swap3A_417], %swap3A_420 {strides = array<i32>} : memref<80x32xf32, #tpu.memory_space<vmem>>, vector<1x16xf32>,
    %swap3A_421 = arith.constant 35 : i32
    %swap3A_422 = arith.index_cast %swap3A_421 : i32 to index
    %swap3A_423 = arith.constant 0 : index
    %swap3A_424 = tpu.vector_load %arg8[%swap3A_422, %swap3A_423] {strides = array<i32>} : memref<80x32xf32, #tpu.memory_space<vmem>>, vector<1x16xf32>,
    %swap3A_425 = vector.shape_cast %swap3A_424 : vector<1x16xf32> to vector<16xf32>
    %swap3A_426 = vector.shape_cast %broadcast_in_dim3A_1 : vector<16xf32> to vector<1x16xf32>
    tpu.vector_store %arg8[%swap3A_422, %swap3A_423], %swap3A_426 {strides = array<i32>} : memref<80x32xf32, #tpu.memory_space<vmem>>, vector<1x16xf32>,
    %swap3A_427 = arith.constant 35 : i32
    %swap3A_428 = arith.index_cast %swap3A_427 : i32 to index
    %swap3A_429 = arith.constant 16 : index
    %swap3A_430 = tpu.vector_load %arg8[%swap3A_428, %swap3A_429] {strides = array<i32>} : memref<80x32xf32, #tpu.memory_space<vmem>>, vector<1x16xf32>,
    %swap3A_431 = vector.shape_cast %swap3A_430 : vector<1x16xf32> to vector<16xf32>
    %swap3A_432 = vector.shape_cast %broadcast_in_dim3A_1 : vector<16xf32> to vector<1x16xf32>
    tpu.vector_store %arg8[%swap3A_428, %swap3A_429], %swap3A_432 {strides = array<i32>} : memref<80x32xf32, #tpu.memory_space<vmem>>, vector<1x16xf32>,
    %swap3A_433 = arith.constant 36 : i32
    %swap3A_434 = arith.index_cast %swap3A_433 : i32 to index
    %swap3A_435 = arith.constant 0 : index
    %swap3A_436 = tpu.vector_load %arg8[%swap3A_434, %swap3A_435] {strides = array<i32>} : memref<80x32xf32, #tpu.memory_space<vmem>>, vector<1x16xf32>,
    %swap3A_437 = vector.shape_cast %swap3A_436 : vector<1x16xf32> to vector<16xf32>
    %swap3A_438 = vector.shape_cast %broadcast_in_dim3A_1 : vector<16xf32> to vector<1x16xf32>
    tpu.vector_store %arg8[%swap3A_434, %swap3A_435], %swap3A_438 {strides = array<i32>} : memref<80x32xf32, #tpu.memory_space<vmem>>, vector<1x16xf32>,
    %swap3A_439 = arith.constant 36 : i32
    %swap3A_440 = arith.index_cast %swap3A_439 : i32 to index
    %swap3A_441 = arith.constant 16 : index
    %swap3A_442 = tpu.vector_load %arg8[%swap3A_440, %swap3A_441] {strides = array<i32>} : memref<80x32xf32, #tpu.memory_space<vmem>>, vector<1x16xf32>,
    %swap3A_443 = vector.shape_cast %swap3A_442 : vector<1x16xf32> to vector<16xf32>
    %swap3A_444 = vector.shape_cast %broadcast_in_dim3A_1 : vector<16xf32> to vector<1x16xf32>
    tpu.vector_store %arg8[%swap3A_440, %swap3A_441], %swap3A_444 {strides = array<i32>} : memref<80x32xf32, #tpu.memory_space<vmem>>, vector<1x16xf32>,
    %swap3A_445 = arith.constant 37 : i32
    %swap3A_446 = arith.index_cast %swap3A_445 : i32 to index
    %swap3A_447 = arith.constant 0 : index
    %swap3A_448 = tpu.vector_load %arg8[%swap3A_446, %swap3A_447] {strides = array<i32>} : memref<80x32xf32, #tpu.memory_space<vmem>>, vector<1x16xf32>,
    %swap3A_449 = vector.shape_cast %swap3A_448 : vector<1x16xf32> to vector<16xf32>
    %swap3A_450 = vector.shape_cast %broadcast_in_dim3A_1 : vector<16xf32> to vector<1x16xf32>
    tpu.vector_store %arg8[%swap3A_446, %swap3A_447], %swap3A_450 {strides = array<i32>} : memref<80x32xf32, #tpu.memory_space<vmem>>, vector<1x16xf32>,
    %swap3A_451 = arith.constant 37 : i32
    %swap3A_452 = arith.index_cast %swap3A_451 : i32 to index
    %swap3A_453 = arith.constant 16 : index
    %swap3A_454 = tpu.vector_load %arg8[%swap3A_452, %swap3A_453] {strides = array<i32>} : memref<80x32xf32, #tpu.memory_space<vmem>>, vector<1x16xf32>,
    %swap3A_455 = vector.shape_cast %swap3A_454 : vector<1x16xf32> to vector<16xf32>
    %swap3A_456 = vector.shape_cast %broadcast_in_dim3A_1 : vector<16xf32> to vector<1x16xf32>
    tpu.vector_store %arg8[%swap3A_452, %swap3A_453], %swap3A_456 {strides = array<i32>} : memref<80x32xf32, #tpu.memory_space<vmem>>, vector<1x16xf32>,
    %swap3A_457 = arith.constant 38 : i32
    %swap3A_458 = arith.index_cast %swap3A_457 : i32 to index
    %swap3A_459 = arith.constant 0 : index
    %swap3A_460 = tpu.vector_load %arg8[%swap3A_458, %swap3A_459] {strides = array<i32>} : memref<80x32xf32, #tpu.memory_space<vmem>>, vector<1x16xf32>,
    %swap3A_461 = vector.shape_cast %swap3A_460 : vector<1x16xf32> to vector<16xf32>
    %swap3A_462 = vector.shape_cast %broadcast_in_dim3A_1 : vector<16xf32> to vector<1x16xf32>
    tpu.vector_store %arg8[%swap3A_458, %swap3A_459], %swap3A_462 {strides = array<i32>} : memref<80x32xf32, #tpu.memory_space<vmem>>, vector<1x16xf32>,
    %swap3A_463 = arith.constant 38 : i32
    %swap3A_464 = arith.index_cast %swap3A_463 : i32 to index
    %swap3A_465 = arith.constant 16 : index
    %swap3A_466 = tpu.vector_load %arg8[%swap3A_464, %swap3A_465] {strides = array<i32>} : memref<80x32xf32, #tpu.memory_space<vmem>>, vector<1x16xf32>,
    %swap3A_467 = vector.shape_cast %swap3A_466 : vector<1x16xf32> to vector<16xf32>
    %swap3A_468 = vector.shape_cast %broadcast_in_dim3A_1 : vector<16xf32> to vector<1x16xf32>
    tpu.vector_store %arg8[%swap3A_464, %swap3A_465], %swap3A_468 {strides = array<i32>} : memref<80x32xf32, #tpu.memory_space<vmem>>, vector<1x16xf32>,
    %swap3A_469 = arith.constant 39 : i32
    %swap3A_470 = arith.index_cast %swap3A_469 : i32 to index
    %swap3A_471 = arith.constant 0 : index
    %swap3A_472 = tpu.vector_load %arg8[%swap3A_470, %swap3A_471] {strides = array<i32>} : memref<80x32xf32, #tpu.memory_space<vmem>>, vector<1x16xf32>,
    %swap3A_473 = vector.shape_cast %swap3A_472 : vector<1x16xf32> to vector<16xf32>
    %swap3A_474 = vector.shape_cast %broadcast_in_dim3A_1 : vector<16xf32> to vector<1x16xf32>
    tpu.vector_store %arg8[%swap3A_470, %swap3A_471], %swap3A_474 {strides = array<i32>} : memref<80x32xf32, #tpu.memory_space<vmem>>, vector<1x16xf32>,
    %swap3A_475 = arith.constant 39 : i32
    %swap3A_476 = arith.index_cast %swap3A_475 : i32 to index
    %swap3A_477 = arith.constant 16 : index
    %swap3A_478 = tpu.vector_load %arg8[%swap3A_476, %swap3A_477] {strides = array<i32>} : memref<80x32xf32, #tpu.memory_space<vmem>>, vector<1x16xf32>,
    %swap3A_479 = vector.shape_cast %swap3A_478 : vector<1x16xf32> to vector<16xf32>
    %swap3A_480 = vector.shape_cast %broadcast_in_dim3A_1 : vector<16xf32> to vector<1x16xf32>
    tpu.vector_store %arg8[%swap3A_476, %swap3A_477], %swap3A_480 {strides = array<i32>} : memref<80x32xf32, #tpu.memory_space<vmem>>, vector<1x16xf32>,
    %swap3A_481 = arith.constant 40 : i32
    %swap3A_482 = arith.index_cast %swap3A_481 : i32 to index
    %swap3A_483 = arith.constant 0 : index
    %swap3A_484 = tpu.vector_load %arg8[%swap3A_482, %swap3A_483] {strides = array<i32>} : memref<80x32xf32, #tpu.memory_space<vmem>>, vector<1x16xf32>,
    %swap3A_485 = vector.shape_cast %swap3A_484 : vector<1x16xf32> to vector<16xf32>
    %swap3A_486 = vector.shape_cast %broadcast_in_dim3A_1 : vector<16xf32> to vector<1x16xf32>
    tpu.vector_store %arg8[%swap3A_482, %swap3A_483], %swap3A_486 {strides = array<i32>} : memref<80x32xf32, #tpu.memory_space<vmem>>, vector<1x16xf32>,
    %swap3A_487 = arith.constant 40 : i32
    %swap3A_488 = arith.index_cast %swap3A_487 : i32 to index
    %swap3A_489 = arith.constant 16 : index
    %swap3A_490 = tpu.vector_load %arg8[%swap3A_488, %swap3A_489] {strides = array<i32>} : memref<80x32xf32, #tpu.memory_space<vmem>>, vector<1x16xf32>,
    %swap3A_491 = vector.shape_cast %swap3A_490 : vector<1x16xf32> to vector<16xf32>
    %swap3A_492 = vector.shape_cast %broadcast_in_dim3A_1 : vector<16xf32> to vector<1x16xf32>
    tpu.vector_store %arg8[%swap3A_488, %swap3A_489], %swap3A_492 {strides = array<i32>} : memref<80x32xf32, #tpu.memory_space<vmem>>, vector<1x16xf32>,
    %swap3A_493 = arith.constant 41 : i32
    %swap3A_494 = arith.index_cast %swap3A_493 : i32 to index
    %swap3A_495 = arith.constant 0 : index
    %swap3A_496 = tpu.vector_load %arg8[%swap3A_494, %swap3A_495] {strides = array<i32>} : memref<80x32xf32, #tpu.memory_space<vmem>>, vector<1x16xf32>,
    %swap3A_497 = vector.shape_cast %swap3A_496 : vector<1x16xf32> to vector<16xf32>
    %swap3A_498 = vector.shape_cast %broadcast_in_dim3A_1 : vector<16xf32> to vector<1x16xf32>
    tpu.vector_store %arg8[%swap3A_494, %swap3A_495], %swap3A_498 {strides = array<i32>} : memref<80x32xf32, #tpu.memory_space<vmem>>, vector<1x16xf32>,
    %swap3A_499 = arith.constant 41 : i32
    %swap3A_500 = arith.index_cast %swap3A_499 : i32 to index
    %swap3A_501 = arith.constant 16 : index
    %swap3A_502 = tpu.vector_load %arg8[%swap3A_500, %swap3A_501] {strides = array<i32>} : memref<80x32xf32, #tpu.memory_space<vmem>>, vector<1x16xf32>,
    %swap3A_503 = vector.shape_cast %swap3A_502 : vector<1x16xf32> to vector<16xf32>
    %swap3A_504 = vector.shape_cast %broadcast_in_dim3A_1 : vector<16xf32> to vector<1x16xf32>
    tpu.vector_store %arg8[%swap3A_500, %swap3A_501], %swap3A_504 {strides = array<i32>} : memref<80x32xf32, #tpu.memory_space<vmem>>, vector<1x16xf32>,
    %swap3A_505 = arith.constant 42 : i32
    %swap3A_506 = arith.index_cast %swap3A_505 : i32 to index
    %swap3A_507 = arith.constant 0 : index
    %swap3A_508 = tpu.vector_load %arg8[%swap3A_506, %swap3A_507] {strides = array<i32>} : memref<80x32xf32, #tpu.memory_space<vmem>>, vector<1x16xf32>,
    %swap3A_509 = vector.shape_cast %swap3A_508 : vector<1x16xf32> to vector<16xf32>
    %swap3A_510 = vector.shape_cast %broadcast_in_dim3A_1 : vector<16xf32> to vector<1x16xf32>
    tpu.vector_store %arg8[%swap3A_506, %swap3A_507], %swap3A_510 {strides = array<i32>} : memref<80x32xf32, #tpu.memory_space<vmem>>, vector<1x16xf32>,
    %swap3A_511 = arith.constant 42 : i32
    %swap3A_512 = arith.index_cast %swap3A_511 : i32 to index
    %swap3A_513 = arith.constant 16 : index
    %swap3A_514 = tpu.vector_load %arg8[%swap3A_512, %swap3A_513] {strides = array<i32>} : memref<80x32xf32, #tpu.memory_space<vmem>>, vector<1x16xf32>,
    %swap3A_515 = vector.shape_cast %swap3A_514 : vector<1x16xf32> to vector<16xf32>
    %swap3A_516 = vector.shape_cast %broadcast_in_dim3A_1 : vector<16xf32> to vector<1x16xf32>
    tpu.vector_store %arg8[%swap3A_512, %swap3A_513], %swap3A_516 {strides = array<i32>} : memref<80x32xf32, #tpu.memory_space<vmem>>, vector<1x16xf32>,
    %swap3A_517 = arith.constant 43 : i32
    %swap3A_518 = arith.index_cast %swap3A_517 : i32 to index
    %swap3A_519 = arith.constant 0 : index
    %swap3A_520 = tpu.vector_load %arg8[%swap3A_518, %swap3A_519] {strides = array<i32>} : memref<80x32xf32, #tpu.memory_space<vmem>>, vector<1x16xf32>,
    %swap3A_521 = vector.shape_cast %swap3A_520 : vector<1x16xf32> to vector<16xf32>
    %swap3A_522 = vector.shape_cast %broadcast_in_dim3A_1 : vector<16xf32> to vector<1x16xf32>
    tpu.vector_store %arg8[%swap3A_518, %swap3A_519], %swap3A_522 {strides = array<i32>} : memref<80x32xf32, #tpu.memory_space<vmem>>, vector<1x16xf32>,
    %swap3A_523 = arith.constant 43 : i32
    %swap3A_524 = arith.index_cast %swap3A_523 : i32 to index
    %swap3A_525 = arith.constant 16 : index
    %swap3A_526 = tpu.vector_load %arg8[%swap3A_524, %swap3A_525] {strides = array<i32>} : memref<80x32xf32, #tpu.memory_space<vmem>>, vector<1x16xf32>,
    %swap3A_527 = vector.shape_cast %swap3A_526 : vector<1x16xf32> to vector<16xf32>
    %swap3A_528 = vector.shape_cast %broadcast_in_dim3A_1 : vector<16xf32> to vector<1x16xf32>
    tpu.vector_store %arg8[%swap3A_524, %swap3A_525], %swap3A_528 {strides = array<i32>} : memref<80x32xf32, #tpu.memory_space<vmem>>, vector<1x16xf32>,
    %swap3A_529 = arith.constant 44 : i32
    %swap3A_530 = arith.index_cast %swap3A_529 : i32 to index
    %swap3A_531 = arith.constant 0 : index
    %swap3A_532 = tpu.vector_load %arg8[%swap3A_530, %swap3A_531] {strides = array<i32>} : memref<80x32xf32, #tpu.memory_space<vmem>>, vector<1x16xf32>,
    %swap3A_533 = vector.shape_cast %swap3A_532 : vector<1x16xf32> to vector<16xf32>
    %swap3A_534 = vector.shape_cast %broadcast_in_dim3A_1 : vector<16xf32> to vector<1x16xf32>
    tpu.vector_store %arg8[%swap3A_530, %swap3A_531], %swap3A_534 {strides = array<i32>} : memref<80x32xf32, #tpu.memory_space<vmem>>, vector<1x16xf32>,
    %swap3A_535 = arith.constant 44 : i32
    %swap3A_536 = arith.index_cast %swap3A_535 : i32 to index
    %swap3A_537 = arith.constant 16 : index
    %swap3A_538 = tpu.vector_load %arg8[%swap3A_536, %swap3A_537] {strides = array<i32>} : memref<80x32xf32, #tpu.memory_space<vmem>>, vector<1x16xf32>,
    %swap3A_539 = vector.shape_cast %swap3A_538 : vector<1x16xf32> to vector<16xf32>
    %swap3A_540 = vector.shape_cast %broadcast_in_dim3A_1 : vector<16xf32> to vector<1x16xf32>
    tpu.vector_store %arg8[%swap3A_536, %swap3A_537], %swap3A_540 {strides = array<i32>} : memref<80x32xf32, #tpu.memory_space<vmem>>, vector<1x16xf32>,
    %swap3A_541 = arith.constant 45 : i32
    %swap3A_542 = arith.index_cast %swap3A_541 : i32 to index
    %swap3A_543 = arith.constant 0 : index
    %swap3A_544 = tpu.vector_load %arg8[%swap3A_542, %swap3A_543] {strides = array<i32>} : memref<80x32xf32, #tpu.memory_space<vmem>>, vector<1x16xf32>,
    %swap3A_545 = vector.shape_cast %swap3A_544 : vector<1x16xf32> to vector<16xf32>
    %swap3A_546 = vector.shape_cast %broadcast_in_dim3A_1 : vector<16xf32> to vector<1x16xf32>
    tpu.vector_store %arg8[%swap3A_542, %swap3A_543], %swap3A_546 {strides = array<i32>} : memref<80x32xf32, #tpu.memory_space<vmem>>, vector<1x16xf32>,
    %swap3A_547 = arith.constant 45 : i32
    %swap3A_548 = arith.index_cast %swap3A_547 : i32 to index
    %swap3A_549 = arith.constant 16 : index
    %swap3A_550 = tpu.vector_load %arg8[%swap3A_548, %swap3A_549] {strides = array<i32>} : memref<80x32xf32, #tpu.memory_space<vmem>>, vector<1x16xf32>,
    %swap3A_551 = vector.shape_cast %swap3A_550 : vector<1x16xf32> to vector<16xf32>
    %swap3A_552 = vector.shape_cast %broadcast_in_dim3A_1 : vector<16xf32> to vector<1x16xf32>
    tpu.vector_store %arg8[%swap3A_548, %swap3A_549], %swap3A_552 {strides = array<i32>} : memref<80x32xf32, #tpu.memory_space<vmem>>, vector<1x16xf32>,
    %swap3A_553 = arith.constant 46 : i32
    %swap3A_554 = arith.index_cast %swap3A_553 : i32 to index
    %swap3A_555 = arith.constant 0 : index
    %swap3A_556 = tpu.vector_load %arg8[%swap3A_554, %swap3A_555] {strides = array<i32>} : memref<80x32xf32, #tpu.memory_space<vmem>>, vector<1x16xf32>,
    %swap3A_557 = vector.shape_cast %swap3A_556 : vector<1x16xf32> to vector<16xf32>
    %swap3A_558 = vector.shape_cast %broadcast_in_dim3A_1 : vector<16xf32> to vector<1x16xf32>
    tpu.vector_store %arg8[%swap3A_554, %swap3A_555], %swap3A_558 {strides = array<i32>} : memref<80x32xf32, #tpu.memory_space<vmem>>, vector<1x16xf32>,
    %swap3A_559 = arith.constant 46 : i32
    %swap3A_560 = arith.index_cast %swap3A_559 : i32 to index
    %swap3A_561 = arith.constant 16 : index
    %swap3A_562 = tpu.vector_load %arg8[%swap3A_560, %swap3A_561] {strides = array<i32>} : memref<80x32xf32, #tpu.memory_space<vmem>>, vector<1x16xf32>,
    %swap3A_563 = vector.shape_cast %swap3A_562 : vector<1x16xf32> to vector<16xf32>
    %swap3A_564 = vector.shape_cast %broadcast_in_dim3A_1 : vector<16xf32> to vector<1x16xf32>
    tpu.vector_store %arg8[%swap3A_560, %swap3A_561], %swap3A_564 {strides = array<i32>} : memref<80x32xf32, #tpu.memory_space<vmem>>, vector<1x16xf32>,
    %swap3A_565 = arith.constant 47 : i32
    %swap3A_566 = arith.index_cast %swap3A_565 : i32 to index
    %swap3A_567 = arith.constant 0 : index
    %swap3A_568 = tpu.vector_load %arg8[%swap3A_566, %swap3A_567] {strides = array<i32>} : memref<80x32xf32, #tpu.memory_space<vmem>>, vector<1x16xf32>,
    %swap3A_569 = vector.shape_cast %swap3A_568 : vector<1x16xf32> to vector<16xf32>
    %swap3A_570 = vector.shape_cast %broadcast_in_dim3A_1 : vector<16xf32> to vector<1x16xf32>
    tpu.vector_store %arg8[%swap3A_566, %swap3A_567], %swap3A_570 {strides = array<i32>} : memref<80x32xf32, #tpu.memory_space<vmem>>, vector<1x16xf32>,
    %swap3A_571 = arith.constant 47 : i32
    %swap3A_572 = arith.index_cast %swap3A_571 : i32 to index
    %swap3A_573 = arith.constant 16 : index
    %swap3A_574 = tpu.vector_load %arg8[%swap3A_572, %swap3A_573] {strides = array<i32>} : memref<80x32xf32, #tpu.memory_space<vmem>>, vector<1x16xf32>,
    %swap3A_575 = vector.shape_cast %swap3A_574 : vector<1x16xf32> to vector<16xf32>
    %swap3A_576 = vector.shape_cast %broadcast_in_dim3A_1 : vector<16xf32> to vector<1x16xf32>
    tpu.vector_store %arg8[%swap3A_572, %swap3A_573], %swap3A_576 {strides = array<i32>} : memref<80x32xf32, #tpu.memory_space<vmem>>, vector<1x16xf32>,
    %swap3A_577 = arith.constant 48 : i32
    %swap3A_578 = arith.index_cast %swap3A_577 : i32 to index
    %swap3A_579 = arith.constant 0 : index
    %swap3A_580 = tpu.vector_load %arg8[%swap3A_578, %swap3A_579] {strides = array<i32>} : memref<80x32xf32, #tpu.memory_space<vmem>>, vector<1x16xf32>,
    %swap3A_581 = vector.shape_cast %swap3A_580 : vector<1x16xf32> to vector<16xf32>
    %swap3A_582 = vector.shape_cast %broadcast_in_dim3A_1 : vector<16xf32> to vector<1x16xf32>
    tpu.vector_store %arg8[%swap3A_578, %swap3A_579], %swap3A_582 {strides = array<i32>} : memref<80x32xf32, #tpu.memory_space<vmem>>, vector<1x16xf32>,
    %swap3A_583 = arith.constant 48 : i32
    %swap3A_584 = arith.index_cast %swap3A_583 : i32 to index
    %swap3A_585 = arith.constant 16 : index
    %swap3A_586 = tpu.vector_load %arg8[%swap3A_584, %swap3A_585] {strides = array<i32>} : memref<80x32xf32, #tpu.memory_space<vmem>>, vector<1x16xf32>,
    %swap3A_587 = vector.shape_cast %swap3A_586 : vector<1x16xf32> to vector<16xf32>
    %swap3A_588 = vector.shape_cast %broadcast_in_dim3A_1 : vector<16xf32> to vector<1x16xf32>
    tpu.vector_store %arg8[%swap3A_584, %swap3A_585], %swap3A_588 {strides = array<i32>} : memref<80x32xf32, #tpu.memory_space<vmem>>, vector<1x16xf32>,
    %swap3A_589 = arith.constant 49 : i32
    %swap3A_590 = arith.index_cast %swap3A_589 : i32 to index
    %swap3A_591 = arith.constant 0 : index
    %swap3A_592 = tpu.vector_load %arg8[%swap3A_590, %swap3A_591] {strides = array<i32>} : memref<80x32xf32, #tpu.memory_space<vmem>>, vector<1x16xf32>,
    %swap3A_593 = vector.shape_cast %swap3A_592 : vector<1x16xf32> to vector<16xf32>
    %swap3A_594 = vector.shape_cast %broadcast_in_dim3A_1 : vector<16xf32> to vector<1x16xf32>
    tpu.vector_store %arg8[%swap3A_590, %swap3A_591], %swap3A_594 {strides = array<i32>} : memref<80x32xf32, #tpu.memory_space<vmem>>, vector<1x16xf32>,
    %swap3A_595 = arith.constant 49 : i32
    %swap3A_596 = arith.index_cast %swap3A_595 : i32 to index
    %swap3A_597 = arith.constant 16 : index
    %swap3A_598 = tpu.vector_load %arg8[%swap3A_596, %swap3A_597] {strides = array<i32>} : memref<80x32xf32, #tpu.memory_space<vmem>>, vector<1x16xf32>,
    %swap3A_599 = vector.shape_cast %swap3A_598 : vector<1x16xf32> to vector<16xf32>
    %swap3A_600 = vector.shape_cast %broadcast_in_dim3A_1 : vector<16xf32> to vector<1x16xf32>
    tpu.vector_store %arg8[%swap3A_596, %swap3A_597], %swap3A_600 {strides = array<i32>} : memref<80x32xf32, #tpu.memory_space<vmem>>, vector<1x16xf32>,
    %swap3A_601 = arith.constant 50 : i32
    %swap3A_602 = arith.index_cast %swap3A_601 : i32 to index
    %swap3A_603 = arith.constant 0 : index
    %swap3A_604 = tpu.vector_load %arg8[%swap3A_602, %swap3A_603] {strides = array<i32>} : memref<80x32xf32, #tpu.memory_space<vmem>>, vector<1x16xf32>,
    %swap3A_605 = vector.shape_cast %swap3A_604 : vector<1x16xf32> to vector<16xf32>
    %swap3A_606 = vector.shape_cast %broadcast_in_dim3A_1 : vector<16xf32> to vector<1x16xf32>
    tpu.vector_store %arg8[%swap3A_602, %swap3A_603], %swap3A_606 {strides = array<i32>} : memref<80x32xf32, #tpu.memory_space<vmem>>, vector<1x16xf32>,
    %swap3A_607 = arith.constant 50 : i32
    %swap3A_608 = arith.index_cast %swap3A_607 : i32 to index
    %swap3A_609 = arith.constant 16 : index
    %swap3A_610 = tpu.vector_load %arg8[%swap3A_608, %swap3A_609] {strides = array<i32>} : memref<80x32xf32, #tpu.memory_space<vmem>>, vector<1x16xf32>,
    %swap3A_611 = vector.shape_cast %swap3A_610 : vector<1x16xf32> to vector<16xf32>
    %swap3A_612 = vector.shape_cast %broadcast_in_dim3A_1 : vector<16xf32> to vector<1x16xf32>
    tpu.vector_store %arg8[%swap3A_608, %swap3A_609], %swap3A_612 {strides = array<i32>} : memref<80x32xf32, #tpu.memory_space<vmem>>, vector<1x16xf32>,
    %swap3A_613 = arith.constant 51 : i32
    %swap3A_614 = arith.index_cast %swap3A_613 : i32 to index
    %swap3A_615 = arith.constant 0 : index
    %swap3A_616 = tpu.vector_load %arg8[%swap3A_614, %swap3A_615] {strides = array<i32>} : memref<80x32xf32, #tpu.memory_space<vmem>>, vector<1x16xf32>,
    %swap3A_617 = vector.shape_cast %swap3A_616 : vector<1x16xf32> to vector<16xf32>
    %swap3A_618 = vector.shape_cast %broadcast_in_dim3A_1 : vector<16xf32> to vector<1x16xf32>
    tpu.vector_store %arg8[%swap3A_614, %swap3A_615], %swap3A_618 {strides = array<i32>} : memref<80x32xf32, #tpu.memory_space<vmem>>, vector<1x16xf32>,
    %swap3A_619 = arith.constant 51 : i32
    %swap3A_620 = arith.index_cast %swap3A_619 : i32 to index
    %swap3A_621 = arith.constant 16 : index
    %swap3A_622 = tpu.vector_load %arg8[%swap3A_620, %swap3A_621] {strides = array<i32>} : memref<80x32xf32, #tpu.memory_space<vmem>>, vector<1x16xf32>,
    %swap3A_623 = vector.shape_cast %swap3A_622 : vector<1x16xf32> to vector<16xf32>
    %swap3A_624 = vector.shape_cast %broadcast_in_dim3A_1 : vector<16xf32> to vector<1x16xf32>
    tpu.vector_store %arg8[%swap3A_620, %swap3A_621], %swap3A_624 {strides = array<i32>} : memref<80x32xf32, #tpu.memory_space<vmem>>, vector<1x16xf32>,
    %swap3A_625 = arith.constant 52 : i32
    %swap3A_626 = arith.index_cast %swap3A_625 : i32 to index
    %swap3A_627 = arith.constant 0 : index
    %swap3A_628 = tpu.vector_load %arg8[%swap3A_626, %swap3A_627] {strides = array<i32>} : memref<80x32xf32, #tpu.memory_space<vmem>>, vector<1x16xf32>,
    %swap3A_629 = vector.shape_cast %swap3A_628 : vector<1x16xf32> to vector<16xf32>
    %swap3A_630 = vector.shape_cast %broadcast_in_dim3A_1 : vector<16xf32> to vector<1x16xf32>
    tpu.vector_store %arg8[%swap3A_626, %swap3A_627], %swap3A_630 {strides = array<i32>} : memref<80x32xf32, #tpu.memory_space<vmem>>, vector<1x16xf32>,
    %swap3A_631 = arith.constant 52 : i32
    %swap3A_632 = arith.index_cast %swap3A_631 : i32 to index
    %swap3A_633 = arith.constant 16 : index
    %swap3A_634 = tpu.vector_load %arg8[%swap3A_632, %swap3A_633] {strides = array<i32>} : memref<80x32xf32, #tpu.memory_space<vmem>>, vector<1x16xf32>,
    %swap3A_635 = vector.shape_cast %swap3A_634 : vector<1x16xf32> to vector<16xf32>
    %swap3A_636 = vector.shape_cast %broadcast_in_dim3A_1 : vector<16xf32> to vector<1x16xf32>
    tpu.vector_store %arg8[%swap3A_632, %swap3A_633], %swap3A_636 {strides = array<i32>} : memref<80x32xf32, #tpu.memory_space<vmem>>, vector<1x16xf32>,
    %swap3A_637 = arith.constant 53 : i32
    %swap3A_638 = arith.index_cast %swap3A_637 : i32 to index
    %swap3A_639 = arith.constant 0 : index
    %swap3A_640 = tpu.vector_load %arg8[%swap3A_638, %swap3A_639] {strides = array<i32>} : memref<80x32xf32, #tpu.memory_space<vmem>>, vector<1x16xf32>,
    %swap3A_641 = vector.shape_cast %swap3A_640 : vector<1x16xf32> to vector<16xf32>
    %swap3A_642 = vector.shape_cast %broadcast_in_dim3A_1 : vector<16xf32> to vector<1x16xf32>
    tpu.vector_store %arg8[%swap3A_638, %swap3A_639], %swap3A_642 {strides = array<i32>} : memref<80x32xf32, #tpu.memory_space<vmem>>, vector<1x16xf32>,
    %swap3A_643 = arith.constant 53 : i32
    %swap3A_644 = arith.index_cast %swap3A_643 : i32 to index
    %swap3A_645 = arith.constant 16 : index
    %swap3A_646 = tpu.vector_load %arg8[%swap3A_644, %swap3A_645] {strides = array<i32>} : memref<80x32xf32, #tpu.memory_space<vmem>>, vector<1x16xf32>,
    %swap3A_647 = vector.shape_cast %swap3A_646 : vector<1x16xf32> to vector<16xf32>
    %swap3A_648 = vector.shape_cast %broadcast_in_dim3A_1 : vector<16xf32> to vector<1x16xf32>
    tpu.vector_store %arg8[%swap3A_644, %swap3A_645], %swap3A_648 {strides = array<i32>} : memref<80x32xf32, #tpu.memory_space<vmem>>, vector<1x16xf32>,
    %swap3A_649 = arith.constant 54 : i32
    %swap3A_650 = arith.index_cast %swap3A_649 : i32 to index
    %swap3A_651 = arith.constant 0 : index
    %swap3A_652 = tpu.vector_load %arg8[%swap3A_650, %swap3A_651] {strides = array<i32>} : memref<80x32xf32, #tpu.memory_space<vmem>>, vector<1x16xf32>,
    %swap3A_653 = vector.shape_cast %swap3A_652 : vector<1x16xf32> to vector<16xf32>
    %swap3A_654 = vector.shape_cast %broadcast_in_dim3A_1 : vector<16xf32> to vector<1x16xf32>
    tpu.vector_store %arg8[%swap3A_650, %swap3A_651], %swap3A_654 {strides = array<i32>} : memref<80x32xf32, #tpu.memory_space<vmem>>, vector<1x16xf32>,
    %swap3A_655 = arith.constant 54 : i32
    %swap3A_656 = arith.index_cast %swap3A_655 : i32 to index
    %swap3A_657 = arith.constant 16 : index
    %swap3A_658 = tpu.vector_load %arg8[%swap3A_656, %swap3A_657] {strides = array<i32>} : memref<80x32xf32, #tpu.memory_space<vmem>>, vector<1x16xf32>,
    %swap3A_659 = vector.shape_cast %swap3A_658 : vector<1x16xf32> to vector<16xf32>
    %swap3A_660 = vector.shape_cast %broadcast_in_dim3A_1 : vector<16xf32> to vector<1x16xf32>
    tpu.vector_store %arg8[%swap3A_656, %swap3A_657], %swap3A_660 {strides = array<i32>} : memref<80x32xf32, #tpu.memory_space<vmem>>, vector<1x16xf32>,
    %swap3A_661 = arith.constant 55 : i32
    %swap3A_662 = arith.index_cast %swap3A_661 : i32 to index
    %swap3A_663 = arith.constant 0 : index
    %swap3A_664 = tpu.vector_load %arg8[%swap3A_662, %swap3A_663] {strides = array<i32>} : memref<80x32xf32, #tpu.memory_space<vmem>>, vector<1x16xf32>,
    %swap3A_665 = vector.shape_cast %swap3A_664 : vector<1x16xf32> to vector<16xf32>
    %swap3A_666 = vector.shape_cast %broadcast_in_dim3A_1 : vector<16xf32> to vector<1x16xf32>
    tpu.vector_store %arg8[%swap3A_662, %swap3A_663], %swap3A_666 {strides = array<i32>} : memref<80x32xf32, #tpu.memory_space<vmem>>, vector<1x16xf32>,
    %swap3A_667 = arith.constant 55 : i32
    %swap3A_668 = arith.index_cast %swap3A_667 : i32 to index
    %swap3A_669 = arith.constant 16 : index
    %swap3A_670 = tpu.vector_load %arg8[%swap3A_668, %swap3A_669] {strides = array<i32>} : memref<80x32xf32, #tpu.memory_space<vmem>>, vector<1x16xf32>,
    %swap3A_671 = vector.shape_cast %swap3A_670 : vector<1x16xf32> to vector<16xf32>
    %swap3A_672 = vector.shape_cast %broadcast_in_dim3A_1 : vector<16xf32> to vector<1x16xf32>
    tpu.vector_store %arg8[%swap3A_668, %swap3A_669], %swap3A_672 {strides = array<i32>} : memref<80x32xf32, #tpu.memory_space<vmem>>, vector<1x16xf32>,
    %swap3A_673 = arith.constant 56 : i32
    %swap3A_674 = arith.index_cast %swap3A_673 : i32 to index
    %swap3A_675 = arith.constant 0 : index
    %swap3A_676 = tpu.vector_load %arg8[%swap3A_674, %swap3A_675] {strides = array<i32>} : memref<80x32xf32, #tpu.memory_space<vmem>>, vector<1x16xf32>,
    %swap3A_677 = vector.shape_cast %swap3A_676 : vector<1x16xf32> to vector<16xf32>
    %swap3A_678 = vector.shape_cast %broadcast_in_dim3A_1 : vector<16xf32> to vector<1x16xf32>
    tpu.vector_store %arg8[%swap3A_674, %swap3A_675], %swap3A_678 {strides = array<i32>} : memref<80x32xf32, #tpu.memory_space<vmem>>, vector<1x16xf32>,
    %swap3A_679 = arith.constant 56 : i32
    %swap3A_680 = arith.index_cast %swap3A_679 : i32 to index
    %swap3A_681 = arith.constant 16 : index
    %swap3A_682 = tpu.vector_load %arg8[%swap3A_680, %swap3A_681] {strides = array<i32>} : memref<80x32xf32, #tpu.memory_space<vmem>>, vector<1x16xf32>,
    %swap3A_683 = vector.shape_cast %swap3A_682 : vector<1x16xf32> to vector<16xf32>
    %swap3A_684 = vector.shape_cast %broadcast_in_dim3A_1 : vector<16xf32> to vector<1x16xf32>
    tpu.vector_store %arg8[%swap3A_680, %swap3A_681], %swap3A_684 {strides = array<i32>} : memref<80x32xf32, #tpu.memory_space<vmem>>, vector<1x16xf32>,
    %swap3A_685 = arith.constant 57 : i32
    %swap3A_686 = arith.index_cast %swap3A_685 : i32 to index
    %swap3A_687 = arith.constant 0 : index
    %swap3A_688 = tpu.vector_load %arg8[%swap3A_686, %swap3A_687] {strides = array<i32>} : memref<80x32xf32, #tpu.memory_space<vmem>>, vector<1x16xf32>,
    %swap3A_689 = vector.shape_cast %swap3A_688 : vector<1x16xf32> to vector<16xf32>
    %swap3A_690 = vector.shape_cast %broadcast_in_dim3A_1 : vector<16xf32> to vector<1x16xf32>
    tpu.vector_store %arg8[%swap3A_686, %swap3A_687], %swap3A_690 {strides = array<i32>} : memref<80x32xf32, #tpu.memory_space<vmem>>, vector<1x16xf32>,
    %swap3A_691 = arith.constant 57 : i32
    %swap3A_692 = arith.index_cast %swap3A_691 : i32 to index
    %swap3A_693 = arith.constant 16 : index
    %swap3A_694 = tpu.vector_load %arg8[%swap3A_692, %swap3A_693] {strides = array<i32>} : memref<80x32xf32, #tpu.memory_space<vmem>>, vector<1x16xf32>,
    %swap3A_695 = vector.shape_cast %swap3A_694 : vector<1x16xf32> to vector<16xf32>
    %swap3A_696 = vector.shape_cast %broadcast_in_dim3A_1 : vector<16xf32> to vector<1x16xf32>
    tpu.vector_store %arg8[%swap3A_692, %swap3A_693], %swap3A_696 {strides = array<i32>} : memref<80x32xf32, #tpu.memory_space<vmem>>, vector<1x16xf32>,
    %swap3A_697 = arith.constant 58 : i32
    %swap3A_698 = arith.index_cast %swap3A_697 : i32 to index
    %swap3A_699 = arith.constant 0 : index
    %swap3A_700 = tpu.vector_load %arg8[%swap3A_698, %swap3A_699] {strides = array<i32>} : memref<80x32xf32, #tpu.memory_space<vmem>>, vector<1x16xf32>,
    %swap3A_701 = vector.shape_cast %swap3A_700 : vector<1x16xf32> to vector<16xf32>
    %swap3A_702 = vector.shape_cast %broadcast_in_dim3A_1 : vector<16xf32> to vector<1x16xf32>
    tpu.vector_store %arg8[%swap3A_698, %swap3A_699], %swap3A_702 {strides = array<i32>} : memref<80x32xf32, #tpu.memory_space<vmem>>, vector<1x16xf32>,
    %swap3A_703 = arith.constant 58 : i32
    %swap3A_704 = arith.index_cast %swap3A_703 : i32 to index
    %swap3A_705 = arith.constant 16 : index
    %swap3A_706 = tpu.vector_load %arg8[%swap3A_704, %swap3A_705] {strides = array<i32>} : memref<80x32xf32, #tpu.memory_space<vmem>>, vector<1x16xf32>,
    %swap3A_707 = vector.shape_cast %swap3A_706 : vector<1x16xf32> to vector<16xf32>
    %swap3A_708 = vector.shape_cast %broadcast_in_dim3A_1 : vector<16xf32> to vector<1x16xf32>
    tpu.vector_store %arg8[%swap3A_704, %swap3A_705], %swap3A_708 {strides = array<i32>} : memref<80x32xf32, #tpu.memory_space<vmem>>, vector<1x16xf32>,
    %swap3A_709 = arith.constant 59 : i32
    %swap3A_710 = arith.index_cast %swap3A_709 : i32 to index
    %swap3A_711 = arith.constant 0 : index
    %swap3A_712 = tpu.vector_load %arg8[%swap3A_710, %swap3A_711] {strides = array<i32>} : memref<80x32xf32, #tpu.memory_space<vmem>>, vector<1x16xf32>,
    %swap3A_713 = vector.shape_cast %swap3A_712 : vector<1x16xf32> to vector<16xf32>
    %swap3A_714 = vector.shape_cast %broadcast_in_dim3A_1 : vector<16xf32> to vector<1x16xf32>
    tpu.vector_store %arg8[%swap3A_710, %swap3A_711], %swap3A_714 {strides = array<i32>} : memref<80x32xf32, #tpu.memory_space<vmem>>, vector<1x16xf32>,
    %swap3A_715 = arith.constant 59 : i32
    %swap3A_716 = arith.index_cast %swap3A_715 : i32 to index
    %swap3A_717 = arith.constant 16 : index
    %swap3A_718 = tpu.vector_load %arg8[%swap3A_716, %swap3A_717] {strides = array<i32>} : memref<80x32xf32, #tpu.memory_space<vmem>>, vector<1x16xf32>,
    %swap3A_719 = vector.shape_cast %swap3A_718 : vector<1x16xf32> to vector<16xf32>
    %swap3A_720 = vector.shape_cast %broadcast_in_dim3A_1 : vector<16xf32> to vector<1x16xf32>
    tpu.vector_store %arg8[%swap3A_716, %swap3A_717], %swap3A_720 {strides = array<i32>} : memref<80x32xf32, #tpu.memory_space<vmem>>, vector<1x16xf32>,
    %swap3A_721 = arith.constant 60 : i32
    %swap3A_722 = arith.index_cast %swap3A_721 : i32 to index
    %swap3A_723 = arith.constant 0 : index
    %swap3A_724 = tpu.vector_load %arg8[%swap3A_722, %swap3A_723] {strides = array<i32>} : memref<80x32xf32, #tpu.memory_space<vmem>>, vector<1x16xf32>,
    %swap3A_725 = vector.shape_cast %swap3A_724 : vector<1x16xf32> to vector<16xf32>
    %swap3A_726 = vector.shape_cast %broadcast_in_dim3A_1 : vector<16xf32> to vector<1x16xf32>
    tpu.vector_store %arg8[%swap3A_722, %swap3A_723], %swap3A_726 {strides = array<i32>} : memref<80x32xf32, #tpu.memory_space<vmem>>, vector<1x16xf32>,
    %swap3A_727 = arith.constant 60 : i32
    %swap3A_728 = arith.index_cast %swap3A_727 : i32 to index
    %swap3A_729 = arith.constant 16 : index
    %swap3A_730 = tpu.vector_load %arg8[%swap3A_728, %swap3A_729] {strides = array<i32>} : memref<80x32xf32, #tpu.memory_space<vmem>>, vector<1x16xf32>,
    %swap3A_731 = vector.shape_cast %swap3A_730 : vector<1x16xf32> to vector<16xf32>
    %swap3A_732 = vector.shape_cast %broadcast_in_dim3A_1 : vector<16xf32> to vector<1x16xf32>
    tpu.vector_store %arg8[%swap3A_728, %swap3A_729], %swap3A_732 {strides = array<i32>} : memref<80x32xf32, #tpu.memory_space<vmem>>, vector<1x16xf32>,
    %swap3A_733 = arith.constant 61 : i32
    %swap3A_734 = arith.index_cast %swap3A_733 : i32 to index
    %swap3A_735 = arith.constant 0 : index
    %swap3A_736 = tpu.vector_load %arg8[%swap3A_734, %swap3A_735] {strides = array<i32>} : memref<80x32xf32, #tpu.memory_space<vmem>>, vector<1x16xf32>,
    %swap3A_737 = vector.shape_cast %swap3A_736 : vector<1x16xf32> to vector<16xf32>
    %swap3A_738 = vector.shape_cast %broadcast_in_dim3A_1 : vector<16xf32> to vector<1x16xf32>
    tpu.vector_store %arg8[%swap3A_734, %swap3A_735], %swap3A_738 {strides = array<i32>} : memref<80x32xf32, #tpu.memory_space<vmem>>, vector<1x16xf32>,
    %swap3A_739 = arith.constant 61 : i32
    %swap3A_740 = arith.index_cast %swap3A_739 : i32 to index
    %swap3A_741 = arith.constant 16 : index
    %swap3A_742 = tpu.vector_load %arg8[%swap3A_740, %swap3A_741] {strides = array<i32>} : memref<80x32xf32, #tpu.memory_space<vmem>>, vector<1x16xf32>,
    %swap3A_743 = vector.shape_cast %swap3A_742 : vector<1x16xf32> to vector<16xf32>
    %swap3A_744 = vector.shape_cast %broadcast_in_dim3A_1 : vector<16xf32> to vector<1x16xf32>
    tpu.vector_store %arg8[%swap3A_740, %swap3A_741], %swap3A_744 {strides = array<i32>} : memref<80x32xf32, #tpu.memory_space<vmem>>, vector<1x16xf32>,
    %swap3A_745 = arith.constant 62 : i32
    %swap3A_746 = arith.index_cast %swap3A_745 : i32 to index
    %swap3A_747 = arith.constant 0 : index
    %swap3A_748 = tpu.vector_load %arg8[%swap3A_746, %swap3A_747] {strides = array<i32>} : memref<80x32xf32, #tpu.memory_space<vmem>>, vector<1x16xf32>,
    %swap3A_749 = vector.shape_cast %swap3A_748 : vector<1x16xf32> to vector<16xf32>
    %swap3A_750 = vector.shape_cast %broadcast_in_dim3A_1 : vector<16xf32> to vector<1x16xf32>
    tpu.vector_store %arg8[%swap3A_746, %swap3A_747], %swap3A_750 {strides = array<i32>} : memref<80x32xf32, #tpu.memory_space<vmem>>, vector<1x16xf32>,
    %swap3A_751 = arith.constant 62 : i32
    %swap3A_752 = arith.index_cast %swap3A_751 : i32 to index
    %swap3A_753 = arith.constant 16 : index
    %swap3A_754 = tpu.vector_load %arg8[%swap3A_752, %swap3A_753] {strides = array<i32>} : memref<80x32xf32, #tpu.memory_space<vmem>>, vector<1x16xf32>,
    %swap3A_755 = vector.shape_cast %swap3A_754 : vector<1x16xf32> to vector<16xf32>
    %swap3A_756 = vector.shape_cast %broadcast_in_dim3A_1 : vector<16xf32> to vector<1x16xf32>
    tpu.vector_store %arg8[%swap3A_752, %swap3A_753], %swap3A_756 {strides = array<i32>} : memref<80x32xf32, #tpu.memory_space<vmem>>, vector<1x16xf32>,
    %swap3A_757 = arith.constant 63 : i32
    %swap3A_758 = arith.index_cast %swap3A_757 : i32 to index
    %swap3A_759 = arith.constant 0 : index
    %swap3A_760 = tpu.vector_load %arg8[%swap3A_758, %swap3A_759] {strides = array<i32>} : memref<80x32xf32, #tpu.memory_space<vmem>>, vector<1x16xf32>,
    %swap3A_761 = vector.shape_cast %swap3A_760 : vector<1x16xf32> to vector<16xf32>
    %swap3A_762 = vector.shape_cast %broadcast_in_dim3A_1 : vector<16xf32> to vector<1x16xf32>
    tpu.vector_store %arg8[%swap3A_758, %swap3A_759], %swap3A_762 {strides = array<i32>} : memref<80x32xf32, #tpu.memory_space<vmem>>, vector<1x16xf32>,
    %swap3A_763 = arith.constant 63 : i32
    %swap3A_764 = arith.index_cast %swap3A_763 : i32 to index
    %swap3A_765 = arith.constant 16 : index
    %swap3A_766 = tpu.vector_load %arg8[%swap3A_764, %swap3A_765] {strides = array<i32>} : memref<80x32xf32, #tpu.memory_space<vmem>>, vector<1x16xf32>,
    %swap3A_767 = vector.shape_cast %swap3A_766 : vector<1x16xf32> to vector<16xf32>
    %swap3A_768 = vector.shape_cast %broadcast_in_dim3A_1 : vector<16xf32> to vector<1x16xf32>
    tpu.vector_store %arg8[%swap3A_764, %swap3A_765], %swap3A_768 {strides = array<i32>} : memref<80x32xf32, #tpu.memory_space<vmem>>, vector<1x16xf32>,
    %swap3A_769 = arith.constant 64 : i32
    %swap3A_770 = arith.index_cast %swap3A_769 : i32 to index
    %swap3A_771 = arith.constant 0 : index
    %swap3A_772 = tpu.vector_load %arg8[%swap3A_770, %swap3A_771] {strides = array<i32>} : memref<80x32xf32, #tpu.memory_space<vmem>>, vector<1x16xf32>,
    %swap3A_773 = vector.shape_cast %swap3A_772 : vector<1x16xf32> to vector<16xf32>
    %swap3A_774 = vector.shape_cast %broadcast_in_dim3A_1 : vector<16xf32> to vector<1x16xf32>
    tpu.vector_store %arg8[%swap3A_770, %swap3A_771], %swap3A_774 {strides = array<i32>} : memref<80x32xf32, #tpu.memory_space<vmem>>, vector<1x16xf32>,
    %swap3A_775 = arith.constant 64 : i32
    %swap3A_776 = arith.index_cast %swap3A_775 : i32 to index
    %swap3A_777 = arith.constant 16 : index
    %swap3A_778 = tpu.vector_load %arg8[%swap3A_776, %swap3A_777] {strides = array<i32>} : memref<80x32xf32, #tpu.memory_space<vmem>>, vector<1x16xf32>,
    %swap3A_779 = vector.shape_cast %swap3A_778 : vector<1x16xf32> to vector<16xf32>
    %swap3A_780 = vector.shape_cast %broadcast_in_dim3A_1 : vector<16xf32> to vector<1x16xf32>
    tpu.vector_store %arg8[%swap3A_776, %swap3A_777], %swap3A_780 {strides = array<i32>} : memref<80x32xf32, #tpu.memory_space<vmem>>, vector<1x16xf32>,
    %swap3A_781 = arith.constant 65 : i32
    %swap3A_782 = arith.index_cast %swap3A_781 : i32 to index
    %swap3A_783 = arith.constant 0 : index
    %swap3A_784 = tpu.vector_load %arg8[%swap3A_782, %swap3A_783] {strides = array<i32>} : memref<80x32xf32, #tpu.memory_space<vmem>>, vector<1x16xf32>,
    %swap3A_785 = vector.shape_cast %swap3A_784 : vector<1x16xf32> to vector<16xf32>
    %swap3A_786 = vector.shape_cast %broadcast_in_dim3A_1 : vector<16xf32> to vector<1x16xf32>
    tpu.vector_store %arg8[%swap3A_782, %swap3A_783], %swap3A_786 {strides = array<i32>} : memref<80x32xf32, #tpu.memory_space<vmem>>, vector<1x16xf32>,
    %swap3A_787 = arith.constant 65 : i32
    %swap3A_788 = arith.index_cast %swap3A_787 : i32 to index
    %swap3A_789 = arith.constant 16 : index
    %swap3A_790 = tpu.vector_load %arg8[%swap3A_788, %swap3A_789] {strides = array<i32>} : memref<80x32xf32, #tpu.memory_space<vmem>>, vector<1x16xf32>,
    %swap3A_791 = vector.shape_cast %swap3A_790 : vector<1x16xf32> to vector<16xf32>
    %swap3A_792 = vector.shape_cast %broadcast_in_dim3A_1 : vector<16xf32> to vector<1x16xf32>
    tpu.vector_store %arg8[%swap3A_788, %swap3A_789], %swap3A_792 {strides = array<i32>} : memref<80x32xf32, #tpu.memory_space<vmem>>, vector<1x16xf32>,
    %swap3A_793 = arith.constant 66 : i32
    %swap3A_794 = arith.index_cast %swap3A_793 : i32 to index
    %swap3A_795 = arith.constant 0 : index
    %swap3A_796 = tpu.vector_load %arg8[%swap3A_794, %swap3A_795] {strides = array<i32>} : memref<80x32xf32, #tpu.memory_space<vmem>>, vector<1x16xf32>,
    %swap3A_797 = vector.shape_cast %swap3A_796 : vector<1x16xf32> to vector<16xf32>
    %swap3A_798 = vector.shape_cast %broadcast_in_dim3A_1 : vector<16xf32> to vector<1x16xf32>
    tpu.vector_store %arg8[%swap3A_794, %swap3A_795], %swap3A_798 {strides = array<i32>} : memref<80x32xf32, #tpu.memory_space<vmem>>, vector<1x16xf32>,
    %swap3A_799 = arith.constant 66 : i32
    %swap3A_800 = arith.index_cast %swap3A_799 : i32 to index
    %swap3A_801 = arith.constant 16 : index
    %swap3A_802 = tpu.vector_load %arg8[%swap3A_800, %swap3A_801] {strides = array<i32>} : memref<80x32xf32, #tpu.memory_space<vmem>>, vector<1x16xf32>,
    %swap3A_803 = vector.shape_cast %swap3A_802 : vector<1x16xf32> to vector<16xf32>
    %swap3A_804 = vector.shape_cast %broadcast_in_dim3A_1 : vector<16xf32> to vector<1x16xf32>
    tpu.vector_store %arg8[%swap3A_800, %swap3A_801], %swap3A_804 {strides = array<i32>} : memref<80x32xf32, #tpu.memory_space<vmem>>, vector<1x16xf32>,
    %swap3A_805 = arith.constant 67 : i32
    %swap3A_806 = arith.index_cast %swap3A_805 : i32 to index
    %swap3A_807 = arith.constant 0 : index
    %swap3A_808 = tpu.vector_load %arg8[%swap3A_806, %swap3A_807] {strides = array<i32>} : memref<80x32xf32, #tpu.memory_space<vmem>>, vector<1x16xf32>,
    %swap3A_809 = vector.shape_cast %swap3A_808 : vector<1x16xf32> to vector<16xf32>
    %swap3A_810 = vector.shape_cast %broadcast_in_dim3A_1 : vector<16xf32> to vector<1x16xf32>
    tpu.vector_store %arg8[%swap3A_806, %swap3A_807], %swap3A_810 {strides = array<i32>} : memref<80x32xf32, #tpu.memory_space<vmem>>, vector<1x16xf32>,
    %swap3A_811 = arith.constant 67 : i32
    %swap3A_812 = arith.index_cast %swap3A_811 : i32 to index
    %swap3A_813 = arith.constant 16 : index
    %swap3A_814 = tpu.vector_load %arg8[%swap3A_812, %swap3A_813] {strides = array<i32>} : memref<80x32xf32, #tpu.memory_space<vmem>>, vector<1x16xf32>,
    %swap3A_815 = vector.shape_cast %swap3A_814 : vector<1x16xf32> to vector<16xf32>
    %swap3A_816 = vector.shape_cast %broadcast_in_dim3A_1 : vector<16xf32> to vector<1x16xf32>
    tpu.vector_store %arg8[%swap3A_812, %swap3A_813], %swap3A_816 {strides = array<i32>} : memref<80x32xf32, #tpu.memory_space<vmem>>, vector<1x16xf32>,
    %swap3A_817 = arith.constant 68 : i32
    %swap3A_818 = arith.index_cast %swap3A_817 : i32 to index
    %swap3A_819 = arith.constant 0 : index
    %swap3A_820 = tpu.vector_load %arg8[%swap3A_818, %swap3A_819] {strides = array<i32>} : memref<80x32xf32, #tpu.memory_space<vmem>>, vector<1x16xf32>,
    %swap3A_821 = vector.shape_cast %swap3A_820 : vector<1x16xf32> to vector<16xf32>
    %swap3A_822 = vector.shape_cast %broadcast_in_dim3A_1 : vector<16xf32> to vector<1x16xf32>
    tpu.vector_store %arg8[%swap3A_818, %swap3A_819], %swap3A_822 {strides = array<i32>} : memref<80x32xf32, #tpu.memory_space<vmem>>, vector<1x16xf32>,
    %swap3A_823 = arith.constant 68 : i32
    %swap3A_824 = arith.index_cast %swap3A_823 : i32 to index
    %swap3A_825 = arith.constant 16 : index
    %swap3A_826 = tpu.vector_load %arg8[%swap3A_824, %swap3A_825] {strides = array<i32>} : memref<80x32xf32, #tpu.memory_space<vmem>>, vector<1x16xf32>,
    %swap3A_827 = vector.shape_cast %swap3A_826 : vector<1x16xf32> to vector<16xf32>
    %swap3A_828 = vector.shape_cast %broadcast_in_dim3A_1 : vector<16xf32> to vector<1x16xf32>
    tpu.vector_store %arg8[%swap3A_824, %swap3A_825], %swap3A_828 {strides = array<i32>} : memref<80x32xf32, #tpu.memory_space<vmem>>, vector<1x16xf32>,
    %swap3A_829 = arith.constant 69 : i32
    %swap3A_830 = arith.index_cast %swap3A_829 : i32 to index
    %swap3A_831 = arith.constant 0 : index
    %swap3A_832 = tpu.vector_load %arg8[%swap3A_830, %swap3A_831] {strides = array<i32>} : memref<80x32xf32, #tpu.memory_space<vmem>>, vector<1x16xf32>,
    %swap3A_833 = vector.shape_cast %swap3A_832 : vector<1x16xf32> to vector<16xf32>
    %swap3A_834 = vector.shape_cast %broadcast_in_dim3A_1 : vector<16xf32> to vector<1x16xf32>
    tpu.vector_store %arg8[%swap3A_830, %swap3A_831], %swap3A_834 {strides = array<i32>} : memref<80x32xf32, #tpu.memory_space<vmem>>, vector<1x16xf32>,
    %swap3A_835 = arith.constant 69 : i32
    %swap3A_836 = arith.index_cast %swap3A_835 : i32 to index
    %swap3A_837 = arith.constant 16 : index
    %swap3A_838 = tpu.vector_load %arg8[%swap3A_836, %swap3A_837] {strides = array<i32>} : memref<80x32xf32, #tpu.memory_space<vmem>>, vector<1x16xf32>,
    %swap3A_839 = vector.shape_cast %swap3A_838 : vector<1x16xf32> to vector<16xf32>
    %swap3A_840 = vector.shape_cast %broadcast_in_dim3A_1 : vector<16xf32> to vector<1x16xf32>
    tpu.vector_store %arg8[%swap3A_836, %swap3A_837], %swap3A_840 {strides = array<i32>} : memref<80x32xf32, #tpu.memory_space<vmem>>, vector<1x16xf32>,
    %swap3A_841 = arith.constant 70 : i32
    %swap3A_842 = arith.index_cast %swap3A_841 : i32 to index
    %swap3A_843 = arith.constant 0 : index
    %swap3A_844 = tpu.vector_load %arg8[%swap3A_842, %swap3A_843] {strides = array<i32>} : memref<80x32xf32, #tpu.memory_space<vmem>>, vector<1x16xf32>,
    %swap3A_845 = vector.shape_cast %swap3A_844 : vector<1x16xf32> to vector<16xf32>
    %swap3A_846 = vector.shape_cast %broadcast_in_dim3A_1 : vector<16xf32> to vector<1x16xf32>
    tpu.vector_store %arg8[%swap3A_842, %swap3A_843], %swap3A_846 {strides = array<i32>} : memref<80x32xf32, #tpu.memory_space<vmem>>, vector<1x16xf32>,
    %swap3A_847 = arith.constant 70 : i32
    %swap3A_848 = arith.index_cast %swap3A_847 : i32 to index
    %swap3A_849 = arith.constant 16 : index
    %swap3A_850 = tpu.vector_load %arg8[%swap3A_848, %swap3A_849] {strides = array<i32>} : memref<80x32xf32, #tpu.memory_space<vmem>>, vector<1x16xf32>,
    %swap3A_851 = vector.shape_cast %swap3A_850 : vector<1x16xf32> to vector<16xf32>
    %swap3A_852 = vector.shape_cast %broadcast_in_dim3A_1 : vector<16xf32> to vector<1x16xf32>
    tpu.vector_store %arg8[%swap3A_848, %swap3A_849], %swap3A_852 {strides = array<i32>} : memref<80x32xf32, #tpu.memory_space<vmem>>, vector<1x16xf32>,
    %swap3A_853 = arith.constant 71 : i32
    %swap3A_854 = arith.index_cast %swap3A_853 : i32 to index
    %swap3A_855 = arith.constant 0 : index
    %swap3A_856 = tpu.vector_load %arg8[%swap3A_854, %swap3A_855] {strides = array<i32>} : memref<80x32xf32, #tpu.memory_space<vmem>>, vector<1x16xf32>,
    %swap3A_857 = vector.shape_cast %swap3A_856 : vector<1x16xf32> to vector<16xf32>
    %swap3A_858 = vector.shape_cast %broadcast_in_dim3A_1 : vector<16xf32> to vector<1x16xf32>
    tpu.vector_store %arg8[%swap3A_854, %swap3A_855], %swap3A_858 {strides = array<i32>} : memref<80x32xf32, #tpu.memory_space<vmem>>, vector<1x16xf32>,
    %swap3A_859 = arith.constant 71 : i32
    %swap3A_860 = arith.index_cast %swap3A_859 : i32 to index
    %swap3A_861 = arith.constant 16 : index
    %swap3A_862 = tpu.vector_load %arg8[%swap3A_860, %swap3A_861] {strides = array<i32>} : memref<80x32xf32, #tpu.memory_space<vmem>>, vector<1x16xf32>,
    %swap3A_863 = vector.shape_cast %swap3A_862 : vector<1x16xf32> to vector<16xf32>
    %swap3A_864 = vector.shape_cast %broadcast_in_dim3A_1 : vector<16xf32> to vector<1x16xf32>
    tpu.vector_store %arg8[%swap3A_860, %swap3A_861], %swap3A_864 {strides = array<i32>} : memref<80x32xf32, #tpu.memory_space<vmem>>, vector<1x16xf32>,
    %swap3A_865 = arith.constant 72 : i32
    %swap3A_866 = arith.index_cast %swap3A_865 : i32 to index
    %swap3A_867 = arith.constant 0 : index
    %swap3A_868 = tpu.vector_load %arg8[%swap3A_866, %swap3A_867] {strides = array<i32>} : memref<80x32xf32, #tpu.memory_space<vmem>>, vector<1x16xf32>,
    %swap3A_869 = vector.shape_cast %swap3A_868 : vector<1x16xf32> to vector<16xf32>
    %swap3A_870 = vector.shape_cast %broadcast_in_dim3A_1 : vector<16xf32> to vector<1x16xf32>
    tpu.vector_store %arg8[%swap3A_866, %swap3A_867], %swap3A_870 {strides = array<i32>} : memref<80x32xf32, #tpu.memory_space<vmem>>, vector<1x16xf32>,
    %swap3A_871 = arith.constant 72 : i32
    %swap3A_872 = arith.index_cast %swap3A_871 : i32 to index
    %swap3A_873 = arith.constant 16 : index
    %swap3A_874 = tpu.vector_load %arg8[%swap3A_872, %swap3A_873] {strides = array<i32>} : memref<80x32xf32, #tpu.memory_space<vmem>>, vector<1x16xf32>,
    %swap3A_875 = vector.shape_cast %swap3A_874 : vector<1x16xf32> to vector<16xf32>
    %swap3A_876 = vector.shape_cast %broadcast_in_dim3A_1 : vector<16xf32> to vector<1x16xf32>
    tpu.vector_store %arg8[%swap3A_872, %swap3A_873], %swap3A_876 {strides = array<i32>} : memref<80x32xf32, #tpu.memory_space<vmem>>, vector<1x16xf32>,
    %swap3A_877 = arith.constant 73 : i32
    %swap3A_878 = arith.index_cast %swap3A_877 : i32 to index
    %swap3A_879 = arith.constant 0 : index
    %swap3A_880 = tpu.vector_load %arg8[%swap3A_878, %swap3A_879] {strides = array<i32>} : memref<80x32xf32, #tpu.memory_space<vmem>>, vector<1x16xf32>,
    %swap3A_881 = vector.shape_cast %swap3A_880 : vector<1x16xf32> to vector<16xf32>
    %swap3A_882 = vector.shape_cast %broadcast_in_dim3A_1 : vector<16xf32> to vector<1x16xf32>
    tpu.vector_store %arg8[%swap3A_878, %swap3A_879], %swap3A_882 {strides = array<i32>} : memref<80x32xf32, #tpu.memory_space<vmem>>, vector<1x16xf32>,
    %swap3A_883 = arith.constant 73 : i32
    %swap3A_884 = arith.index_cast %swap3A_883 : i32 to index
    %swap3A_885 = arith.constant 16 : index
    %swap3A_886 = tpu.vector_load %arg8[%swap3A_884, %swap3A_885] {strides = array<i32>} : memref<80x32xf32, #tpu.memory_space<vmem>>, vector<1x16xf32>,
    %swap3A_887 = vector.shape_cast %swap3A_886 : vector<1x16xf32> to vector<16xf32>
    %swap3A_888 = vector.shape_cast %broadcast_in_dim3A_1 : vector<16xf32> to vector<1x16xf32>
    tpu.vector_store %arg8[%swap3A_884, %swap3A_885], %swap3A_888 {strides = array<i32>} : memref<80x32xf32, #tpu.memory_space<vmem>>, vector<1x16xf32>,
    %swap3A_889 = arith.constant 74 : i32
    %swap3A_890 = arith.index_cast %swap3A_889 : i32 to index
    %swap3A_891 = arith.constant 0 : index
    %swap3A_892 = tpu.vector_load %arg8[%swap3A_890, %swap3A_891] {strides = array<i32>} : memref<80x32xf32, #tpu.memory_space<vmem>>, vector<1x16xf32>,
    %swap3A_893 = vector.shape_cast %swap3A_892 : vector<1x16xf32> to vector<16xf32>
    %swap3A_894 = vector.shape_cast %broadcast_in_dim3A_1 : vector<16xf32> to vector<1x16xf32>
    tpu.vector_store %arg8[%swap3A_890, %swap3A_891], %swap3A_894 {strides = array<i32>} : memref<80x32xf32, #tpu.memory_space<vmem>>, vector<1x16xf32>,
    %swap3A_895 = arith.constant 74 : i32
    %swap3A_896 = arith.index_cast %swap3A_895 : i32 to index
    %swap3A_897 = arith.constant 16 : index
    %swap3A_898 = tpu.vector_load %arg8[%swap3A_896, %swap3A_897] {strides = array<i32>} : memref<80x32xf32, #tpu.memory_space<vmem>>, vector<1x16xf32>,
    %swap3A_899 = vector.shape_cast %swap3A_898 : vector<1x16xf32> to vector<16xf32>
    %swap3A_900 = vector.shape_cast %broadcast_in_dim3A_1 : vector<16xf32> to vector<1x16xf32>
    tpu.vector_store %arg8[%swap3A_896, %swap3A_897], %swap3A_900 {strides = array<i32>} : memref<80x32xf32, #tpu.memory_space<vmem>>, vector<1x16xf32>,
    %swap3A_901 = arith.constant 75 : i32
    %swap3A_902 = arith.index_cast %swap3A_901 : i32 to index
    %swap3A_903 = arith.constant 0 : index
    %swap3A_904 = tpu.vector_load %arg8[%swap3A_902, %swap3A_903] {strides = array<i32>} : memref<80x32xf32, #tpu.memory_space<vmem>>, vector<1x16xf32>,
    %swap3A_905 = vector.shape_cast %swap3A_904 : vector<1x16xf32> to vector<16xf32>
    %swap3A_906 = vector.shape_cast %broadcast_in_dim3A_1 : vector<16xf32> to vector<1x16xf32>
    tpu.vector_store %arg8[%swap3A_902, %swap3A_903], %swap3A_906 {strides = array<i32>} : memref<80x32xf32, #tpu.memory_space<vmem>>, vector<1x16xf32>,
    %swap3A_907 = arith.constant 75 : i32
    %swap3A_908 = arith.index_cast %swap3A_907 : i32 to index
    %swap3A_909 = arith.constant 16 : index
    %swap3A_910 = tpu.vector_load %arg8[%swap3A_908, %swap3A_909] {strides = array<i32>} : memref<80x32xf32, #tpu.memory_space<vmem>>, vector<1x16xf32>,
    %swap3A_911 = vector.shape_cast %swap3A_910 : vector<1x16xf32> to vector<16xf32>
    %swap3A_912 = vector.shape_cast %broadcast_in_dim3A_1 : vector<16xf32> to vector<1x16xf32>
    tpu.vector_store %arg8[%swap3A_908, %swap3A_909], %swap3A_912 {strides = array<i32>} : memref<80x32xf32, #tpu.memory_space<vmem>>, vector<1x16xf32>,
    %swap3A_913 = arith.constant 76 : i32
    %swap3A_914 = arith.index_cast %swap3A_913 : i32 to index
    %swap3A_915 = arith.constant 0 : index
    %swap3A_916 = tpu.vector_load %arg8[%swap3A_914, %swap3A_915] {strides = array<i32>} : memref<80x32xf32, #tpu.memory_space<vmem>>, vector<1x16xf32>,
    %swap3A_917 = vector.shape_cast %swap3A_916 : vector<1x16xf32> to vector<16xf32>
    %swap3A_918 = vector.shape_cast %broadcast_in_dim3A_1 : vector<16xf32> to vector<1x16xf32>
    tpu.vector_store %arg8[%swap3A_914, %swap3A_915], %swap3A_918 {strides = array<i32>} : memref<80x32xf32, #tpu.memory_space<vmem>>, vector<1x16xf32>,
    %swap3A_919 = arith.constant 76 : i32
    %swap3A_920 = arith.index_cast %swap3A_919 : i32 to index
    %swap3A_921 = arith.constant 16 : index
    %swap3A_922 = tpu.vector_load %arg8[%swap3A_920, %swap3A_921] {strides = array<i32>} : memref<80x32xf32, #tpu.memory_space<vmem>>, vector<1x16xf32>,
    %swap3A_923 = vector.shape_cast %swap3A_922 : vector<1x16xf32> to vector<16xf32>
    %swap3A_924 = vector.shape_cast %broadcast_in_dim3A_1 : vector<16xf32> to vector<1x16xf32>
    tpu.vector_store %arg8[%swap3A_920, %swap3A_921], %swap3A_924 {strides = array<i32>} : memref<80x32xf32, #tpu.memory_space<vmem>>, vector<1x16xf32>,
    %swap3A_925 = arith.constant 77 : i32
    %swap3A_926 = arith.index_cast %swap3A_925 : i32 to index
    %swap3A_927 = arith.constant 0 : index
    %swap3A_928 = tpu.vector_load %arg8[%swap3A_926, %swap3A_927] {strides = array<i32>} : memref<80x32xf32, #tpu.memory_space<vmem>>, vector<1x16xf32>,
    %swap3A_929 = vector.shape_cast %swap3A_928 : vector<1x16xf32> to vector<16xf32>
    %swap3A_930 = vector.shape_cast %broadcast_in_dim3A_1 : vector<16xf32> to vector<1x16xf32>
    tpu.vector_store %arg8[%swap3A_926, %swap3A_927], %swap3A_930 {strides = array<i32>} : memref<80x32xf32, #tpu.memory_space<vmem>>, vector<1x16xf32>,
    %swap3A_931 = arith.constant 77 : i32
    %swap3A_932 = arith.index_cast %swap3A_931 : i32 to index
    %swap3A_933 = arith.constant 16 : index
    %swap3A_934 = tpu.vector_load %arg8[%swap3A_932, %swap3A_933] {strides = array<i32>} : memref<80x32xf32, #tpu.memory_space<vmem>>, vector<1x16xf32>,
    %swap3A_935 = vector.shape_cast %swap3A_934 : vector<1x16xf32> to vector<16xf32>
    %swap3A_936 = vector.shape_cast %broadcast_in_dim3A_1 : vector<16xf32> to vector<1x16xf32>
    tpu.vector_store %arg8[%swap3A_932, %swap3A_933], %swap3A_936 {strides = array<i32>} : memref<80x32xf32, #tpu.memory_space<vmem>>, vector<1x16xf32>,
    %swap3A_937 = arith.constant 78 : i32
    %swap3A_938 = arith.index_cast %swap3A_937 : i32 to index
    %swap3A_939 = arith.constant 0 : index
    %swap3A_940 = tpu.vector_load %arg8[%swap3A_938, %swap3A_939] {strides = array<i32>} : memref<80x32xf32, #tpu.memory_space<vmem>>, vector<1x16xf32>,
    %swap3A_941 = vector.shape_cast %swap3A_940 : vector<1x16xf32> to vector<16xf32>
    %swap3A_942 = vector.shape_cast %broadcast_in_dim3A_1 : vector<16xf32> to vector<1x16xf32>
    tpu.vector_store %arg8[%swap3A_938, %swap3A_939], %swap3A_942 {strides = array<i32>} : memref<80x32xf32, #tpu.memory_space<vmem>>, vector<1x16xf32>,
    %swap3A_943 = arith.constant 78 : i32
    %swap3A_944 = arith.index_cast %swap3A_943 : i32 to index
    %swap3A_945 = arith.constant 16 : index
    %swap3A_946 = tpu.vector_load %arg8[%swap3A_944, %swap3A_945] {strides = array<i32>} : memref<80x32xf32, #tpu.memory_space<vmem>>, vector<1x16xf32>,
    %swap3A_947 = vector.shape_cast %swap3A_946 : vector<1x16xf32> to vector<16xf32>
    %swap3A_948 = vector.shape_cast %broadcast_in_dim3A_1 : vector<16xf32> to vector<1x16xf32>
    tpu.vector_store %arg8[%swap3A_944, %swap3A_945], %swap3A_948 {strides = array<i32>} : memref<80x32xf32, #tpu.memory_space<vmem>>, vector<1x16xf32>,
    %swap3A_949 = arith.constant 79 : i32
    %swap3A_950 = arith.index_cast %swap3A_949 : i32 to index
    %swap3A_951 = arith.constant 0 : index
    %swap3A_952 = tpu.vector_load %arg8[%swap3A_950, %swap3A_951] {strides = array<i32>} : memref<80x32xf32, #tpu.memory_space<vmem>>, vector<1x16xf32>,
    %swap3A_953 = vector.shape_cast %swap3A_952 : vector<1x16xf32> to vector<16xf32>
    %swap3A_954 = vector.shape_cast %broadcast_in_dim3A_1 : vector<16xf32> to vector<1x16xf32>
    tpu.vector_store %arg8[%swap3A_950, %swap3A_951], %swap3A_954 {strides = array<i32>} : memref<80x32xf32, #tpu.memory_space<vmem>>, vector<1x16xf32>,
    %swap3A_955 = arith.constant 79 : i32
    %swap3A_956 = arith.index_cast %swap3A_955 : i32 to index
    %swap3A_957 = arith.constant 16 : index
    %swap3A_958 = tpu.vector_load %arg8[%swap3A_956, %swap3A_957] {strides = array<i32>} : memref<80x32xf32, #tpu.memory_space<vmem>>, vector<1x16xf32>,
    %swap3A_959 = vector.shape_cast %swap3A_958 : vector<1x16xf32> to vector<16xf32>
    %swap3A_960 = vector.shape_cast %broadcast_in_dim3A_1 : vector<16xf32> to vector<1x16xf32>
    tpu.vector_store %arg8[%swap3A_956, %swap3A_957], %swap3A_960 {strides = array<i32>} : memref<80x32xf32, #tpu.memory_space<vmem>>, vector<1x16xf32>,
    %add3A_961 = arith.constant 0 : i32
    %add3A_962 = arith.addi %arg1, %add3A_961 : i32
    %lt3A = arith.constant 125 : i32
    %lt3A_963 = arith.cmpi slt, %add3A_962, %lt3A : i32
    %convert_element_type3A = arith.extui %lt3A_963 : i1 to i32
    %cond3A = arith.constant 0 : i32
    %cond3A_964 = arith.cmpi ne, %convert_element_type3A, %cond3A : i32
    scf.if %cond3A_964 {
      %mul3A_1043 = arith.constant 80 : i32
      %mul3A_1044 = arith.muli %add3A_962, %mul3A_1043 : i32
      %multiple_of3A_1045 = tpu.assume_multiple %mul3A_1044, 16 : i32
      "tpu.region"() ({
        %run_scoped3A_1046 = tpu.sem_alloc : memref<!tpu.dma_semaphore, #tpu.memory_space<semaphore_mem>>
        %dma_start3A_1047 = arith.constant 0 : i32
        %dma_start3A_1048 = tpu.memref_slice %arg10[%multiple_of3A_1045, %dma_start3A_1047] : memref<10000x32xf32, #tpu.memory_space<vmem_shared>> -> memref<80x32xf32, #tpu.memory_space<vmem_shared>>
        %dma_start3A_1049 = arith.constant 0 : i32
        %dma_start3A_1050 = tpu.memref_slice %arg10[%multiple_of3A_1045, %dma_start3A_1049] : memref<10000x32xf32, #tpu.memory_space<vmem_shared>> -> memref<80x32xf32, #tpu.memory_space<vmem_shared>>
        tpu.enqueue_dma source(%arg8 : memref<80x32xf32, #tpu.memory_space<vmem>>) target(%dma_start3A_1050 : memref<80x32xf32, #tpu.memory_space<vmem_shared>>) target_semaphore(%run_scoped3A_1046 : memref<!tpu.dma_semaphore, #tpu.memory_space<semaphore_mem>>)
        %dma_wait3A_1051 = arith.constant 0 : i32
        %dma_wait3A_1052 = tpu.memref_slice %arg10[%multiple_of3A_1045, %dma_wait3A_1051] : memref<10000x32xf32, #tpu.memory_space<vmem_shared>> -> memref<80x32xf32, #tpu.memory_space<vmem_shared>>
        %dma_wait3A_1053 = arith.constant 0 : i32
        %dma_wait3A_1054 = tpu.memref_slice %arg10[%multiple_of3A_1045, %dma_wait3A_1053] : memref<10000x32xf32, #tpu.memory_space<vmem_shared>> -> memref<80x32xf32, #tpu.memory_space<vmem_shared>>
        tpu.wait_dma2 semaphore(%run_scoped3A_1046 : memref<!tpu.dma_semaphore, #tpu.memory_space<semaphore_mem>>) src(%arg8 : memref<80x32xf32, #tpu.memory_space<vmem>>) dst(%dma_wait3A_1054 : memref<80x32xf32, #tpu.memory_space<vmem_shared>>)
        tpu.yield
      }) : () -> ()
    } else {
    }
    %add3A_965 = arith.constant 16 : i32
    %add3A_966 = arith.addi %arg1, %add3A_965 : i32
    %lt3A_967 = arith.constant 125 : i32
    %lt3A_968 = arith.cmpi slt, %add3A_966, %lt3A_967 : i32
    %convert_element_type3A_969 = arith.extui %lt3A_968 : i1 to i32
    %cond3A_970 = arith.constant 0 : i32
    %cond3A_971 = arith.cmpi ne, %convert_element_type3A_969, %cond3A_970 : i32
    scf.if %cond3A_971 {
      %mul3A_1043 = arith.constant 80 : i32
      %mul3A_1044 = arith.muli %add3A_966, %mul3A_1043 : i32
      %multiple_of3A_1045 = tpu.assume_multiple %mul3A_1044, 16 : i32
      "tpu.region"() ({
        %run_scoped3A_1046 = tpu.sem_alloc : memref<!tpu.dma_semaphore, #tpu.memory_space<semaphore_mem>>
        %dma_start3A_1047 = arith.constant 0 : i32
        %dma_start3A_1048 = tpu.memref_slice %arg10[%multiple_of3A_1045, %dma_start3A_1047] : memref<10000x32xf32, #tpu.memory_space<vmem_shared>> -> memref<80x32xf32, #tpu.memory_space<vmem_shared>>
        %dma_start3A_1049 = arith.constant 0 : i32
        %dma_start3A_1050 = tpu.memref_slice %arg10[%multiple_of3A_1045, %dma_start3A_1049] : memref<10000x32xf32, #tpu.memory_space<vmem_shared>> -> memref<80x32xf32, #tpu.memory_space<vmem_shared>>
        tpu.enqueue_dma source(%arg8 : memref<80x32xf32, #tpu.memory_space<vmem>>) target(%dma_start3A_1050 : memref<80x32xf32, #tpu.memory_space<vmem_shared>>) target_semaphore(%run_scoped3A_1046 : memref<!tpu.dma_semaphore, #tpu.memory_space<semaphore_mem>>)
        %dma_wait3A_1051 = arith.constant 0 : i32
        %dma_wait3A_1052 = tpu.memref_slice %arg10[%multiple_of3A_1045, %dma_wait3A_1051] : memref<10000x32xf32, #tpu.memory_space<vmem_shared>> -> memref<80x32xf32, #tpu.memory_space<vmem_shared>>
        %dma_wait3A_1053 = arith.constant 0 : i32
        %dma_wait3A_1054 = tpu.memref_slice %arg10[%multiple_of3A_1045, %dma_wait3A_1053] : memref<10000x32xf32, #tpu.memory_space<vmem_shared>> -> memref<80x32xf32, #tpu.memory_space<vmem_shared>>
        tpu.wait_dma2 semaphore(%run_scoped3A_1046 : memref<!tpu.dma_semaphore, #tpu.memory_space<semaphore_mem>>) src(%arg8 : memref<80x32xf32, #tpu.memory_space<vmem>>) dst(%dma_wait3A_1054 : memref<80x32xf32, #tpu.memory_space<vmem_shared>>)
        tpu.yield
      }) : () -> ()
    } else {
    }
    %add3A_972 = arith.constant 32 : i32
    %add3A_973 = arith.addi %arg1, %add3A_972 : i32
    %lt3A_974 = arith.constant 125 : i32
    %lt3A_975 = arith.cmpi slt, %add3A_973, %lt3A_974 : i32
    %convert_element_type3A_976 = arith.extui %lt3A_975 : i1 to i32
    %cond3A_977 = arith.constant 0 : i32
    %cond3A_978 = arith.cmpi ne, %convert_element_type3A_976, %cond3A_977 : i32
    scf.if %cond3A_978 {
      %mul3A_1043 = arith.constant 80 : i32
      %mul3A_1044 = arith.muli %add3A_973, %mul3A_1043 : i32
      %multiple_of3A_1045 = tpu.assume_multiple %mul3A_1044, 16 : i32
      "tpu.region"() ({
        %run_scoped3A_1046 = tpu.sem_alloc : memref<!tpu.dma_semaphore, #tpu.memory_space<semaphore_mem>>
        %dma_start3A_1047 = arith.constant 0 : i32
        %dma_start3A_1048 = tpu.memref_slice %arg10[%multiple_of3A_1045, %dma_start3A_1047] : memref<10000x32xf32, #tpu.memory_space<vmem_shared>> -> memref<80x32xf32, #tpu.memory_space<vmem_shared>>
        %dma_start3A_1049 = arith.constant 0 : i32
        %dma_start3A_1050 = tpu.memref_slice %arg10[%multiple_of3A_1045, %dma_start3A_1049] : memref<10000x32xf32, #tpu.memory_space<vmem_shared>> -> memref<80x32xf32, #tpu.memory_space<vmem_shared>>
        tpu.enqueue_dma source(%arg8 : memref<80x32xf32, #tpu.memory_space<vmem>>) target(%dma_start3A_1050 : memref<80x32xf32, #tpu.memory_space<vmem_shared>>) target_semaphore(%run_scoped3A_1046 : memref<!tpu.dma_semaphore, #tpu.memory_space<semaphore_mem>>)
        %dma_wait3A_1051 = arith.constant 0 : i32
        %dma_wait3A_1052 = tpu.memref_slice %arg10[%multiple_of3A_1045, %dma_wait3A_1051] : memref<10000x32xf32, #tpu.memory_space<vmem_shared>> -> memref<80x32xf32, #tpu.memory_space<vmem_shared>>
        %dma_wait3A_1053 = arith.constant 0 : i32
        %dma_wait3A_1054 = tpu.memref_slice %arg10[%multiple_of3A_1045, %dma_wait3A_1053] : memref<10000x32xf32, #tpu.memory_space<vmem_shared>> -> memref<80x32xf32, #tpu.memory_space<vmem_shared>>
        tpu.wait_dma2 semaphore(%run_scoped3A_1046 : memref<!tpu.dma_semaphore, #tpu.memory_space<semaphore_mem>>) src(%arg8 : memref<80x32xf32, #tpu.memory_space<vmem>>) dst(%dma_wait3A_1054 : memref<80x32xf32, #tpu.memory_space<vmem_shared>>)
        tpu.yield
      }) : () -> ()
    } else {
    }
    %add3A_979 = arith.constant 48 : i32
    %add3A_980 = arith.addi %arg1, %add3A_979 : i32
    %lt3A_981 = arith.constant 125 : i32
    %lt3A_982 = arith.cmpi slt, %add3A_980, %lt3A_981 : i32
    %convert_element_type3A_983 = arith.extui %lt3A_982 : i1 to i32
    %cond3A_984 = arith.constant 0 : i32
    %cond3A_985 = arith.cmpi ne, %convert_element_type3A_983, %cond3A_984 : i32
    scf.if %cond3A_985 {
      %mul3A_1043 = arith.constant 80 : i32
      %mul3A_1044 = arith.muli %add3A_980, %mul3A_1043 : i32
      %multiple_of3A_1045 = tpu.assume_multiple %mul3A_1044, 16 : i32
      "tpu.region"() ({
        %run_scoped3A_1046 = tpu.sem_alloc : memref<!tpu.dma_semaphore, #tpu.memory_space<semaphore_mem>>
        %dma_start3A_1047 = arith.constant 0 : i32
        %dma_start3A_1048 = tpu.memref_slice %arg10[%multiple_of3A_1045, %dma_start3A_1047] : memref<10000x32xf32, #tpu.memory_space<vmem_shared>> -> memref<80x32xf32, #tpu.memory_space<vmem_shared>>
        %dma_start3A_1049 = arith.constant 0 : i32
        %dma_start3A_1050 = tpu.memref_slice %arg10[%multiple_of3A_1045, %dma_start3A_1049] : memref<10000x32xf32, #tpu.memory_space<vmem_shared>> -> memref<80x32xf32, #tpu.memory_space<vmem_shared>>
        tpu.enqueue_dma source(%arg8 : memref<80x32xf32, #tpu.memory_space<vmem>>) target(%dma_start3A_1050 : memref<80x32xf32, #tpu.memory_space<vmem_shared>>) target_semaphore(%run_scoped3A_1046 : memref<!tpu.dma_semaphore, #tpu.memory_space<semaphore_mem>>)
        %dma_wait3A_1051 = arith.constant 0 : i32
        %dma_wait3A_1052 = tpu.memref_slice %arg10[%multiple_of3A_1045, %dma_wait3A_1051] : memref<10000x32xf32, #tpu.memory_space<vmem_shared>> -> memref<80x32xf32, #tpu.memory_space<vmem_shared>>
        %dma_wait3A_1053 = arith.constant 0 : i32
        %dma_wait3A_1054 = tpu.memref_slice %arg10[%multiple_of3A_1045, %dma_wait3A_1053] : memref<10000x32xf32, #tpu.memory_space<vmem_shared>> -> memref<80x32xf32, #tpu.memory_space<vmem_shared>>
        tpu.wait_dma2 semaphore(%run_scoped3A_1046 : memref<!tpu.dma_semaphore, #tpu.memory_space<semaphore_mem>>) src(%arg8 : memref<80x32xf32, #tpu.memory_space<vmem>>) dst(%dma_wait3A_1054 : memref<80x32xf32, #tpu.memory_space<vmem_shared>>)
        tpu.yield
      }) : () -> ()
    } else {
    }
    %add3A_986 = arith.constant 64 : i32
    %add3A_987 = arith.addi %arg1, %add3A_986 : i32
    %lt3A_988 = arith.constant 125 : i32
    %lt3A_989 = arith.cmpi slt, %add3A_987, %lt3A_988 : i32
    %convert_element_type3A_990 = arith.extui %lt3A_989 : i1 to i32
    %cond3A_991 = arith.constant 0 : i32
    %cond3A_992 = arith.cmpi ne, %convert_element_type3A_990, %cond3A_991 : i32
    scf.if %cond3A_992 {
      %mul3A_1043 = arith.constant 80 : i32
      %mul3A_1044 = arith.muli %add3A_987, %mul3A_1043 : i32
      %multiple_of3A_1045 = tpu.assume_multiple %mul3A_1044, 16 : i32
      "tpu.region"() ({
        %run_scoped3A_1046 = tpu.sem_alloc : memref<!tpu.dma_semaphore, #tpu.memory_space<semaphore_mem>>
        %dma_start3A_1047 = arith.constant 0 : i32
        %dma_start3A_1048 = tpu.memref_slice %arg10[%multiple_of3A_1045, %dma_start3A_1047] : memref<10000x32xf32, #tpu.memory_space<vmem_shared>> -> memref<80x32xf32, #tpu.memory_space<vmem_shared>>
        %dma_start3A_1049 = arith.constant 0 : i32
        %dma_start3A_1050 = tpu.memref_slice %arg10[%multiple_of3A_1045, %dma_start3A_1049] : memref<10000x32xf32, #tpu.memory_space<vmem_shared>> -> memref<80x32xf32, #tpu.memory_space<vmem_shared>>
        tpu.enqueue_dma source(%arg8 : memref<80x32xf32, #tpu.memory_space<vmem>>) target(%dma_start3A_1050 : memref<80x32xf32, #tpu.memory_space<vmem_shared>>) target_semaphore(%run_scoped3A_1046 : memref<!tpu.dma_semaphore, #tpu.memory_space<semaphore_mem>>)
        %dma_wait3A_1051 = arith.constant 0 : i32
        %dma_wait3A_1052 = tpu.memref_slice %arg10[%multiple_of3A_1045, %dma_wait3A_1051] : memref<10000x32xf32, #tpu.memory_space<vmem_shared>> -> memref<80x32xf32, #tpu.memory_space<vmem_shared>>
        %dma_wait3A_1053 = arith.constant 0 : i32
        %dma_wait3A_1054 = tpu.memref_slice %arg10[%multiple_of3A_1045, %dma_wait3A_1053] : memref<10000x32xf32, #tpu.memory_space<vmem_shared>> -> memref<80x32xf32, #tpu.memory_space<vmem_shared>>
        tpu.wait_dma2 semaphore(%run_scoped3A_1046 : memref<!tpu.dma_semaphore, #tpu.memory_space<semaphore_mem>>) src(%arg8 : memref<80x32xf32, #tpu.memory_space<vmem>>) dst(%dma_wait3A_1054 : memref<80x32xf32, #tpu.memory_space<vmem_shared>>)
        tpu.yield
      }) : () -> ()
    } else {
    }
    %add3A_993 = arith.constant 80 : i32
    %add3A_994 = arith.addi %arg1, %add3A_993 : i32
    %lt3A_995 = arith.constant 125 : i32
    %lt3A_996 = arith.cmpi slt, %add3A_994, %lt3A_995 : i32
    %convert_element_type3A_997 = arith.extui %lt3A_996 : i1 to i32
    %cond3A_998 = arith.constant 0 : i32
    %cond3A_999 = arith.cmpi ne, %convert_element_type3A_997, %cond3A_998 : i32
    scf.if %cond3A_999 {
      %mul3A_1043 = arith.constant 80 : i32
      %mul3A_1044 = arith.muli %add3A_994, %mul3A_1043 : i32
      %multiple_of3A_1045 = tpu.assume_multiple %mul3A_1044, 16 : i32
      "tpu.region"() ({
        %run_scoped3A_1046 = tpu.sem_alloc : memref<!tpu.dma_semaphore, #tpu.memory_space<semaphore_mem>>
        %dma_start3A_1047 = arith.constant 0 : i32
        %dma_start3A_1048 = tpu.memref_slice %arg10[%multiple_of3A_1045, %dma_start3A_1047] : memref<10000x32xf32, #tpu.memory_space<vmem_shared>> -> memref<80x32xf32, #tpu.memory_space<vmem_shared>>
        %dma_start3A_1049 = arith.constant 0 : i32
        %dma_start3A_1050 = tpu.memref_slice %arg10[%multiple_of3A_1045, %dma_start3A_1049] : memref<10000x32xf32, #tpu.memory_space<vmem_shared>> -> memref<80x32xf32, #tpu.memory_space<vmem_shared>>
        tpu.enqueue_dma source(%arg8 : memref<80x32xf32, #tpu.memory_space<vmem>>) target(%dma_start3A_1050 : memref<80x32xf32, #tpu.memory_space<vmem_shared>>) target_semaphore(%run_scoped3A_1046 : memref<!tpu.dma_semaphore, #tpu.memory_space<semaphore_mem>>)
        %dma_wait3A_1051 = arith.constant 0 : i32
        %dma_wait3A_1052 = tpu.memref_slice %arg10[%multiple_of3A_1045, %dma_wait3A_1051] : memref<10000x32xf32, #tpu.memory_space<vmem_shared>> -> memref<80x32xf32, #tpu.memory_space<vmem_shared>>
        %dma_wait3A_1053 = arith.constant 0 : i32
        %dma_wait3A_1054 = tpu.memref_slice %arg10[%multiple_of3A_1045, %dma_wait3A_1053] : memref<10000x32xf32, #tpu.memory_space<vmem_shared>> -> memref<80x32xf32, #tpu.memory_space<vmem_shared>>
        tpu.wait_dma2 semaphore(%run_scoped3A_1046 : memref<!tpu.dma_semaphore, #tpu.memory_space<semaphore_mem>>) src(%arg8 : memref<80x32xf32, #tpu.memory_space<vmem>>) dst(%dma_wait3A_1054 : memref<80x32xf32, #tpu.memory_space<vmem_shared>>)
        tpu.yield
      }) : () -> ()
    } else {
    }
    %add3A_1000 = arith.constant 96 : i32
    %add3A_1001 = arith.addi %arg1, %add3A_1000 : i32
    %lt3A_1002 = arith.constant 125 : i32
    %lt3A_1003 = arith.cmpi slt, %add3A_1001, %lt3A_1002 : i32
    %convert_element_type3A_1004 = arith.extui %lt3A_1003 : i1 to i32
    %cond3A_1005 = arith.constant 0 : i32
    %cond3A_1006 = arith.cmpi ne, %convert_element_type3A_1004, %cond3A_1005 : i32
    scf.if %cond3A_1006 {
      %mul3A_1043 = arith.constant 80 : i32
      %mul3A_1044 = arith.muli %add3A_1001, %mul3A_1043 : i32
      %multiple_of3A_1045 = tpu.assume_multiple %mul3A_1044, 16 : i32
      "tpu.region"() ({
        %run_scoped3A_1046 = tpu.sem_alloc : memref<!tpu.dma_semaphore, #tpu.memory_space<semaphore_mem>>
        %dma_start3A_1047 = arith.constant 0 : i32
        %dma_start3A_1048 = tpu.memref_slice %arg10[%multiple_of3A_1045, %dma_start3A_1047] : memref<10000x32xf32, #tpu.memory_space<vmem_shared>> -> memref<80x32xf32, #tpu.memory_space<vmem_shared>>
        %dma_start3A_1049 = arith.constant 0 : i32
        %dma_start3A_1050 = tpu.memref_slice %arg10[%multiple_of3A_1045, %dma_start3A_1049] : memref<10000x32xf32, #tpu.memory_space<vmem_shared>> -> memref<80x32xf32, #tpu.memory_space<vmem_shared>>
        tpu.enqueue_dma source(%arg8 : memref<80x32xf32, #tpu.memory_space<vmem>>) target(%dma_start3A_1050 : memref<80x32xf32, #tpu.memory_space<vmem_shared>>) target_semaphore(%run_scoped3A_1046 : memref<!tpu.dma_semaphore, #tpu.memory_space<semaphore_mem>>)
        %dma_wait3A_1051 = arith.constant 0 : i32
        %dma_wait3A_1052 = tpu.memref_slice %arg10[%multiple_of3A_1045, %dma_wait3A_1051] : memref<10000x32xf32, #tpu.memory_space<vmem_shared>> -> memref<80x32xf32, #tpu.memory_space<vmem_shared>>
        %dma_wait3A_1053 = arith.constant 0 : i32
        %dma_wait3A_1054 = tpu.memref_slice %arg10[%multiple_of3A_1045, %dma_wait3A_1053] : memref<10000x32xf32, #tpu.memory_space<vmem_shared>> -> memref<80x32xf32, #tpu.memory_space<vmem_shared>>
        tpu.wait_dma2 semaphore(%run_scoped3A_1046 : memref<!tpu.dma_semaphore, #tpu.memory_space<semaphore_mem>>) src(%arg8 : memref<80x32xf32, #tpu.memory_space<vmem>>) dst(%dma_wait3A_1054 : memref<80x32xf32, #tpu.memory_space<vmem_shared>>)
        tpu.yield
      }) : () -> ()
    } else {
    }
    %add3A_1007 = arith.constant 112 : i32
    %add3A_1008 = arith.addi %arg1, %add3A_1007 : i32
    %lt3A_1009 = arith.constant 125 : i32
    %lt3A_1010 = arith.cmpi slt, %add3A_1008, %lt3A_1009 : i32
    %convert_element_type3A_1011 = arith.extui %lt3A_1010 : i1 to i32
    %cond3A_1012 = arith.constant 0 : i32
    %cond3A_1013 = arith.cmpi ne, %convert_element_type3A_1011, %cond3A_1012 : i32
    scf.if %cond3A_1013 {
      %mul3A_1043 = arith.constant 80 : i32
      %mul3A_1044 = arith.muli %add3A_1008, %mul3A_1043 : i32
      %multiple_of3A_1045 = tpu.assume_multiple %mul3A_1044, 16 : i32
      "tpu.region"() ({
        %run_scoped3A_1046 = tpu.sem_alloc : memref<!tpu.dma_semaphore, #tpu.memory_space<semaphore_mem>>
        %dma_start3A_1047 = arith.constant 0 : i32
        %dma_start3A_1048 = tpu.memref_slice %arg10[%multiple_of3A_1045, %dma_start3A_1047] : memref<10000x32xf32, #tpu.memory_space<vmem_shared>> -> memref<80x32xf32, #tpu.memory_space<vmem_shared>>
        %dma_start3A_1049 = arith.constant 0 : i32
        %dma_start3A_1050 = tpu.memref_slice %arg10[%multiple_of3A_1045, %dma_start3A_1049] : memref<10000x32xf32, #tpu.memory_space<vmem_shared>> -> memref<80x32xf32, #tpu.memory_space<vmem_shared>>
        tpu.enqueue_dma source(%arg8 : memref<80x32xf32, #tpu.memory_space<vmem>>) target(%dma_start3A_1050 : memref<80x32xf32, #tpu.memory_space<vmem_shared>>) target_semaphore(%run_scoped3A_1046 : memref<!tpu.dma_semaphore, #tpu.memory_space<semaphore_mem>>)
        %dma_wait3A_1051 = arith.constant 0 : i32
        %dma_wait3A_1052 = tpu.memref_slice %arg10[%multiple_of3A_1045, %dma_wait3A_1051] : memref<10000x32xf32, #tpu.memory_space<vmem_shared>> -> memref<80x32xf32, #tpu.memory_space<vmem_shared>>
        %dma_wait3A_1053 = arith.constant 0 : i32
        %dma_wait3A_1054 = tpu.memref_slice %arg10[%multiple_of3A_1045, %dma_wait3A_1053] : memref<10000x32xf32, #tpu.memory_space<vmem_shared>> -> memref<80x32xf32, #tpu.memory_space<vmem_shared>>
        tpu.wait_dma2 semaphore(%run_scoped3A_1046 : memref<!tpu.dma_semaphore, #tpu.memory_space<semaphore_mem>>) src(%arg8 : memref<80x32xf32, #tpu.memory_space<vmem>>) dst(%dma_wait3A_1054 : memref<80x32xf32, #tpu.memory_space<vmem_shared>>)
        tpu.yield
      }) : () -> ()
    } else {
    }
    "tpu.region"() ({
      %run_scoped3A_1043 = tpu.sem_alloc : memref<!tpu.dma_semaphore, #tpu.memory_space<semaphore_mem>>
      %dma_start3A_1044 = arith.constant 0 : i32
      %dma_start3A_1045 = arith.constant 0 : i32
      %dma_start3A_1046 = tpu.memref_slice %arg4[%add3A, %dma_start3A_1044, %dma_start3A_1045] : memref<32x125x80xi32, #tpu.memory_space<hbm>> -> memref<1x125x80xi32, #tpu.memory_space<hbm>>
      %dma_start3A_1047 = tpu.memref_squeeze %dma_start3A_1046 : memref<1x125x80xi32, #tpu.memory_space<hbm>> -> memref<125x80xi32, #tpu.memory_space<hbm>>
      %dma_start3A_1048 = arith.constant 0 : i32
      %dma_start3A_1049 = arith.constant 0 : i32
      %dma_start3A_1050 = tpu.memref_slice %arg4[%add3A, %dma_start3A_1048, %dma_start3A_1049] : memref<32x125x80xi32, #tpu.memory_space<hbm>> -> memref<1x125x80xi32, #tpu.memory_space<hbm>>
      %dma_start3A_1051 = tpu.memref_squeeze %dma_start3A_1050 : memref<1x125x80xi32, #tpu.memory_space<hbm>> -> memref<125x80xi32, #tpu.memory_space<hbm>>
      tpu.enqueue_dma source(%dma_start3A_1051 : memref<125x80xi32, #tpu.memory_space<hbm>>) target(%arg6 : memref<125x80xi32, #tpu.memory_space<vmem>>) target_semaphore(%run_scoped3A_1043 : memref<!tpu.dma_semaphore, #tpu.memory_space<semaphore_mem>>)
      %dma_wait3A_1052 = arith.constant 0 : i32
      %dma_wait3A_1053 = arith.constant 0 : i32
      %dma_wait3A_1054 = tpu.memref_slice %arg4[%add3A, %dma_wait3A_1052, %dma_wait3A_1053] : memref<32x125x80xi32, #tpu.memory_space<hbm>> -> memref<1x125x80xi32, #tpu.memory_space<hbm>>
      %dma_wait3A_1055 = tpu.memref_squeeze %dma_wait3A_1054 : memref<1x125x80xi32, #tpu.memory_space<hbm>> -> memref<125x80xi32, #tpu.memory_space<hbm>>
      %dma_wait3A_1056 = arith.constant 0 : i32
      %dma_wait3A_1057 = arith.constant 0 : i32
      %dma_wait3A_1058 = tpu.memref_slice %arg4[%add3A, %dma_wait3A_1056, %dma_wait3A_1057] : memref<32x125x80xi32, #tpu.memory_space<hbm>> -> memref<1x125x80xi32, #tpu.memory_space<hbm>>
      %dma_wait3A_1059 = tpu.memref_squeeze %dma_wait3A_1058 : memref<1x125x80xi32, #tpu.memory_space<hbm>> -> memref<125x80xi32, #tpu.memory_space<hbm>>
      tpu.wait_dma2 semaphore(%run_scoped3A_1043 : memref<!tpu.dma_semaphore, #tpu.memory_space<semaphore_mem>>) src(%dma_wait3A_1059 : memref<125x80xi32, #tpu.memory_space<hbm>>) dst(%arg6 : memref<125x80xi32, #tpu.memory_space<vmem>>)
      tpu.yield
    }) : () -> ()
    "tpu.region"() ({
      %run_scoped3A_1043 = tpu.sem_alloc : memref<!tpu.dma_semaphore, #tpu.memory_space<semaphore_mem>>
      %dma_start3A_1044 = arith.constant 0 : i32
      %dma_start3A_1045 = arith.constant 0 : i32
      %dma_start3A_1046 = tpu.memref_slice %arg3[%add3A, %dma_start3A_1044, %dma_start3A_1045] : memref<32x125x80xi32, #tpu.memory_space<hbm>> -> memref<1x125x80xi32, #tpu.memory_space<hbm>>
      %dma_start3A_1047 = tpu.memref_squeeze %dma_start3A_1046 : memref<1x125x80xi32, #tpu.memory_space<hbm>> -> memref<125x80xi32, #tpu.memory_space<hbm>>
      %dma_start3A_1048 = arith.constant 0 : i32
      %dma_start3A_1049 = arith.constant 0 : i32
      %dma_start3A_1050 = tpu.memref_slice %arg3[%add3A, %dma_start3A_1048, %dma_start3A_1049] : memref<32x125x80xi32, #tpu.memory_space<hbm>> -> memref<1x125x80xi32, #tpu.memory_space<hbm>>
      %dma_start3A_1051 = tpu.memref_squeeze %dma_start3A_1050 : memref<1x125x80xi32, #tpu.memory_space<hbm>> -> memref<125x80xi32, #tpu.memory_space<hbm>>
      tpu.enqueue_dma source(%dma_start3A_1051 : memref<125x80xi32, #tpu.memory_space<hbm>>) target(%arg7 : memref<125x80xi32, #tpu.memory_space<vmem>>) target_semaphore(%run_scoped3A_1043 : memref<!tpu.dma_semaphore, #tpu.memory_space<semaphore_mem>>)
      %dma_wait3A_1052 = arith.constant 0 : i32
      %dma_wait3A_1053 = arith.constant 0 : i32
      %dma_wait3A_1054 = tpu.memref_slice %arg3[%add3A, %dma_wait3A_1052, %dma_wait3A_1053] : memref<32x125x80xi32, #tpu.memory_space<hbm>> -> memref<1x125x80xi32, #tpu.memory_space<hbm>>
      %dma_wait3A_1055 = tpu.memref_squeeze %dma_wait3A_1054 : memref<1x125x80xi32, #tpu.memory_space<hbm>> -> memref<125x80xi32, #tpu.memory_space<hbm>>
      %dma_wait3A_1056 = arith.constant 0 : i32
      %dma_wait3A_1057 = arith.constant 0 : i32
      %dma_wait3A_1058 = tpu.memref_slice %arg3[%add3A, %dma_wait3A_1056, %dma_wait3A_1057] : memref<32x125x80xi32, #tpu.memory_space<hbm>> -> memref<1x125x80xi32, #tpu.memory_space<hbm>>
      %dma_wait3A_1059 = tpu.memref_squeeze %dma_wait3A_1058 : memref<1x125x80xi32, #tpu.memory_space<hbm>> -> memref<125x80xi32, #tpu.memory_space<hbm>>
      tpu.wait_dma2 semaphore(%run_scoped3A_1043 : memref<!tpu.dma_semaphore, #tpu.memory_space<semaphore_mem>>) src(%dma_wait3A_1059 : memref<125x80xi32, #tpu.memory_space<hbm>>) dst(%arg7 : memref<125x80xi32, #tpu.memory_space<vmem>>)
      tpu.yield
    }) : () -> ()
    %barrier3A = arith.constant 0 : index
    tpu.barrier barrier_id(%barrier3A)
    %dma_start3A = arith.constant 0 : i32
    %dma_start3A_1014 = arith.constant 0 : i32
    %dma_start3A_1015 = tpu.memref_slice %arg6[%dma_start3A, %dma_start3A_1014] : memref<125x80xi32, #tpu.memory_space<vmem>> -> memref<1x80xi32, #tpu.memory_space<vmem>>
    %dma_start3A_1016 = tpu.memref_squeeze %dma_start3A_1015 : memref<1x80xi32, #tpu.memory_space<vmem>> -> memref<80xi32, #tpu.memory_space<vmem>>
    %dma_start3A_1017 = arith.constant 0 : i32
    %dma_start3A_1018 = arith.constant 0 : i32
    %dma_start3A_1019 = tpu.memref_slice %arg2[%dma_start3A_1017, %dma_start3A_1018] : memref<10000x32xf32, #tpu.memory_space<hbm>> -> memref<10000x32xf32, #tpu.memory_space<hbm>>
    tpu.enqueue_indirect_dma source(%dma_start3A_1019 : memref<10000x32xf32, #tpu.memory_space<hbm>>) target(%arg8 : memref<80x32xf32, #tpu.memory_space<vmem>>) offsets(%dma_start3A_1016 : memref<80xi32, #tpu.memory_space<vmem>>) semaphore(%arg11 : memref<!tpu.dma_semaphore, #tpu.memory_space<semaphore_mem>>)
    %scan3A = arith.constant 0 : i32
    %scan3A_1020 = arith.constant 0 : i32
    %scan3A_1021 = arith.constant 62 : i32
    %scan3A_1022 = arith.addi %scan3A_1020, %scan3A_1021 : i32
    %scan3A_1023 = arith.constant 1 : i32
    scf.for %scan3A_1043 = %scan3A_1020 to %scan3A_1022 step %scan3A_1023  : i32 {
      %mul3A_1044 = arith.constant 2 : i32
      %mul3A_1045 = arith.muli %mul3A_1044, %scan3A_1043 : i32
      %add3A_1046 = arith.constant 1 : i32
      %add3A_1047 = arith.addi %mul3A_1045, %add3A_1046 : i32
      %dma_start3A_1048 = arith.constant 0 : i32
      %dma_start3A_1049 = tpu.memref_slice %arg6[%add3A_1047, %dma_start3A_1048] : memref<125x80xi32, #tpu.memory_space<vmem>> -> memref<1x80xi32, #tpu.memory_space<vmem>>
      %dma_start3A_1050 = tpu.memref_squeeze %dma_start3A_1049 : memref<1x80xi32, #tpu.memory_space<vmem>> -> memref<80xi32, #tpu.memory_space<vmem>>
      %dma_start3A_1051 = arith.constant 0 : i32
      %dma_start3A_1052 = arith.constant 0 : i32
      %dma_start3A_1053 = tpu.memref_slice %arg2[%dma_start3A_1051, %dma_start3A_1052] : memref<10000x32xf32, #tpu.memory_space<hbm>> -> memref<10000x32xf32, #tpu.memory_space<hbm>>
      tpu.enqueue_indirect_dma source(%dma_start3A_1053 : memref<10000x32xf32, #tpu.memory_space<hbm>>) target(%arg9 : memref<80x32xf32, #tpu.memory_space<vmem>>) offsets(%dma_start3A_1050 : memref<80xi32, #tpu.memory_space<vmem>>) semaphore(%arg12 : memref<!tpu.dma_semaphore, #tpu.memory_space<semaphore_mem>>)
      %dma_wait3A_1054 = arith.constant 0 : i32
      %dma_wait3A_1055 = arith.constant 0 : i32
      %dma_wait3A_1056 = tpu.memref_slice %arg6[%dma_wait3A_1054, %dma_wait3A_1055] : memref<125x80xi32, #tpu.memory_space<vmem>> -> memref<1x80xi32, #tpu.memory_space<vmem>>
      %dma_wait3A_1057 = tpu.memref_squeeze %dma_wait3A_1056 : memref<1x80xi32, #tpu.memory_space<vmem>> -> memref<80xi32, #tpu.memory_space<vmem>>
      %dma_wait3A_1058 = arith.constant 0 : i32
      %dma_wait3A_1059 = arith.constant 0 : i32
      %dma_wait3A_1060 = tpu.memref_slice %arg2[%dma_wait3A_1058, %dma_wait3A_1059] : memref<10000x32xf32, #tpu.memory_space<hbm>> -> memref<10000x32xf32, #tpu.memory_space<hbm>>
      tpu.wait_indirect_dma semaphore(%arg11 : memref<!tpu.dma_semaphore, #tpu.memory_space<semaphore_mem>>) src(%dma_wait3A_1060 : memref<10000x32xf32, #tpu.memory_space<hbm>>) dst(%arg8 : memref<80x32xf32, #tpu.memory_space<vmem>>)
      "tpu.region"() ({
        %run_scoped3A_1078 = tpu.sem_alloc : memref<!tpu.dma_semaphore, #tpu.memory_space<semaphore_mem>>
        %dma_start3A_1079 = arith.constant 0 : i32
        %dma_start3A_1080 = tpu.memref_slice %arg7[%mul3A_1045, %dma_start3A_1079] : memref<125x80xi32, #tpu.memory_space<vmem>> -> memref<1x80xi32, #tpu.memory_space<vmem>>
        %dma_start3A_1081 = tpu.memref_squeeze %dma_start3A_1080 : memref<1x80xi32, #tpu.memory_space<vmem>> -> memref<80xi32, #tpu.memory_space<vmem>>
        %dma_start3A_1082 = arith.constant 0 : i32
        %dma_start3A_1083 = arith.constant 0 : i32
        %dma_start3A_1084 = tpu.memref_slice %arg10[%dma_start3A_1082, %dma_start3A_1083] : memref<10000x32xf32, #tpu.memory_space<vmem_shared>> -> memref<10000x32xf32, #tpu.memory_space<vmem_shared>>
        tpu.enqueue_indirect_dma source(%arg8 : memref<80x32xf32, #tpu.memory_space<vmem>>) target(%dma_start3A_1084 : memref<10000x32xf32, #tpu.memory_space<vmem_shared>>) offsets(%dma_start3A_1081 : memref<80xi32, #tpu.memory_space<vmem>>) semaphore(%run_scoped3A_1078 : memref<!tpu.dma_semaphore, #tpu.memory_space<semaphore_mem>>) {add = true}
        %dma_wait3A_1085 = arith.constant 0 : i32
        %dma_wait3A_1086 = tpu.memref_slice %arg7[%mul3A_1045, %dma_wait3A_1085] : memref<125x80xi32, #tpu.memory_space<vmem>> -> memref<1x80xi32, #tpu.memory_space<vmem>>
        %dma_wait3A_1087 = tpu.memref_squeeze %dma_wait3A_1086 : memref<1x80xi32, #tpu.memory_space<vmem>> -> memref<80xi32, #tpu.memory_space<vmem>>
        %dma_wait3A_1088 = arith.constant 0 : i32
        %dma_wait3A_1089 = arith.constant 0 : i32
        %dma_wait3A_1090 = tpu.memref_slice %arg10[%dma_wait3A_1088, %dma_wait3A_1089] : memref<10000x32xf32, #tpu.memory_space<vmem_shared>> -> memref<10000x32xf32, #tpu.memory_space<vmem_shared>>
        tpu.wait_indirect_dma semaphore(%run_scoped3A_1078 : memref<!tpu.dma_semaphore, #tpu.memory_space<semaphore_mem>>) src(%arg8 : memref<80x32xf32, #tpu.memory_space<vmem>>) dst(%dma_wait3A_1090 : memref<10000x32xf32, #tpu.memory_space<vmem_shared>>)
        tpu.yield
      }) : () -> ()
      %add3A_1061 = arith.constant 2 : i32
      %add3A_1062 = arith.addi %mul3A_1045, %add3A_1061 : i32
      %dma_start3A_1063 = arith.constant 0 : i32
      %dma_start3A_1064 = tpu.memref_slice %arg6[%add3A_1062, %dma_start3A_1063] : memref<125x80xi32, #tpu.memory_space<vmem>> -> memref<1x80xi32, #tpu.memory_space<vmem>>
      %dma_start3A_1065 = tpu.memref_squeeze %dma_start3A_1064 : memref<1x80xi32, #tpu.memory_space<vmem>> -> memref<80xi32, #tpu.memory_space<vmem>>
      %dma_start3A_1066 = arith.constant 0 : i32
      %dma_start3A_1067 = arith.constant 0 : i32
      %dma_start3A_1068 = tpu.memref_slice %arg2[%dma_start3A_1066, %dma_start3A_1067] : memref<10000x32xf32, #tpu.memory_space<hbm>> -> memref<10000x32xf32, #tpu.memory_space<hbm>>
      tpu.enqueue_indirect_dma source(%dma_start3A_1068 : memref<10000x32xf32, #tpu.memory_space<hbm>>) target(%arg8 : memref<80x32xf32, #tpu.memory_space<vmem>>) offsets(%dma_start3A_1065 : memref<80xi32, #tpu.memory_space<vmem>>) semaphore(%arg11 : memref<!tpu.dma_semaphore, #tpu.memory_space<semaphore_mem>>)
      %dma_wait3A_1069 = arith.constant 0 : i32
      %dma_wait3A_1070 = arith.constant 0 : i32
      %dma_wait3A_1071 = tpu.memref_slice %arg6[%dma_wait3A_1069, %dma_wait3A_1070] : memref<125x80xi32, #tpu.memory_space<vmem>> -> memref<1x80xi32, #tpu.memory_space<vmem>>
      %dma_wait3A_1072 = tpu.memref_squeeze %dma_wait3A_1071 : memref<1x80xi32, #tpu.memory_space<vmem>> -> memref<80xi32, #tpu.memory_space<vmem>>
      %dma_wait3A_1073 = arith.constant 0 : i32
      %dma_wait3A_1074 = arith.constant 0 : i32
      %dma_wait3A_1075 = tpu.memref_slice %arg2[%dma_wait3A_1073, %dma_wait3A_1074] : memref<10000x32xf32, #tpu.memory_space<hbm>> -> memref<10000x32xf32, #tpu.memory_space<hbm>>
      tpu.wait_indirect_dma semaphore(%arg12 : memref<!tpu.dma_semaphore, #tpu.memory_space<semaphore_mem>>) src(%dma_wait3A_1075 : memref<10000x32xf32, #tpu.memory_space<hbm>>) dst(%arg9 : memref<80x32xf32, #tpu.memory_space<vmem>>)
      %add3A_1076 = arith.constant 1 : i32
      %add3A_1077 = arith.addi %mul3A_1045, %add3A_1076 : i32
      "tpu.region"() ({
        %run_scoped3A_1078 = tpu.sem_alloc : memref<!tpu.dma_semaphore, #tpu.memory_space<semaphore_mem>>
        %dma_start3A_1079 = arith.constant 0 : i32
        %dma_start3A_1080 = tpu.memref_slice %arg7[%add3A_1077, %dma_start3A_1079] : memref<125x80xi32, #tpu.memory_space<vmem>> -> memref<1x80xi32, #tpu.memory_space<vmem>>
        %dma_start3A_1081 = tpu.memref_squeeze %dma_start3A_1080 : memref<1x80xi32, #tpu.memory_space<vmem>> -> memref<80xi32, #tpu.memory_space<vmem>>
        %dma_start3A_1082 = arith.constant 0 : i32
        %dma_start3A_1083 = arith.constant 0 : i32
        %dma_start3A_1084 = tpu.memref_slice %arg10[%dma_start3A_1082, %dma_start3A_1083] : memref<10000x32xf32, #tpu.memory_space<vmem_shared>> -> memref<10000x32xf32, #tpu.memory_space<vmem_shared>>
        tpu.enqueue_indirect_dma source(%arg9 : memref<80x32xf32, #tpu.memory_space<vmem>>) target(%dma_start3A_1084 : memref<10000x32xf32, #tpu.memory_space<vmem_shared>>) offsets(%dma_start3A_1081 : memref<80xi32, #tpu.memory_space<vmem>>) semaphore(%run_scoped3A_1078 : memref<!tpu.dma_semaphore, #tpu.memory_space<semaphore_mem>>) {add = true}
        %dma_wait3A_1085 = arith.constant 0 : i32
        %dma_wait3A_1086 = tpu.memref_slice %arg7[%add3A_1077, %dma_wait3A_1085] : memref<125x80xi32, #tpu.memory_space<vmem>> -> memref<1x80xi32, #tpu.memory_space<vmem>>
        %dma_wait3A_1087 = tpu.memref_squeeze %dma_wait3A_1086 : memref<1x80xi32, #tpu.memory_space<vmem>> -> memref<80xi32, #tpu.memory_space<vmem>>
        %dma_wait3A_1088 = arith.constant 0 : i32
        %dma_wait3A_1089 = arith.constant 0 : i32
        %dma_wait3A_1090 = tpu.memref_slice %arg10[%dma_wait3A_1088, %dma_wait3A_1089] : memref<10000x32xf32, #tpu.memory_space<vmem_shared>> -> memref<10000x32xf32, #tpu.memory_space<vmem_shared>>
        tpu.wait_indirect_dma semaphore(%run_scoped3A_1078 : memref<!tpu.dma_semaphore, #tpu.memory_space<semaphore_mem>>) src(%arg9 : memref<80x32xf32, #tpu.memory_space<vmem>>) dst(%dma_wait3A_1090 : memref<10000x32xf32, #tpu.memory_space<vmem_shared>>)
        tpu.yield
      }) : () -> ()
    }
    %scan3A_1024 = arith.constant 62 : i32
    %dma_wait3A = arith.constant 0 : i32
    %dma_wait3A_1025 = arith.constant 0 : i32
    %dma_wait3A_1026 = tpu.memref_slice %arg6[%dma_wait3A, %dma_wait3A_1025] : memref<125x80xi32, #tpu.memory_space<vmem>> -> memref<1x80xi32, #tpu.memory_space<vmem>>
    %dma_wait3A_1027 = tpu.memref_squeeze %dma_wait3A_1026 : memref<1x80xi32, #tpu.memory_space<vmem>> -> memref<80xi32, #tpu.memory_space<vmem>>
    %dma_wait3A_1028 = arith.constant 0 : i32
    %dma_wait3A_1029 = arith.constant 0 : i32
    %dma_wait3A_1030 = tpu.memref_slice %arg2[%dma_wait3A_1028, %dma_wait3A_1029] : memref<10000x32xf32, #tpu.memory_space<hbm>> -> memref<10000x32xf32, #tpu.memory_space<hbm>>
    tpu.wait_indirect_dma semaphore(%arg11 : memref<!tpu.dma_semaphore, #tpu.memory_space<semaphore_mem>>) src(%dma_wait3A_1030 : memref<10000x32xf32, #tpu.memory_space<hbm>>) dst(%arg8 : memref<80x32xf32, #tpu.memory_space<vmem>>)
    %run_scoped3A = arith.constant 124 : i32
    "tpu.region"() ({
      %run_scoped3A_1043 = tpu.sem_alloc : memref<!tpu.dma_semaphore, #tpu.memory_space<semaphore_mem>>
      %dma_start3A_1044 = arith.constant 0 : i32
      %dma_start3A_1045 = tpu.memref_slice %arg7[%run_scoped3A, %dma_start3A_1044] : memref<125x80xi32, #tpu.memory_space<vmem>> -> memref<1x80xi32, #tpu.memory_space<vmem>>
      %dma_start3A_1046 = tpu.memref_squeeze %dma_start3A_1045 : memref<1x80xi32, #tpu.memory_space<vmem>> -> memref<80xi32, #tpu.memory_space<vmem>>
      %dma_start3A_1047 = arith.constant 0 : i32
      %dma_start3A_1048 = arith.constant 0 : i32
      %dma_start3A_1049 = tpu.memref_slice %arg10[%dma_start3A_1047, %dma_start3A_1048] : memref<10000x32xf32, #tpu.memory_space<vmem_shared>> -> memref<10000x32xf32, #tpu.memory_space<vmem_shared>>
      tpu.enqueue_indirect_dma source(%arg8 : memref<80x32xf32, #tpu.memory_space<vmem>>) target(%dma_start3A_1049 : memref<10000x32xf32, #tpu.memory_space<vmem_shared>>) offsets(%dma_start3A_1046 : memref<80xi32, #tpu.memory_space<vmem>>) semaphore(%run_scoped3A_1043 : memref<!tpu.dma_semaphore, #tpu.memory_space<semaphore_mem>>) {add = true}
      %dma_wait3A_1050 = arith.constant 0 : i32
      %dma_wait3A_1051 = tpu.memref_slice %arg7[%run_scoped3A, %dma_wait3A_1050] : memref<125x80xi32, #tpu.memory_space<vmem>> -> memref<1x80xi32, #tpu.memory_space<vmem>>
      %dma_wait3A_1052 = tpu.memref_squeeze %dma_wait3A_1051 : memref<1x80xi32, #tpu.memory_space<vmem>> -> memref<80xi32, #tpu.memory_space<vmem>>
      %dma_wait3A_1053 = arith.constant 0 : i32
      %dma_wait3A_1054 = arith.constant 0 : i32
      %dma_wait3A_1055 = tpu.memref_slice %arg10[%dma_wait3A_1053, %dma_wait3A_1054] : memref<10000x32xf32, #tpu.memory_space<vmem_shared>> -> memref<10000x32xf32, #tpu.memory_space<vmem_shared>>
      tpu.wait_indirect_dma semaphore(%run_scoped3A_1043 : memref<!tpu.dma_semaphore, #tpu.memory_space<semaphore_mem>>) src(%arg8 : memref<80x32xf32, #tpu.memory_space<vmem>>) dst(%dma_wait3A_1055 : memref<10000x32xf32, #tpu.memory_space<vmem_shared>>)
      tpu.yield
    }) : () -> ()
    %barrier3A_1031 = arith.constant 0 : index
    tpu.barrier barrier_id(%barrier3A_1031)
    %mul3A_1032 = arith.constant 640 : i32
    %mul3A_1033 = arith.muli %arg1, %mul3A_1032 : i32
    %multiple_of3A = tpu.assume_multiple %mul3A_1033, 128 : i32
    %lt3A_1034 = arith.constant 15 : i32
    %lt3A_1035 = arith.cmpi slt, %arg1, %lt3A_1034 : i32
    %convert_element_type3A_1036 = arith.extui %lt3A_1035 : i1 to i32
    %cond3A_1037 = arith.constant 0 : i32
    %cond3A_1038 = arith.cmpi ne, %convert_element_type3A_1036, %cond3A_1037 : i32
    scf.if %cond3A_1038 {
      "tpu.region"() ({
        %run_scoped3A_1043 = tpu.sem_alloc : memref<!tpu.dma_semaphore, #tpu.memory_space<semaphore_mem>>
        %dma_start3A_1044 = arith.constant 0 : i32
        %dma_start3A_1045 = arith.constant 0 : i32
        %dma_start3A_1046 = tpu.memref_slice %arg5[%arg0, %dma_start3A_1044, %dma_start3A_1045] : memref<2x10000x32xf32, #tpu.memory_space<hbm>> -> memref<1x10000x32xf32, #tpu.memory_space<hbm>>
        %dma_start3A_1047 = tpu.memref_squeeze %dma_start3A_1046 : memref<1x10000x32xf32, #tpu.memory_space<hbm>> -> memref<10000x32xf32, #tpu.memory_space<hbm>>
        %dma_start3A_1048 = arith.constant 0 : i32
        %dma_start3A_1049 = tpu.memref_slice %dma_start3A_1047[%multiple_of3A, %dma_start3A_1048] : memref<10000x32xf32, #tpu.memory_space<hbm>> -> memref<640x32xf32, #tpu.memory_space<hbm>>
        %dma_start3A_1050 = arith.constant 0 : i32
        %dma_start3A_1051 = tpu.memref_slice %arg10[%multiple_of3A, %dma_start3A_1050] : memref<10000x32xf32, #tpu.memory_space<vmem_shared>> -> memref<640x32xf32, #tpu.memory_space<vmem_shared>>
        tpu.enqueue_dma source(%dma_start3A_1051 : memref<640x32xf32, #tpu.memory_space<vmem_shared>>) target(%dma_start3A_1049 : memref<640x32xf32, #tpu.memory_space<hbm>>) target_semaphore(%run_scoped3A_1043 : memref<!tpu.dma_semaphore, #tpu.memory_space<semaphore_mem>>)
        %dma_wait3A_1052 = arith.constant 0 : i32
        %dma_wait3A_1053 = arith.constant 0 : i32
        %dma_wait3A_1054 = tpu.memref_slice %arg5[%arg0, %dma_wait3A_1052, %dma_wait3A_1053] : memref<2x10000x32xf32, #tpu.memory_space<hbm>> -> memref<1x10000x32xf32, #tpu.memory_space<hbm>>
        %dma_wait3A_1055 = tpu.memref_squeeze %dma_wait3A_1054 : memref<1x10000x32xf32, #tpu.memory_space<hbm>> -> memref<10000x32xf32, #tpu.memory_space<hbm>>
        %dma_wait3A_1056 = arith.constant 0 : i32
        %dma_wait3A_1057 = tpu.memref_slice %dma_wait3A_1055[%multiple_of3A, %dma_wait3A_1056] : memref<10000x32xf32, #tpu.memory_space<hbm>> -> memref<640x32xf32, #tpu.memory_space<hbm>>
        %dma_wait3A_1058 = arith.constant 0 : i32
        %dma_wait3A_1059 = tpu.memref_slice %arg10[%multiple_of3A, %dma_wait3A_1058] : memref<10000x32xf32, #tpu.memory_space<vmem_shared>> -> memref<640x32xf32, #tpu.memory_space<vmem_shared>>
        tpu.wait_dma2 semaphore(%run_scoped3A_1043 : memref<!tpu.dma_semaphore, #tpu.memory_space<semaphore_mem>>) src(%dma_wait3A_1059 : memref<640x32xf32, #tpu.memory_space<vmem_shared>>) dst(%dma_wait3A_1057 : memref<640x32xf32, #tpu.memory_space<hbm>>)
        tpu.yield
      }) : () -> ()
    } else {
    }
    %eq3A = arith.constant 15 : i32
    %eq3A_1039 = arith.cmpi eq, %arg1, %eq3A : i32
    %convert_element_type3A_1040 = arith.extui %eq3A_1039 : i1 to i32
    %cond3A_1041 = arith.constant 0 : i32
    %cond3A_1042 = arith.cmpi ne, %convert_element_type3A_1040, %cond3A_1041 : i32
    scf.if %cond3A_1042 {
      "tpu.region"() ({
        %run_scoped3A_1043 = tpu.sem_alloc : memref<!tpu.dma_semaphore, #tpu.memory_space<semaphore_mem>>
        %dma_start3A_1044 = arith.constant 0 : i32
        %dma_start3A_1045 = arith.constant 0 : i32
        %dma_start3A_1046 = tpu.memref_slice %arg5[%arg0, %dma_start3A_1044, %dma_start3A_1045] : memref<2x10000x32xf32, #tpu.memory_space<hbm>> -> memref<1x10000x32xf32, #tpu.memory_space<hbm>>
        %dma_start3A_1047 = tpu.memref_squeeze %dma_start3A_1046 : memref<1x10000x32xf32, #tpu.memory_space<hbm>> -> memref<10000x32xf32, #tpu.memory_space<hbm>>
        %dma_start3A_1048 = arith.constant 9600 : i32
        %dma_start3A_1049 = arith.constant 0 : i32
        %dma_start3A_1050 = tpu.memref_slice %dma_start3A_1047[%dma_start3A_1048, %dma_start3A_1049] : memref<10000x32xf32, #tpu.memory_space<hbm>> -> memref<400x32xf32, #tpu.memory_space<hbm>>
        %dma_start3A_1051 = arith.constant 9600 : i32
        %dma_start3A_1052 = arith.constant 0 : i32
        %dma_start3A_1053 = tpu.memref_slice %arg10[%dma_start3A_1051, %dma_start3A_1052] : memref<10000x32xf32, #tpu.memory_space<vmem_shared>> -> memref<400x32xf32, #tpu.memory_space<vmem_shared>>
        tpu.enqueue_dma source(%dma_start3A_1053 : memref<400x32xf32, #tpu.memory_space<vmem_shared>>) target(%dma_start3A_1050 : memref<400x32xf32, #tpu.memory_space<hbm>>) target_semaphore(%run_scoped3A_1043 : memref<!tpu.dma_semaphore, #tpu.memory_space<semaphore_mem>>)
        %dma_wait3A_1054 = arith.constant 0 : i32
        %dma_wait3A_1055 = arith.constant 0 : i32
        %dma_wait3A_1056 = tpu.memref_slice %arg5[%arg0, %dma_wait3A_1054, %dma_wait3A_1055] : memref<2x10000x32xf32, #tpu.memory_space<hbm>> -> memref<1x10000x32xf32, #tpu.memory_space<hbm>>
        %dma_wait3A_1057 = tpu.memref_squeeze %dma_wait3A_1056 : memref<1x10000x32xf32, #tpu.memory_space<hbm>> -> memref<10000x32xf32, #tpu.memory_space<hbm>>
        %dma_wait3A_1058 = arith.constant 9600 : i32
        %dma_wait3A_1059 = arith.constant 0 : i32
        %dma_wait3A_1060 = tpu.memref_slice %dma_wait3A_1057[%dma_wait3A_1058, %dma_wait3A_1059] : memref<10000x32xf32, #tpu.memory_space<hbm>> -> memref<400x32xf32, #tpu.memory_space<hbm>>
        %dma_wait3A_1061 = arith.constant 9600 : i32
        %dma_wait3A_1062 = arith.constant 0 : i32
        %dma_wait3A_1063 = tpu.memref_slice %arg10[%dma_wait3A_1061, %dma_wait3A_1062] : memref<10000x32xf32, #tpu.memory_space<vmem_shared>> -> memref<400x32xf32, #tpu.memory_space<vmem_shared>>
        tpu.wait_dma2 semaphore(%run_scoped3A_1043 : memref<!tpu.dma_semaphore, #tpu.memory_space<semaphore_mem>>) src(%dma_wait3A_1063 : memref<400x32xf32, #tpu.memory_space<vmem_shared>>) dst(%dma_wait3A_1060 : memref<400x32xf32, #tpu.memory_space<hbm>>)
        tpu.yield
      }) : () -> ()
    } else {
    }
    return
  }
}

#map = affine_map<(d0, d1) -> (0, 0)>
#map1 = affine_map<(d0, d1) -> (0, 0, 0)>
#map2 = affine_map<(d0, d1) -> (0)>
module attributes {stable_mosaic.version = 14 : i64} {
  func.func @_sc_scatter_deg(%arg0: i32, %arg1: i32, %arg2: memref<10000x32xf32, #tpu.memory_space<hbm>>, %arg3: memref<32x125x80xi32, #tpu.memory_space<hbm>>, %arg4: memref<32x125x80xi32, #tpu.memory_space<hbm>>, %arg5: memref<2x10000x32xf32, #tpu.memory_space<hbm>>, %arg6: memref<10000xf32, #tpu.memory_space<hbm>>, %arg7: memref<10000xf32, #tpu.memory_space<hbm>>, %arg8: memref<125x80xi32, #tpu.memory_space<vmem>>, %arg9: memref<125x80xi32, #tpu.memory_space<vmem>>, %arg10: memref<80x32xf32, #tpu.memory_space<vmem>>, %arg11: memref<80x32xf32, #tpu.memory_space<vmem>>, %arg12: memref<80xf32, #tpu.memory_space<vmem>>, %arg13: memref<10000x32xf32, #tpu.memory_space<vmem_shared>>, %arg14: memref<10000xf32, #tpu.memory_space<vmem_shared>>, %arg15: memref<!tpu.dma_semaphore, #tpu.memory_space<semaphore_mem>>, %arg16: memref<!tpu.dma_semaphore, #tpu.memory_space<semaphore_mem>>) attributes {dimension_semantics = [#tpu.dimension_semantics<core_parallel>, #tpu.dimension_semantics<subcore_parallel>], iteration_bounds = array<i64: 2, 16>, scalar_prefetch = 0 : i64, scratch_operands = 9 : i64, tpu.core_type = #tpu.core_type<sc_vector_subcore>, window_params = [{transform_indices = #map}, {transform_indices = #map1}, {transform_indices = #map1}, {transform_indices = #map1}, {transform_indices = #map2}, {transform_indices = #map2}]} {
    %mul3A = arith.constant 16 : i32
    %mul3A_0 = arith.muli %arg0, %mul3A : i32
    %add3A = arith.addi %mul3A_0, %arg1 : i32
    %broadcast_in_dim3A = arith.constant 0.000000e+00 : f32
    %broadcast_in_dim3A_1 = vector.broadcast %broadcast_in_dim3A : f32 to vector<16xf32>
    %swap3A = arith.constant 0 : i32
    %swap3A_2 = arith.index_cast %swap3A : i32 to index
    %swap3A_3 = arith.constant 0 : index
    %swap3A_4 = tpu.vector_load %arg10[%swap3A_2, %swap3A_3] {strides = array<i32>} : memref<80x32xf32, #tpu.memory_space<vmem>>, vector<1x16xf32>,
    %swap3A_5 = vector.shape_cast %swap3A_4 : vector<1x16xf32> to vector<16xf32>
    %swap3A_6 = vector.shape_cast %broadcast_in_dim3A_1 : vector<16xf32> to vector<1x16xf32>
    tpu.vector_store %arg10[%swap3A_2, %swap3A_3], %swap3A_6 {strides = array<i32>} : memref<80x32xf32, #tpu.memory_space<vmem>>, vector<1x16xf32>,
    %swap3A_7 = arith.constant 0 : i32
    %swap3A_8 = arith.index_cast %swap3A_7 : i32 to index
    %swap3A_9 = arith.constant 16 : index
    %swap3A_10 = tpu.vector_load %arg10[%swap3A_8, %swap3A_9] {strides = array<i32>} : memref<80x32xf32, #tpu.memory_space<vmem>>, vector<1x16xf32>,
    %swap3A_11 = vector.shape_cast %swap3A_10 : vector<1x16xf32> to vector<16xf32>
    %swap3A_12 = vector.shape_cast %broadcast_in_dim3A_1 : vector<16xf32> to vector<1x16xf32>
    tpu.vector_store %arg10[%swap3A_8, %swap3A_9], %swap3A_12 {strides = array<i32>} : memref<80x32xf32, #tpu.memory_space<vmem>>, vector<1x16xf32>,
    %swap3A_13 = arith.constant 1 : i32
    %swap3A_14 = arith.index_cast %swap3A_13 : i32 to index
    %swap3A_15 = arith.constant 0 : index
    %swap3A_16 = tpu.vector_load %arg10[%swap3A_14, %swap3A_15] {strides = array<i32>} : memref<80x32xf32, #tpu.memory_space<vmem>>, vector<1x16xf32>,
    %swap3A_17 = vector.shape_cast %swap3A_16 : vector<1x16xf32> to vector<16xf32>
    %swap3A_18 = vector.shape_cast %broadcast_in_dim3A_1 : vector<16xf32> to vector<1x16xf32>
    tpu.vector_store %arg10[%swap3A_14, %swap3A_15], %swap3A_18 {strides = array<i32>} : memref<80x32xf32, #tpu.memory_space<vmem>>, vector<1x16xf32>,
    %swap3A_19 = arith.constant 1 : i32
    %swap3A_20 = arith.index_cast %swap3A_19 : i32 to index
    %swap3A_21 = arith.constant 16 : index
    %swap3A_22 = tpu.vector_load %arg10[%swap3A_20, %swap3A_21] {strides = array<i32>} : memref<80x32xf32, #tpu.memory_space<vmem>>, vector<1x16xf32>,
    %swap3A_23 = vector.shape_cast %swap3A_22 : vector<1x16xf32> to vector<16xf32>
    %swap3A_24 = vector.shape_cast %broadcast_in_dim3A_1 : vector<16xf32> to vector<1x16xf32>
    tpu.vector_store %arg10[%swap3A_20, %swap3A_21], %swap3A_24 {strides = array<i32>} : memref<80x32xf32, #tpu.memory_space<vmem>>, vector<1x16xf32>,
    %swap3A_25 = arith.constant 2 : i32
    %swap3A_26 = arith.index_cast %swap3A_25 : i32 to index
    %swap3A_27 = arith.constant 0 : index
    %swap3A_28 = tpu.vector_load %arg10[%swap3A_26, %swap3A_27] {strides = array<i32>} : memref<80x32xf32, #tpu.memory_space<vmem>>, vector<1x16xf32>,
    %swap3A_29 = vector.shape_cast %swap3A_28 : vector<1x16xf32> to vector<16xf32>
    %swap3A_30 = vector.shape_cast %broadcast_in_dim3A_1 : vector<16xf32> to vector<1x16xf32>
    tpu.vector_store %arg10[%swap3A_26, %swap3A_27], %swap3A_30 {strides = array<i32>} : memref<80x32xf32, #tpu.memory_space<vmem>>, vector<1x16xf32>,
    %swap3A_31 = arith.constant 2 : i32
    %swap3A_32 = arith.index_cast %swap3A_31 : i32 to index
    %swap3A_33 = arith.constant 16 : index
    %swap3A_34 = tpu.vector_load %arg10[%swap3A_32, %swap3A_33] {strides = array<i32>} : memref<80x32xf32, #tpu.memory_space<vmem>>, vector<1x16xf32>,
    %swap3A_35 = vector.shape_cast %swap3A_34 : vector<1x16xf32> to vector<16xf32>
    %swap3A_36 = vector.shape_cast %broadcast_in_dim3A_1 : vector<16xf32> to vector<1x16xf32>
    tpu.vector_store %arg10[%swap3A_32, %swap3A_33], %swap3A_36 {strides = array<i32>} : memref<80x32xf32, #tpu.memory_space<vmem>>, vector<1x16xf32>,
    %swap3A_37 = arith.constant 3 : i32
    %swap3A_38 = arith.index_cast %swap3A_37 : i32 to index
    %swap3A_39 = arith.constant 0 : index
    %swap3A_40 = tpu.vector_load %arg10[%swap3A_38, %swap3A_39] {strides = array<i32>} : memref<80x32xf32, #tpu.memory_space<vmem>>, vector<1x16xf32>,
    %swap3A_41 = vector.shape_cast %swap3A_40 : vector<1x16xf32> to vector<16xf32>
    %swap3A_42 = vector.shape_cast %broadcast_in_dim3A_1 : vector<16xf32> to vector<1x16xf32>
    tpu.vector_store %arg10[%swap3A_38, %swap3A_39], %swap3A_42 {strides = array<i32>} : memref<80x32xf32, #tpu.memory_space<vmem>>, vector<1x16xf32>,
    %swap3A_43 = arith.constant 3 : i32
    %swap3A_44 = arith.index_cast %swap3A_43 : i32 to index
    %swap3A_45 = arith.constant 16 : index
    %swap3A_46 = tpu.vector_load %arg10[%swap3A_44, %swap3A_45] {strides = array<i32>} : memref<80x32xf32, #tpu.memory_space<vmem>>, vector<1x16xf32>,
    %swap3A_47 = vector.shape_cast %swap3A_46 : vector<1x16xf32> to vector<16xf32>
    %swap3A_48 = vector.shape_cast %broadcast_in_dim3A_1 : vector<16xf32> to vector<1x16xf32>
    tpu.vector_store %arg10[%swap3A_44, %swap3A_45], %swap3A_48 {strides = array<i32>} : memref<80x32xf32, #tpu.memory_space<vmem>>, vector<1x16xf32>,
    %swap3A_49 = arith.constant 4 : i32
    %swap3A_50 = arith.index_cast %swap3A_49 : i32 to index
    %swap3A_51 = arith.constant 0 : index
    %swap3A_52 = tpu.vector_load %arg10[%swap3A_50, %swap3A_51] {strides = array<i32>} : memref<80x32xf32, #tpu.memory_space<vmem>>, vector<1x16xf32>,
    %swap3A_53 = vector.shape_cast %swap3A_52 : vector<1x16xf32> to vector<16xf32>
    %swap3A_54 = vector.shape_cast %broadcast_in_dim3A_1 : vector<16xf32> to vector<1x16xf32>
    tpu.vector_store %arg10[%swap3A_50, %swap3A_51], %swap3A_54 {strides = array<i32>} : memref<80x32xf32, #tpu.memory_space<vmem>>, vector<1x16xf32>,
    %swap3A_55 = arith.constant 4 : i32
    %swap3A_56 = arith.index_cast %swap3A_55 : i32 to index
    %swap3A_57 = arith.constant 16 : index
    %swap3A_58 = tpu.vector_load %arg10[%swap3A_56, %swap3A_57] {strides = array<i32>} : memref<80x32xf32, #tpu.memory_space<vmem>>, vector<1x16xf32>,
    %swap3A_59 = vector.shape_cast %swap3A_58 : vector<1x16xf32> to vector<16xf32>
    %swap3A_60 = vector.shape_cast %broadcast_in_dim3A_1 : vector<16xf32> to vector<1x16xf32>
    tpu.vector_store %arg10[%swap3A_56, %swap3A_57], %swap3A_60 {strides = array<i32>} : memref<80x32xf32, #tpu.memory_space<vmem>>, vector<1x16xf32>,
    %swap3A_61 = arith.constant 5 : i32
    %swap3A_62 = arith.index_cast %swap3A_61 : i32 to index
    %swap3A_63 = arith.constant 0 : index
    %swap3A_64 = tpu.vector_load %arg10[%swap3A_62, %swap3A_63] {strides = array<i32>} : memref<80x32xf32, #tpu.memory_space<vmem>>, vector<1x16xf32>,
    %swap3A_65 = vector.shape_cast %swap3A_64 : vector<1x16xf32> to vector<16xf32>
    %swap3A_66 = vector.shape_cast %broadcast_in_dim3A_1 : vector<16xf32> to vector<1x16xf32>
    tpu.vector_store %arg10[%swap3A_62, %swap3A_63], %swap3A_66 {strides = array<i32>} : memref<80x32xf32, #tpu.memory_space<vmem>>, vector<1x16xf32>,
    %swap3A_67 = arith.constant 5 : i32
    %swap3A_68 = arith.index_cast %swap3A_67 : i32 to index
    %swap3A_69 = arith.constant 16 : index
    %swap3A_70 = tpu.vector_load %arg10[%swap3A_68, %swap3A_69] {strides = array<i32>} : memref<80x32xf32, #tpu.memory_space<vmem>>, vector<1x16xf32>,
    %swap3A_71 = vector.shape_cast %swap3A_70 : vector<1x16xf32> to vector<16xf32>
    %swap3A_72 = vector.shape_cast %broadcast_in_dim3A_1 : vector<16xf32> to vector<1x16xf32>
    tpu.vector_store %arg10[%swap3A_68, %swap3A_69], %swap3A_72 {strides = array<i32>} : memref<80x32xf32, #tpu.memory_space<vmem>>, vector<1x16xf32>,
    %swap3A_73 = arith.constant 6 : i32
    %swap3A_74 = arith.index_cast %swap3A_73 : i32 to index
    %swap3A_75 = arith.constant 0 : index
    %swap3A_76 = tpu.vector_load %arg10[%swap3A_74, %swap3A_75] {strides = array<i32>} : memref<80x32xf32, #tpu.memory_space<vmem>>, vector<1x16xf32>,
    %swap3A_77 = vector.shape_cast %swap3A_76 : vector<1x16xf32> to vector<16xf32>
    %swap3A_78 = vector.shape_cast %broadcast_in_dim3A_1 : vector<16xf32> to vector<1x16xf32>
    tpu.vector_store %arg10[%swap3A_74, %swap3A_75], %swap3A_78 {strides = array<i32>} : memref<80x32xf32, #tpu.memory_space<vmem>>, vector<1x16xf32>,
    %swap3A_79 = arith.constant 6 : i32
    %swap3A_80 = arith.index_cast %swap3A_79 : i32 to index
    %swap3A_81 = arith.constant 16 : index
    %swap3A_82 = tpu.vector_load %arg10[%swap3A_80, %swap3A_81] {strides = array<i32>} : memref<80x32xf32, #tpu.memory_space<vmem>>, vector<1x16xf32>,
    %swap3A_83 = vector.shape_cast %swap3A_82 : vector<1x16xf32> to vector<16xf32>
    %swap3A_84 = vector.shape_cast %broadcast_in_dim3A_1 : vector<16xf32> to vector<1x16xf32>
    tpu.vector_store %arg10[%swap3A_80, %swap3A_81], %swap3A_84 {strides = array<i32>} : memref<80x32xf32, #tpu.memory_space<vmem>>, vector<1x16xf32>,
    %swap3A_85 = arith.constant 7 : i32
    %swap3A_86 = arith.index_cast %swap3A_85 : i32 to index
    %swap3A_87 = arith.constant 0 : index
    %swap3A_88 = tpu.vector_load %arg10[%swap3A_86, %swap3A_87] {strides = array<i32>} : memref<80x32xf32, #tpu.memory_space<vmem>>, vector<1x16xf32>,
    %swap3A_89 = vector.shape_cast %swap3A_88 : vector<1x16xf32> to vector<16xf32>
    %swap3A_90 = vector.shape_cast %broadcast_in_dim3A_1 : vector<16xf32> to vector<1x16xf32>
    tpu.vector_store %arg10[%swap3A_86, %swap3A_87], %swap3A_90 {strides = array<i32>} : memref<80x32xf32, #tpu.memory_space<vmem>>, vector<1x16xf32>,
    %swap3A_91 = arith.constant 7 : i32
    %swap3A_92 = arith.index_cast %swap3A_91 : i32 to index
    %swap3A_93 = arith.constant 16 : index
    %swap3A_94 = tpu.vector_load %arg10[%swap3A_92, %swap3A_93] {strides = array<i32>} : memref<80x32xf32, #tpu.memory_space<vmem>>, vector<1x16xf32>,
    %swap3A_95 = vector.shape_cast %swap3A_94 : vector<1x16xf32> to vector<16xf32>
    %swap3A_96 = vector.shape_cast %broadcast_in_dim3A_1 : vector<16xf32> to vector<1x16xf32>
    tpu.vector_store %arg10[%swap3A_92, %swap3A_93], %swap3A_96 {strides = array<i32>} : memref<80x32xf32, #tpu.memory_space<vmem>>, vector<1x16xf32>,
    %swap3A_97 = arith.constant 8 : i32
    %swap3A_98 = arith.index_cast %swap3A_97 : i32 to index
    %swap3A_99 = arith.constant 0 : index
    %swap3A_100 = tpu.vector_load %arg10[%swap3A_98, %swap3A_99] {strides = array<i32>} : memref<80x32xf32, #tpu.memory_space<vmem>>, vector<1x16xf32>,
    %swap3A_101 = vector.shape_cast %swap3A_100 : vector<1x16xf32> to vector<16xf32>
    %swap3A_102 = vector.shape_cast %broadcast_in_dim3A_1 : vector<16xf32> to vector<1x16xf32>
    tpu.vector_store %arg10[%swap3A_98, %swap3A_99], %swap3A_102 {strides = array<i32>} : memref<80x32xf32, #tpu.memory_space<vmem>>, vector<1x16xf32>,
    %swap3A_103 = arith.constant 8 : i32
    %swap3A_104 = arith.index_cast %swap3A_103 : i32 to index
    %swap3A_105 = arith.constant 16 : index
    %swap3A_106 = tpu.vector_load %arg10[%swap3A_104, %swap3A_105] {strides = array<i32>} : memref<80x32xf32, #tpu.memory_space<vmem>>, vector<1x16xf32>,
    %swap3A_107 = vector.shape_cast %swap3A_106 : vector<1x16xf32> to vector<16xf32>
    %swap3A_108 = vector.shape_cast %broadcast_in_dim3A_1 : vector<16xf32> to vector<1x16xf32>
    tpu.vector_store %arg10[%swap3A_104, %swap3A_105], %swap3A_108 {strides = array<i32>} : memref<80x32xf32, #tpu.memory_space<vmem>>, vector<1x16xf32>,
    %swap3A_109 = arith.constant 9 : i32
    %swap3A_110 = arith.index_cast %swap3A_109 : i32 to index
    %swap3A_111 = arith.constant 0 : index
    %swap3A_112 = tpu.vector_load %arg10[%swap3A_110, %swap3A_111] {strides = array<i32>} : memref<80x32xf32, #tpu.memory_space<vmem>>, vector<1x16xf32>,
    %swap3A_113 = vector.shape_cast %swap3A_112 : vector<1x16xf32> to vector<16xf32>
    %swap3A_114 = vector.shape_cast %broadcast_in_dim3A_1 : vector<16xf32> to vector<1x16xf32>
    tpu.vector_store %arg10[%swap3A_110, %swap3A_111], %swap3A_114 {strides = array<i32>} : memref<80x32xf32, #tpu.memory_space<vmem>>, vector<1x16xf32>,
    %swap3A_115 = arith.constant 9 : i32
    %swap3A_116 = arith.index_cast %swap3A_115 : i32 to index
    %swap3A_117 = arith.constant 16 : index
    %swap3A_118 = tpu.vector_load %arg10[%swap3A_116, %swap3A_117] {strides = array<i32>} : memref<80x32xf32, #tpu.memory_space<vmem>>, vector<1x16xf32>,
    %swap3A_119 = vector.shape_cast %swap3A_118 : vector<1x16xf32> to vector<16xf32>
    %swap3A_120 = vector.shape_cast %broadcast_in_dim3A_1 : vector<16xf32> to vector<1x16xf32>
    tpu.vector_store %arg10[%swap3A_116, %swap3A_117], %swap3A_120 {strides = array<i32>} : memref<80x32xf32, #tpu.memory_space<vmem>>, vector<1x16xf32>,
    %swap3A_121 = arith.constant 10 : i32
    %swap3A_122 = arith.index_cast %swap3A_121 : i32 to index
    %swap3A_123 = arith.constant 0 : index
    %swap3A_124 = tpu.vector_load %arg10[%swap3A_122, %swap3A_123] {strides = array<i32>} : memref<80x32xf32, #tpu.memory_space<vmem>>, vector<1x16xf32>,
    %swap3A_125 = vector.shape_cast %swap3A_124 : vector<1x16xf32> to vector<16xf32>
    %swap3A_126 = vector.shape_cast %broadcast_in_dim3A_1 : vector<16xf32> to vector<1x16xf32>
    tpu.vector_store %arg10[%swap3A_122, %swap3A_123], %swap3A_126 {strides = array<i32>} : memref<80x32xf32, #tpu.memory_space<vmem>>, vector<1x16xf32>,
    %swap3A_127 = arith.constant 10 : i32
    %swap3A_128 = arith.index_cast %swap3A_127 : i32 to index
    %swap3A_129 = arith.constant 16 : index
    %swap3A_130 = tpu.vector_load %arg10[%swap3A_128, %swap3A_129] {strides = array<i32>} : memref<80x32xf32, #tpu.memory_space<vmem>>, vector<1x16xf32>,
    %swap3A_131 = vector.shape_cast %swap3A_130 : vector<1x16xf32> to vector<16xf32>
    %swap3A_132 = vector.shape_cast %broadcast_in_dim3A_1 : vector<16xf32> to vector<1x16xf32>
    tpu.vector_store %arg10[%swap3A_128, %swap3A_129], %swap3A_132 {strides = array<i32>} : memref<80x32xf32, #tpu.memory_space<vmem>>, vector<1x16xf32>,
    %swap3A_133 = arith.constant 11 : i32
    %swap3A_134 = arith.index_cast %swap3A_133 : i32 to index
    %swap3A_135 = arith.constant 0 : index
    %swap3A_136 = tpu.vector_load %arg10[%swap3A_134, %swap3A_135] {strides = array<i32>} : memref<80x32xf32, #tpu.memory_space<vmem>>, vector<1x16xf32>,
    %swap3A_137 = vector.shape_cast %swap3A_136 : vector<1x16xf32> to vector<16xf32>
    %swap3A_138 = vector.shape_cast %broadcast_in_dim3A_1 : vector<16xf32> to vector<1x16xf32>
    tpu.vector_store %arg10[%swap3A_134, %swap3A_135], %swap3A_138 {strides = array<i32>} : memref<80x32xf32, #tpu.memory_space<vmem>>, vector<1x16xf32>,
    %swap3A_139 = arith.constant 11 : i32
    %swap3A_140 = arith.index_cast %swap3A_139 : i32 to index
    %swap3A_141 = arith.constant 16 : index
    %swap3A_142 = tpu.vector_load %arg10[%swap3A_140, %swap3A_141] {strides = array<i32>} : memref<80x32xf32, #tpu.memory_space<vmem>>, vector<1x16xf32>,
    %swap3A_143 = vector.shape_cast %swap3A_142 : vector<1x16xf32> to vector<16xf32>
    %swap3A_144 = vector.shape_cast %broadcast_in_dim3A_1 : vector<16xf32> to vector<1x16xf32>
    tpu.vector_store %arg10[%swap3A_140, %swap3A_141], %swap3A_144 {strides = array<i32>} : memref<80x32xf32, #tpu.memory_space<vmem>>, vector<1x16xf32>,
    %swap3A_145 = arith.constant 12 : i32
    %swap3A_146 = arith.index_cast %swap3A_145 : i32 to index
    %swap3A_147 = arith.constant 0 : index
    %swap3A_148 = tpu.vector_load %arg10[%swap3A_146, %swap3A_147] {strides = array<i32>} : memref<80x32xf32, #tpu.memory_space<vmem>>, vector<1x16xf32>,
    %swap3A_149 = vector.shape_cast %swap3A_148 : vector<1x16xf32> to vector<16xf32>
    %swap3A_150 = vector.shape_cast %broadcast_in_dim3A_1 : vector<16xf32> to vector<1x16xf32>
    tpu.vector_store %arg10[%swap3A_146, %swap3A_147], %swap3A_150 {strides = array<i32>} : memref<80x32xf32, #tpu.memory_space<vmem>>, vector<1x16xf32>,
    %swap3A_151 = arith.constant 12 : i32
    %swap3A_152 = arith.index_cast %swap3A_151 : i32 to index
    %swap3A_153 = arith.constant 16 : index
    %swap3A_154 = tpu.vector_load %arg10[%swap3A_152, %swap3A_153] {strides = array<i32>} : memref<80x32xf32, #tpu.memory_space<vmem>>, vector<1x16xf32>,
    %swap3A_155 = vector.shape_cast %swap3A_154 : vector<1x16xf32> to vector<16xf32>
    %swap3A_156 = vector.shape_cast %broadcast_in_dim3A_1 : vector<16xf32> to vector<1x16xf32>
    tpu.vector_store %arg10[%swap3A_152, %swap3A_153], %swap3A_156 {strides = array<i32>} : memref<80x32xf32, #tpu.memory_space<vmem>>, vector<1x16xf32>,
    %swap3A_157 = arith.constant 13 : i32
    %swap3A_158 = arith.index_cast %swap3A_157 : i32 to index
    %swap3A_159 = arith.constant 0 : index
    %swap3A_160 = tpu.vector_load %arg10[%swap3A_158, %swap3A_159] {strides = array<i32>} : memref<80x32xf32, #tpu.memory_space<vmem>>, vector<1x16xf32>,
    %swap3A_161 = vector.shape_cast %swap3A_160 : vector<1x16xf32> to vector<16xf32>
    %swap3A_162 = vector.shape_cast %broadcast_in_dim3A_1 : vector<16xf32> to vector<1x16xf32>
    tpu.vector_store %arg10[%swap3A_158, %swap3A_159], %swap3A_162 {strides = array<i32>} : memref<80x32xf32, #tpu.memory_space<vmem>>, vector<1x16xf32>,
    %swap3A_163 = arith.constant 13 : i32
    %swap3A_164 = arith.index_cast %swap3A_163 : i32 to index
    %swap3A_165 = arith.constant 16 : index
    %swap3A_166 = tpu.vector_load %arg10[%swap3A_164, %swap3A_165] {strides = array<i32>} : memref<80x32xf32, #tpu.memory_space<vmem>>, vector<1x16xf32>,
    %swap3A_167 = vector.shape_cast %swap3A_166 : vector<1x16xf32> to vector<16xf32>
    %swap3A_168 = vector.shape_cast %broadcast_in_dim3A_1 : vector<16xf32> to vector<1x16xf32>
    tpu.vector_store %arg10[%swap3A_164, %swap3A_165], %swap3A_168 {strides = array<i32>} : memref<80x32xf32, #tpu.memory_space<vmem>>, vector<1x16xf32>,
    %swap3A_169 = arith.constant 14 : i32
    %swap3A_170 = arith.index_cast %swap3A_169 : i32 to index
    %swap3A_171 = arith.constant 0 : index
    %swap3A_172 = tpu.vector_load %arg10[%swap3A_170, %swap3A_171] {strides = array<i32>} : memref<80x32xf32, #tpu.memory_space<vmem>>, vector<1x16xf32>,
    %swap3A_173 = vector.shape_cast %swap3A_172 : vector<1x16xf32> to vector<16xf32>
    %swap3A_174 = vector.shape_cast %broadcast_in_dim3A_1 : vector<16xf32> to vector<1x16xf32>
    tpu.vector_store %arg10[%swap3A_170, %swap3A_171], %swap3A_174 {strides = array<i32>} : memref<80x32xf32, #tpu.memory_space<vmem>>, vector<1x16xf32>,
    %swap3A_175 = arith.constant 14 : i32
    %swap3A_176 = arith.index_cast %swap3A_175 : i32 to index
    %swap3A_177 = arith.constant 16 : index
    %swap3A_178 = tpu.vector_load %arg10[%swap3A_176, %swap3A_177] {strides = array<i32>} : memref<80x32xf32, #tpu.memory_space<vmem>>, vector<1x16xf32>,
    %swap3A_179 = vector.shape_cast %swap3A_178 : vector<1x16xf32> to vector<16xf32>
    %swap3A_180 = vector.shape_cast %broadcast_in_dim3A_1 : vector<16xf32> to vector<1x16xf32>
    tpu.vector_store %arg10[%swap3A_176, %swap3A_177], %swap3A_180 {strides = array<i32>} : memref<80x32xf32, #tpu.memory_space<vmem>>, vector<1x16xf32>,
    %swap3A_181 = arith.constant 15 : i32
    %swap3A_182 = arith.index_cast %swap3A_181 : i32 to index
    %swap3A_183 = arith.constant 0 : index
    %swap3A_184 = tpu.vector_load %arg10[%swap3A_182, %swap3A_183] {strides = array<i32>} : memref<80x32xf32, #tpu.memory_space<vmem>>, vector<1x16xf32>,
    %swap3A_185 = vector.shape_cast %swap3A_184 : vector<1x16xf32> to vector<16xf32>
    %swap3A_186 = vector.shape_cast %broadcast_in_dim3A_1 : vector<16xf32> to vector<1x16xf32>
    tpu.vector_store %arg10[%swap3A_182, %swap3A_183], %swap3A_186 {strides = array<i32>} : memref<80x32xf32, #tpu.memory_space<vmem>>, vector<1x16xf32>,
    %swap3A_187 = arith.constant 15 : i32
    %swap3A_188 = arith.index_cast %swap3A_187 : i32 to index
    %swap3A_189 = arith.constant 16 : index
    %swap3A_190 = tpu.vector_load %arg10[%swap3A_188, %swap3A_189] {strides = array<i32>} : memref<80x32xf32, #tpu.memory_space<vmem>>, vector<1x16xf32>,
    %swap3A_191 = vector.shape_cast %swap3A_190 : vector<1x16xf32> to vector<16xf32>
    %swap3A_192 = vector.shape_cast %broadcast_in_dim3A_1 : vector<16xf32> to vector<1x16xf32>
    tpu.vector_store %arg10[%swap3A_188, %swap3A_189], %swap3A_192 {strides = array<i32>} : memref<80x32xf32, #tpu.memory_space<vmem>>, vector<1x16xf32>,
    %swap3A_193 = arith.constant 16 : i32
    %swap3A_194 = arith.index_cast %swap3A_193 : i32 to index
    %swap3A_195 = arith.constant 0 : index
    %swap3A_196 = tpu.vector_load %arg10[%swap3A_194, %swap3A_195] {strides = array<i32>} : memref<80x32xf32, #tpu.memory_space<vmem>>, vector<1x16xf32>,
    %swap3A_197 = vector.shape_cast %swap3A_196 : vector<1x16xf32> to vector<16xf32>
    %swap3A_198 = vector.shape_cast %broadcast_in_dim3A_1 : vector<16xf32> to vector<1x16xf32>
    tpu.vector_store %arg10[%swap3A_194, %swap3A_195], %swap3A_198 {strides = array<i32>} : memref<80x32xf32, #tpu.memory_space<vmem>>, vector<1x16xf32>,
    %swap3A_199 = arith.constant 16 : i32
    %swap3A_200 = arith.index_cast %swap3A_199 : i32 to index
    %swap3A_201 = arith.constant 16 : index
    %swap3A_202 = tpu.vector_load %arg10[%swap3A_200, %swap3A_201] {strides = array<i32>} : memref<80x32xf32, #tpu.memory_space<vmem>>, vector<1x16xf32>,
    %swap3A_203 = vector.shape_cast %swap3A_202 : vector<1x16xf32> to vector<16xf32>
    %swap3A_204 = vector.shape_cast %broadcast_in_dim3A_1 : vector<16xf32> to vector<1x16xf32>
    tpu.vector_store %arg10[%swap3A_200, %swap3A_201], %swap3A_204 {strides = array<i32>} : memref<80x32xf32, #tpu.memory_space<vmem>>, vector<1x16xf32>,
    %swap3A_205 = arith.constant 17 : i32
    %swap3A_206 = arith.index_cast %swap3A_205 : i32 to index
    %swap3A_207 = arith.constant 0 : index
    %swap3A_208 = tpu.vector_load %arg10[%swap3A_206, %swap3A_207] {strides = array<i32>} : memref<80x32xf32, #tpu.memory_space<vmem>>, vector<1x16xf32>,
    %swap3A_209 = vector.shape_cast %swap3A_208 : vector<1x16xf32> to vector<16xf32>
    %swap3A_210 = vector.shape_cast %broadcast_in_dim3A_1 : vector<16xf32> to vector<1x16xf32>
    tpu.vector_store %arg10[%swap3A_206, %swap3A_207], %swap3A_210 {strides = array<i32>} : memref<80x32xf32, #tpu.memory_space<vmem>>, vector<1x16xf32>,
    %swap3A_211 = arith.constant 17 : i32
    %swap3A_212 = arith.index_cast %swap3A_211 : i32 to index
    %swap3A_213 = arith.constant 16 : index
    %swap3A_214 = tpu.vector_load %arg10[%swap3A_212, %swap3A_213] {strides = array<i32>} : memref<80x32xf32, #tpu.memory_space<vmem>>, vector<1x16xf32>,
    %swap3A_215 = vector.shape_cast %swap3A_214 : vector<1x16xf32> to vector<16xf32>
    %swap3A_216 = vector.shape_cast %broadcast_in_dim3A_1 : vector<16xf32> to vector<1x16xf32>
    tpu.vector_store %arg10[%swap3A_212, %swap3A_213], %swap3A_216 {strides = array<i32>} : memref<80x32xf32, #tpu.memory_space<vmem>>, vector<1x16xf32>,
    %swap3A_217 = arith.constant 18 : i32
    %swap3A_218 = arith.index_cast %swap3A_217 : i32 to index
    %swap3A_219 = arith.constant 0 : index
    %swap3A_220 = tpu.vector_load %arg10[%swap3A_218, %swap3A_219] {strides = array<i32>} : memref<80x32xf32, #tpu.memory_space<vmem>>, vector<1x16xf32>,
    %swap3A_221 = vector.shape_cast %swap3A_220 : vector<1x16xf32> to vector<16xf32>
    %swap3A_222 = vector.shape_cast %broadcast_in_dim3A_1 : vector<16xf32> to vector<1x16xf32>
    tpu.vector_store %arg10[%swap3A_218, %swap3A_219], %swap3A_222 {strides = array<i32>} : memref<80x32xf32, #tpu.memory_space<vmem>>, vector<1x16xf32>,
    %swap3A_223 = arith.constant 18 : i32
    %swap3A_224 = arith.index_cast %swap3A_223 : i32 to index
    %swap3A_225 = arith.constant 16 : index
    %swap3A_226 = tpu.vector_load %arg10[%swap3A_224, %swap3A_225] {strides = array<i32>} : memref<80x32xf32, #tpu.memory_space<vmem>>, vector<1x16xf32>,
    %swap3A_227 = vector.shape_cast %swap3A_226 : vector<1x16xf32> to vector<16xf32>
    %swap3A_228 = vector.shape_cast %broadcast_in_dim3A_1 : vector<16xf32> to vector<1x16xf32>
    tpu.vector_store %arg10[%swap3A_224, %swap3A_225], %swap3A_228 {strides = array<i32>} : memref<80x32xf32, #tpu.memory_space<vmem>>, vector<1x16xf32>,
    %swap3A_229 = arith.constant 19 : i32
    %swap3A_230 = arith.index_cast %swap3A_229 : i32 to index
    %swap3A_231 = arith.constant 0 : index
    %swap3A_232 = tpu.vector_load %arg10[%swap3A_230, %swap3A_231] {strides = array<i32>} : memref<80x32xf32, #tpu.memory_space<vmem>>, vector<1x16xf32>,
    %swap3A_233 = vector.shape_cast %swap3A_232 : vector<1x16xf32> to vector<16xf32>
    %swap3A_234 = vector.shape_cast %broadcast_in_dim3A_1 : vector<16xf32> to vector<1x16xf32>
    tpu.vector_store %arg10[%swap3A_230, %swap3A_231], %swap3A_234 {strides = array<i32>} : memref<80x32xf32, #tpu.memory_space<vmem>>, vector<1x16xf32>,
    %swap3A_235 = arith.constant 19 : i32
    %swap3A_236 = arith.index_cast %swap3A_235 : i32 to index
    %swap3A_237 = arith.constant 16 : index
    %swap3A_238 = tpu.vector_load %arg10[%swap3A_236, %swap3A_237] {strides = array<i32>} : memref<80x32xf32, #tpu.memory_space<vmem>>, vector<1x16xf32>,
    %swap3A_239 = vector.shape_cast %swap3A_238 : vector<1x16xf32> to vector<16xf32>
    %swap3A_240 = vector.shape_cast %broadcast_in_dim3A_1 : vector<16xf32> to vector<1x16xf32>
    tpu.vector_store %arg10[%swap3A_236, %swap3A_237], %swap3A_240 {strides = array<i32>} : memref<80x32xf32, #tpu.memory_space<vmem>>, vector<1x16xf32>,
    %swap3A_241 = arith.constant 20 : i32
    %swap3A_242 = arith.index_cast %swap3A_241 : i32 to index
    %swap3A_243 = arith.constant 0 : index
    %swap3A_244 = tpu.vector_load %arg10[%swap3A_242, %swap3A_243] {strides = array<i32>} : memref<80x32xf32, #tpu.memory_space<vmem>>, vector<1x16xf32>,
    %swap3A_245 = vector.shape_cast %swap3A_244 : vector<1x16xf32> to vector<16xf32>
    %swap3A_246 = vector.shape_cast %broadcast_in_dim3A_1 : vector<16xf32> to vector<1x16xf32>
    tpu.vector_store %arg10[%swap3A_242, %swap3A_243], %swap3A_246 {strides = array<i32>} : memref<80x32xf32, #tpu.memory_space<vmem>>, vector<1x16xf32>,
    %swap3A_247 = arith.constant 20 : i32
    %swap3A_248 = arith.index_cast %swap3A_247 : i32 to index
    %swap3A_249 = arith.constant 16 : index
    %swap3A_250 = tpu.vector_load %arg10[%swap3A_248, %swap3A_249] {strides = array<i32>} : memref<80x32xf32, #tpu.memory_space<vmem>>, vector<1x16xf32>,
    %swap3A_251 = vector.shape_cast %swap3A_250 : vector<1x16xf32> to vector<16xf32>
    %swap3A_252 = vector.shape_cast %broadcast_in_dim3A_1 : vector<16xf32> to vector<1x16xf32>
    tpu.vector_store %arg10[%swap3A_248, %swap3A_249], %swap3A_252 {strides = array<i32>} : memref<80x32xf32, #tpu.memory_space<vmem>>, vector<1x16xf32>,
    %swap3A_253 = arith.constant 21 : i32
    %swap3A_254 = arith.index_cast %swap3A_253 : i32 to index
    %swap3A_255 = arith.constant 0 : index
    %swap3A_256 = tpu.vector_load %arg10[%swap3A_254, %swap3A_255] {strides = array<i32>} : memref<80x32xf32, #tpu.memory_space<vmem>>, vector<1x16xf32>,
    %swap3A_257 = vector.shape_cast %swap3A_256 : vector<1x16xf32> to vector<16xf32>
    %swap3A_258 = vector.shape_cast %broadcast_in_dim3A_1 : vector<16xf32> to vector<1x16xf32>
    tpu.vector_store %arg10[%swap3A_254, %swap3A_255], %swap3A_258 {strides = array<i32>} : memref<80x32xf32, #tpu.memory_space<vmem>>, vector<1x16xf32>,
    %swap3A_259 = arith.constant 21 : i32
    %swap3A_260 = arith.index_cast %swap3A_259 : i32 to index
    %swap3A_261 = arith.constant 16 : index
    %swap3A_262 = tpu.vector_load %arg10[%swap3A_260, %swap3A_261] {strides = array<i32>} : memref<80x32xf32, #tpu.memory_space<vmem>>, vector<1x16xf32>,
    %swap3A_263 = vector.shape_cast %swap3A_262 : vector<1x16xf32> to vector<16xf32>
    %swap3A_264 = vector.shape_cast %broadcast_in_dim3A_1 : vector<16xf32> to vector<1x16xf32>
    tpu.vector_store %arg10[%swap3A_260, %swap3A_261], %swap3A_264 {strides = array<i32>} : memref<80x32xf32, #tpu.memory_space<vmem>>, vector<1x16xf32>,
    %swap3A_265 = arith.constant 22 : i32
    %swap3A_266 = arith.index_cast %swap3A_265 : i32 to index
    %swap3A_267 = arith.constant 0 : index
    %swap3A_268 = tpu.vector_load %arg10[%swap3A_266, %swap3A_267] {strides = array<i32>} : memref<80x32xf32, #tpu.memory_space<vmem>>, vector<1x16xf32>,
    %swap3A_269 = vector.shape_cast %swap3A_268 : vector<1x16xf32> to vector<16xf32>
    %swap3A_270 = vector.shape_cast %broadcast_in_dim3A_1 : vector<16xf32> to vector<1x16xf32>
    tpu.vector_store %arg10[%swap3A_266, %swap3A_267], %swap3A_270 {strides = array<i32>} : memref<80x32xf32, #tpu.memory_space<vmem>>, vector<1x16xf32>,
    %swap3A_271 = arith.constant 22 : i32
    %swap3A_272 = arith.index_cast %swap3A_271 : i32 to index
    %swap3A_273 = arith.constant 16 : index
    %swap3A_274 = tpu.vector_load %arg10[%swap3A_272, %swap3A_273] {strides = array<i32>} : memref<80x32xf32, #tpu.memory_space<vmem>>, vector<1x16xf32>,
    %swap3A_275 = vector.shape_cast %swap3A_274 : vector<1x16xf32> to vector<16xf32>
    %swap3A_276 = vector.shape_cast %broadcast_in_dim3A_1 : vector<16xf32> to vector<1x16xf32>
    tpu.vector_store %arg10[%swap3A_272, %swap3A_273], %swap3A_276 {strides = array<i32>} : memref<80x32xf32, #tpu.memory_space<vmem>>, vector<1x16xf32>,
    %swap3A_277 = arith.constant 23 : i32
    %swap3A_278 = arith.index_cast %swap3A_277 : i32 to index
    %swap3A_279 = arith.constant 0 : index
    %swap3A_280 = tpu.vector_load %arg10[%swap3A_278, %swap3A_279] {strides = array<i32>} : memref<80x32xf32, #tpu.memory_space<vmem>>, vector<1x16xf32>,
    %swap3A_281 = vector.shape_cast %swap3A_280 : vector<1x16xf32> to vector<16xf32>
    %swap3A_282 = vector.shape_cast %broadcast_in_dim3A_1 : vector<16xf32> to vector<1x16xf32>
    tpu.vector_store %arg10[%swap3A_278, %swap3A_279], %swap3A_282 {strides = array<i32>} : memref<80x32xf32, #tpu.memory_space<vmem>>, vector<1x16xf32>,
    %swap3A_283 = arith.constant 23 : i32
    %swap3A_284 = arith.index_cast %swap3A_283 : i32 to index
    %swap3A_285 = arith.constant 16 : index
    %swap3A_286 = tpu.vector_load %arg10[%swap3A_284, %swap3A_285] {strides = array<i32>} : memref<80x32xf32, #tpu.memory_space<vmem>>, vector<1x16xf32>,
    %swap3A_287 = vector.shape_cast %swap3A_286 : vector<1x16xf32> to vector<16xf32>
    %swap3A_288 = vector.shape_cast %broadcast_in_dim3A_1 : vector<16xf32> to vector<1x16xf32>
    tpu.vector_store %arg10[%swap3A_284, %swap3A_285], %swap3A_288 {strides = array<i32>} : memref<80x32xf32, #tpu.memory_space<vmem>>, vector<1x16xf32>,
    %swap3A_289 = arith.constant 24 : i32
    %swap3A_290 = arith.index_cast %swap3A_289 : i32 to index
    %swap3A_291 = arith.constant 0 : index
    %swap3A_292 = tpu.vector_load %arg10[%swap3A_290, %swap3A_291] {strides = array<i32>} : memref<80x32xf32, #tpu.memory_space<vmem>>, vector<1x16xf32>,
    %swap3A_293 = vector.shape_cast %swap3A_292 : vector<1x16xf32> to vector<16xf32>
    %swap3A_294 = vector.shape_cast %broadcast_in_dim3A_1 : vector<16xf32> to vector<1x16xf32>
    tpu.vector_store %arg10[%swap3A_290, %swap3A_291], %swap3A_294 {strides = array<i32>} : memref<80x32xf32, #tpu.memory_space<vmem>>, vector<1x16xf32>,
    %swap3A_295 = arith.constant 24 : i32
    %swap3A_296 = arith.index_cast %swap3A_295 : i32 to index
    %swap3A_297 = arith.constant 16 : index
    %swap3A_298 = tpu.vector_load %arg10[%swap3A_296, %swap3A_297] {strides = array<i32>} : memref<80x32xf32, #tpu.memory_space<vmem>>, vector<1x16xf32>,
    %swap3A_299 = vector.shape_cast %swap3A_298 : vector<1x16xf32> to vector<16xf32>
    %swap3A_300 = vector.shape_cast %broadcast_in_dim3A_1 : vector<16xf32> to vector<1x16xf32>
    tpu.vector_store %arg10[%swap3A_296, %swap3A_297], %swap3A_300 {strides = array<i32>} : memref<80x32xf32, #tpu.memory_space<vmem>>, vector<1x16xf32>,
    %swap3A_301 = arith.constant 25 : i32
    %swap3A_302 = arith.index_cast %swap3A_301 : i32 to index
    %swap3A_303 = arith.constant 0 : index
    %swap3A_304 = tpu.vector_load %arg10[%swap3A_302, %swap3A_303] {strides = array<i32>} : memref<80x32xf32, #tpu.memory_space<vmem>>, vector<1x16xf32>,
    %swap3A_305 = vector.shape_cast %swap3A_304 : vector<1x16xf32> to vector<16xf32>
    %swap3A_306 = vector.shape_cast %broadcast_in_dim3A_1 : vector<16xf32> to vector<1x16xf32>
    tpu.vector_store %arg10[%swap3A_302, %swap3A_303], %swap3A_306 {strides = array<i32>} : memref<80x32xf32, #tpu.memory_space<vmem>>, vector<1x16xf32>,
    %swap3A_307 = arith.constant 25 : i32
    %swap3A_308 = arith.index_cast %swap3A_307 : i32 to index
    %swap3A_309 = arith.constant 16 : index
    %swap3A_310 = tpu.vector_load %arg10[%swap3A_308, %swap3A_309] {strides = array<i32>} : memref<80x32xf32, #tpu.memory_space<vmem>>, vector<1x16xf32>,
    %swap3A_311 = vector.shape_cast %swap3A_310 : vector<1x16xf32> to vector<16xf32>
    %swap3A_312 = vector.shape_cast %broadcast_in_dim3A_1 : vector<16xf32> to vector<1x16xf32>
    tpu.vector_store %arg10[%swap3A_308, %swap3A_309], %swap3A_312 {strides = array<i32>} : memref<80x32xf32, #tpu.memory_space<vmem>>, vector<1x16xf32>,
    %swap3A_313 = arith.constant 26 : i32
    %swap3A_314 = arith.index_cast %swap3A_313 : i32 to index
    %swap3A_315 = arith.constant 0 : index
    %swap3A_316 = tpu.vector_load %arg10[%swap3A_314, %swap3A_315] {strides = array<i32>} : memref<80x32xf32, #tpu.memory_space<vmem>>, vector<1x16xf32>,
    %swap3A_317 = vector.shape_cast %swap3A_316 : vector<1x16xf32> to vector<16xf32>
    %swap3A_318 = vector.shape_cast %broadcast_in_dim3A_1 : vector<16xf32> to vector<1x16xf32>
    tpu.vector_store %arg10[%swap3A_314, %swap3A_315], %swap3A_318 {strides = array<i32>} : memref<80x32xf32, #tpu.memory_space<vmem>>, vector<1x16xf32>,
    %swap3A_319 = arith.constant 26 : i32
    %swap3A_320 = arith.index_cast %swap3A_319 : i32 to index
    %swap3A_321 = arith.constant 16 : index
    %swap3A_322 = tpu.vector_load %arg10[%swap3A_320, %swap3A_321] {strides = array<i32>} : memref<80x32xf32, #tpu.memory_space<vmem>>, vector<1x16xf32>,
    %swap3A_323 = vector.shape_cast %swap3A_322 : vector<1x16xf32> to vector<16xf32>
    %swap3A_324 = vector.shape_cast %broadcast_in_dim3A_1 : vector<16xf32> to vector<1x16xf32>
    tpu.vector_store %arg10[%swap3A_320, %swap3A_321], %swap3A_324 {strides = array<i32>} : memref<80x32xf32, #tpu.memory_space<vmem>>, vector<1x16xf32>,
    %swap3A_325 = arith.constant 27 : i32
    %swap3A_326 = arith.index_cast %swap3A_325 : i32 to index
    %swap3A_327 = arith.constant 0 : index
    %swap3A_328 = tpu.vector_load %arg10[%swap3A_326, %swap3A_327] {strides = array<i32>} : memref<80x32xf32, #tpu.memory_space<vmem>>, vector<1x16xf32>,
    %swap3A_329 = vector.shape_cast %swap3A_328 : vector<1x16xf32> to vector<16xf32>
    %swap3A_330 = vector.shape_cast %broadcast_in_dim3A_1 : vector<16xf32> to vector<1x16xf32>
    tpu.vector_store %arg10[%swap3A_326, %swap3A_327], %swap3A_330 {strides = array<i32>} : memref<80x32xf32, #tpu.memory_space<vmem>>, vector<1x16xf32>,
    %swap3A_331 = arith.constant 27 : i32
    %swap3A_332 = arith.index_cast %swap3A_331 : i32 to index
    %swap3A_333 = arith.constant 16 : index
    %swap3A_334 = tpu.vector_load %arg10[%swap3A_332, %swap3A_333] {strides = array<i32>} : memref<80x32xf32, #tpu.memory_space<vmem>>, vector<1x16xf32>,
    %swap3A_335 = vector.shape_cast %swap3A_334 : vector<1x16xf32> to vector<16xf32>
    %swap3A_336 = vector.shape_cast %broadcast_in_dim3A_1 : vector<16xf32> to vector<1x16xf32>
    tpu.vector_store %arg10[%swap3A_332, %swap3A_333], %swap3A_336 {strides = array<i32>} : memref<80x32xf32, #tpu.memory_space<vmem>>, vector<1x16xf32>,
    %swap3A_337 = arith.constant 28 : i32
    %swap3A_338 = arith.index_cast %swap3A_337 : i32 to index
    %swap3A_339 = arith.constant 0 : index
    %swap3A_340 = tpu.vector_load %arg10[%swap3A_338, %swap3A_339] {strides = array<i32>} : memref<80x32xf32, #tpu.memory_space<vmem>>, vector<1x16xf32>,
    %swap3A_341 = vector.shape_cast %swap3A_340 : vector<1x16xf32> to vector<16xf32>
    %swap3A_342 = vector.shape_cast %broadcast_in_dim3A_1 : vector<16xf32> to vector<1x16xf32>
    tpu.vector_store %arg10[%swap3A_338, %swap3A_339], %swap3A_342 {strides = array<i32>} : memref<80x32xf32, #tpu.memory_space<vmem>>, vector<1x16xf32>,
    %swap3A_343 = arith.constant 28 : i32
    %swap3A_344 = arith.index_cast %swap3A_343 : i32 to index
    %swap3A_345 = arith.constant 16 : index
    %swap3A_346 = tpu.vector_load %arg10[%swap3A_344, %swap3A_345] {strides = array<i32>} : memref<80x32xf32, #tpu.memory_space<vmem>>, vector<1x16xf32>,
    %swap3A_347 = vector.shape_cast %swap3A_346 : vector<1x16xf32> to vector<16xf32>
    %swap3A_348 = vector.shape_cast %broadcast_in_dim3A_1 : vector<16xf32> to vector<1x16xf32>
    tpu.vector_store %arg10[%swap3A_344, %swap3A_345], %swap3A_348 {strides = array<i32>} : memref<80x32xf32, #tpu.memory_space<vmem>>, vector<1x16xf32>,
    %swap3A_349 = arith.constant 29 : i32
    %swap3A_350 = arith.index_cast %swap3A_349 : i32 to index
    %swap3A_351 = arith.constant 0 : index
    %swap3A_352 = tpu.vector_load %arg10[%swap3A_350, %swap3A_351] {strides = array<i32>} : memref<80x32xf32, #tpu.memory_space<vmem>>, vector<1x16xf32>,
    %swap3A_353 = vector.shape_cast %swap3A_352 : vector<1x16xf32> to vector<16xf32>
    %swap3A_354 = vector.shape_cast %broadcast_in_dim3A_1 : vector<16xf32> to vector<1x16xf32>
    tpu.vector_store %arg10[%swap3A_350, %swap3A_351], %swap3A_354 {strides = array<i32>} : memref<80x32xf32, #tpu.memory_space<vmem>>, vector<1x16xf32>,
    %swap3A_355 = arith.constant 29 : i32
    %swap3A_356 = arith.index_cast %swap3A_355 : i32 to index
    %swap3A_357 = arith.constant 16 : index
    %swap3A_358 = tpu.vector_load %arg10[%swap3A_356, %swap3A_357] {strides = array<i32>} : memref<80x32xf32, #tpu.memory_space<vmem>>, vector<1x16xf32>,
    %swap3A_359 = vector.shape_cast %swap3A_358 : vector<1x16xf32> to vector<16xf32>
    %swap3A_360 = vector.shape_cast %broadcast_in_dim3A_1 : vector<16xf32> to vector<1x16xf32>
    tpu.vector_store %arg10[%swap3A_356, %swap3A_357], %swap3A_360 {strides = array<i32>} : memref<80x32xf32, #tpu.memory_space<vmem>>, vector<1x16xf32>,
    %swap3A_361 = arith.constant 30 : i32
    %swap3A_362 = arith.index_cast %swap3A_361 : i32 to index
    %swap3A_363 = arith.constant 0 : index
    %swap3A_364 = tpu.vector_load %arg10[%swap3A_362, %swap3A_363] {strides = array<i32>} : memref<80x32xf32, #tpu.memory_space<vmem>>, vector<1x16xf32>,
    %swap3A_365 = vector.shape_cast %swap3A_364 : vector<1x16xf32> to vector<16xf32>
    %swap3A_366 = vector.shape_cast %broadcast_in_dim3A_1 : vector<16xf32> to vector<1x16xf32>
    tpu.vector_store %arg10[%swap3A_362, %swap3A_363], %swap3A_366 {strides = array<i32>} : memref<80x32xf32, #tpu.memory_space<vmem>>, vector<1x16xf32>,
    %swap3A_367 = arith.constant 30 : i32
    %swap3A_368 = arith.index_cast %swap3A_367 : i32 to index
    %swap3A_369 = arith.constant 16 : index
    %swap3A_370 = tpu.vector_load %arg10[%swap3A_368, %swap3A_369] {strides = array<i32>} : memref<80x32xf32, #tpu.memory_space<vmem>>, vector<1x16xf32>,
    %swap3A_371 = vector.shape_cast %swap3A_370 : vector<1x16xf32> to vector<16xf32>
    %swap3A_372 = vector.shape_cast %broadcast_in_dim3A_1 : vector<16xf32> to vector<1x16xf32>
    tpu.vector_store %arg10[%swap3A_368, %swap3A_369], %swap3A_372 {strides = array<i32>} : memref<80x32xf32, #tpu.memory_space<vmem>>, vector<1x16xf32>,
    %swap3A_373 = arith.constant 31 : i32
    %swap3A_374 = arith.index_cast %swap3A_373 : i32 to index
    %swap3A_375 = arith.constant 0 : index
    %swap3A_376 = tpu.vector_load %arg10[%swap3A_374, %swap3A_375] {strides = array<i32>} : memref<80x32xf32, #tpu.memory_space<vmem>>, vector<1x16xf32>,
    %swap3A_377 = vector.shape_cast %swap3A_376 : vector<1x16xf32> to vector<16xf32>
    %swap3A_378 = vector.shape_cast %broadcast_in_dim3A_1 : vector<16xf32> to vector<1x16xf32>
    tpu.vector_store %arg10[%swap3A_374, %swap3A_375], %swap3A_378 {strides = array<i32>} : memref<80x32xf32, #tpu.memory_space<vmem>>, vector<1x16xf32>,
    %swap3A_379 = arith.constant 31 : i32
    %swap3A_380 = arith.index_cast %swap3A_379 : i32 to index
    %swap3A_381 = arith.constant 16 : index
    %swap3A_382 = tpu.vector_load %arg10[%swap3A_380, %swap3A_381] {strides = array<i32>} : memref<80x32xf32, #tpu.memory_space<vmem>>, vector<1x16xf32>,
    %swap3A_383 = vector.shape_cast %swap3A_382 : vector<1x16xf32> to vector<16xf32>
    %swap3A_384 = vector.shape_cast %broadcast_in_dim3A_1 : vector<16xf32> to vector<1x16xf32>
    tpu.vector_store %arg10[%swap3A_380, %swap3A_381], %swap3A_384 {strides = array<i32>} : memref<80x32xf32, #tpu.memory_space<vmem>>, vector<1x16xf32>,
    %swap3A_385 = arith.constant 32 : i32
    %swap3A_386 = arith.index_cast %swap3A_385 : i32 to index
    %swap3A_387 = arith.constant 0 : index
    %swap3A_388 = tpu.vector_load %arg10[%swap3A_386, %swap3A_387] {strides = array<i32>} : memref<80x32xf32, #tpu.memory_space<vmem>>, vector<1x16xf32>,
    %swap3A_389 = vector.shape_cast %swap3A_388 : vector<1x16xf32> to vector<16xf32>
    %swap3A_390 = vector.shape_cast %broadcast_in_dim3A_1 : vector<16xf32> to vector<1x16xf32>
    tpu.vector_store %arg10[%swap3A_386, %swap3A_387], %swap3A_390 {strides = array<i32>} : memref<80x32xf32, #tpu.memory_space<vmem>>, vector<1x16xf32>,
    %swap3A_391 = arith.constant 32 : i32
    %swap3A_392 = arith.index_cast %swap3A_391 : i32 to index
    %swap3A_393 = arith.constant 16 : index
    %swap3A_394 = tpu.vector_load %arg10[%swap3A_392, %swap3A_393] {strides = array<i32>} : memref<80x32xf32, #tpu.memory_space<vmem>>, vector<1x16xf32>,
    %swap3A_395 = vector.shape_cast %swap3A_394 : vector<1x16xf32> to vector<16xf32>
    %swap3A_396 = vector.shape_cast %broadcast_in_dim3A_1 : vector<16xf32> to vector<1x16xf32>
    tpu.vector_store %arg10[%swap3A_392, %swap3A_393], %swap3A_396 {strides = array<i32>} : memref<80x32xf32, #tpu.memory_space<vmem>>, vector<1x16xf32>,
    %swap3A_397 = arith.constant 33 : i32
    %swap3A_398 = arith.index_cast %swap3A_397 : i32 to index
    %swap3A_399 = arith.constant 0 : index
    %swap3A_400 = tpu.vector_load %arg10[%swap3A_398, %swap3A_399] {strides = array<i32>} : memref<80x32xf32, #tpu.memory_space<vmem>>, vector<1x16xf32>,
    %swap3A_401 = vector.shape_cast %swap3A_400 : vector<1x16xf32> to vector<16xf32>
    %swap3A_402 = vector.shape_cast %broadcast_in_dim3A_1 : vector<16xf32> to vector<1x16xf32>
    tpu.vector_store %arg10[%swap3A_398, %swap3A_399], %swap3A_402 {strides = array<i32>} : memref<80x32xf32, #tpu.memory_space<vmem>>, vector<1x16xf32>,
    %swap3A_403 = arith.constant 33 : i32
    %swap3A_404 = arith.index_cast %swap3A_403 : i32 to index
    %swap3A_405 = arith.constant 16 : index
    %swap3A_406 = tpu.vector_load %arg10[%swap3A_404, %swap3A_405] {strides = array<i32>} : memref<80x32xf32, #tpu.memory_space<vmem>>, vector<1x16xf32>,
    %swap3A_407 = vector.shape_cast %swap3A_406 : vector<1x16xf32> to vector<16xf32>
    %swap3A_408 = vector.shape_cast %broadcast_in_dim3A_1 : vector<16xf32> to vector<1x16xf32>
    tpu.vector_store %arg10[%swap3A_404, %swap3A_405], %swap3A_408 {strides = array<i32>} : memref<80x32xf32, #tpu.memory_space<vmem>>, vector<1x16xf32>,
    %swap3A_409 = arith.constant 34 : i32
    %swap3A_410 = arith.index_cast %swap3A_409 : i32 to index
    %swap3A_411 = arith.constant 0 : index
    %swap3A_412 = tpu.vector_load %arg10[%swap3A_410, %swap3A_411] {strides = array<i32>} : memref<80x32xf32, #tpu.memory_space<vmem>>, vector<1x16xf32>,
    %swap3A_413 = vector.shape_cast %swap3A_412 : vector<1x16xf32> to vector<16xf32>
    %swap3A_414 = vector.shape_cast %broadcast_in_dim3A_1 : vector<16xf32> to vector<1x16xf32>
    tpu.vector_store %arg10[%swap3A_410, %swap3A_411], %swap3A_414 {strides = array<i32>} : memref<80x32xf32, #tpu.memory_space<vmem>>, vector<1x16xf32>,
    %swap3A_415 = arith.constant 34 : i32
    %swap3A_416 = arith.index_cast %swap3A_415 : i32 to index
    %swap3A_417 = arith.constant 16 : index
    %swap3A_418 = tpu.vector_load %arg10[%swap3A_416, %swap3A_417] {strides = array<i32>} : memref<80x32xf32, #tpu.memory_space<vmem>>, vector<1x16xf32>,
    %swap3A_419 = vector.shape_cast %swap3A_418 : vector<1x16xf32> to vector<16xf32>
    %swap3A_420 = vector.shape_cast %broadcast_in_dim3A_1 : vector<16xf32> to vector<1x16xf32>
    tpu.vector_store %arg10[%swap3A_416, %swap3A_417], %swap3A_420 {strides = array<i32>} : memref<80x32xf32, #tpu.memory_space<vmem>>, vector<1x16xf32>,
    %swap3A_421 = arith.constant 35 : i32
    %swap3A_422 = arith.index_cast %swap3A_421 : i32 to index
    %swap3A_423 = arith.constant 0 : index
    %swap3A_424 = tpu.vector_load %arg10[%swap3A_422, %swap3A_423] {strides = array<i32>} : memref<80x32xf32, #tpu.memory_space<vmem>>, vector<1x16xf32>,
    %swap3A_425 = vector.shape_cast %swap3A_424 : vector<1x16xf32> to vector<16xf32>
    %swap3A_426 = vector.shape_cast %broadcast_in_dim3A_1 : vector<16xf32> to vector<1x16xf32>
    tpu.vector_store %arg10[%swap3A_422, %swap3A_423], %swap3A_426 {strides = array<i32>} : memref<80x32xf32, #tpu.memory_space<vmem>>, vector<1x16xf32>,
    %swap3A_427 = arith.constant 35 : i32
    %swap3A_428 = arith.index_cast %swap3A_427 : i32 to index
    %swap3A_429 = arith.constant 16 : index
    %swap3A_430 = tpu.vector_load %arg10[%swap3A_428, %swap3A_429] {strides = array<i32>} : memref<80x32xf32, #tpu.memory_space<vmem>>, vector<1x16xf32>,
    %swap3A_431 = vector.shape_cast %swap3A_430 : vector<1x16xf32> to vector<16xf32>
    %swap3A_432 = vector.shape_cast %broadcast_in_dim3A_1 : vector<16xf32> to vector<1x16xf32>
    tpu.vector_store %arg10[%swap3A_428, %swap3A_429], %swap3A_432 {strides = array<i32>} : memref<80x32xf32, #tpu.memory_space<vmem>>, vector<1x16xf32>,
    %swap3A_433 = arith.constant 36 : i32
    %swap3A_434 = arith.index_cast %swap3A_433 : i32 to index
    %swap3A_435 = arith.constant 0 : index
    %swap3A_436 = tpu.vector_load %arg10[%swap3A_434, %swap3A_435] {strides = array<i32>} : memref<80x32xf32, #tpu.memory_space<vmem>>, vector<1x16xf32>,
    %swap3A_437 = vector.shape_cast %swap3A_436 : vector<1x16xf32> to vector<16xf32>
    %swap3A_438 = vector.shape_cast %broadcast_in_dim3A_1 : vector<16xf32> to vector<1x16xf32>
    tpu.vector_store %arg10[%swap3A_434, %swap3A_435], %swap3A_438 {strides = array<i32>} : memref<80x32xf32, #tpu.memory_space<vmem>>, vector<1x16xf32>,
    %swap3A_439 = arith.constant 36 : i32
    %swap3A_440 = arith.index_cast %swap3A_439 : i32 to index
    %swap3A_441 = arith.constant 16 : index
    %swap3A_442 = tpu.vector_load %arg10[%swap3A_440, %swap3A_441] {strides = array<i32>} : memref<80x32xf32, #tpu.memory_space<vmem>>, vector<1x16xf32>,
    %swap3A_443 = vector.shape_cast %swap3A_442 : vector<1x16xf32> to vector<16xf32>
    %swap3A_444 = vector.shape_cast %broadcast_in_dim3A_1 : vector<16xf32> to vector<1x16xf32>
    tpu.vector_store %arg10[%swap3A_440, %swap3A_441], %swap3A_444 {strides = array<i32>} : memref<80x32xf32, #tpu.memory_space<vmem>>, vector<1x16xf32>,
    %swap3A_445 = arith.constant 37 : i32
    %swap3A_446 = arith.index_cast %swap3A_445 : i32 to index
    %swap3A_447 = arith.constant 0 : index
    %swap3A_448 = tpu.vector_load %arg10[%swap3A_446, %swap3A_447] {strides = array<i32>} : memref<80x32xf32, #tpu.memory_space<vmem>>, vector<1x16xf32>,
    %swap3A_449 = vector.shape_cast %swap3A_448 : vector<1x16xf32> to vector<16xf32>
    %swap3A_450 = vector.shape_cast %broadcast_in_dim3A_1 : vector<16xf32> to vector<1x16xf32>
    tpu.vector_store %arg10[%swap3A_446, %swap3A_447], %swap3A_450 {strides = array<i32>} : memref<80x32xf32, #tpu.memory_space<vmem>>, vector<1x16xf32>,
    %swap3A_451 = arith.constant 37 : i32
    %swap3A_452 = arith.index_cast %swap3A_451 : i32 to index
    %swap3A_453 = arith.constant 16 : index
    %swap3A_454 = tpu.vector_load %arg10[%swap3A_452, %swap3A_453] {strides = array<i32>} : memref<80x32xf32, #tpu.memory_space<vmem>>, vector<1x16xf32>,
    %swap3A_455 = vector.shape_cast %swap3A_454 : vector<1x16xf32> to vector<16xf32>
    %swap3A_456 = vector.shape_cast %broadcast_in_dim3A_1 : vector<16xf32> to vector<1x16xf32>
    tpu.vector_store %arg10[%swap3A_452, %swap3A_453], %swap3A_456 {strides = array<i32>} : memref<80x32xf32, #tpu.memory_space<vmem>>, vector<1x16xf32>,
    %swap3A_457 = arith.constant 38 : i32
    %swap3A_458 = arith.index_cast %swap3A_457 : i32 to index
    %swap3A_459 = arith.constant 0 : index
    %swap3A_460 = tpu.vector_load %arg10[%swap3A_458, %swap3A_459] {strides = array<i32>} : memref<80x32xf32, #tpu.memory_space<vmem>>, vector<1x16xf32>,
    %swap3A_461 = vector.shape_cast %swap3A_460 : vector<1x16xf32> to vector<16xf32>
    %swap3A_462 = vector.shape_cast %broadcast_in_dim3A_1 : vector<16xf32> to vector<1x16xf32>
    tpu.vector_store %arg10[%swap3A_458, %swap3A_459], %swap3A_462 {strides = array<i32>} : memref<80x32xf32, #tpu.memory_space<vmem>>, vector<1x16xf32>,
    %swap3A_463 = arith.constant 38 : i32
    %swap3A_464 = arith.index_cast %swap3A_463 : i32 to index
    %swap3A_465 = arith.constant 16 : index
    %swap3A_466 = tpu.vector_load %arg10[%swap3A_464, %swap3A_465] {strides = array<i32>} : memref<80x32xf32, #tpu.memory_space<vmem>>, vector<1x16xf32>,
    %swap3A_467 = vector.shape_cast %swap3A_466 : vector<1x16xf32> to vector<16xf32>
    %swap3A_468 = vector.shape_cast %broadcast_in_dim3A_1 : vector<16xf32> to vector<1x16xf32>
    tpu.vector_store %arg10[%swap3A_464, %swap3A_465], %swap3A_468 {strides = array<i32>} : memref<80x32xf32, #tpu.memory_space<vmem>>, vector<1x16xf32>,
    %swap3A_469 = arith.constant 39 : i32
    %swap3A_470 = arith.index_cast %swap3A_469 : i32 to index
    %swap3A_471 = arith.constant 0 : index
    %swap3A_472 = tpu.vector_load %arg10[%swap3A_470, %swap3A_471] {strides = array<i32>} : memref<80x32xf32, #tpu.memory_space<vmem>>, vector<1x16xf32>,
    %swap3A_473 = vector.shape_cast %swap3A_472 : vector<1x16xf32> to vector<16xf32>
    %swap3A_474 = vector.shape_cast %broadcast_in_dim3A_1 : vector<16xf32> to vector<1x16xf32>
    tpu.vector_store %arg10[%swap3A_470, %swap3A_471], %swap3A_474 {strides = array<i32>} : memref<80x32xf32, #tpu.memory_space<vmem>>, vector<1x16xf32>,
    %swap3A_475 = arith.constant 39 : i32
    %swap3A_476 = arith.index_cast %swap3A_475 : i32 to index
    %swap3A_477 = arith.constant 16 : index
    %swap3A_478 = tpu.vector_load %arg10[%swap3A_476, %swap3A_477] {strides = array<i32>} : memref<80x32xf32, #tpu.memory_space<vmem>>, vector<1x16xf32>,
    %swap3A_479 = vector.shape_cast %swap3A_478 : vector<1x16xf32> to vector<16xf32>
    %swap3A_480 = vector.shape_cast %broadcast_in_dim3A_1 : vector<16xf32> to vector<1x16xf32>
    tpu.vector_store %arg10[%swap3A_476, %swap3A_477], %swap3A_480 {strides = array<i32>} : memref<80x32xf32, #tpu.memory_space<vmem>>, vector<1x16xf32>,
    %swap3A_481 = arith.constant 40 : i32
    %swap3A_482 = arith.index_cast %swap3A_481 : i32 to index
    %swap3A_483 = arith.constant 0 : index
    %swap3A_484 = tpu.vector_load %arg10[%swap3A_482, %swap3A_483] {strides = array<i32>} : memref<80x32xf32, #tpu.memory_space<vmem>>, vector<1x16xf32>,
    %swap3A_485 = vector.shape_cast %swap3A_484 : vector<1x16xf32> to vector<16xf32>
    %swap3A_486 = vector.shape_cast %broadcast_in_dim3A_1 : vector<16xf32> to vector<1x16xf32>
    tpu.vector_store %arg10[%swap3A_482, %swap3A_483], %swap3A_486 {strides = array<i32>} : memref<80x32xf32, #tpu.memory_space<vmem>>, vector<1x16xf32>,
    %swap3A_487 = arith.constant 40 : i32
    %swap3A_488 = arith.index_cast %swap3A_487 : i32 to index
    %swap3A_489 = arith.constant 16 : index
    %swap3A_490 = tpu.vector_load %arg10[%swap3A_488, %swap3A_489] {strides = array<i32>} : memref<80x32xf32, #tpu.memory_space<vmem>>, vector<1x16xf32>,
    %swap3A_491 = vector.shape_cast %swap3A_490 : vector<1x16xf32> to vector<16xf32>
    %swap3A_492 = vector.shape_cast %broadcast_in_dim3A_1 : vector<16xf32> to vector<1x16xf32>
    tpu.vector_store %arg10[%swap3A_488, %swap3A_489], %swap3A_492 {strides = array<i32>} : memref<80x32xf32, #tpu.memory_space<vmem>>, vector<1x16xf32>,
    %swap3A_493 = arith.constant 41 : i32
    %swap3A_494 = arith.index_cast %swap3A_493 : i32 to index
    %swap3A_495 = arith.constant 0 : index
    %swap3A_496 = tpu.vector_load %arg10[%swap3A_494, %swap3A_495] {strides = array<i32>} : memref<80x32xf32, #tpu.memory_space<vmem>>, vector<1x16xf32>,
    %swap3A_497 = vector.shape_cast %swap3A_496 : vector<1x16xf32> to vector<16xf32>
    %swap3A_498 = vector.shape_cast %broadcast_in_dim3A_1 : vector<16xf32> to vector<1x16xf32>
    tpu.vector_store %arg10[%swap3A_494, %swap3A_495], %swap3A_498 {strides = array<i32>} : memref<80x32xf32, #tpu.memory_space<vmem>>, vector<1x16xf32>,
    %swap3A_499 = arith.constant 41 : i32
    %swap3A_500 = arith.index_cast %swap3A_499 : i32 to index
    %swap3A_501 = arith.constant 16 : index
    %swap3A_502 = tpu.vector_load %arg10[%swap3A_500, %swap3A_501] {strides = array<i32>} : memref<80x32xf32, #tpu.memory_space<vmem>>, vector<1x16xf32>,
    %swap3A_503 = vector.shape_cast %swap3A_502 : vector<1x16xf32> to vector<16xf32>
    %swap3A_504 = vector.shape_cast %broadcast_in_dim3A_1 : vector<16xf32> to vector<1x16xf32>
    tpu.vector_store %arg10[%swap3A_500, %swap3A_501], %swap3A_504 {strides = array<i32>} : memref<80x32xf32, #tpu.memory_space<vmem>>, vector<1x16xf32>,
    %swap3A_505 = arith.constant 42 : i32
    %swap3A_506 = arith.index_cast %swap3A_505 : i32 to index
    %swap3A_507 = arith.constant 0 : index
    %swap3A_508 = tpu.vector_load %arg10[%swap3A_506, %swap3A_507] {strides = array<i32>} : memref<80x32xf32, #tpu.memory_space<vmem>>, vector<1x16xf32>,
    %swap3A_509 = vector.shape_cast %swap3A_508 : vector<1x16xf32> to vector<16xf32>
    %swap3A_510 = vector.shape_cast %broadcast_in_dim3A_1 : vector<16xf32> to vector<1x16xf32>
    tpu.vector_store %arg10[%swap3A_506, %swap3A_507], %swap3A_510 {strides = array<i32>} : memref<80x32xf32, #tpu.memory_space<vmem>>, vector<1x16xf32>,
    %swap3A_511 = arith.constant 42 : i32
    %swap3A_512 = arith.index_cast %swap3A_511 : i32 to index
    %swap3A_513 = arith.constant 16 : index
    %swap3A_514 = tpu.vector_load %arg10[%swap3A_512, %swap3A_513] {strides = array<i32>} : memref<80x32xf32, #tpu.memory_space<vmem>>, vector<1x16xf32>,
    %swap3A_515 = vector.shape_cast %swap3A_514 : vector<1x16xf32> to vector<16xf32>
    %swap3A_516 = vector.shape_cast %broadcast_in_dim3A_1 : vector<16xf32> to vector<1x16xf32>
    tpu.vector_store %arg10[%swap3A_512, %swap3A_513], %swap3A_516 {strides = array<i32>} : memref<80x32xf32, #tpu.memory_space<vmem>>, vector<1x16xf32>,
    %swap3A_517 = arith.constant 43 : i32
    %swap3A_518 = arith.index_cast %swap3A_517 : i32 to index
    %swap3A_519 = arith.constant 0 : index
    %swap3A_520 = tpu.vector_load %arg10[%swap3A_518, %swap3A_519] {strides = array<i32>} : memref<80x32xf32, #tpu.memory_space<vmem>>, vector<1x16xf32>,
    %swap3A_521 = vector.shape_cast %swap3A_520 : vector<1x16xf32> to vector<16xf32>
    %swap3A_522 = vector.shape_cast %broadcast_in_dim3A_1 : vector<16xf32> to vector<1x16xf32>
    tpu.vector_store %arg10[%swap3A_518, %swap3A_519], %swap3A_522 {strides = array<i32>} : memref<80x32xf32, #tpu.memory_space<vmem>>, vector<1x16xf32>,
    %swap3A_523 = arith.constant 43 : i32
    %swap3A_524 = arith.index_cast %swap3A_523 : i32 to index
    %swap3A_525 = arith.constant 16 : index
    %swap3A_526 = tpu.vector_load %arg10[%swap3A_524, %swap3A_525] {strides = array<i32>} : memref<80x32xf32, #tpu.memory_space<vmem>>, vector<1x16xf32>,
    %swap3A_527 = vector.shape_cast %swap3A_526 : vector<1x16xf32> to vector<16xf32>
    %swap3A_528 = vector.shape_cast %broadcast_in_dim3A_1 : vector<16xf32> to vector<1x16xf32>
    tpu.vector_store %arg10[%swap3A_524, %swap3A_525], %swap3A_528 {strides = array<i32>} : memref<80x32xf32, #tpu.memory_space<vmem>>, vector<1x16xf32>,
    %swap3A_529 = arith.constant 44 : i32
    %swap3A_530 = arith.index_cast %swap3A_529 : i32 to index
    %swap3A_531 = arith.constant 0 : index
    %swap3A_532 = tpu.vector_load %arg10[%swap3A_530, %swap3A_531] {strides = array<i32>} : memref<80x32xf32, #tpu.memory_space<vmem>>, vector<1x16xf32>,
    %swap3A_533 = vector.shape_cast %swap3A_532 : vector<1x16xf32> to vector<16xf32>
    %swap3A_534 = vector.shape_cast %broadcast_in_dim3A_1 : vector<16xf32> to vector<1x16xf32>
    tpu.vector_store %arg10[%swap3A_530, %swap3A_531], %swap3A_534 {strides = array<i32>} : memref<80x32xf32, #tpu.memory_space<vmem>>, vector<1x16xf32>,
    %swap3A_535 = arith.constant 44 : i32
    %swap3A_536 = arith.index_cast %swap3A_535 : i32 to index
    %swap3A_537 = arith.constant 16 : index
    %swap3A_538 = tpu.vector_load %arg10[%swap3A_536, %swap3A_537] {strides = array<i32>} : memref<80x32xf32, #tpu.memory_space<vmem>>, vector<1x16xf32>,
    %swap3A_539 = vector.shape_cast %swap3A_538 : vector<1x16xf32> to vector<16xf32>
    %swap3A_540 = vector.shape_cast %broadcast_in_dim3A_1 : vector<16xf32> to vector<1x16xf32>
    tpu.vector_store %arg10[%swap3A_536, %swap3A_537], %swap3A_540 {strides = array<i32>} : memref<80x32xf32, #tpu.memory_space<vmem>>, vector<1x16xf32>,
    %swap3A_541 = arith.constant 45 : i32
    %swap3A_542 = arith.index_cast %swap3A_541 : i32 to index
    %swap3A_543 = arith.constant 0 : index
    %swap3A_544 = tpu.vector_load %arg10[%swap3A_542, %swap3A_543] {strides = array<i32>} : memref<80x32xf32, #tpu.memory_space<vmem>>, vector<1x16xf32>,
    %swap3A_545 = vector.shape_cast %swap3A_544 : vector<1x16xf32> to vector<16xf32>
    %swap3A_546 = vector.shape_cast %broadcast_in_dim3A_1 : vector<16xf32> to vector<1x16xf32>
    tpu.vector_store %arg10[%swap3A_542, %swap3A_543], %swap3A_546 {strides = array<i32>} : memref<80x32xf32, #tpu.memory_space<vmem>>, vector<1x16xf32>,
    %swap3A_547 = arith.constant 45 : i32
    %swap3A_548 = arith.index_cast %swap3A_547 : i32 to index
    %swap3A_549 = arith.constant 16 : index
    %swap3A_550 = tpu.vector_load %arg10[%swap3A_548, %swap3A_549] {strides = array<i32>} : memref<80x32xf32, #tpu.memory_space<vmem>>, vector<1x16xf32>,
    %swap3A_551 = vector.shape_cast %swap3A_550 : vector<1x16xf32> to vector<16xf32>
    %swap3A_552 = vector.shape_cast %broadcast_in_dim3A_1 : vector<16xf32> to vector<1x16xf32>
    tpu.vector_store %arg10[%swap3A_548, %swap3A_549], %swap3A_552 {strides = array<i32>} : memref<80x32xf32, #tpu.memory_space<vmem>>, vector<1x16xf32>,
    %swap3A_553 = arith.constant 46 : i32
    %swap3A_554 = arith.index_cast %swap3A_553 : i32 to index
    %swap3A_555 = arith.constant 0 : index
    %swap3A_556 = tpu.vector_load %arg10[%swap3A_554, %swap3A_555] {strides = array<i32>} : memref<80x32xf32, #tpu.memory_space<vmem>>, vector<1x16xf32>,
    %swap3A_557 = vector.shape_cast %swap3A_556 : vector<1x16xf32> to vector<16xf32>
    %swap3A_558 = vector.shape_cast %broadcast_in_dim3A_1 : vector<16xf32> to vector<1x16xf32>
    tpu.vector_store %arg10[%swap3A_554, %swap3A_555], %swap3A_558 {strides = array<i32>} : memref<80x32xf32, #tpu.memory_space<vmem>>, vector<1x16xf32>,
    %swap3A_559 = arith.constant 46 : i32
    %swap3A_560 = arith.index_cast %swap3A_559 : i32 to index
    %swap3A_561 = arith.constant 16 : index
    %swap3A_562 = tpu.vector_load %arg10[%swap3A_560, %swap3A_561] {strides = array<i32>} : memref<80x32xf32, #tpu.memory_space<vmem>>, vector<1x16xf32>,
    %swap3A_563 = vector.shape_cast %swap3A_562 : vector<1x16xf32> to vector<16xf32>
    %swap3A_564 = vector.shape_cast %broadcast_in_dim3A_1 : vector<16xf32> to vector<1x16xf32>
    tpu.vector_store %arg10[%swap3A_560, %swap3A_561], %swap3A_564 {strides = array<i32>} : memref<80x32xf32, #tpu.memory_space<vmem>>, vector<1x16xf32>,
    %swap3A_565 = arith.constant 47 : i32
    %swap3A_566 = arith.index_cast %swap3A_565 : i32 to index
    %swap3A_567 = arith.constant 0 : index
    %swap3A_568 = tpu.vector_load %arg10[%swap3A_566, %swap3A_567] {strides = array<i32>} : memref<80x32xf32, #tpu.memory_space<vmem>>, vector<1x16xf32>,
    %swap3A_569 = vector.shape_cast %swap3A_568 : vector<1x16xf32> to vector<16xf32>
    %swap3A_570 = vector.shape_cast %broadcast_in_dim3A_1 : vector<16xf32> to vector<1x16xf32>
    tpu.vector_store %arg10[%swap3A_566, %swap3A_567], %swap3A_570 {strides = array<i32>} : memref<80x32xf32, #tpu.memory_space<vmem>>, vector<1x16xf32>,
    %swap3A_571 = arith.constant 47 : i32
    %swap3A_572 = arith.index_cast %swap3A_571 : i32 to index
    %swap3A_573 = arith.constant 16 : index
    %swap3A_574 = tpu.vector_load %arg10[%swap3A_572, %swap3A_573] {strides = array<i32>} : memref<80x32xf32, #tpu.memory_space<vmem>>, vector<1x16xf32>,
    %swap3A_575 = vector.shape_cast %swap3A_574 : vector<1x16xf32> to vector<16xf32>
    %swap3A_576 = vector.shape_cast %broadcast_in_dim3A_1 : vector<16xf32> to vector<1x16xf32>
    tpu.vector_store %arg10[%swap3A_572, %swap3A_573], %swap3A_576 {strides = array<i32>} : memref<80x32xf32, #tpu.memory_space<vmem>>, vector<1x16xf32>,
    %swap3A_577 = arith.constant 48 : i32
    %swap3A_578 = arith.index_cast %swap3A_577 : i32 to index
    %swap3A_579 = arith.constant 0 : index
    %swap3A_580 = tpu.vector_load %arg10[%swap3A_578, %swap3A_579] {strides = array<i32>} : memref<80x32xf32, #tpu.memory_space<vmem>>, vector<1x16xf32>,
    %swap3A_581 = vector.shape_cast %swap3A_580 : vector<1x16xf32> to vector<16xf32>
    %swap3A_582 = vector.shape_cast %broadcast_in_dim3A_1 : vector<16xf32> to vector<1x16xf32>
    tpu.vector_store %arg10[%swap3A_578, %swap3A_579], %swap3A_582 {strides = array<i32>} : memref<80x32xf32, #tpu.memory_space<vmem>>, vector<1x16xf32>,
    %swap3A_583 = arith.constant 48 : i32
    %swap3A_584 = arith.index_cast %swap3A_583 : i32 to index
    %swap3A_585 = arith.constant 16 : index
    %swap3A_586 = tpu.vector_load %arg10[%swap3A_584, %swap3A_585] {strides = array<i32>} : memref<80x32xf32, #tpu.memory_space<vmem>>, vector<1x16xf32>,
    %swap3A_587 = vector.shape_cast %swap3A_586 : vector<1x16xf32> to vector<16xf32>
    %swap3A_588 = vector.shape_cast %broadcast_in_dim3A_1 : vector<16xf32> to vector<1x16xf32>
    tpu.vector_store %arg10[%swap3A_584, %swap3A_585], %swap3A_588 {strides = array<i32>} : memref<80x32xf32, #tpu.memory_space<vmem>>, vector<1x16xf32>,
    %swap3A_589 = arith.constant 49 : i32
    %swap3A_590 = arith.index_cast %swap3A_589 : i32 to index
    %swap3A_591 = arith.constant 0 : index
    %swap3A_592 = tpu.vector_load %arg10[%swap3A_590, %swap3A_591] {strides = array<i32>} : memref<80x32xf32, #tpu.memory_space<vmem>>, vector<1x16xf32>,
    %swap3A_593 = vector.shape_cast %swap3A_592 : vector<1x16xf32> to vector<16xf32>
    %swap3A_594 = vector.shape_cast %broadcast_in_dim3A_1 : vector<16xf32> to vector<1x16xf32>
    tpu.vector_store %arg10[%swap3A_590, %swap3A_591], %swap3A_594 {strides = array<i32>} : memref<80x32xf32, #tpu.memory_space<vmem>>, vector<1x16xf32>,
    %swap3A_595 = arith.constant 49 : i32
    %swap3A_596 = arith.index_cast %swap3A_595 : i32 to index
    %swap3A_597 = arith.constant 16 : index
    %swap3A_598 = tpu.vector_load %arg10[%swap3A_596, %swap3A_597] {strides = array<i32>} : memref<80x32xf32, #tpu.memory_space<vmem>>, vector<1x16xf32>,
    %swap3A_599 = vector.shape_cast %swap3A_598 : vector<1x16xf32> to vector<16xf32>
    %swap3A_600 = vector.shape_cast %broadcast_in_dim3A_1 : vector<16xf32> to vector<1x16xf32>
    tpu.vector_store %arg10[%swap3A_596, %swap3A_597], %swap3A_600 {strides = array<i32>} : memref<80x32xf32, #tpu.memory_space<vmem>>, vector<1x16xf32>,
    %swap3A_601 = arith.constant 50 : i32
    %swap3A_602 = arith.index_cast %swap3A_601 : i32 to index
    %swap3A_603 = arith.constant 0 : index
    %swap3A_604 = tpu.vector_load %arg10[%swap3A_602, %swap3A_603] {strides = array<i32>} : memref<80x32xf32, #tpu.memory_space<vmem>>, vector<1x16xf32>,
    %swap3A_605 = vector.shape_cast %swap3A_604 : vector<1x16xf32> to vector<16xf32>
    %swap3A_606 = vector.shape_cast %broadcast_in_dim3A_1 : vector<16xf32> to vector<1x16xf32>
    tpu.vector_store %arg10[%swap3A_602, %swap3A_603], %swap3A_606 {strides = array<i32>} : memref<80x32xf32, #tpu.memory_space<vmem>>, vector<1x16xf32>,
    %swap3A_607 = arith.constant 50 : i32
    %swap3A_608 = arith.index_cast %swap3A_607 : i32 to index
    %swap3A_609 = arith.constant 16 : index
    %swap3A_610 = tpu.vector_load %arg10[%swap3A_608, %swap3A_609] {strides = array<i32>} : memref<80x32xf32, #tpu.memory_space<vmem>>, vector<1x16xf32>,
    %swap3A_611 = vector.shape_cast %swap3A_610 : vector<1x16xf32> to vector<16xf32>
    %swap3A_612 = vector.shape_cast %broadcast_in_dim3A_1 : vector<16xf32> to vector<1x16xf32>
    tpu.vector_store %arg10[%swap3A_608, %swap3A_609], %swap3A_612 {strides = array<i32>} : memref<80x32xf32, #tpu.memory_space<vmem>>, vector<1x16xf32>,
    %swap3A_613 = arith.constant 51 : i32
    %swap3A_614 = arith.index_cast %swap3A_613 : i32 to index
    %swap3A_615 = arith.constant 0 : index
    %swap3A_616 = tpu.vector_load %arg10[%swap3A_614, %swap3A_615] {strides = array<i32>} : memref<80x32xf32, #tpu.memory_space<vmem>>, vector<1x16xf32>,
    %swap3A_617 = vector.shape_cast %swap3A_616 : vector<1x16xf32> to vector<16xf32>
    %swap3A_618 = vector.shape_cast %broadcast_in_dim3A_1 : vector<16xf32> to vector<1x16xf32>
    tpu.vector_store %arg10[%swap3A_614, %swap3A_615], %swap3A_618 {strides = array<i32>} : memref<80x32xf32, #tpu.memory_space<vmem>>, vector<1x16xf32>,
    %swap3A_619 = arith.constant 51 : i32
    %swap3A_620 = arith.index_cast %swap3A_619 : i32 to index
    %swap3A_621 = arith.constant 16 : index
    %swap3A_622 = tpu.vector_load %arg10[%swap3A_620, %swap3A_621] {strides = array<i32>} : memref<80x32xf32, #tpu.memory_space<vmem>>, vector<1x16xf32>,
    %swap3A_623 = vector.shape_cast %swap3A_622 : vector<1x16xf32> to vector<16xf32>
    %swap3A_624 = vector.shape_cast %broadcast_in_dim3A_1 : vector<16xf32> to vector<1x16xf32>
    tpu.vector_store %arg10[%swap3A_620, %swap3A_621], %swap3A_624 {strides = array<i32>} : memref<80x32xf32, #tpu.memory_space<vmem>>, vector<1x16xf32>,
    %swap3A_625 = arith.constant 52 : i32
    %swap3A_626 = arith.index_cast %swap3A_625 : i32 to index
    %swap3A_627 = arith.constant 0 : index
    %swap3A_628 = tpu.vector_load %arg10[%swap3A_626, %swap3A_627] {strides = array<i32>} : memref<80x32xf32, #tpu.memory_space<vmem>>, vector<1x16xf32>,
    %swap3A_629 = vector.shape_cast %swap3A_628 : vector<1x16xf32> to vector<16xf32>
    %swap3A_630 = vector.shape_cast %broadcast_in_dim3A_1 : vector<16xf32> to vector<1x16xf32>
    tpu.vector_store %arg10[%swap3A_626, %swap3A_627], %swap3A_630 {strides = array<i32>} : memref<80x32xf32, #tpu.memory_space<vmem>>, vector<1x16xf32>,
    %swap3A_631 = arith.constant 52 : i32
    %swap3A_632 = arith.index_cast %swap3A_631 : i32 to index
    %swap3A_633 = arith.constant 16 : index
    %swap3A_634 = tpu.vector_load %arg10[%swap3A_632, %swap3A_633] {strides = array<i32>} : memref<80x32xf32, #tpu.memory_space<vmem>>, vector<1x16xf32>,
    %swap3A_635 = vector.shape_cast %swap3A_634 : vector<1x16xf32> to vector<16xf32>
    %swap3A_636 = vector.shape_cast %broadcast_in_dim3A_1 : vector<16xf32> to vector<1x16xf32>
    tpu.vector_store %arg10[%swap3A_632, %swap3A_633], %swap3A_636 {strides = array<i32>} : memref<80x32xf32, #tpu.memory_space<vmem>>, vector<1x16xf32>,
    %swap3A_637 = arith.constant 53 : i32
    %swap3A_638 = arith.index_cast %swap3A_637 : i32 to index
    %swap3A_639 = arith.constant 0 : index
    %swap3A_640 = tpu.vector_load %arg10[%swap3A_638, %swap3A_639] {strides = array<i32>} : memref<80x32xf32, #tpu.memory_space<vmem>>, vector<1x16xf32>,
    %swap3A_641 = vector.shape_cast %swap3A_640 : vector<1x16xf32> to vector<16xf32>
    %swap3A_642 = vector.shape_cast %broadcast_in_dim3A_1 : vector<16xf32> to vector<1x16xf32>
    tpu.vector_store %arg10[%swap3A_638, %swap3A_639], %swap3A_642 {strides = array<i32>} : memref<80x32xf32, #tpu.memory_space<vmem>>, vector<1x16xf32>,
    %swap3A_643 = arith.constant 53 : i32
    %swap3A_644 = arith.index_cast %swap3A_643 : i32 to index
    %swap3A_645 = arith.constant 16 : index
    %swap3A_646 = tpu.vector_load %arg10[%swap3A_644, %swap3A_645] {strides = array<i32>} : memref<80x32xf32, #tpu.memory_space<vmem>>, vector<1x16xf32>,
    %swap3A_647 = vector.shape_cast %swap3A_646 : vector<1x16xf32> to vector<16xf32>
    %swap3A_648 = vector.shape_cast %broadcast_in_dim3A_1 : vector<16xf32> to vector<1x16xf32>
    tpu.vector_store %arg10[%swap3A_644, %swap3A_645], %swap3A_648 {strides = array<i32>} : memref<80x32xf32, #tpu.memory_space<vmem>>, vector<1x16xf32>,
    %swap3A_649 = arith.constant 54 : i32
    %swap3A_650 = arith.index_cast %swap3A_649 : i32 to index
    %swap3A_651 = arith.constant 0 : index
    %swap3A_652 = tpu.vector_load %arg10[%swap3A_650, %swap3A_651] {strides = array<i32>} : memref<80x32xf32, #tpu.memory_space<vmem>>, vector<1x16xf32>,
    %swap3A_653 = vector.shape_cast %swap3A_652 : vector<1x16xf32> to vector<16xf32>
    %swap3A_654 = vector.shape_cast %broadcast_in_dim3A_1 : vector<16xf32> to vector<1x16xf32>
    tpu.vector_store %arg10[%swap3A_650, %swap3A_651], %swap3A_654 {strides = array<i32>} : memref<80x32xf32, #tpu.memory_space<vmem>>, vector<1x16xf32>,
    %swap3A_655 = arith.constant 54 : i32
    %swap3A_656 = arith.index_cast %swap3A_655 : i32 to index
    %swap3A_657 = arith.constant 16 : index
    %swap3A_658 = tpu.vector_load %arg10[%swap3A_656, %swap3A_657] {strides = array<i32>} : memref<80x32xf32, #tpu.memory_space<vmem>>, vector<1x16xf32>,
    %swap3A_659 = vector.shape_cast %swap3A_658 : vector<1x16xf32> to vector<16xf32>
    %swap3A_660 = vector.shape_cast %broadcast_in_dim3A_1 : vector<16xf32> to vector<1x16xf32>
    tpu.vector_store %arg10[%swap3A_656, %swap3A_657], %swap3A_660 {strides = array<i32>} : memref<80x32xf32, #tpu.memory_space<vmem>>, vector<1x16xf32>,
    %swap3A_661 = arith.constant 55 : i32
    %swap3A_662 = arith.index_cast %swap3A_661 : i32 to index
    %swap3A_663 = arith.constant 0 : index
    %swap3A_664 = tpu.vector_load %arg10[%swap3A_662, %swap3A_663] {strides = array<i32>} : memref<80x32xf32, #tpu.memory_space<vmem>>, vector<1x16xf32>,
    %swap3A_665 = vector.shape_cast %swap3A_664 : vector<1x16xf32> to vector<16xf32>
    %swap3A_666 = vector.shape_cast %broadcast_in_dim3A_1 : vector<16xf32> to vector<1x16xf32>
    tpu.vector_store %arg10[%swap3A_662, %swap3A_663], %swap3A_666 {strides = array<i32>} : memref<80x32xf32, #tpu.memory_space<vmem>>, vector<1x16xf32>,
    %swap3A_667 = arith.constant 55 : i32
    %swap3A_668 = arith.index_cast %swap3A_667 : i32 to index
    %swap3A_669 = arith.constant 16 : index
    %swap3A_670 = tpu.vector_load %arg10[%swap3A_668, %swap3A_669] {strides = array<i32>} : memref<80x32xf32, #tpu.memory_space<vmem>>, vector<1x16xf32>,
    %swap3A_671 = vector.shape_cast %swap3A_670 : vector<1x16xf32> to vector<16xf32>
    %swap3A_672 = vector.shape_cast %broadcast_in_dim3A_1 : vector<16xf32> to vector<1x16xf32>
    tpu.vector_store %arg10[%swap3A_668, %swap3A_669], %swap3A_672 {strides = array<i32>} : memref<80x32xf32, #tpu.memory_space<vmem>>, vector<1x16xf32>,
    %swap3A_673 = arith.constant 56 : i32
    %swap3A_674 = arith.index_cast %swap3A_673 : i32 to index
    %swap3A_675 = arith.constant 0 : index
    %swap3A_676 = tpu.vector_load %arg10[%swap3A_674, %swap3A_675] {strides = array<i32>} : memref<80x32xf32, #tpu.memory_space<vmem>>, vector<1x16xf32>,
    %swap3A_677 = vector.shape_cast %swap3A_676 : vector<1x16xf32> to vector<16xf32>
    %swap3A_678 = vector.shape_cast %broadcast_in_dim3A_1 : vector<16xf32> to vector<1x16xf32>
    tpu.vector_store %arg10[%swap3A_674, %swap3A_675], %swap3A_678 {strides = array<i32>} : memref<80x32xf32, #tpu.memory_space<vmem>>, vector<1x16xf32>,
    %swap3A_679 = arith.constant 56 : i32
    %swap3A_680 = arith.index_cast %swap3A_679 : i32 to index
    %swap3A_681 = arith.constant 16 : index
    %swap3A_682 = tpu.vector_load %arg10[%swap3A_680, %swap3A_681] {strides = array<i32>} : memref<80x32xf32, #tpu.memory_space<vmem>>, vector<1x16xf32>,
    %swap3A_683 = vector.shape_cast %swap3A_682 : vector<1x16xf32> to vector<16xf32>
    %swap3A_684 = vector.shape_cast %broadcast_in_dim3A_1 : vector<16xf32> to vector<1x16xf32>
    tpu.vector_store %arg10[%swap3A_680, %swap3A_681], %swap3A_684 {strides = array<i32>} : memref<80x32xf32, #tpu.memory_space<vmem>>, vector<1x16xf32>,
    %swap3A_685 = arith.constant 57 : i32
    %swap3A_686 = arith.index_cast %swap3A_685 : i32 to index
    %swap3A_687 = arith.constant 0 : index
    %swap3A_688 = tpu.vector_load %arg10[%swap3A_686, %swap3A_687] {strides = array<i32>} : memref<80x32xf32, #tpu.memory_space<vmem>>, vector<1x16xf32>,
    %swap3A_689 = vector.shape_cast %swap3A_688 : vector<1x16xf32> to vector<16xf32>
    %swap3A_690 = vector.shape_cast %broadcast_in_dim3A_1 : vector<16xf32> to vector<1x16xf32>
    tpu.vector_store %arg10[%swap3A_686, %swap3A_687], %swap3A_690 {strides = array<i32>} : memref<80x32xf32, #tpu.memory_space<vmem>>, vector<1x16xf32>,
    %swap3A_691 = arith.constant 57 : i32
    %swap3A_692 = arith.index_cast %swap3A_691 : i32 to index
    %swap3A_693 = arith.constant 16 : index
    %swap3A_694 = tpu.vector_load %arg10[%swap3A_692, %swap3A_693] {strides = array<i32>} : memref<80x32xf32, #tpu.memory_space<vmem>>, vector<1x16xf32>,
    %swap3A_695 = vector.shape_cast %swap3A_694 : vector<1x16xf32> to vector<16xf32>
    %swap3A_696 = vector.shape_cast %broadcast_in_dim3A_1 : vector<16xf32> to vector<1x16xf32>
    tpu.vector_store %arg10[%swap3A_692, %swap3A_693], %swap3A_696 {strides = array<i32>} : memref<80x32xf32, #tpu.memory_space<vmem>>, vector<1x16xf32>,
    %swap3A_697 = arith.constant 58 : i32
    %swap3A_698 = arith.index_cast %swap3A_697 : i32 to index
    %swap3A_699 = arith.constant 0 : index
    %swap3A_700 = tpu.vector_load %arg10[%swap3A_698, %swap3A_699] {strides = array<i32>} : memref<80x32xf32, #tpu.memory_space<vmem>>, vector<1x16xf32>,
    %swap3A_701 = vector.shape_cast %swap3A_700 : vector<1x16xf32> to vector<16xf32>
    %swap3A_702 = vector.shape_cast %broadcast_in_dim3A_1 : vector<16xf32> to vector<1x16xf32>
    tpu.vector_store %arg10[%swap3A_698, %swap3A_699], %swap3A_702 {strides = array<i32>} : memref<80x32xf32, #tpu.memory_space<vmem>>, vector<1x16xf32>,
    %swap3A_703 = arith.constant 58 : i32
    %swap3A_704 = arith.index_cast %swap3A_703 : i32 to index
    %swap3A_705 = arith.constant 16 : index
    %swap3A_706 = tpu.vector_load %arg10[%swap3A_704, %swap3A_705] {strides = array<i32>} : memref<80x32xf32, #tpu.memory_space<vmem>>, vector<1x16xf32>,
    %swap3A_707 = vector.shape_cast %swap3A_706 : vector<1x16xf32> to vector<16xf32>
    %swap3A_708 = vector.shape_cast %broadcast_in_dim3A_1 : vector<16xf32> to vector<1x16xf32>
    tpu.vector_store %arg10[%swap3A_704, %swap3A_705], %swap3A_708 {strides = array<i32>} : memref<80x32xf32, #tpu.memory_space<vmem>>, vector<1x16xf32>,
    %swap3A_709 = arith.constant 59 : i32
    %swap3A_710 = arith.index_cast %swap3A_709 : i32 to index
    %swap3A_711 = arith.constant 0 : index
    %swap3A_712 = tpu.vector_load %arg10[%swap3A_710, %swap3A_711] {strides = array<i32>} : memref<80x32xf32, #tpu.memory_space<vmem>>, vector<1x16xf32>,
    %swap3A_713 = vector.shape_cast %swap3A_712 : vector<1x16xf32> to vector<16xf32>
    %swap3A_714 = vector.shape_cast %broadcast_in_dim3A_1 : vector<16xf32> to vector<1x16xf32>
    tpu.vector_store %arg10[%swap3A_710, %swap3A_711], %swap3A_714 {strides = array<i32>} : memref<80x32xf32, #tpu.memory_space<vmem>>, vector<1x16xf32>,
    %swap3A_715 = arith.constant 59 : i32
    %swap3A_716 = arith.index_cast %swap3A_715 : i32 to index
    %swap3A_717 = arith.constant 16 : index
    %swap3A_718 = tpu.vector_load %arg10[%swap3A_716, %swap3A_717] {strides = array<i32>} : memref<80x32xf32, #tpu.memory_space<vmem>>, vector<1x16xf32>,
    %swap3A_719 = vector.shape_cast %swap3A_718 : vector<1x16xf32> to vector<16xf32>
    %swap3A_720 = vector.shape_cast %broadcast_in_dim3A_1 : vector<16xf32> to vector<1x16xf32>
    tpu.vector_store %arg10[%swap3A_716, %swap3A_717], %swap3A_720 {strides = array<i32>} : memref<80x32xf32, #tpu.memory_space<vmem>>, vector<1x16xf32>,
    %swap3A_721 = arith.constant 60 : i32
    %swap3A_722 = arith.index_cast %swap3A_721 : i32 to index
    %swap3A_723 = arith.constant 0 : index
    %swap3A_724 = tpu.vector_load %arg10[%swap3A_722, %swap3A_723] {strides = array<i32>} : memref<80x32xf32, #tpu.memory_space<vmem>>, vector<1x16xf32>,
    %swap3A_725 = vector.shape_cast %swap3A_724 : vector<1x16xf32> to vector<16xf32>
    %swap3A_726 = vector.shape_cast %broadcast_in_dim3A_1 : vector<16xf32> to vector<1x16xf32>
    tpu.vector_store %arg10[%swap3A_722, %swap3A_723], %swap3A_726 {strides = array<i32>} : memref<80x32xf32, #tpu.memory_space<vmem>>, vector<1x16xf32>,
    %swap3A_727 = arith.constant 60 : i32
    %swap3A_728 = arith.index_cast %swap3A_727 : i32 to index
    %swap3A_729 = arith.constant 16 : index
    %swap3A_730 = tpu.vector_load %arg10[%swap3A_728, %swap3A_729] {strides = array<i32>} : memref<80x32xf32, #tpu.memory_space<vmem>>, vector<1x16xf32>,
    %swap3A_731 = vector.shape_cast %swap3A_730 : vector<1x16xf32> to vector<16xf32>
    %swap3A_732 = vector.shape_cast %broadcast_in_dim3A_1 : vector<16xf32> to vector<1x16xf32>
    tpu.vector_store %arg10[%swap3A_728, %swap3A_729], %swap3A_732 {strides = array<i32>} : memref<80x32xf32, #tpu.memory_space<vmem>>, vector<1x16xf32>,
    %swap3A_733 = arith.constant 61 : i32
    %swap3A_734 = arith.index_cast %swap3A_733 : i32 to index
    %swap3A_735 = arith.constant 0 : index
    %swap3A_736 = tpu.vector_load %arg10[%swap3A_734, %swap3A_735] {strides = array<i32>} : memref<80x32xf32, #tpu.memory_space<vmem>>, vector<1x16xf32>,
    %swap3A_737 = vector.shape_cast %swap3A_736 : vector<1x16xf32> to vector<16xf32>
    %swap3A_738 = vector.shape_cast %broadcast_in_dim3A_1 : vector<16xf32> to vector<1x16xf32>
    tpu.vector_store %arg10[%swap3A_734, %swap3A_735], %swap3A_738 {strides = array<i32>} : memref<80x32xf32, #tpu.memory_space<vmem>>, vector<1x16xf32>,
    %swap3A_739 = arith.constant 61 : i32
    %swap3A_740 = arith.index_cast %swap3A_739 : i32 to index
    %swap3A_741 = arith.constant 16 : index
    %swap3A_742 = tpu.vector_load %arg10[%swap3A_740, %swap3A_741] {strides = array<i32>} : memref<80x32xf32, #tpu.memory_space<vmem>>, vector<1x16xf32>,
    %swap3A_743 = vector.shape_cast %swap3A_742 : vector<1x16xf32> to vector<16xf32>
    %swap3A_744 = vector.shape_cast %broadcast_in_dim3A_1 : vector<16xf32> to vector<1x16xf32>
    tpu.vector_store %arg10[%swap3A_740, %swap3A_741], %swap3A_744 {strides = array<i32>} : memref<80x32xf32, #tpu.memory_space<vmem>>, vector<1x16xf32>,
    %swap3A_745 = arith.constant 62 : i32
    %swap3A_746 = arith.index_cast %swap3A_745 : i32 to index
    %swap3A_747 = arith.constant 0 : index
    %swap3A_748 = tpu.vector_load %arg10[%swap3A_746, %swap3A_747] {strides = array<i32>} : memref<80x32xf32, #tpu.memory_space<vmem>>, vector<1x16xf32>,
    %swap3A_749 = vector.shape_cast %swap3A_748 : vector<1x16xf32> to vector<16xf32>
    %swap3A_750 = vector.shape_cast %broadcast_in_dim3A_1 : vector<16xf32> to vector<1x16xf32>
    tpu.vector_store %arg10[%swap3A_746, %swap3A_747], %swap3A_750 {strides = array<i32>} : memref<80x32xf32, #tpu.memory_space<vmem>>, vector<1x16xf32>,
    %swap3A_751 = arith.constant 62 : i32
    %swap3A_752 = arith.index_cast %swap3A_751 : i32 to index
    %swap3A_753 = arith.constant 16 : index
    %swap3A_754 = tpu.vector_load %arg10[%swap3A_752, %swap3A_753] {strides = array<i32>} : memref<80x32xf32, #tpu.memory_space<vmem>>, vector<1x16xf32>,
    %swap3A_755 = vector.shape_cast %swap3A_754 : vector<1x16xf32> to vector<16xf32>
    %swap3A_756 = vector.shape_cast %broadcast_in_dim3A_1 : vector<16xf32> to vector<1x16xf32>
    tpu.vector_store %arg10[%swap3A_752, %swap3A_753], %swap3A_756 {strides = array<i32>} : memref<80x32xf32, #tpu.memory_space<vmem>>, vector<1x16xf32>,
    %swap3A_757 = arith.constant 63 : i32
    %swap3A_758 = arith.index_cast %swap3A_757 : i32 to index
    %swap3A_759 = arith.constant 0 : index
    %swap3A_760 = tpu.vector_load %arg10[%swap3A_758, %swap3A_759] {strides = array<i32>} : memref<80x32xf32, #tpu.memory_space<vmem>>, vector<1x16xf32>,
    %swap3A_761 = vector.shape_cast %swap3A_760 : vector<1x16xf32> to vector<16xf32>
    %swap3A_762 = vector.shape_cast %broadcast_in_dim3A_1 : vector<16xf32> to vector<1x16xf32>
    tpu.vector_store %arg10[%swap3A_758, %swap3A_759], %swap3A_762 {strides = array<i32>} : memref<80x32xf32, #tpu.memory_space<vmem>>, vector<1x16xf32>,
    %swap3A_763 = arith.constant 63 : i32
    %swap3A_764 = arith.index_cast %swap3A_763 : i32 to index
    %swap3A_765 = arith.constant 16 : index
    %swap3A_766 = tpu.vector_load %arg10[%swap3A_764, %swap3A_765] {strides = array<i32>} : memref<80x32xf32, #tpu.memory_space<vmem>>, vector<1x16xf32>,
    %swap3A_767 = vector.shape_cast %swap3A_766 : vector<1x16xf32> to vector<16xf32>
    %swap3A_768 = vector.shape_cast %broadcast_in_dim3A_1 : vector<16xf32> to vector<1x16xf32>
    tpu.vector_store %arg10[%swap3A_764, %swap3A_765], %swap3A_768 {strides = array<i32>} : memref<80x32xf32, #tpu.memory_space<vmem>>, vector<1x16xf32>,
    %swap3A_769 = arith.constant 64 : i32
    %swap3A_770 = arith.index_cast %swap3A_769 : i32 to index
    %swap3A_771 = arith.constant 0 : index
    %swap3A_772 = tpu.vector_load %arg10[%swap3A_770, %swap3A_771] {strides = array<i32>} : memref<80x32xf32, #tpu.memory_space<vmem>>, vector<1x16xf32>,
    %swap3A_773 = vector.shape_cast %swap3A_772 : vector<1x16xf32> to vector<16xf32>
    %swap3A_774 = vector.shape_cast %broadcast_in_dim3A_1 : vector<16xf32> to vector<1x16xf32>
    tpu.vector_store %arg10[%swap3A_770, %swap3A_771], %swap3A_774 {strides = array<i32>} : memref<80x32xf32, #tpu.memory_space<vmem>>, vector<1x16xf32>,
    %swap3A_775 = arith.constant 64 : i32
    %swap3A_776 = arith.index_cast %swap3A_775 : i32 to index
    %swap3A_777 = arith.constant 16 : index
    %swap3A_778 = tpu.vector_load %arg10[%swap3A_776, %swap3A_777] {strides = array<i32>} : memref<80x32xf32, #tpu.memory_space<vmem>>, vector<1x16xf32>,
    %swap3A_779 = vector.shape_cast %swap3A_778 : vector<1x16xf32> to vector<16xf32>
    %swap3A_780 = vector.shape_cast %broadcast_in_dim3A_1 : vector<16xf32> to vector<1x16xf32>
    tpu.vector_store %arg10[%swap3A_776, %swap3A_777], %swap3A_780 {strides = array<i32>} : memref<80x32xf32, #tpu.memory_space<vmem>>, vector<1x16xf32>,
    %swap3A_781 = arith.constant 65 : i32
    %swap3A_782 = arith.index_cast %swap3A_781 : i32 to index
    %swap3A_783 = arith.constant 0 : index
    %swap3A_784 = tpu.vector_load %arg10[%swap3A_782, %swap3A_783] {strides = array<i32>} : memref<80x32xf32, #tpu.memory_space<vmem>>, vector<1x16xf32>,
    %swap3A_785 = vector.shape_cast %swap3A_784 : vector<1x16xf32> to vector<16xf32>
    %swap3A_786 = vector.shape_cast %broadcast_in_dim3A_1 : vector<16xf32> to vector<1x16xf32>
    tpu.vector_store %arg10[%swap3A_782, %swap3A_783], %swap3A_786 {strides = array<i32>} : memref<80x32xf32, #tpu.memory_space<vmem>>, vector<1x16xf32>,
    %swap3A_787 = arith.constant 65 : i32
    %swap3A_788 = arith.index_cast %swap3A_787 : i32 to index
    %swap3A_789 = arith.constant 16 : index
    %swap3A_790 = tpu.vector_load %arg10[%swap3A_788, %swap3A_789] {strides = array<i32>} : memref<80x32xf32, #tpu.memory_space<vmem>>, vector<1x16xf32>,
    %swap3A_791 = vector.shape_cast %swap3A_790 : vector<1x16xf32> to vector<16xf32>
    %swap3A_792 = vector.shape_cast %broadcast_in_dim3A_1 : vector<16xf32> to vector<1x16xf32>
    tpu.vector_store %arg10[%swap3A_788, %swap3A_789], %swap3A_792 {strides = array<i32>} : memref<80x32xf32, #tpu.memory_space<vmem>>, vector<1x16xf32>,
    %swap3A_793 = arith.constant 66 : i32
    %swap3A_794 = arith.index_cast %swap3A_793 : i32 to index
    %swap3A_795 = arith.constant 0 : index
    %swap3A_796 = tpu.vector_load %arg10[%swap3A_794, %swap3A_795] {strides = array<i32>} : memref<80x32xf32, #tpu.memory_space<vmem>>, vector<1x16xf32>,
    %swap3A_797 = vector.shape_cast %swap3A_796 : vector<1x16xf32> to vector<16xf32>
    %swap3A_798 = vector.shape_cast %broadcast_in_dim3A_1 : vector<16xf32> to vector<1x16xf32>
    tpu.vector_store %arg10[%swap3A_794, %swap3A_795], %swap3A_798 {strides = array<i32>} : memref<80x32xf32, #tpu.memory_space<vmem>>, vector<1x16xf32>,
    %swap3A_799 = arith.constant 66 : i32
    %swap3A_800 = arith.index_cast %swap3A_799 : i32 to index
    %swap3A_801 = arith.constant 16 : index
    %swap3A_802 = tpu.vector_load %arg10[%swap3A_800, %swap3A_801] {strides = array<i32>} : memref<80x32xf32, #tpu.memory_space<vmem>>, vector<1x16xf32>,
    %swap3A_803 = vector.shape_cast %swap3A_802 : vector<1x16xf32> to vector<16xf32>
    %swap3A_804 = vector.shape_cast %broadcast_in_dim3A_1 : vector<16xf32> to vector<1x16xf32>
    tpu.vector_store %arg10[%swap3A_800, %swap3A_801], %swap3A_804 {strides = array<i32>} : memref<80x32xf32, #tpu.memory_space<vmem>>, vector<1x16xf32>,
    %swap3A_805 = arith.constant 67 : i32
    %swap3A_806 = arith.index_cast %swap3A_805 : i32 to index
    %swap3A_807 = arith.constant 0 : index
    %swap3A_808 = tpu.vector_load %arg10[%swap3A_806, %swap3A_807] {strides = array<i32>} : memref<80x32xf32, #tpu.memory_space<vmem>>, vector<1x16xf32>,
    %swap3A_809 = vector.shape_cast %swap3A_808 : vector<1x16xf32> to vector<16xf32>
    %swap3A_810 = vector.shape_cast %broadcast_in_dim3A_1 : vector<16xf32> to vector<1x16xf32>
    tpu.vector_store %arg10[%swap3A_806, %swap3A_807], %swap3A_810 {strides = array<i32>} : memref<80x32xf32, #tpu.memory_space<vmem>>, vector<1x16xf32>,
    %swap3A_811 = arith.constant 67 : i32
    %swap3A_812 = arith.index_cast %swap3A_811 : i32 to index
    %swap3A_813 = arith.constant 16 : index
    %swap3A_814 = tpu.vector_load %arg10[%swap3A_812, %swap3A_813] {strides = array<i32>} : memref<80x32xf32, #tpu.memory_space<vmem>>, vector<1x16xf32>,
    %swap3A_815 = vector.shape_cast %swap3A_814 : vector<1x16xf32> to vector<16xf32>
    %swap3A_816 = vector.shape_cast %broadcast_in_dim3A_1 : vector<16xf32> to vector<1x16xf32>
    tpu.vector_store %arg10[%swap3A_812, %swap3A_813], %swap3A_816 {strides = array<i32>} : memref<80x32xf32, #tpu.memory_space<vmem>>, vector<1x16xf32>,
    %swap3A_817 = arith.constant 68 : i32
    %swap3A_818 = arith.index_cast %swap3A_817 : i32 to index
    %swap3A_819 = arith.constant 0 : index
    %swap3A_820 = tpu.vector_load %arg10[%swap3A_818, %swap3A_819] {strides = array<i32>} : memref<80x32xf32, #tpu.memory_space<vmem>>, vector<1x16xf32>,
    %swap3A_821 = vector.shape_cast %swap3A_820 : vector<1x16xf32> to vector<16xf32>
    %swap3A_822 = vector.shape_cast %broadcast_in_dim3A_1 : vector<16xf32> to vector<1x16xf32>
    tpu.vector_store %arg10[%swap3A_818, %swap3A_819], %swap3A_822 {strides = array<i32>} : memref<80x32xf32, #tpu.memory_space<vmem>>, vector<1x16xf32>,
    %swap3A_823 = arith.constant 68 : i32
    %swap3A_824 = arith.index_cast %swap3A_823 : i32 to index
    %swap3A_825 = arith.constant 16 : index
    %swap3A_826 = tpu.vector_load %arg10[%swap3A_824, %swap3A_825] {strides = array<i32>} : memref<80x32xf32, #tpu.memory_space<vmem>>, vector<1x16xf32>,
    %swap3A_827 = vector.shape_cast %swap3A_826 : vector<1x16xf32> to vector<16xf32>
    %swap3A_828 = vector.shape_cast %broadcast_in_dim3A_1 : vector<16xf32> to vector<1x16xf32>
    tpu.vector_store %arg10[%swap3A_824, %swap3A_825], %swap3A_828 {strides = array<i32>} : memref<80x32xf32, #tpu.memory_space<vmem>>, vector<1x16xf32>,
    %swap3A_829 = arith.constant 69 : i32
    %swap3A_830 = arith.index_cast %swap3A_829 : i32 to index
    %swap3A_831 = arith.constant 0 : index
    %swap3A_832 = tpu.vector_load %arg10[%swap3A_830, %swap3A_831] {strides = array<i32>} : memref<80x32xf32, #tpu.memory_space<vmem>>, vector<1x16xf32>,
    %swap3A_833 = vector.shape_cast %swap3A_832 : vector<1x16xf32> to vector<16xf32>
    %swap3A_834 = vector.shape_cast %broadcast_in_dim3A_1 : vector<16xf32> to vector<1x16xf32>
    tpu.vector_store %arg10[%swap3A_830, %swap3A_831], %swap3A_834 {strides = array<i32>} : memref<80x32xf32, #tpu.memory_space<vmem>>, vector<1x16xf32>,
    %swap3A_835 = arith.constant 69 : i32
    %swap3A_836 = arith.index_cast %swap3A_835 : i32 to index
    %swap3A_837 = arith.constant 16 : index
    %swap3A_838 = tpu.vector_load %arg10[%swap3A_836, %swap3A_837] {strides = array<i32>} : memref<80x32xf32, #tpu.memory_space<vmem>>, vector<1x16xf32>,
    %swap3A_839 = vector.shape_cast %swap3A_838 : vector<1x16xf32> to vector<16xf32>
    %swap3A_840 = vector.shape_cast %broadcast_in_dim3A_1 : vector<16xf32> to vector<1x16xf32>
    tpu.vector_store %arg10[%swap3A_836, %swap3A_837], %swap3A_840 {strides = array<i32>} : memref<80x32xf32, #tpu.memory_space<vmem>>, vector<1x16xf32>,
    %swap3A_841 = arith.constant 70 : i32
    %swap3A_842 = arith.index_cast %swap3A_841 : i32 to index
    %swap3A_843 = arith.constant 0 : index
    %swap3A_844 = tpu.vector_load %arg10[%swap3A_842, %swap3A_843] {strides = array<i32>} : memref<80x32xf32, #tpu.memory_space<vmem>>, vector<1x16xf32>,
    %swap3A_845 = vector.shape_cast %swap3A_844 : vector<1x16xf32> to vector<16xf32>
    %swap3A_846 = vector.shape_cast %broadcast_in_dim3A_1 : vector<16xf32> to vector<1x16xf32>
    tpu.vector_store %arg10[%swap3A_842, %swap3A_843], %swap3A_846 {strides = array<i32>} : memref<80x32xf32, #tpu.memory_space<vmem>>, vector<1x16xf32>,
    %swap3A_847 = arith.constant 70 : i32
    %swap3A_848 = arith.index_cast %swap3A_847 : i32 to index
    %swap3A_849 = arith.constant 16 : index
    %swap3A_850 = tpu.vector_load %arg10[%swap3A_848, %swap3A_849] {strides = array<i32>} : memref<80x32xf32, #tpu.memory_space<vmem>>, vector<1x16xf32>,
    %swap3A_851 = vector.shape_cast %swap3A_850 : vector<1x16xf32> to vector<16xf32>
    %swap3A_852 = vector.shape_cast %broadcast_in_dim3A_1 : vector<16xf32> to vector<1x16xf32>
    tpu.vector_store %arg10[%swap3A_848, %swap3A_849], %swap3A_852 {strides = array<i32>} : memref<80x32xf32, #tpu.memory_space<vmem>>, vector<1x16xf32>,
    %swap3A_853 = arith.constant 71 : i32
    %swap3A_854 = arith.index_cast %swap3A_853 : i32 to index
    %swap3A_855 = arith.constant 0 : index
    %swap3A_856 = tpu.vector_load %arg10[%swap3A_854, %swap3A_855] {strides = array<i32>} : memref<80x32xf32, #tpu.memory_space<vmem>>, vector<1x16xf32>,
    %swap3A_857 = vector.shape_cast %swap3A_856 : vector<1x16xf32> to vector<16xf32>
    %swap3A_858 = vector.shape_cast %broadcast_in_dim3A_1 : vector<16xf32> to vector<1x16xf32>
    tpu.vector_store %arg10[%swap3A_854, %swap3A_855], %swap3A_858 {strides = array<i32>} : memref<80x32xf32, #tpu.memory_space<vmem>>, vector<1x16xf32>,
    %swap3A_859 = arith.constant 71 : i32
    %swap3A_860 = arith.index_cast %swap3A_859 : i32 to index
    %swap3A_861 = arith.constant 16 : index
    %swap3A_862 = tpu.vector_load %arg10[%swap3A_860, %swap3A_861] {strides = array<i32>} : memref<80x32xf32, #tpu.memory_space<vmem>>, vector<1x16xf32>,
    %swap3A_863 = vector.shape_cast %swap3A_862 : vector<1x16xf32> to vector<16xf32>
    %swap3A_864 = vector.shape_cast %broadcast_in_dim3A_1 : vector<16xf32> to vector<1x16xf32>
    tpu.vector_store %arg10[%swap3A_860, %swap3A_861], %swap3A_864 {strides = array<i32>} : memref<80x32xf32, #tpu.memory_space<vmem>>, vector<1x16xf32>,
    %swap3A_865 = arith.constant 72 : i32
    %swap3A_866 = arith.index_cast %swap3A_865 : i32 to index
    %swap3A_867 = arith.constant 0 : index
    %swap3A_868 = tpu.vector_load %arg10[%swap3A_866, %swap3A_867] {strides = array<i32>} : memref<80x32xf32, #tpu.memory_space<vmem>>, vector<1x16xf32>,
    %swap3A_869 = vector.shape_cast %swap3A_868 : vector<1x16xf32> to vector<16xf32>
    %swap3A_870 = vector.shape_cast %broadcast_in_dim3A_1 : vector<16xf32> to vector<1x16xf32>
    tpu.vector_store %arg10[%swap3A_866, %swap3A_867], %swap3A_870 {strides = array<i32>} : memref<80x32xf32, #tpu.memory_space<vmem>>, vector<1x16xf32>,
    %swap3A_871 = arith.constant 72 : i32
    %swap3A_872 = arith.index_cast %swap3A_871 : i32 to index
    %swap3A_873 = arith.constant 16 : index
    %swap3A_874 = tpu.vector_load %arg10[%swap3A_872, %swap3A_873] {strides = array<i32>} : memref<80x32xf32, #tpu.memory_space<vmem>>, vector<1x16xf32>,
    %swap3A_875 = vector.shape_cast %swap3A_874 : vector<1x16xf32> to vector<16xf32>
    %swap3A_876 = vector.shape_cast %broadcast_in_dim3A_1 : vector<16xf32> to vector<1x16xf32>
    tpu.vector_store %arg10[%swap3A_872, %swap3A_873], %swap3A_876 {strides = array<i32>} : memref<80x32xf32, #tpu.memory_space<vmem>>, vector<1x16xf32>,
    %swap3A_877 = arith.constant 73 : i32
    %swap3A_878 = arith.index_cast %swap3A_877 : i32 to index
    %swap3A_879 = arith.constant 0 : index
    %swap3A_880 = tpu.vector_load %arg10[%swap3A_878, %swap3A_879] {strides = array<i32>} : memref<80x32xf32, #tpu.memory_space<vmem>>, vector<1x16xf32>,
    %swap3A_881 = vector.shape_cast %swap3A_880 : vector<1x16xf32> to vector<16xf32>
    %swap3A_882 = vector.shape_cast %broadcast_in_dim3A_1 : vector<16xf32> to vector<1x16xf32>
    tpu.vector_store %arg10[%swap3A_878, %swap3A_879], %swap3A_882 {strides = array<i32>} : memref<80x32xf32, #tpu.memory_space<vmem>>, vector<1x16xf32>,
    %swap3A_883 = arith.constant 73 : i32
    %swap3A_884 = arith.index_cast %swap3A_883 : i32 to index
    %swap3A_885 = arith.constant 16 : index
    %swap3A_886 = tpu.vector_load %arg10[%swap3A_884, %swap3A_885] {strides = array<i32>} : memref<80x32xf32, #tpu.memory_space<vmem>>, vector<1x16xf32>,
    %swap3A_887 = vector.shape_cast %swap3A_886 : vector<1x16xf32> to vector<16xf32>
    %swap3A_888 = vector.shape_cast %broadcast_in_dim3A_1 : vector<16xf32> to vector<1x16xf32>
    tpu.vector_store %arg10[%swap3A_884, %swap3A_885], %swap3A_888 {strides = array<i32>} : memref<80x32xf32, #tpu.memory_space<vmem>>, vector<1x16xf32>,
    %swap3A_889 = arith.constant 74 : i32
    %swap3A_890 = arith.index_cast %swap3A_889 : i32 to index
    %swap3A_891 = arith.constant 0 : index
    %swap3A_892 = tpu.vector_load %arg10[%swap3A_890, %swap3A_891] {strides = array<i32>} : memref<80x32xf32, #tpu.memory_space<vmem>>, vector<1x16xf32>,
    %swap3A_893 = vector.shape_cast %swap3A_892 : vector<1x16xf32> to vector<16xf32>
    %swap3A_894 = vector.shape_cast %broadcast_in_dim3A_1 : vector<16xf32> to vector<1x16xf32>
    tpu.vector_store %arg10[%swap3A_890, %swap3A_891], %swap3A_894 {strides = array<i32>} : memref<80x32xf32, #tpu.memory_space<vmem>>, vector<1x16xf32>,
    %swap3A_895 = arith.constant 74 : i32
    %swap3A_896 = arith.index_cast %swap3A_895 : i32 to index
    %swap3A_897 = arith.constant 16 : index
    %swap3A_898 = tpu.vector_load %arg10[%swap3A_896, %swap3A_897] {strides = array<i32>} : memref<80x32xf32, #tpu.memory_space<vmem>>, vector<1x16xf32>,
    %swap3A_899 = vector.shape_cast %swap3A_898 : vector<1x16xf32> to vector<16xf32>
    %swap3A_900 = vector.shape_cast %broadcast_in_dim3A_1 : vector<16xf32> to vector<1x16xf32>
    tpu.vector_store %arg10[%swap3A_896, %swap3A_897], %swap3A_900 {strides = array<i32>} : memref<80x32xf32, #tpu.memory_space<vmem>>, vector<1x16xf32>,
    %swap3A_901 = arith.constant 75 : i32
    %swap3A_902 = arith.index_cast %swap3A_901 : i32 to index
    %swap3A_903 = arith.constant 0 : index
    %swap3A_904 = tpu.vector_load %arg10[%swap3A_902, %swap3A_903] {strides = array<i32>} : memref<80x32xf32, #tpu.memory_space<vmem>>, vector<1x16xf32>,
    %swap3A_905 = vector.shape_cast %swap3A_904 : vector<1x16xf32> to vector<16xf32>
    %swap3A_906 = vector.shape_cast %broadcast_in_dim3A_1 : vector<16xf32> to vector<1x16xf32>
    tpu.vector_store %arg10[%swap3A_902, %swap3A_903], %swap3A_906 {strides = array<i32>} : memref<80x32xf32, #tpu.memory_space<vmem>>, vector<1x16xf32>,
    %swap3A_907 = arith.constant 75 : i32
    %swap3A_908 = arith.index_cast %swap3A_907 : i32 to index
    %swap3A_909 = arith.constant 16 : index
    %swap3A_910 = tpu.vector_load %arg10[%swap3A_908, %swap3A_909] {strides = array<i32>} : memref<80x32xf32, #tpu.memory_space<vmem>>, vector<1x16xf32>,
    %swap3A_911 = vector.shape_cast %swap3A_910 : vector<1x16xf32> to vector<16xf32>
    %swap3A_912 = vector.shape_cast %broadcast_in_dim3A_1 : vector<16xf32> to vector<1x16xf32>
    tpu.vector_store %arg10[%swap3A_908, %swap3A_909], %swap3A_912 {strides = array<i32>} : memref<80x32xf32, #tpu.memory_space<vmem>>, vector<1x16xf32>,
    %swap3A_913 = arith.constant 76 : i32
    %swap3A_914 = arith.index_cast %swap3A_913 : i32 to index
    %swap3A_915 = arith.constant 0 : index
    %swap3A_916 = tpu.vector_load %arg10[%swap3A_914, %swap3A_915] {strides = array<i32>} : memref<80x32xf32, #tpu.memory_space<vmem>>, vector<1x16xf32>,
    %swap3A_917 = vector.shape_cast %swap3A_916 : vector<1x16xf32> to vector<16xf32>
    %swap3A_918 = vector.shape_cast %broadcast_in_dim3A_1 : vector<16xf32> to vector<1x16xf32>
    tpu.vector_store %arg10[%swap3A_914, %swap3A_915], %swap3A_918 {strides = array<i32>} : memref<80x32xf32, #tpu.memory_space<vmem>>, vector<1x16xf32>,
    %swap3A_919 = arith.constant 76 : i32
    %swap3A_920 = arith.index_cast %swap3A_919 : i32 to index
    %swap3A_921 = arith.constant 16 : index
    %swap3A_922 = tpu.vector_load %arg10[%swap3A_920, %swap3A_921] {strides = array<i32>} : memref<80x32xf32, #tpu.memory_space<vmem>>, vector<1x16xf32>,
    %swap3A_923 = vector.shape_cast %swap3A_922 : vector<1x16xf32> to vector<16xf32>
    %swap3A_924 = vector.shape_cast %broadcast_in_dim3A_1 : vector<16xf32> to vector<1x16xf32>
    tpu.vector_store %arg10[%swap3A_920, %swap3A_921], %swap3A_924 {strides = array<i32>} : memref<80x32xf32, #tpu.memory_space<vmem>>, vector<1x16xf32>,
    %swap3A_925 = arith.constant 77 : i32
    %swap3A_926 = arith.index_cast %swap3A_925 : i32 to index
    %swap3A_927 = arith.constant 0 : index
    %swap3A_928 = tpu.vector_load %arg10[%swap3A_926, %swap3A_927] {strides = array<i32>} : memref<80x32xf32, #tpu.memory_space<vmem>>, vector<1x16xf32>,
    %swap3A_929 = vector.shape_cast %swap3A_928 : vector<1x16xf32> to vector<16xf32>
    %swap3A_930 = vector.shape_cast %broadcast_in_dim3A_1 : vector<16xf32> to vector<1x16xf32>
    tpu.vector_store %arg10[%swap3A_926, %swap3A_927], %swap3A_930 {strides = array<i32>} : memref<80x32xf32, #tpu.memory_space<vmem>>, vector<1x16xf32>,
    %swap3A_931 = arith.constant 77 : i32
    %swap3A_932 = arith.index_cast %swap3A_931 : i32 to index
    %swap3A_933 = arith.constant 16 : index
    %swap3A_934 = tpu.vector_load %arg10[%swap3A_932, %swap3A_933] {strides = array<i32>} : memref<80x32xf32, #tpu.memory_space<vmem>>, vector<1x16xf32>,
    %swap3A_935 = vector.shape_cast %swap3A_934 : vector<1x16xf32> to vector<16xf32>
    %swap3A_936 = vector.shape_cast %broadcast_in_dim3A_1 : vector<16xf32> to vector<1x16xf32>
    tpu.vector_store %arg10[%swap3A_932, %swap3A_933], %swap3A_936 {strides = array<i32>} : memref<80x32xf32, #tpu.memory_space<vmem>>, vector<1x16xf32>,
    %swap3A_937 = arith.constant 78 : i32
    %swap3A_938 = arith.index_cast %swap3A_937 : i32 to index
    %swap3A_939 = arith.constant 0 : index
    %swap3A_940 = tpu.vector_load %arg10[%swap3A_938, %swap3A_939] {strides = array<i32>} : memref<80x32xf32, #tpu.memory_space<vmem>>, vector<1x16xf32>,
    %swap3A_941 = vector.shape_cast %swap3A_940 : vector<1x16xf32> to vector<16xf32>
    %swap3A_942 = vector.shape_cast %broadcast_in_dim3A_1 : vector<16xf32> to vector<1x16xf32>
    tpu.vector_store %arg10[%swap3A_938, %swap3A_939], %swap3A_942 {strides = array<i32>} : memref<80x32xf32, #tpu.memory_space<vmem>>, vector<1x16xf32>,
    %swap3A_943 = arith.constant 78 : i32
    %swap3A_944 = arith.index_cast %swap3A_943 : i32 to index
    %swap3A_945 = arith.constant 16 : index
    %swap3A_946 = tpu.vector_load %arg10[%swap3A_944, %swap3A_945] {strides = array<i32>} : memref<80x32xf32, #tpu.memory_space<vmem>>, vector<1x16xf32>,
    %swap3A_947 = vector.shape_cast %swap3A_946 : vector<1x16xf32> to vector<16xf32>
    %swap3A_948 = vector.shape_cast %broadcast_in_dim3A_1 : vector<16xf32> to vector<1x16xf32>
    tpu.vector_store %arg10[%swap3A_944, %swap3A_945], %swap3A_948 {strides = array<i32>} : memref<80x32xf32, #tpu.memory_space<vmem>>, vector<1x16xf32>,
    %swap3A_949 = arith.constant 79 : i32
    %swap3A_950 = arith.index_cast %swap3A_949 : i32 to index
    %swap3A_951 = arith.constant 0 : index
    %swap3A_952 = tpu.vector_load %arg10[%swap3A_950, %swap3A_951] {strides = array<i32>} : memref<80x32xf32, #tpu.memory_space<vmem>>, vector<1x16xf32>,
    %swap3A_953 = vector.shape_cast %swap3A_952 : vector<1x16xf32> to vector<16xf32>
    %swap3A_954 = vector.shape_cast %broadcast_in_dim3A_1 : vector<16xf32> to vector<1x16xf32>
    tpu.vector_store %arg10[%swap3A_950, %swap3A_951], %swap3A_954 {strides = array<i32>} : memref<80x32xf32, #tpu.memory_space<vmem>>, vector<1x16xf32>,
    %swap3A_955 = arith.constant 79 : i32
    %swap3A_956 = arith.index_cast %swap3A_955 : i32 to index
    %swap3A_957 = arith.constant 16 : index
    %swap3A_958 = tpu.vector_load %arg10[%swap3A_956, %swap3A_957] {strides = array<i32>} : memref<80x32xf32, #tpu.memory_space<vmem>>, vector<1x16xf32>,
    %swap3A_959 = vector.shape_cast %swap3A_958 : vector<1x16xf32> to vector<16xf32>
    %swap3A_960 = vector.shape_cast %broadcast_in_dim3A_1 : vector<16xf32> to vector<1x16xf32>
    tpu.vector_store %arg10[%swap3A_956, %swap3A_957], %swap3A_960 {strides = array<i32>} : memref<80x32xf32, #tpu.memory_space<vmem>>, vector<1x16xf32>,
    %broadcast_in_dim3A_961 = arith.constant 0.000000e+00 : f32
    %broadcast_in_dim3A_962 = vector.broadcast %broadcast_in_dim3A_961 : f32 to vector<16xf32>
    %swap3A_963 = arith.constant 0 : index
    %swap3A_964 = tpu.vector_load %arg12[%swap3A_963] {strides = array<i32>} : memref<80xf32, #tpu.memory_space<vmem>>, vector<16xf32>,
    %swap3A_965 = vector.shape_cast %swap3A_964 : vector<16xf32> to vector<16xf32>
    %swap3A_966 = vector.shape_cast %broadcast_in_dim3A_962 : vector<16xf32> to vector<16xf32>
    tpu.vector_store %arg12[%swap3A_963], %swap3A_966 {strides = array<i32>} : memref<80xf32, #tpu.memory_space<vmem>>, vector<16xf32>,
    %swap3A_967 = arith.constant 16 : index
    %swap3A_968 = tpu.vector_load %arg12[%swap3A_967] {strides = array<i32>} : memref<80xf32, #tpu.memory_space<vmem>>, vector<16xf32>,
    %swap3A_969 = vector.shape_cast %swap3A_968 : vector<16xf32> to vector<16xf32>
    %swap3A_970 = vector.shape_cast %broadcast_in_dim3A_962 : vector<16xf32> to vector<16xf32>
    tpu.vector_store %arg12[%swap3A_967], %swap3A_970 {strides = array<i32>} : memref<80xf32, #tpu.memory_space<vmem>>, vector<16xf32>,
    %swap3A_971 = arith.constant 32 : index
    %swap3A_972 = tpu.vector_load %arg12[%swap3A_971] {strides = array<i32>} : memref<80xf32, #tpu.memory_space<vmem>>, vector<16xf32>,
    %swap3A_973 = vector.shape_cast %swap3A_972 : vector<16xf32> to vector<16xf32>
    %swap3A_974 = vector.shape_cast %broadcast_in_dim3A_962 : vector<16xf32> to vector<16xf32>
    tpu.vector_store %arg12[%swap3A_971], %swap3A_974 {strides = array<i32>} : memref<80xf32, #tpu.memory_space<vmem>>, vector<16xf32>,
    %swap3A_975 = arith.constant 48 : index
    %swap3A_976 = tpu.vector_load %arg12[%swap3A_975] {strides = array<i32>} : memref<80xf32, #tpu.memory_space<vmem>>, vector<16xf32>,
    %swap3A_977 = vector.shape_cast %swap3A_976 : vector<16xf32> to vector<16xf32>
    %swap3A_978 = vector.shape_cast %broadcast_in_dim3A_962 : vector<16xf32> to vector<16xf32>
    tpu.vector_store %arg12[%swap3A_975], %swap3A_978 {strides = array<i32>} : memref<80xf32, #tpu.memory_space<vmem>>, vector<16xf32>,
    %swap3A_979 = arith.constant 64 : index
    %swap3A_980 = tpu.vector_load %arg12[%swap3A_979] {strides = array<i32>} : memref<80xf32, #tpu.memory_space<vmem>>, vector<16xf32>,
    %swap3A_981 = vector.shape_cast %swap3A_980 : vector<16xf32> to vector<16xf32>
    %swap3A_982 = vector.shape_cast %broadcast_in_dim3A_962 : vector<16xf32> to vector<16xf32>
    tpu.vector_store %arg12[%swap3A_979], %swap3A_982 {strides = array<i32>} : memref<80xf32, #tpu.memory_space<vmem>>, vector<16xf32>,
    %add3A_983 = arith.constant 0 : i32
    %add3A_984 = arith.addi %arg1, %add3A_983 : i32
    %lt3A = arith.constant 125 : i32
    %lt3A_985 = arith.cmpi slt, %add3A_984, %lt3A : i32
    %convert_element_type3A = arith.extui %lt3A_985 : i1 to i32
    %cond3A = arith.constant 0 : i32
    %cond3A_986 = arith.cmpi ne, %convert_element_type3A, %cond3A : i32
    scf.if %cond3A_986 {
      %mul3A_1098 = arith.constant 80 : i32
      %mul3A_1099 = arith.muli %add3A_984, %mul3A_1098 : i32
      %multiple_of3A_1100 = tpu.assume_multiple %mul3A_1099, 16 : i32
      "tpu.region"() ({
        %run_scoped3A_1101 = tpu.sem_alloc : memref<!tpu.dma_semaphore, #tpu.memory_space<semaphore_mem>>
        %dma_start3A_1102 = arith.constant 0 : i32
        %dma_start3A_1103 = tpu.memref_slice %arg13[%multiple_of3A_1100, %dma_start3A_1102] : memref<10000x32xf32, #tpu.memory_space<vmem_shared>> -> memref<80x32xf32, #tpu.memory_space<vmem_shared>>
        %dma_start3A_1104 = arith.constant 0 : i32
        %dma_start3A_1105 = tpu.memref_slice %arg13[%multiple_of3A_1100, %dma_start3A_1104] : memref<10000x32xf32, #tpu.memory_space<vmem_shared>> -> memref<80x32xf32, #tpu.memory_space<vmem_shared>>
        tpu.enqueue_dma source(%arg10 : memref<80x32xf32, #tpu.memory_space<vmem>>) target(%dma_start3A_1105 : memref<80x32xf32, #tpu.memory_space<vmem_shared>>) target_semaphore(%run_scoped3A_1101 : memref<!tpu.dma_semaphore, #tpu.memory_space<semaphore_mem>>)
        %dma_wait3A_1106 = arith.constant 0 : i32
        %dma_wait3A_1107 = tpu.memref_slice %arg13[%multiple_of3A_1100, %dma_wait3A_1106] : memref<10000x32xf32, #tpu.memory_space<vmem_shared>> -> memref<80x32xf32, #tpu.memory_space<vmem_shared>>
        %dma_wait3A_1108 = arith.constant 0 : i32
        %dma_wait3A_1109 = tpu.memref_slice %arg13[%multiple_of3A_1100, %dma_wait3A_1108] : memref<10000x32xf32, #tpu.memory_space<vmem_shared>> -> memref<80x32xf32, #tpu.memory_space<vmem_shared>>
        tpu.wait_dma2 semaphore(%run_scoped3A_1101 : memref<!tpu.dma_semaphore, #tpu.memory_space<semaphore_mem>>) src(%arg10 : memref<80x32xf32, #tpu.memory_space<vmem>>) dst(%dma_wait3A_1109 : memref<80x32xf32, #tpu.memory_space<vmem_shared>>)
        tpu.yield
      }) : () -> ()
      "tpu.region"() ({
        %run_scoped3A_1101 = tpu.sem_alloc : memref<!tpu.dma_semaphore, #tpu.memory_space<semaphore_mem>>
        %dma_start3A_1102 = tpu.memref_slice %arg14[%multiple_of3A_1100] : memref<10000xf32, #tpu.memory_space<vmem_shared>> -> memref<80xf32, #tpu.memory_space<vmem_shared>>
        %dma_start3A_1103 = tpu.memref_slice %arg14[%multiple_of3A_1100] : memref<10000xf32, #tpu.memory_space<vmem_shared>> -> memref<80xf32, #tpu.memory_space<vmem_shared>>
        tpu.enqueue_dma source(%arg12 : memref<80xf32, #tpu.memory_space<vmem>>) target(%dma_start3A_1103 : memref<80xf32, #tpu.memory_space<vmem_shared>>) target_semaphore(%run_scoped3A_1101 : memref<!tpu.dma_semaphore, #tpu.memory_space<semaphore_mem>>)
        %dma_wait3A_1104 = tpu.memref_slice %arg14[%multiple_of3A_1100] : memref<10000xf32, #tpu.memory_space<vmem_shared>> -> memref<80xf32, #tpu.memory_space<vmem_shared>>
        %dma_wait3A_1105 = tpu.memref_slice %arg14[%multiple_of3A_1100] : memref<10000xf32, #tpu.memory_space<vmem_shared>> -> memref<80xf32, #tpu.memory_space<vmem_shared>>
        tpu.wait_dma2 semaphore(%run_scoped3A_1101 : memref<!tpu.dma_semaphore, #tpu.memory_space<semaphore_mem>>) src(%arg12 : memref<80xf32, #tpu.memory_space<vmem>>) dst(%dma_wait3A_1105 : memref<80xf32, #tpu.memory_space<vmem_shared>>)
        tpu.yield
      }) : () -> ()
    } else {
    }
    %add3A_987 = arith.constant 16 : i32
    %add3A_988 = arith.addi %arg1, %add3A_987 : i32
    %lt3A_989 = arith.constant 125 : i32
    %lt3A_990 = arith.cmpi slt, %add3A_988, %lt3A_989 : i32
    %convert_element_type3A_991 = arith.extui %lt3A_990 : i1 to i32
    %cond3A_992 = arith.constant 0 : i32
    %cond3A_993 = arith.cmpi ne, %convert_element_type3A_991, %cond3A_992 : i32
    scf.if %cond3A_993 {
      %mul3A_1098 = arith.constant 80 : i32
      %mul3A_1099 = arith.muli %add3A_988, %mul3A_1098 : i32
      %multiple_of3A_1100 = tpu.assume_multiple %mul3A_1099, 16 : i32
      "tpu.region"() ({
        %run_scoped3A_1101 = tpu.sem_alloc : memref<!tpu.dma_semaphore, #tpu.memory_space<semaphore_mem>>
        %dma_start3A_1102 = arith.constant 0 : i32
        %dma_start3A_1103 = tpu.memref_slice %arg13[%multiple_of3A_1100, %dma_start3A_1102] : memref<10000x32xf32, #tpu.memory_space<vmem_shared>> -> memref<80x32xf32, #tpu.memory_space<vmem_shared>>
        %dma_start3A_1104 = arith.constant 0 : i32
        %dma_start3A_1105 = tpu.memref_slice %arg13[%multiple_of3A_1100, %dma_start3A_1104] : memref<10000x32xf32, #tpu.memory_space<vmem_shared>> -> memref<80x32xf32, #tpu.memory_space<vmem_shared>>
        tpu.enqueue_dma source(%arg10 : memref<80x32xf32, #tpu.memory_space<vmem>>) target(%dma_start3A_1105 : memref<80x32xf32, #tpu.memory_space<vmem_shared>>) target_semaphore(%run_scoped3A_1101 : memref<!tpu.dma_semaphore, #tpu.memory_space<semaphore_mem>>)
        %dma_wait3A_1106 = arith.constant 0 : i32
        %dma_wait3A_1107 = tpu.memref_slice %arg13[%multiple_of3A_1100, %dma_wait3A_1106] : memref<10000x32xf32, #tpu.memory_space<vmem_shared>> -> memref<80x32xf32, #tpu.memory_space<vmem_shared>>
        %dma_wait3A_1108 = arith.constant 0 : i32
        %dma_wait3A_1109 = tpu.memref_slice %arg13[%multiple_of3A_1100, %dma_wait3A_1108] : memref<10000x32xf32, #tpu.memory_space<vmem_shared>> -> memref<80x32xf32, #tpu.memory_space<vmem_shared>>
        tpu.wait_dma2 semaphore(%run_scoped3A_1101 : memref<!tpu.dma_semaphore, #tpu.memory_space<semaphore_mem>>) src(%arg10 : memref<80x32xf32, #tpu.memory_space<vmem>>) dst(%dma_wait3A_1109 : memref<80x32xf32, #tpu.memory_space<vmem_shared>>)
        tpu.yield
      }) : () -> ()
      "tpu.region"() ({
        %run_scoped3A_1101 = tpu.sem_alloc : memref<!tpu.dma_semaphore, #tpu.memory_space<semaphore_mem>>
        %dma_start3A_1102 = tpu.memref_slice %arg14[%multiple_of3A_1100] : memref<10000xf32, #tpu.memory_space<vmem_shared>> -> memref<80xf32, #tpu.memory_space<vmem_shared>>
        %dma_start3A_1103 = tpu.memref_slice %arg14[%multiple_of3A_1100] : memref<10000xf32, #tpu.memory_space<vmem_shared>> -> memref<80xf32, #tpu.memory_space<vmem_shared>>
        tpu.enqueue_dma source(%arg12 : memref<80xf32, #tpu.memory_space<vmem>>) target(%dma_start3A_1103 : memref<80xf32, #tpu.memory_space<vmem_shared>>) target_semaphore(%run_scoped3A_1101 : memref<!tpu.dma_semaphore, #tpu.memory_space<semaphore_mem>>)
        %dma_wait3A_1104 = tpu.memref_slice %arg14[%multiple_of3A_1100] : memref<10000xf32, #tpu.memory_space<vmem_shared>> -> memref<80xf32, #tpu.memory_space<vmem_shared>>
        %dma_wait3A_1105 = tpu.memref_slice %arg14[%multiple_of3A_1100] : memref<10000xf32, #tpu.memory_space<vmem_shared>> -> memref<80xf32, #tpu.memory_space<vmem_shared>>
        tpu.wait_dma2 semaphore(%run_scoped3A_1101 : memref<!tpu.dma_semaphore, #tpu.memory_space<semaphore_mem>>) src(%arg12 : memref<80xf32, #tpu.memory_space<vmem>>) dst(%dma_wait3A_1105 : memref<80xf32, #tpu.memory_space<vmem_shared>>)
        tpu.yield
      }) : () -> ()
    } else {
    }
    %add3A_994 = arith.constant 32 : i32
    %add3A_995 = arith.addi %arg1, %add3A_994 : i32
    %lt3A_996 = arith.constant 125 : i32
    %lt3A_997 = arith.cmpi slt, %add3A_995, %lt3A_996 : i32
    %convert_element_type3A_998 = arith.extui %lt3A_997 : i1 to i32
    %cond3A_999 = arith.constant 0 : i32
    %cond3A_1000 = arith.cmpi ne, %convert_element_type3A_998, %cond3A_999 : i32
    scf.if %cond3A_1000 {
      %mul3A_1098 = arith.constant 80 : i32
      %mul3A_1099 = arith.muli %add3A_995, %mul3A_1098 : i32
      %multiple_of3A_1100 = tpu.assume_multiple %mul3A_1099, 16 : i32
      "tpu.region"() ({
        %run_scoped3A_1101 = tpu.sem_alloc : memref<!tpu.dma_semaphore, #tpu.memory_space<semaphore_mem>>
        %dma_start3A_1102 = arith.constant 0 : i32
        %dma_start3A_1103 = tpu.memref_slice %arg13[%multiple_of3A_1100, %dma_start3A_1102] : memref<10000x32xf32, #tpu.memory_space<vmem_shared>> -> memref<80x32xf32, #tpu.memory_space<vmem_shared>>
        %dma_start3A_1104 = arith.constant 0 : i32
        %dma_start3A_1105 = tpu.memref_slice %arg13[%multiple_of3A_1100, %dma_start3A_1104] : memref<10000x32xf32, #tpu.memory_space<vmem_shared>> -> memref<80x32xf32, #tpu.memory_space<vmem_shared>>
        tpu.enqueue_dma source(%arg10 : memref<80x32xf32, #tpu.memory_space<vmem>>) target(%dma_start3A_1105 : memref<80x32xf32, #tpu.memory_space<vmem_shared>>) target_semaphore(%run_scoped3A_1101 : memref<!tpu.dma_semaphore, #tpu.memory_space<semaphore_mem>>)
        %dma_wait3A_1106 = arith.constant 0 : i32
        %dma_wait3A_1107 = tpu.memref_slice %arg13[%multiple_of3A_1100, %dma_wait3A_1106] : memref<10000x32xf32, #tpu.memory_space<vmem_shared>> -> memref<80x32xf32, #tpu.memory_space<vmem_shared>>
        %dma_wait3A_1108 = arith.constant 0 : i32
        %dma_wait3A_1109 = tpu.memref_slice %arg13[%multiple_of3A_1100, %dma_wait3A_1108] : memref<10000x32xf32, #tpu.memory_space<vmem_shared>> -> memref<80x32xf32, #tpu.memory_space<vmem_shared>>
        tpu.wait_dma2 semaphore(%run_scoped3A_1101 : memref<!tpu.dma_semaphore, #tpu.memory_space<semaphore_mem>>) src(%arg10 : memref<80x32xf32, #tpu.memory_space<vmem>>) dst(%dma_wait3A_1109 : memref<80x32xf32, #tpu.memory_space<vmem_shared>>)
        tpu.yield
      }) : () -> ()
      "tpu.region"() ({
        %run_scoped3A_1101 = tpu.sem_alloc : memref<!tpu.dma_semaphore, #tpu.memory_space<semaphore_mem>>
        %dma_start3A_1102 = tpu.memref_slice %arg14[%multiple_of3A_1100] : memref<10000xf32, #tpu.memory_space<vmem_shared>> -> memref<80xf32, #tpu.memory_space<vmem_shared>>
        %dma_start3A_1103 = tpu.memref_slice %arg14[%multiple_of3A_1100] : memref<10000xf32, #tpu.memory_space<vmem_shared>> -> memref<80xf32, #tpu.memory_space<vmem_shared>>
        tpu.enqueue_dma source(%arg12 : memref<80xf32, #tpu.memory_space<vmem>>) target(%dma_start3A_1103 : memref<80xf32, #tpu.memory_space<vmem_shared>>) target_semaphore(%run_scoped3A_1101 : memref<!tpu.dma_semaphore, #tpu.memory_space<semaphore_mem>>)
        %dma_wait3A_1104 = tpu.memref_slice %arg14[%multiple_of3A_1100] : memref<10000xf32, #tpu.memory_space<vmem_shared>> -> memref<80xf32, #tpu.memory_space<vmem_shared>>
        %dma_wait3A_1105 = tpu.memref_slice %arg14[%multiple_of3A_1100] : memref<10000xf32, #tpu.memory_space<vmem_shared>> -> memref<80xf32, #tpu.memory_space<vmem_shared>>
        tpu.wait_dma2 semaphore(%run_scoped3A_1101 : memref<!tpu.dma_semaphore, #tpu.memory_space<semaphore_mem>>) src(%arg12 : memref<80xf32, #tpu.memory_space<vmem>>) dst(%dma_wait3A_1105 : memref<80xf32, #tpu.memory_space<vmem_shared>>)
        tpu.yield
      }) : () -> ()
    } else {
    }
    %add3A_1001 = arith.constant 48 : i32
    %add3A_1002 = arith.addi %arg1, %add3A_1001 : i32
    %lt3A_1003 = arith.constant 125 : i32
    %lt3A_1004 = arith.cmpi slt, %add3A_1002, %lt3A_1003 : i32
    %convert_element_type3A_1005 = arith.extui %lt3A_1004 : i1 to i32
    %cond3A_1006 = arith.constant 0 : i32
    %cond3A_1007 = arith.cmpi ne, %convert_element_type3A_1005, %cond3A_1006 : i32
    scf.if %cond3A_1007 {
      %mul3A_1098 = arith.constant 80 : i32
      %mul3A_1099 = arith.muli %add3A_1002, %mul3A_1098 : i32
      %multiple_of3A_1100 = tpu.assume_multiple %mul3A_1099, 16 : i32
      "tpu.region"() ({
        %run_scoped3A_1101 = tpu.sem_alloc : memref<!tpu.dma_semaphore, #tpu.memory_space<semaphore_mem>>
        %dma_start3A_1102 = arith.constant 0 : i32
        %dma_start3A_1103 = tpu.memref_slice %arg13[%multiple_of3A_1100, %dma_start3A_1102] : memref<10000x32xf32, #tpu.memory_space<vmem_shared>> -> memref<80x32xf32, #tpu.memory_space<vmem_shared>>
        %dma_start3A_1104 = arith.constant 0 : i32
        %dma_start3A_1105 = tpu.memref_slice %arg13[%multiple_of3A_1100, %dma_start3A_1104] : memref<10000x32xf32, #tpu.memory_space<vmem_shared>> -> memref<80x32xf32, #tpu.memory_space<vmem_shared>>
        tpu.enqueue_dma source(%arg10 : memref<80x32xf32, #tpu.memory_space<vmem>>) target(%dma_start3A_1105 : memref<80x32xf32, #tpu.memory_space<vmem_shared>>) target_semaphore(%run_scoped3A_1101 : memref<!tpu.dma_semaphore, #tpu.memory_space<semaphore_mem>>)
        %dma_wait3A_1106 = arith.constant 0 : i32
        %dma_wait3A_1107 = tpu.memref_slice %arg13[%multiple_of3A_1100, %dma_wait3A_1106] : memref<10000x32xf32, #tpu.memory_space<vmem_shared>> -> memref<80x32xf32, #tpu.memory_space<vmem_shared>>
        %dma_wait3A_1108 = arith.constant 0 : i32
        %dma_wait3A_1109 = tpu.memref_slice %arg13[%multiple_of3A_1100, %dma_wait3A_1108] : memref<10000x32xf32, #tpu.memory_space<vmem_shared>> -> memref<80x32xf32, #tpu.memory_space<vmem_shared>>
        tpu.wait_dma2 semaphore(%run_scoped3A_1101 : memref<!tpu.dma_semaphore, #tpu.memory_space<semaphore_mem>>) src(%arg10 : memref<80x32xf32, #tpu.memory_space<vmem>>) dst(%dma_wait3A_1109 : memref<80x32xf32, #tpu.memory_space<vmem_shared>>)
        tpu.yield
      }) : () -> ()
      "tpu.region"() ({
        %run_scoped3A_1101 = tpu.sem_alloc : memref<!tpu.dma_semaphore, #tpu.memory_space<semaphore_mem>>
        %dma_start3A_1102 = tpu.memref_slice %arg14[%multiple_of3A_1100] : memref<10000xf32, #tpu.memory_space<vmem_shared>> -> memref<80xf32, #tpu.memory_space<vmem_shared>>
        %dma_start3A_1103 = tpu.memref_slice %arg14[%multiple_of3A_1100] : memref<10000xf32, #tpu.memory_space<vmem_shared>> -> memref<80xf32, #tpu.memory_space<vmem_shared>>
        tpu.enqueue_dma source(%arg12 : memref<80xf32, #tpu.memory_space<vmem>>) target(%dma_start3A_1103 : memref<80xf32, #tpu.memory_space<vmem_shared>>) target_semaphore(%run_scoped3A_1101 : memref<!tpu.dma_semaphore, #tpu.memory_space<semaphore_mem>>)
        %dma_wait3A_1104 = tpu.memref_slice %arg14[%multiple_of3A_1100] : memref<10000xf32, #tpu.memory_space<vmem_shared>> -> memref<80xf32, #tpu.memory_space<vmem_shared>>
        %dma_wait3A_1105 = tpu.memref_slice %arg14[%multiple_of3A_1100] : memref<10000xf32, #tpu.memory_space<vmem_shared>> -> memref<80xf32, #tpu.memory_space<vmem_shared>>
        tpu.wait_dma2 semaphore(%run_scoped3A_1101 : memref<!tpu.dma_semaphore, #tpu.memory_space<semaphore_mem>>) src(%arg12 : memref<80xf32, #tpu.memory_space<vmem>>) dst(%dma_wait3A_1105 : memref<80xf32, #tpu.memory_space<vmem_shared>>)
        tpu.yield
      }) : () -> ()
    } else {
    }
    %add3A_1008 = arith.constant 64 : i32
    %add3A_1009 = arith.addi %arg1, %add3A_1008 : i32
    %lt3A_1010 = arith.constant 125 : i32
    %lt3A_1011 = arith.cmpi slt, %add3A_1009, %lt3A_1010 : i32
    %convert_element_type3A_1012 = arith.extui %lt3A_1011 : i1 to i32
    %cond3A_1013 = arith.constant 0 : i32
    %cond3A_1014 = arith.cmpi ne, %convert_element_type3A_1012, %cond3A_1013 : i32
    scf.if %cond3A_1014 {
      %mul3A_1098 = arith.constant 80 : i32
      %mul3A_1099 = arith.muli %add3A_1009, %mul3A_1098 : i32
      %multiple_of3A_1100 = tpu.assume_multiple %mul3A_1099, 16 : i32
      "tpu.region"() ({
        %run_scoped3A_1101 = tpu.sem_alloc : memref<!tpu.dma_semaphore, #tpu.memory_space<semaphore_mem>>
        %dma_start3A_1102 = arith.constant 0 : i32
        %dma_start3A_1103 = tpu.memref_slice %arg13[%multiple_of3A_1100, %dma_start3A_1102] : memref<10000x32xf32, #tpu.memory_space<vmem_shared>> -> memref<80x32xf32, #tpu.memory_space<vmem_shared>>
        %dma_start3A_1104 = arith.constant 0 : i32
        %dma_start3A_1105 = tpu.memref_slice %arg13[%multiple_of3A_1100, %dma_start3A_1104] : memref<10000x32xf32, #tpu.memory_space<vmem_shared>> -> memref<80x32xf32, #tpu.memory_space<vmem_shared>>
        tpu.enqueue_dma source(%arg10 : memref<80x32xf32, #tpu.memory_space<vmem>>) target(%dma_start3A_1105 : memref<80x32xf32, #tpu.memory_space<vmem_shared>>) target_semaphore(%run_scoped3A_1101 : memref<!tpu.dma_semaphore, #tpu.memory_space<semaphore_mem>>)
        %dma_wait3A_1106 = arith.constant 0 : i32
        %dma_wait3A_1107 = tpu.memref_slice %arg13[%multiple_of3A_1100, %dma_wait3A_1106] : memref<10000x32xf32, #tpu.memory_space<vmem_shared>> -> memref<80x32xf32, #tpu.memory_space<vmem_shared>>
        %dma_wait3A_1108 = arith.constant 0 : i32
        %dma_wait3A_1109 = tpu.memref_slice %arg13[%multiple_of3A_1100, %dma_wait3A_1108] : memref<10000x32xf32, #tpu.memory_space<vmem_shared>> -> memref<80x32xf32, #tpu.memory_space<vmem_shared>>
        tpu.wait_dma2 semaphore(%run_scoped3A_1101 : memref<!tpu.dma_semaphore, #tpu.memory_space<semaphore_mem>>) src(%arg10 : memref<80x32xf32, #tpu.memory_space<vmem>>) dst(%dma_wait3A_1109 : memref<80x32xf32, #tpu.memory_space<vmem_shared>>)
        tpu.yield
      }) : () -> ()
      "tpu.region"() ({
        %run_scoped3A_1101 = tpu.sem_alloc : memref<!tpu.dma_semaphore, #tpu.memory_space<semaphore_mem>>
        %dma_start3A_1102 = tpu.memref_slice %arg14[%multiple_of3A_1100] : memref<10000xf32, #tpu.memory_space<vmem_shared>> -> memref<80xf32, #tpu.memory_space<vmem_shared>>
        %dma_start3A_1103 = tpu.memref_slice %arg14[%multiple_of3A_1100] : memref<10000xf32, #tpu.memory_space<vmem_shared>> -> memref<80xf32, #tpu.memory_space<vmem_shared>>
        tpu.enqueue_dma source(%arg12 : memref<80xf32, #tpu.memory_space<vmem>>) target(%dma_start3A_1103 : memref<80xf32, #tpu.memory_space<vmem_shared>>) target_semaphore(%run_scoped3A_1101 : memref<!tpu.dma_semaphore, #tpu.memory_space<semaphore_mem>>)
        %dma_wait3A_1104 = tpu.memref_slice %arg14[%multiple_of3A_1100] : memref<10000xf32, #tpu.memory_space<vmem_shared>> -> memref<80xf32, #tpu.memory_space<vmem_shared>>
        %dma_wait3A_1105 = tpu.memref_slice %arg14[%multiple_of3A_1100] : memref<10000xf32, #tpu.memory_space<vmem_shared>> -> memref<80xf32, #tpu.memory_space<vmem_shared>>
        tpu.wait_dma2 semaphore(%run_scoped3A_1101 : memref<!tpu.dma_semaphore, #tpu.memory_space<semaphore_mem>>) src(%arg12 : memref<80xf32, #tpu.memory_space<vmem>>) dst(%dma_wait3A_1105 : memref<80xf32, #tpu.memory_space<vmem_shared>>)
        tpu.yield
      }) : () -> ()
    } else {
    }
    %add3A_1015 = arith.constant 80 : i32
    %add3A_1016 = arith.addi %arg1, %add3A_1015 : i32
    %lt3A_1017 = arith.constant 125 : i32
    %lt3A_1018 = arith.cmpi slt, %add3A_1016, %lt3A_1017 : i32
    %convert_element_type3A_1019 = arith.extui %lt3A_1018 : i1 to i32
    %cond3A_1020 = arith.constant 0 : i32
    %cond3A_1021 = arith.cmpi ne, %convert_element_type3A_1019, %cond3A_1020 : i32
    scf.if %cond3A_1021 {
      %mul3A_1098 = arith.constant 80 : i32
      %mul3A_1099 = arith.muli %add3A_1016, %mul3A_1098 : i32
      %multiple_of3A_1100 = tpu.assume_multiple %mul3A_1099, 16 : i32
      "tpu.region"() ({
        %run_scoped3A_1101 = tpu.sem_alloc : memref<!tpu.dma_semaphore, #tpu.memory_space<semaphore_mem>>
        %dma_start3A_1102 = arith.constant 0 : i32
        %dma_start3A_1103 = tpu.memref_slice %arg13[%multiple_of3A_1100, %dma_start3A_1102] : memref<10000x32xf32, #tpu.memory_space<vmem_shared>> -> memref<80x32xf32, #tpu.memory_space<vmem_shared>>
        %dma_start3A_1104 = arith.constant 0 : i32
        %dma_start3A_1105 = tpu.memref_slice %arg13[%multiple_of3A_1100, %dma_start3A_1104] : memref<10000x32xf32, #tpu.memory_space<vmem_shared>> -> memref<80x32xf32, #tpu.memory_space<vmem_shared>>
        tpu.enqueue_dma source(%arg10 : memref<80x32xf32, #tpu.memory_space<vmem>>) target(%dma_start3A_1105 : memref<80x32xf32, #tpu.memory_space<vmem_shared>>) target_semaphore(%run_scoped3A_1101 : memref<!tpu.dma_semaphore, #tpu.memory_space<semaphore_mem>>)
        %dma_wait3A_1106 = arith.constant 0 : i32
        %dma_wait3A_1107 = tpu.memref_slice %arg13[%multiple_of3A_1100, %dma_wait3A_1106] : memref<10000x32xf32, #tpu.memory_space<vmem_shared>> -> memref<80x32xf32, #tpu.memory_space<vmem_shared>>
        %dma_wait3A_1108 = arith.constant 0 : i32
        %dma_wait3A_1109 = tpu.memref_slice %arg13[%multiple_of3A_1100, %dma_wait3A_1108] : memref<10000x32xf32, #tpu.memory_space<vmem_shared>> -> memref<80x32xf32, #tpu.memory_space<vmem_shared>>
        tpu.wait_dma2 semaphore(%run_scoped3A_1101 : memref<!tpu.dma_semaphore, #tpu.memory_space<semaphore_mem>>) src(%arg10 : memref<80x32xf32, #tpu.memory_space<vmem>>) dst(%dma_wait3A_1109 : memref<80x32xf32, #tpu.memory_space<vmem_shared>>)
        tpu.yield
      }) : () -> ()
      "tpu.region"() ({
        %run_scoped3A_1101 = tpu.sem_alloc : memref<!tpu.dma_semaphore, #tpu.memory_space<semaphore_mem>>
        %dma_start3A_1102 = tpu.memref_slice %arg14[%multiple_of3A_1100] : memref<10000xf32, #tpu.memory_space<vmem_shared>> -> memref<80xf32, #tpu.memory_space<vmem_shared>>
        %dma_start3A_1103 = tpu.memref_slice %arg14[%multiple_of3A_1100] : memref<10000xf32, #tpu.memory_space<vmem_shared>> -> memref<80xf32, #tpu.memory_space<vmem_shared>>
        tpu.enqueue_dma source(%arg12 : memref<80xf32, #tpu.memory_space<vmem>>) target(%dma_start3A_1103 : memref<80xf32, #tpu.memory_space<vmem_shared>>) target_semaphore(%run_scoped3A_1101 : memref<!tpu.dma_semaphore, #tpu.memory_space<semaphore_mem>>)
        %dma_wait3A_1104 = tpu.memref_slice %arg14[%multiple_of3A_1100] : memref<10000xf32, #tpu.memory_space<vmem_shared>> -> memref<80xf32, #tpu.memory_space<vmem_shared>>
        %dma_wait3A_1105 = tpu.memref_slice %arg14[%multiple_of3A_1100] : memref<10000xf32, #tpu.memory_space<vmem_shared>> -> memref<80xf32, #tpu.memory_space<vmem_shared>>
        tpu.wait_dma2 semaphore(%run_scoped3A_1101 : memref<!tpu.dma_semaphore, #tpu.memory_space<semaphore_mem>>) src(%arg12 : memref<80xf32, #tpu.memory_space<vmem>>) dst(%dma_wait3A_1105 : memref<80xf32, #tpu.memory_space<vmem_shared>>)
        tpu.yield
      }) : () -> ()
    } else {
    }
    %add3A_1022 = arith.constant 96 : i32
    %add3A_1023 = arith.addi %arg1, %add3A_1022 : i32
    %lt3A_1024 = arith.constant 125 : i32
    %lt3A_1025 = arith.cmpi slt, %add3A_1023, %lt3A_1024 : i32
    %convert_element_type3A_1026 = arith.extui %lt3A_1025 : i1 to i32
    %cond3A_1027 = arith.constant 0 : i32
    %cond3A_1028 = arith.cmpi ne, %convert_element_type3A_1026, %cond3A_1027 : i32
    scf.if %cond3A_1028 {
      %mul3A_1098 = arith.constant 80 : i32
      %mul3A_1099 = arith.muli %add3A_1023, %mul3A_1098 : i32
      %multiple_of3A_1100 = tpu.assume_multiple %mul3A_1099, 16 : i32
      "tpu.region"() ({
        %run_scoped3A_1101 = tpu.sem_alloc : memref<!tpu.dma_semaphore, #tpu.memory_space<semaphore_mem>>
        %dma_start3A_1102 = arith.constant 0 : i32
        %dma_start3A_1103 = tpu.memref_slice %arg13[%multiple_of3A_1100, %dma_start3A_1102] : memref<10000x32xf32, #tpu.memory_space<vmem_shared>> -> memref<80x32xf32, #tpu.memory_space<vmem_shared>>
        %dma_start3A_1104 = arith.constant 0 : i32
        %dma_start3A_1105 = tpu.memref_slice %arg13[%multiple_of3A_1100, %dma_start3A_1104] : memref<10000x32xf32, #tpu.memory_space<vmem_shared>> -> memref<80x32xf32, #tpu.memory_space<vmem_shared>>
        tpu.enqueue_dma source(%arg10 : memref<80x32xf32, #tpu.memory_space<vmem>>) target(%dma_start3A_1105 : memref<80x32xf32, #tpu.memory_space<vmem_shared>>) target_semaphore(%run_scoped3A_1101 : memref<!tpu.dma_semaphore, #tpu.memory_space<semaphore_mem>>)
        %dma_wait3A_1106 = arith.constant 0 : i32
        %dma_wait3A_1107 = tpu.memref_slice %arg13[%multiple_of3A_1100, %dma_wait3A_1106] : memref<10000x32xf32, #tpu.memory_space<vmem_shared>> -> memref<80x32xf32, #tpu.memory_space<vmem_shared>>
        %dma_wait3A_1108 = arith.constant 0 : i32
        %dma_wait3A_1109 = tpu.memref_slice %arg13[%multiple_of3A_1100, %dma_wait3A_1108] : memref<10000x32xf32, #tpu.memory_space<vmem_shared>> -> memref<80x32xf32, #tpu.memory_space<vmem_shared>>
        tpu.wait_dma2 semaphore(%run_scoped3A_1101 : memref<!tpu.dma_semaphore, #tpu.memory_space<semaphore_mem>>) src(%arg10 : memref<80x32xf32, #tpu.memory_space<vmem>>) dst(%dma_wait3A_1109 : memref<80x32xf32, #tpu.memory_space<vmem_shared>>)
        tpu.yield
      }) : () -> ()
      "tpu.region"() ({
        %run_scoped3A_1101 = tpu.sem_alloc : memref<!tpu.dma_semaphore, #tpu.memory_space<semaphore_mem>>
        %dma_start3A_1102 = tpu.memref_slice %arg14[%multiple_of3A_1100] : memref<10000xf32, #tpu.memory_space<vmem_shared>> -> memref<80xf32, #tpu.memory_space<vmem_shared>>
        %dma_start3A_1103 = tpu.memref_slice %arg14[%multiple_of3A_1100] : memref<10000xf32, #tpu.memory_space<vmem_shared>> -> memref<80xf32, #tpu.memory_space<vmem_shared>>
        tpu.enqueue_dma source(%arg12 : memref<80xf32, #tpu.memory_space<vmem>>) target(%dma_start3A_1103 : memref<80xf32, #tpu.memory_space<vmem_shared>>) target_semaphore(%run_scoped3A_1101 : memref<!tpu.dma_semaphore, #tpu.memory_space<semaphore_mem>>)
        %dma_wait3A_1104 = tpu.memref_slice %arg14[%multiple_of3A_1100] : memref<10000xf32, #tpu.memory_space<vmem_shared>> -> memref<80xf32, #tpu.memory_space<vmem_shared>>
        %dma_wait3A_1105 = tpu.memref_slice %arg14[%multiple_of3A_1100] : memref<10000xf32, #tpu.memory_space<vmem_shared>> -> memref<80xf32, #tpu.memory_space<vmem_shared>>
        tpu.wait_dma2 semaphore(%run_scoped3A_1101 : memref<!tpu.dma_semaphore, #tpu.memory_space<semaphore_mem>>) src(%arg12 : memref<80xf32, #tpu.memory_space<vmem>>) dst(%dma_wait3A_1105 : memref<80xf32, #tpu.memory_space<vmem_shared>>)
        tpu.yield
      }) : () -> ()
    } else {
    }
    %add3A_1029 = arith.constant 112 : i32
    %add3A_1030 = arith.addi %arg1, %add3A_1029 : i32
    %lt3A_1031 = arith.constant 125 : i32
    %lt3A_1032 = arith.cmpi slt, %add3A_1030, %lt3A_1031 : i32
    %convert_element_type3A_1033 = arith.extui %lt3A_1032 : i1 to i32
    %cond3A_1034 = arith.constant 0 : i32
    %cond3A_1035 = arith.cmpi ne, %convert_element_type3A_1033, %cond3A_1034 : i32
    scf.if %cond3A_1035 {
      %mul3A_1098 = arith.constant 80 : i32
      %mul3A_1099 = arith.muli %add3A_1030, %mul3A_1098 : i32
      %multiple_of3A_1100 = tpu.assume_multiple %mul3A_1099, 16 : i32
      "tpu.region"() ({
        %run_scoped3A_1101 = tpu.sem_alloc : memref<!tpu.dma_semaphore, #tpu.memory_space<semaphore_mem>>
        %dma_start3A_1102 = arith.constant 0 : i32
        %dma_start3A_1103 = tpu.memref_slice %arg13[%multiple_of3A_1100, %dma_start3A_1102] : memref<10000x32xf32, #tpu.memory_space<vmem_shared>> -> memref<80x32xf32, #tpu.memory_space<vmem_shared>>
        %dma_start3A_1104 = arith.constant 0 : i32
        %dma_start3A_1105 = tpu.memref_slice %arg13[%multiple_of3A_1100, %dma_start3A_1104] : memref<10000x32xf32, #tpu.memory_space<vmem_shared>> -> memref<80x32xf32, #tpu.memory_space<vmem_shared>>
        tpu.enqueue_dma source(%arg10 : memref<80x32xf32, #tpu.memory_space<vmem>>) target(%dma_start3A_1105 : memref<80x32xf32, #tpu.memory_space<vmem_shared>>) target_semaphore(%run_scoped3A_1101 : memref<!tpu.dma_semaphore, #tpu.memory_space<semaphore_mem>>)
        %dma_wait3A_1106 = arith.constant 0 : i32
        %dma_wait3A_1107 = tpu.memref_slice %arg13[%multiple_of3A_1100, %dma_wait3A_1106] : memref<10000x32xf32, #tpu.memory_space<vmem_shared>> -> memref<80x32xf32, #tpu.memory_space<vmem_shared>>
        %dma_wait3A_1108 = arith.constant 0 : i32
        %dma_wait3A_1109 = tpu.memref_slice %arg13[%multiple_of3A_1100, %dma_wait3A_1108] : memref<10000x32xf32, #tpu.memory_space<vmem_shared>> -> memref<80x32xf32, #tpu.memory_space<vmem_shared>>
        tpu.wait_dma2 semaphore(%run_scoped3A_1101 : memref<!tpu.dma_semaphore, #tpu.memory_space<semaphore_mem>>) src(%arg10 : memref<80x32xf32, #tpu.memory_space<vmem>>) dst(%dma_wait3A_1109 : memref<80x32xf32, #tpu.memory_space<vmem_shared>>)
        tpu.yield
      }) : () -> ()
      "tpu.region"() ({
        %run_scoped3A_1101 = tpu.sem_alloc : memref<!tpu.dma_semaphore, #tpu.memory_space<semaphore_mem>>
        %dma_start3A_1102 = tpu.memref_slice %arg14[%multiple_of3A_1100] : memref<10000xf32, #tpu.memory_space<vmem_shared>> -> memref<80xf32, #tpu.memory_space<vmem_shared>>
        %dma_start3A_1103 = tpu.memref_slice %arg14[%multiple_of3A_1100] : memref<10000xf32, #tpu.memory_space<vmem_shared>> -> memref<80xf32, #tpu.memory_space<vmem_shared>>
        tpu.enqueue_dma source(%arg12 : memref<80xf32, #tpu.memory_space<vmem>>) target(%dma_start3A_1103 : memref<80xf32, #tpu.memory_space<vmem_shared>>) target_semaphore(%run_scoped3A_1101 : memref<!tpu.dma_semaphore, #tpu.memory_space<semaphore_mem>>)
        %dma_wait3A_1104 = tpu.memref_slice %arg14[%multiple_of3A_1100] : memref<10000xf32, #tpu.memory_space<vmem_shared>> -> memref<80xf32, #tpu.memory_space<vmem_shared>>
        %dma_wait3A_1105 = tpu.memref_slice %arg14[%multiple_of3A_1100] : memref<10000xf32, #tpu.memory_space<vmem_shared>> -> memref<80xf32, #tpu.memory_space<vmem_shared>>
        tpu.wait_dma2 semaphore(%run_scoped3A_1101 : memref<!tpu.dma_semaphore, #tpu.memory_space<semaphore_mem>>) src(%arg12 : memref<80xf32, #tpu.memory_space<vmem>>) dst(%dma_wait3A_1105 : memref<80xf32, #tpu.memory_space<vmem_shared>>)
        tpu.yield
      }) : () -> ()
    } else {
    }
    %broadcast_in_dim3A_1036 = arith.constant 1.000000e+00 : f32
    %broadcast_in_dim3A_1037 = vector.broadcast %broadcast_in_dim3A_1036 : f32 to vector<16xf32>
    %swap3A_1038 = arith.constant 0 : index
    %swap3A_1039 = tpu.vector_load %arg12[%swap3A_1038] {strides = array<i32>} : memref<80xf32, #tpu.memory_space<vmem>>, vector<16xf32>,
    %swap3A_1040 = vector.shape_cast %swap3A_1039 : vector<16xf32> to vector<16xf32>
    %swap3A_1041 = vector.shape_cast %broadcast_in_dim3A_1037 : vector<16xf32> to vector<16xf32>
    tpu.vector_store %arg12[%swap3A_1038], %swap3A_1041 {strides = array<i32>} : memref<80xf32, #tpu.memory_space<vmem>>, vector<16xf32>,
    %swap3A_1042 = arith.constant 16 : index
    %swap3A_1043 = tpu.vector_load %arg12[%swap3A_1042] {strides = array<i32>} : memref<80xf32, #tpu.memory_space<vmem>>, vector<16xf32>,
    %swap3A_1044 = vector.shape_cast %swap3A_1043 : vector<16xf32> to vector<16xf32>
    %swap3A_1045 = vector.shape_cast %broadcast_in_dim3A_1037 : vector<16xf32> to vector<16xf32>
    tpu.vector_store %arg12[%swap3A_1042], %swap3A_1045 {strides = array<i32>} : memref<80xf32, #tpu.memory_space<vmem>>, vector<16xf32>,
    %swap3A_1046 = arith.constant 32 : index
    %swap3A_1047 = tpu.vector_load %arg12[%swap3A_1046] {strides = array<i32>} : memref<80xf32, #tpu.memory_space<vmem>>, vector<16xf32>,
    %swap3A_1048 = vector.shape_cast %swap3A_1047 : vector<16xf32> to vector<16xf32>
    %swap3A_1049 = vector.shape_cast %broadcast_in_dim3A_1037 : vector<16xf32> to vector<16xf32>
    tpu.vector_store %arg12[%swap3A_1046], %swap3A_1049 {strides = array<i32>} : memref<80xf32, #tpu.memory_space<vmem>>, vector<16xf32>,
    %swap3A_1050 = arith.constant 48 : index
    %swap3A_1051 = tpu.vector_load %arg12[%swap3A_1050] {strides = array<i32>} : memref<80xf32, #tpu.memory_space<vmem>>, vector<16xf32>,
    %swap3A_1052 = vector.shape_cast %swap3A_1051 : vector<16xf32> to vector<16xf32>
    %swap3A_1053 = vector.shape_cast %broadcast_in_dim3A_1037 : vector<16xf32> to vector<16xf32>
    tpu.vector_store %arg12[%swap3A_1050], %swap3A_1053 {strides = array<i32>} : memref<80xf32, #tpu.memory_space<vmem>>, vector<16xf32>,
    %swap3A_1054 = arith.constant 64 : index
    %swap3A_1055 = tpu.vector_load %arg12[%swap3A_1054] {strides = array<i32>} : memref<80xf32, #tpu.memory_space<vmem>>, vector<16xf32>,
    %swap3A_1056 = vector.shape_cast %swap3A_1055 : vector<16xf32> to vector<16xf32>
    %swap3A_1057 = vector.shape_cast %broadcast_in_dim3A_1037 : vector<16xf32> to vector<16xf32>
    tpu.vector_store %arg12[%swap3A_1054], %swap3A_1057 {strides = array<i32>} : memref<80xf32, #tpu.memory_space<vmem>>, vector<16xf32>,
    "tpu.region"() ({
      %run_scoped3A_1098 = tpu.sem_alloc : memref<!tpu.dma_semaphore, #tpu.memory_space<semaphore_mem>>
      %dma_start3A_1099 = arith.constant 0 : i32
      %dma_start3A_1100 = arith.constant 0 : i32
      %dma_start3A_1101 = tpu.memref_slice %arg4[%add3A, %dma_start3A_1099, %dma_start3A_1100] : memref<32x125x80xi32, #tpu.memory_space<hbm>> -> memref<1x125x80xi32, #tpu.memory_space<hbm>>
      %dma_start3A_1102 = tpu.memref_squeeze %dma_start3A_1101 : memref<1x125x80xi32, #tpu.memory_space<hbm>> -> memref<125x80xi32, #tpu.memory_space<hbm>>
      %dma_start3A_1103 = arith.constant 0 : i32
      %dma_start3A_1104 = arith.constant 0 : i32
      %dma_start3A_1105 = tpu.memref_slice %arg4[%add3A, %dma_start3A_1103, %dma_start3A_1104] : memref<32x125x80xi32, #tpu.memory_space<hbm>> -> memref<1x125x80xi32, #tpu.memory_space<hbm>>
      %dma_start3A_1106 = tpu.memref_squeeze %dma_start3A_1105 : memref<1x125x80xi32, #tpu.memory_space<hbm>> -> memref<125x80xi32, #tpu.memory_space<hbm>>
      tpu.enqueue_dma source(%dma_start3A_1106 : memref<125x80xi32, #tpu.memory_space<hbm>>) target(%arg8 : memref<125x80xi32, #tpu.memory_space<vmem>>) target_semaphore(%run_scoped3A_1098 : memref<!tpu.dma_semaphore, #tpu.memory_space<semaphore_mem>>)
      %dma_wait3A_1107 = arith.constant 0 : i32
      %dma_wait3A_1108 = arith.constant 0 : i32
      %dma_wait3A_1109 = tpu.memref_slice %arg4[%add3A, %dma_wait3A_1107, %dma_wait3A_1108] : memref<32x125x80xi32, #tpu.memory_space<hbm>> -> memref<1x125x80xi32, #tpu.memory_space<hbm>>
      %dma_wait3A_1110 = tpu.memref_squeeze %dma_wait3A_1109 : memref<1x125x80xi32, #tpu.memory_space<hbm>> -> memref<125x80xi32, #tpu.memory_space<hbm>>
      %dma_wait3A_1111 = arith.constant 0 : i32
      %dma_wait3A_1112 = arith.constant 0 : i32
      %dma_wait3A_1113 = tpu.memref_slice %arg4[%add3A, %dma_wait3A_1111, %dma_wait3A_1112] : memref<32x125x80xi32, #tpu.memory_space<hbm>> -> memref<1x125x80xi32, #tpu.memory_space<hbm>>
      %dma_wait3A_1114 = tpu.memref_squeeze %dma_wait3A_1113 : memref<1x125x80xi32, #tpu.memory_space<hbm>> -> memref<125x80xi32, #tpu.memory_space<hbm>>
      tpu.wait_dma2 semaphore(%run_scoped3A_1098 : memref<!tpu.dma_semaphore, #tpu.memory_space<semaphore_mem>>) src(%dma_wait3A_1114 : memref<125x80xi32, #tpu.memory_space<hbm>>) dst(%arg8 : memref<125x80xi32, #tpu.memory_space<vmem>>)
      tpu.yield
    }) : () -> ()
    "tpu.region"() ({
      %run_scoped3A_1098 = tpu.sem_alloc : memref<!tpu.dma_semaphore, #tpu.memory_space<semaphore_mem>>
      %dma_start3A_1099 = arith.constant 0 : i32
      %dma_start3A_1100 = arith.constant 0 : i32
      %dma_start3A_1101 = tpu.memref_slice %arg3[%add3A, %dma_start3A_1099, %dma_start3A_1100] : memref<32x125x80xi32, #tpu.memory_space<hbm>> -> memref<1x125x80xi32, #tpu.memory_space<hbm>>
      %dma_start3A_1102 = tpu.memref_squeeze %dma_start3A_1101 : memref<1x125x80xi32, #tpu.memory_space<hbm>> -> memref<125x80xi32, #tpu.memory_space<hbm>>
      %dma_start3A_1103 = arith.constant 0 : i32
      %dma_start3A_1104 = arith.constant 0 : i32
      %dma_start3A_1105 = tpu.memref_slice %arg3[%add3A, %dma_start3A_1103, %dma_start3A_1104] : memref<32x125x80xi32, #tpu.memory_space<hbm>> -> memref<1x125x80xi32, #tpu.memory_space<hbm>>
      %dma_start3A_1106 = tpu.memref_squeeze %dma_start3A_1105 : memref<1x125x80xi32, #tpu.memory_space<hbm>> -> memref<125x80xi32, #tpu.memory_space<hbm>>
      tpu.enqueue_dma source(%dma_start3A_1106 : memref<125x80xi32, #tpu.memory_space<hbm>>) target(%arg9 : memref<125x80xi32, #tpu.memory_space<vmem>>) target_semaphore(%run_scoped3A_1098 : memref<!tpu.dma_semaphore, #tpu.memory_space<semaphore_mem>>)
      %dma_wait3A_1107 = arith.constant 0 : i32
      %dma_wait3A_1108 = arith.constant 0 : i32
      %dma_wait3A_1109 = tpu.memref_slice %arg3[%add3A, %dma_wait3A_1107, %dma_wait3A_1108] : memref<32x125x80xi32, #tpu.memory_space<hbm>> -> memref<1x125x80xi32, #tpu.memory_space<hbm>>
      %dma_wait3A_1110 = tpu.memref_squeeze %dma_wait3A_1109 : memref<1x125x80xi32, #tpu.memory_space<hbm>> -> memref<125x80xi32, #tpu.memory_space<hbm>>
      %dma_wait3A_1111 = arith.constant 0 : i32
      %dma_wait3A_1112 = arith.constant 0 : i32
      %dma_wait3A_1113 = tpu.memref_slice %arg3[%add3A, %dma_wait3A_1111, %dma_wait3A_1112] : memref<32x125x80xi32, #tpu.memory_space<hbm>> -> memref<1x125x80xi32, #tpu.memory_space<hbm>>
      %dma_wait3A_1114 = tpu.memref_squeeze %dma_wait3A_1113 : memref<1x125x80xi32, #tpu.memory_space<hbm>> -> memref<125x80xi32, #tpu.memory_space<hbm>>
      tpu.wait_dma2 semaphore(%run_scoped3A_1098 : memref<!tpu.dma_semaphore, #tpu.memory_space<semaphore_mem>>) src(%dma_wait3A_1114 : memref<125x80xi32, #tpu.memory_space<hbm>>) dst(%arg9 : memref<125x80xi32, #tpu.memory_space<vmem>>)
      tpu.yield
    }) : () -> ()
    %barrier3A = arith.constant 0 : index
    tpu.barrier barrier_id(%barrier3A)
    %dma_start3A = arith.constant 0 : i32
    %dma_start3A_1058 = arith.constant 0 : i32
    %dma_start3A_1059 = tpu.memref_slice %arg8[%dma_start3A, %dma_start3A_1058] : memref<125x80xi32, #tpu.memory_space<vmem>> -> memref<1x80xi32, #tpu.memory_space<vmem>>
    %dma_start3A_1060 = tpu.memref_squeeze %dma_start3A_1059 : memref<1x80xi32, #tpu.memory_space<vmem>> -> memref<80xi32, #tpu.memory_space<vmem>>
    %dma_start3A_1061 = arith.constant 0 : i32
    %dma_start3A_1062 = arith.constant 0 : i32
    %dma_start3A_1063 = tpu.memref_slice %arg2[%dma_start3A_1061, %dma_start3A_1062] : memref<10000x32xf32, #tpu.memory_space<hbm>> -> memref<10000x32xf32, #tpu.memory_space<hbm>>
    tpu.enqueue_indirect_dma source(%dma_start3A_1063 : memref<10000x32xf32, #tpu.memory_space<hbm>>) target(%arg10 : memref<80x32xf32, #tpu.memory_space<vmem>>) offsets(%dma_start3A_1060 : memref<80xi32, #tpu.memory_space<vmem>>) semaphore(%arg15 : memref<!tpu.dma_semaphore, #tpu.memory_space<semaphore_mem>>)
    %scan3A = arith.constant 0 : i32
    %scan3A_1064 = arith.constant 0 : i32
    %scan3A_1065 = arith.constant 62 : i32
    %scan3A_1066 = arith.addi %scan3A_1064, %scan3A_1065 : i32
    %scan3A_1067 = arith.constant 1 : i32
    scf.for %scan3A_1098 = %scan3A_1064 to %scan3A_1066 step %scan3A_1067  : i32 {
      %mul3A_1099 = arith.constant 2 : i32
      %mul3A_1100 = arith.muli %mul3A_1099, %scan3A_1098 : i32
      %add3A_1101 = arith.constant 1 : i32
      %add3A_1102 = arith.addi %mul3A_1100, %add3A_1101 : i32
      %dma_start3A_1103 = arith.constant 0 : i32
      %dma_start3A_1104 = tpu.memref_slice %arg8[%add3A_1102, %dma_start3A_1103] : memref<125x80xi32, #tpu.memory_space<vmem>> -> memref<1x80xi32, #tpu.memory_space<vmem>>
      %dma_start3A_1105 = tpu.memref_squeeze %dma_start3A_1104 : memref<1x80xi32, #tpu.memory_space<vmem>> -> memref<80xi32, #tpu.memory_space<vmem>>
      %dma_start3A_1106 = arith.constant 0 : i32
      %dma_start3A_1107 = arith.constant 0 : i32
      %dma_start3A_1108 = tpu.memref_slice %arg2[%dma_start3A_1106, %dma_start3A_1107] : memref<10000x32xf32, #tpu.memory_space<hbm>> -> memref<10000x32xf32, #tpu.memory_space<hbm>>
      tpu.enqueue_indirect_dma source(%dma_start3A_1108 : memref<10000x32xf32, #tpu.memory_space<hbm>>) target(%arg11 : memref<80x32xf32, #tpu.memory_space<vmem>>) offsets(%dma_start3A_1105 : memref<80xi32, #tpu.memory_space<vmem>>) semaphore(%arg16 : memref<!tpu.dma_semaphore, #tpu.memory_space<semaphore_mem>>)
      %dma_wait3A_1109 = arith.constant 0 : i32
      %dma_wait3A_1110 = arith.constant 0 : i32
      %dma_wait3A_1111 = tpu.memref_slice %arg8[%dma_wait3A_1109, %dma_wait3A_1110] : memref<125x80xi32, #tpu.memory_space<vmem>> -> memref<1x80xi32, #tpu.memory_space<vmem>>
      %dma_wait3A_1112 = tpu.memref_squeeze %dma_wait3A_1111 : memref<1x80xi32, #tpu.memory_space<vmem>> -> memref<80xi32, #tpu.memory_space<vmem>>
      %dma_wait3A_1113 = arith.constant 0 : i32
      %dma_wait3A_1114 = arith.constant 0 : i32
      %dma_wait3A_1115 = tpu.memref_slice %arg2[%dma_wait3A_1113, %dma_wait3A_1114] : memref<10000x32xf32, #tpu.memory_space<hbm>> -> memref<10000x32xf32, #tpu.memory_space<hbm>>
      tpu.wait_indirect_dma semaphore(%arg15 : memref<!tpu.dma_semaphore, #tpu.memory_space<semaphore_mem>>) src(%dma_wait3A_1115 : memref<10000x32xf32, #tpu.memory_space<hbm>>) dst(%arg10 : memref<80x32xf32, #tpu.memory_space<vmem>>)
      "tpu.region"() ({
        %run_scoped3A_1133 = tpu.sem_alloc : memref<!tpu.dma_semaphore, #tpu.memory_space<semaphore_mem>>
        %dma_start3A_1134 = arith.constant 0 : i32
        %dma_start3A_1135 = tpu.memref_slice %arg9[%mul3A_1100, %dma_start3A_1134] : memref<125x80xi32, #tpu.memory_space<vmem>> -> memref<1x80xi32, #tpu.memory_space<vmem>>
        %dma_start3A_1136 = tpu.memref_squeeze %dma_start3A_1135 : memref<1x80xi32, #tpu.memory_space<vmem>> -> memref<80xi32, #tpu.memory_space<vmem>>
        %dma_start3A_1137 = arith.constant 0 : i32
        %dma_start3A_1138 = arith.constant 0 : i32
        %dma_start3A_1139 = tpu.memref_slice %arg13[%dma_start3A_1137, %dma_start3A_1138] : memref<10000x32xf32, #tpu.memory_space<vmem_shared>> -> memref<10000x32xf32, #tpu.memory_space<vmem_shared>>
        tpu.enqueue_indirect_dma source(%arg10 : memref<80x32xf32, #tpu.memory_space<vmem>>) target(%dma_start3A_1139 : memref<10000x32xf32, #tpu.memory_space<vmem_shared>>) offsets(%dma_start3A_1136 : memref<80xi32, #tpu.memory_space<vmem>>) semaphore(%run_scoped3A_1133 : memref<!tpu.dma_semaphore, #tpu.memory_space<semaphore_mem>>) {add = true}
        %dma_wait3A_1140 = arith.constant 0 : i32
        %dma_wait3A_1141 = tpu.memref_slice %arg9[%mul3A_1100, %dma_wait3A_1140] : memref<125x80xi32, #tpu.memory_space<vmem>> -> memref<1x80xi32, #tpu.memory_space<vmem>>
        %dma_wait3A_1142 = tpu.memref_squeeze %dma_wait3A_1141 : memref<1x80xi32, #tpu.memory_space<vmem>> -> memref<80xi32, #tpu.memory_space<vmem>>
        %dma_wait3A_1143 = arith.constant 0 : i32
        %dma_wait3A_1144 = arith.constant 0 : i32
        %dma_wait3A_1145 = tpu.memref_slice %arg13[%dma_wait3A_1143, %dma_wait3A_1144] : memref<10000x32xf32, #tpu.memory_space<vmem_shared>> -> memref<10000x32xf32, #tpu.memory_space<vmem_shared>>
        tpu.wait_indirect_dma semaphore(%run_scoped3A_1133 : memref<!tpu.dma_semaphore, #tpu.memory_space<semaphore_mem>>) src(%arg10 : memref<80x32xf32, #tpu.memory_space<vmem>>) dst(%dma_wait3A_1145 : memref<10000x32xf32, #tpu.memory_space<vmem_shared>>)
        tpu.yield
      }) : () -> ()
      "tpu.region"() ({
        %run_scoped3A_1133 = tpu.sem_alloc : memref<!tpu.dma_semaphore, #tpu.memory_space<semaphore_mem>>
        %dma_start3A_1134 = arith.constant 0 : i32
        %dma_start3A_1135 = tpu.memref_slice %arg9[%mul3A_1100, %dma_start3A_1134] : memref<125x80xi32, #tpu.memory_space<vmem>> -> memref<1x80xi32, #tpu.memory_space<vmem>>
        %dma_start3A_1136 = tpu.memref_squeeze %dma_start3A_1135 : memref<1x80xi32, #tpu.memory_space<vmem>> -> memref<80xi32, #tpu.memory_space<vmem>>
        %dma_start3A_1137 = arith.constant 0 : i32
        %dma_start3A_1138 = tpu.memref_slice %arg14[%dma_start3A_1137] : memref<10000xf32, #tpu.memory_space<vmem_shared>> -> memref<10000xf32, #tpu.memory_space<vmem_shared>>
        tpu.enqueue_indirect_dma source(%arg12 : memref<80xf32, #tpu.memory_space<vmem>>) target(%dma_start3A_1138 : memref<10000xf32, #tpu.memory_space<vmem_shared>>) offsets(%dma_start3A_1136 : memref<80xi32, #tpu.memory_space<vmem>>) semaphore(%run_scoped3A_1133 : memref<!tpu.dma_semaphore, #tpu.memory_space<semaphore_mem>>) {add = true}
        %dma_wait3A_1139 = arith.constant 0 : i32
        %dma_wait3A_1140 = tpu.memref_slice %arg9[%mul3A_1100, %dma_wait3A_1139] : memref<125x80xi32, #tpu.memory_space<vmem>> -> memref<1x80xi32, #tpu.memory_space<vmem>>
        %dma_wait3A_1141 = tpu.memref_squeeze %dma_wait3A_1140 : memref<1x80xi32, #tpu.memory_space<vmem>> -> memref<80xi32, #tpu.memory_space<vmem>>
        %dma_wait3A_1142 = arith.constant 0 : i32
        %dma_wait3A_1143 = tpu.memref_slice %arg14[%dma_wait3A_1142] : memref<10000xf32, #tpu.memory_space<vmem_shared>> -> memref<10000xf32, #tpu.memory_space<vmem_shared>>
        tpu.wait_indirect_dma semaphore(%run_scoped3A_1133 : memref<!tpu.dma_semaphore, #tpu.memory_space<semaphore_mem>>) src(%arg12 : memref<80xf32, #tpu.memory_space<vmem>>) dst(%dma_wait3A_1143 : memref<10000xf32, #tpu.memory_space<vmem_shared>>)
        tpu.yield
      }) : () -> ()
      %add3A_1116 = arith.constant 2 : i32
      %add3A_1117 = arith.addi %mul3A_1100, %add3A_1116 : i32
      %dma_start3A_1118 = arith.constant 0 : i32
      %dma_start3A_1119 = tpu.memref_slice %arg8[%add3A_1117, %dma_start3A_1118] : memref<125x80xi32, #tpu.memory_space<vmem>> -> memref<1x80xi32, #tpu.memory_space<vmem>>
      %dma_start3A_1120 = tpu.memref_squeeze %dma_start3A_1119 : memref<1x80xi32, #tpu.memory_space<vmem>> -> memref<80xi32, #tpu.memory_space<vmem>>
      %dma_start3A_1121 = arith.constant 0 : i32
      %dma_start3A_1122 = arith.constant 0 : i32
      %dma_start3A_1123 = tpu.memref_slice %arg2[%dma_start3A_1121, %dma_start3A_1122] : memref<10000x32xf32, #tpu.memory_space<hbm>> -> memref<10000x32xf32, #tpu.memory_space<hbm>>
      tpu.enqueue_indirect_dma source(%dma_start3A_1123 : memref<10000x32xf32, #tpu.memory_space<hbm>>) target(%arg10 : memref<80x32xf32, #tpu.memory_space<vmem>>) offsets(%dma_start3A_1120 : memref<80xi32, #tpu.memory_space<vmem>>) semaphore(%arg15 : memref<!tpu.dma_semaphore, #tpu.memory_space<semaphore_mem>>)
      %dma_wait3A_1124 = arith.constant 0 : i32
      %dma_wait3A_1125 = arith.constant 0 : i32
      %dma_wait3A_1126 = tpu.memref_slice %arg8[%dma_wait3A_1124, %dma_wait3A_1125] : memref<125x80xi32, #tpu.memory_space<vmem>> -> memref<1x80xi32, #tpu.memory_space<vmem>>
      %dma_wait3A_1127 = tpu.memref_squeeze %dma_wait3A_1126 : memref<1x80xi32, #tpu.memory_space<vmem>> -> memref<80xi32, #tpu.memory_space<vmem>>
      %dma_wait3A_1128 = arith.constant 0 : i32
      %dma_wait3A_1129 = arith.constant 0 : i32
      %dma_wait3A_1130 = tpu.memref_slice %arg2[%dma_wait3A_1128, %dma_wait3A_1129] : memref<10000x32xf32, #tpu.memory_space<hbm>> -> memref<10000x32xf32, #tpu.memory_space<hbm>>
      tpu.wait_indirect_dma semaphore(%arg16 : memref<!tpu.dma_semaphore, #tpu.memory_space<semaphore_mem>>) src(%dma_wait3A_1130 : memref<10000x32xf32, #tpu.memory_space<hbm>>) dst(%arg11 : memref<80x32xf32, #tpu.memory_space<vmem>>)
      %add3A_1131 = arith.constant 1 : i32
      %add3A_1132 = arith.addi %mul3A_1100, %add3A_1131 : i32
      "tpu.region"() ({
        %run_scoped3A_1133 = tpu.sem_alloc : memref<!tpu.dma_semaphore, #tpu.memory_space<semaphore_mem>>
        %dma_start3A_1134 = arith.constant 0 : i32
        %dma_start3A_1135 = tpu.memref_slice %arg9[%add3A_1132, %dma_start3A_1134] : memref<125x80xi32, #tpu.memory_space<vmem>> -> memref<1x80xi32, #tpu.memory_space<vmem>>
        %dma_start3A_1136 = tpu.memref_squeeze %dma_start3A_1135 : memref<1x80xi32, #tpu.memory_space<vmem>> -> memref<80xi32, #tpu.memory_space<vmem>>
        %dma_start3A_1137 = arith.constant 0 : i32
        %dma_start3A_1138 = arith.constant 0 : i32
        %dma_start3A_1139 = tpu.memref_slice %arg13[%dma_start3A_1137, %dma_start3A_1138] : memref<10000x32xf32, #tpu.memory_space<vmem_shared>> -> memref<10000x32xf32, #tpu.memory_space<vmem_shared>>
        tpu.enqueue_indirect_dma source(%arg11 : memref<80x32xf32, #tpu.memory_space<vmem>>) target(%dma_start3A_1139 : memref<10000x32xf32, #tpu.memory_space<vmem_shared>>) offsets(%dma_start3A_1136 : memref<80xi32, #tpu.memory_space<vmem>>) semaphore(%run_scoped3A_1133 : memref<!tpu.dma_semaphore, #tpu.memory_space<semaphore_mem>>) {add = true}
        %dma_wait3A_1140 = arith.constant 0 : i32
        %dma_wait3A_1141 = tpu.memref_slice %arg9[%add3A_1132, %dma_wait3A_1140] : memref<125x80xi32, #tpu.memory_space<vmem>> -> memref<1x80xi32, #tpu.memory_space<vmem>>
        %dma_wait3A_1142 = tpu.memref_squeeze %dma_wait3A_1141 : memref<1x80xi32, #tpu.memory_space<vmem>> -> memref<80xi32, #tpu.memory_space<vmem>>
        %dma_wait3A_1143 = arith.constant 0 : i32
        %dma_wait3A_1144 = arith.constant 0 : i32
        %dma_wait3A_1145 = tpu.memref_slice %arg13[%dma_wait3A_1143, %dma_wait3A_1144] : memref<10000x32xf32, #tpu.memory_space<vmem_shared>> -> memref<10000x32xf32, #tpu.memory_space<vmem_shared>>
        tpu.wait_indirect_dma semaphore(%run_scoped3A_1133 : memref<!tpu.dma_semaphore, #tpu.memory_space<semaphore_mem>>) src(%arg11 : memref<80x32xf32, #tpu.memory_space<vmem>>) dst(%dma_wait3A_1145 : memref<10000x32xf32, #tpu.memory_space<vmem_shared>>)
        tpu.yield
      }) : () -> ()
      "tpu.region"() ({
        %run_scoped3A_1133 = tpu.sem_alloc : memref<!tpu.dma_semaphore, #tpu.memory_space<semaphore_mem>>
        %dma_start3A_1134 = arith.constant 0 : i32
        %dma_start3A_1135 = tpu.memref_slice %arg9[%add3A_1132, %dma_start3A_1134] : memref<125x80xi32, #tpu.memory_space<vmem>> -> memref<1x80xi32, #tpu.memory_space<vmem>>
        %dma_start3A_1136 = tpu.memref_squeeze %dma_start3A_1135 : memref<1x80xi32, #tpu.memory_space<vmem>> -> memref<80xi32, #tpu.memory_space<vmem>>
        %dma_start3A_1137 = arith.constant 0 : i32
        %dma_start3A_1138 = tpu.memref_slice %arg14[%dma_start3A_1137] : memref<10000xf32, #tpu.memory_space<vmem_shared>> -> memref<10000xf32, #tpu.memory_space<vmem_shared>>
        tpu.enqueue_indirect_dma source(%arg12 : memref<80xf32, #tpu.memory_space<vmem>>) target(%dma_start3A_1138 : memref<10000xf32, #tpu.memory_space<vmem_shared>>) offsets(%dma_start3A_1136 : memref<80xi32, #tpu.memory_space<vmem>>) semaphore(%run_scoped3A_1133 : memref<!tpu.dma_semaphore, #tpu.memory_space<semaphore_mem>>) {add = true}
        %dma_wait3A_1139 = arith.constant 0 : i32
        %dma_wait3A_1140 = tpu.memref_slice %arg9[%add3A_1132, %dma_wait3A_1139] : memref<125x80xi32, #tpu.memory_space<vmem>> -> memref<1x80xi32, #tpu.memory_space<vmem>>
        %dma_wait3A_1141 = tpu.memref_squeeze %dma_wait3A_1140 : memref<1x80xi32, #tpu.memory_space<vmem>> -> memref<80xi32, #tpu.memory_space<vmem>>
        %dma_wait3A_1142 = arith.constant 0 : i32
        %dma_wait3A_1143 = tpu.memref_slice %arg14[%dma_wait3A_1142] : memref<10000xf32, #tpu.memory_space<vmem_shared>> -> memref<10000xf32, #tpu.memory_space<vmem_shared>>
        tpu.wait_indirect_dma semaphore(%run_scoped3A_1133 : memref<!tpu.dma_semaphore, #tpu.memory_space<semaphore_mem>>) src(%arg12 : memref<80xf32, #tpu.memory_space<vmem>>) dst(%dma_wait3A_1143 : memref<10000xf32, #tpu.memory_space<vmem_shared>>)
        tpu.yield
      }) : () -> ()
    }
    %scan3A_1068 = arith.constant 62 : i32
    %dma_wait3A = arith.constant 0 : i32
    %dma_wait3A_1069 = arith.constant 0 : i32
    %dma_wait3A_1070 = tpu.memref_slice %arg8[%dma_wait3A, %dma_wait3A_1069] : memref<125x80xi32, #tpu.memory_space<vmem>> -> memref<1x80xi32, #tpu.memory_space<vmem>>
    %dma_wait3A_1071 = tpu.memref_squeeze %dma_wait3A_1070 : memref<1x80xi32, #tpu.memory_space<vmem>> -> memref<80xi32, #tpu.memory_space<vmem>>
    %dma_wait3A_1072 = arith.constant 0 : i32
    %dma_wait3A_1073 = arith.constant 0 : i32
    %dma_wait3A_1074 = tpu.memref_slice %arg2[%dma_wait3A_1072, %dma_wait3A_1073] : memref<10000x32xf32, #tpu.memory_space<hbm>> -> memref<10000x32xf32, #tpu.memory_space<hbm>>
    tpu.wait_indirect_dma semaphore(%arg15 : memref<!tpu.dma_semaphore, #tpu.memory_space<semaphore_mem>>) src(%dma_wait3A_1074 : memref<10000x32xf32, #tpu.memory_space<hbm>>) dst(%arg10 : memref<80x32xf32, #tpu.memory_space<vmem>>)
    %run_scoped3A = arith.constant 124 : i32
    "tpu.region"() ({
      %run_scoped3A_1098 = tpu.sem_alloc : memref<!tpu.dma_semaphore, #tpu.memory_space<semaphore_mem>>
      %dma_start3A_1099 = arith.constant 0 : i32
      %dma_start3A_1100 = tpu.memref_slice %arg9[%run_scoped3A, %dma_start3A_1099] : memref<125x80xi32, #tpu.memory_space<vmem>> -> memref<1x80xi32, #tpu.memory_space<vmem>>
      %dma_start3A_1101 = tpu.memref_squeeze %dma_start3A_1100 : memref<1x80xi32, #tpu.memory_space<vmem>> -> memref<80xi32, #tpu.memory_space<vmem>>
      %dma_start3A_1102 = arith.constant 0 : i32
      %dma_start3A_1103 = arith.constant 0 : i32
      %dma_start3A_1104 = tpu.memref_slice %arg13[%dma_start3A_1102, %dma_start3A_1103] : memref<10000x32xf32, #tpu.memory_space<vmem_shared>> -> memref<10000x32xf32, #tpu.memory_space<vmem_shared>>
      tpu.enqueue_indirect_dma source(%arg10 : memref<80x32xf32, #tpu.memory_space<vmem>>) target(%dma_start3A_1104 : memref<10000x32xf32, #tpu.memory_space<vmem_shared>>) offsets(%dma_start3A_1101 : memref<80xi32, #tpu.memory_space<vmem>>) semaphore(%run_scoped3A_1098 : memref<!tpu.dma_semaphore, #tpu.memory_space<semaphore_mem>>) {add = true}
      %dma_wait3A_1105 = arith.constant 0 : i32
      %dma_wait3A_1106 = tpu.memref_slice %arg9[%run_scoped3A, %dma_wait3A_1105] : memref<125x80xi32, #tpu.memory_space<vmem>> -> memref<1x80xi32, #tpu.memory_space<vmem>>
      %dma_wait3A_1107 = tpu.memref_squeeze %dma_wait3A_1106 : memref<1x80xi32, #tpu.memory_space<vmem>> -> memref<80xi32, #tpu.memory_space<vmem>>
      %dma_wait3A_1108 = arith.constant 0 : i32
      %dma_wait3A_1109 = arith.constant 0 : i32
      %dma_wait3A_1110 = tpu.memref_slice %arg13[%dma_wait3A_1108, %dma_wait3A_1109] : memref<10000x32xf32, #tpu.memory_space<vmem_shared>> -> memref<10000x32xf32, #tpu.memory_space<vmem_shared>>
      tpu.wait_indirect_dma semaphore(%run_scoped3A_1098 : memref<!tpu.dma_semaphore, #tpu.memory_space<semaphore_mem>>) src(%arg10 : memref<80x32xf32, #tpu.memory_space<vmem>>) dst(%dma_wait3A_1110 : memref<10000x32xf32, #tpu.memory_space<vmem_shared>>)
      tpu.yield
    }) : () -> ()
    %run_scoped3A_1075 = arith.constant 124 : i32
    "tpu.region"() ({
      %run_scoped3A_1098 = tpu.sem_alloc : memref<!tpu.dma_semaphore, #tpu.memory_space<semaphore_mem>>
      %dma_start3A_1099 = arith.constant 0 : i32
      %dma_start3A_1100 = tpu.memref_slice %arg9[%run_scoped3A_1075, %dma_start3A_1099] : memref<125x80xi32, #tpu.memory_space<vmem>> -> memref<1x80xi32, #tpu.memory_space<vmem>>
      %dma_start3A_1101 = tpu.memref_squeeze %dma_start3A_1100 : memref<1x80xi32, #tpu.memory_space<vmem>> -> memref<80xi32, #tpu.memory_space<vmem>>
      %dma_start3A_1102 = arith.constant 0 : i32
      %dma_start3A_1103 = tpu.memref_slice %arg14[%dma_start3A_1102] : memref<10000xf32, #tpu.memory_space<vmem_shared>> -> memref<10000xf32, #tpu.memory_space<vmem_shared>>
      tpu.enqueue_indirect_dma source(%arg12 : memref<80xf32, #tpu.memory_space<vmem>>) target(%dma_start3A_1103 : memref<10000xf32, #tpu.memory_space<vmem_shared>>) offsets(%dma_start3A_1101 : memref<80xi32, #tpu.memory_space<vmem>>) semaphore(%run_scoped3A_1098 : memref<!tpu.dma_semaphore, #tpu.memory_space<semaphore_mem>>) {add = true}
      %dma_wait3A_1104 = arith.constant 0 : i32
      %dma_wait3A_1105 = tpu.memref_slice %arg9[%run_scoped3A_1075, %dma_wait3A_1104] : memref<125x80xi32, #tpu.memory_space<vmem>> -> memref<1x80xi32, #tpu.memory_space<vmem>>
      %dma_wait3A_1106 = tpu.memref_squeeze %dma_wait3A_1105 : memref<1x80xi32, #tpu.memory_space<vmem>> -> memref<80xi32, #tpu.memory_space<vmem>>
      %dma_wait3A_1107 = arith.constant 0 : i32
      %dma_wait3A_1108 = tpu.memref_slice %arg14[%dma_wait3A_1107] : memref<10000xf32, #tpu.memory_space<vmem_shared>> -> memref<10000xf32, #tpu.memory_space<vmem_shared>>
      tpu.wait_indirect_dma semaphore(%run_scoped3A_1098 : memref<!tpu.dma_semaphore, #tpu.memory_space<semaphore_mem>>) src(%arg12 : memref<80xf32, #tpu.memory_space<vmem>>) dst(%dma_wait3A_1108 : memref<10000xf32, #tpu.memory_space<vmem_shared>>)
      tpu.yield
    }) : () -> ()
    %barrier3A_1076 = arith.constant 0 : index
    tpu.barrier barrier_id(%barrier3A_1076)
    %mul3A_1077 = arith.constant 640 : i32
    %mul3A_1078 = arith.muli %arg1, %mul3A_1077 : i32
    %multiple_of3A = tpu.assume_multiple %mul3A_1078, 128 : i32
    %lt3A_1079 = arith.constant 15 : i32
    %lt3A_1080 = arith.cmpi slt, %arg1, %lt3A_1079 : i32
    %convert_element_type3A_1081 = arith.extui %lt3A_1080 : i1 to i32
    %cond3A_1082 = arith.constant 0 : i32
    %cond3A_1083 = arith.cmpi ne, %convert_element_type3A_1081, %cond3A_1082 : i32
    scf.if %cond3A_1083 {
      "tpu.region"() ({
        %run_scoped3A_1098 = tpu.sem_alloc : memref<!tpu.dma_semaphore, #tpu.memory_space<semaphore_mem>>
        %dma_start3A_1099 = arith.constant 0 : i32
        %dma_start3A_1100 = arith.constant 0 : i32
        %dma_start3A_1101 = tpu.memref_slice %arg5[%arg0, %dma_start3A_1099, %dma_start3A_1100] : memref<2x10000x32xf32, #tpu.memory_space<hbm>> -> memref<1x10000x32xf32, #tpu.memory_space<hbm>>
        %dma_start3A_1102 = tpu.memref_squeeze %dma_start3A_1101 : memref<1x10000x32xf32, #tpu.memory_space<hbm>> -> memref<10000x32xf32, #tpu.memory_space<hbm>>
        %dma_start3A_1103 = arith.constant 0 : i32
        %dma_start3A_1104 = tpu.memref_slice %dma_start3A_1102[%multiple_of3A, %dma_start3A_1103] : memref<10000x32xf32, #tpu.memory_space<hbm>> -> memref<640x32xf32, #tpu.memory_space<hbm>>
        %dma_start3A_1105 = arith.constant 0 : i32
        %dma_start3A_1106 = tpu.memref_slice %arg13[%multiple_of3A, %dma_start3A_1105] : memref<10000x32xf32, #tpu.memory_space<vmem_shared>> -> memref<640x32xf32, #tpu.memory_space<vmem_shared>>
        tpu.enqueue_dma source(%dma_start3A_1106 : memref<640x32xf32, #tpu.memory_space<vmem_shared>>) target(%dma_start3A_1104 : memref<640x32xf32, #tpu.memory_space<hbm>>) target_semaphore(%run_scoped3A_1098 : memref<!tpu.dma_semaphore, #tpu.memory_space<semaphore_mem>>)
        %dma_wait3A_1107 = arith.constant 0 : i32
        %dma_wait3A_1108 = arith.constant 0 : i32
        %dma_wait3A_1109 = tpu.memref_slice %arg5[%arg0, %dma_wait3A_1107, %dma_wait3A_1108] : memref<2x10000x32xf32, #tpu.memory_space<hbm>> -> memref<1x10000x32xf32, #tpu.memory_space<hbm>>
        %dma_wait3A_1110 = tpu.memref_squeeze %dma_wait3A_1109 : memref<1x10000x32xf32, #tpu.memory_space<hbm>> -> memref<10000x32xf32, #tpu.memory_space<hbm>>
        %dma_wait3A_1111 = arith.constant 0 : i32
        %dma_wait3A_1112 = tpu.memref_slice %dma_wait3A_1110[%multiple_of3A, %dma_wait3A_1111] : memref<10000x32xf32, #tpu.memory_space<hbm>> -> memref<640x32xf32, #tpu.memory_space<hbm>>
        %dma_wait3A_1113 = arith.constant 0 : i32
        %dma_wait3A_1114 = tpu.memref_slice %arg13[%multiple_of3A, %dma_wait3A_1113] : memref<10000x32xf32, #tpu.memory_space<vmem_shared>> -> memref<640x32xf32, #tpu.memory_space<vmem_shared>>
        tpu.wait_dma2 semaphore(%run_scoped3A_1098 : memref<!tpu.dma_semaphore, #tpu.memory_space<semaphore_mem>>) src(%dma_wait3A_1114 : memref<640x32xf32, #tpu.memory_space<vmem_shared>>) dst(%dma_wait3A_1112 : memref<640x32xf32, #tpu.memory_space<hbm>>)
        tpu.yield
      }) : () -> ()
    } else {
    }
    %eq3A = arith.constant 15 : i32
    %eq3A_1084 = arith.cmpi eq, %arg1, %eq3A : i32
    %convert_element_type3A_1085 = arith.extui %eq3A_1084 : i1 to i32
    %cond3A_1086 = arith.constant 0 : i32
    %cond3A_1087 = arith.cmpi ne, %convert_element_type3A_1085, %cond3A_1086 : i32
    scf.if %cond3A_1087 {
      "tpu.region"() ({
        %run_scoped3A_1098 = tpu.sem_alloc : memref<!tpu.dma_semaphore, #tpu.memory_space<semaphore_mem>>
        %dma_start3A_1099 = arith.constant 0 : i32
        %dma_start3A_1100 = arith.constant 0 : i32
        %dma_start3A_1101 = tpu.memref_slice %arg5[%arg0, %dma_start3A_1099, %dma_start3A_1100] : memref<2x10000x32xf32, #tpu.memory_space<hbm>> -> memref<1x10000x32xf32, #tpu.memory_space<hbm>>
        %dma_start3A_1102 = tpu.memref_squeeze %dma_start3A_1101 : memref<1x10000x32xf32, #tpu.memory_space<hbm>> -> memref<10000x32xf32, #tpu.memory_space<hbm>>
        %dma_start3A_1103 = arith.constant 9600 : i32
        %dma_start3A_1104 = arith.constant 0 : i32
        %dma_start3A_1105 = tpu.memref_slice %dma_start3A_1102[%dma_start3A_1103, %dma_start3A_1104] : memref<10000x32xf32, #tpu.memory_space<hbm>> -> memref<400x32xf32, #tpu.memory_space<hbm>>
        %dma_start3A_1106 = arith.constant 9600 : i32
        %dma_start3A_1107 = arith.constant 0 : i32
        %dma_start3A_1108 = tpu.memref_slice %arg13[%dma_start3A_1106, %dma_start3A_1107] : memref<10000x32xf32, #tpu.memory_space<vmem_shared>> -> memref<400x32xf32, #tpu.memory_space<vmem_shared>>
        tpu.enqueue_dma source(%dma_start3A_1108 : memref<400x32xf32, #tpu.memory_space<vmem_shared>>) target(%dma_start3A_1105 : memref<400x32xf32, #tpu.memory_space<hbm>>) target_semaphore(%run_scoped3A_1098 : memref<!tpu.dma_semaphore, #tpu.memory_space<semaphore_mem>>)
        %dma_wait3A_1109 = arith.constant 0 : i32
        %dma_wait3A_1110 = arith.constant 0 : i32
        %dma_wait3A_1111 = tpu.memref_slice %arg5[%arg0, %dma_wait3A_1109, %dma_wait3A_1110] : memref<2x10000x32xf32, #tpu.memory_space<hbm>> -> memref<1x10000x32xf32, #tpu.memory_space<hbm>>
        %dma_wait3A_1112 = tpu.memref_squeeze %dma_wait3A_1111 : memref<1x10000x32xf32, #tpu.memory_space<hbm>> -> memref<10000x32xf32, #tpu.memory_space<hbm>>
        %dma_wait3A_1113 = arith.constant 9600 : i32
        %dma_wait3A_1114 = arith.constant 0 : i32
        %dma_wait3A_1115 = tpu.memref_slice %dma_wait3A_1112[%dma_wait3A_1113, %dma_wait3A_1114] : memref<10000x32xf32, #tpu.memory_space<hbm>> -> memref<400x32xf32, #tpu.memory_space<hbm>>
        %dma_wait3A_1116 = arith.constant 9600 : i32
        %dma_wait3A_1117 = arith.constant 0 : i32
        %dma_wait3A_1118 = tpu.memref_slice %arg13[%dma_wait3A_1116, %dma_wait3A_1117] : memref<10000x32xf32, #tpu.memory_space<vmem_shared>> -> memref<400x32xf32, #tpu.memory_space<vmem_shared>>
        tpu.wait_dma2 semaphore(%run_scoped3A_1098 : memref<!tpu.dma_semaphore, #tpu.memory_space<semaphore_mem>>) src(%dma_wait3A_1118 : memref<400x32xf32, #tpu.memory_space<vmem_shared>>) dst(%dma_wait3A_1115 : memref<400x32xf32, #tpu.memory_space<hbm>>)
        tpu.yield
      }) : () -> ()
    } else {
    }
    %eq3A_1088 = arith.constant 0 : i32
    %eq3A_1089 = arith.cmpi eq, %arg0, %eq3A_1088 : i32
    %convert_element_type3A_1090 = arith.extui %eq3A_1089 : i1 to i32
    %cond3A_1091 = arith.constant 0 : i32
    %cond3A_1092 = arith.cmpi ne, %convert_element_type3A_1090, %cond3A_1091 : i32
    scf.if %cond3A_1092 {
      %mul3A_1098 = arith.constant 640 : i32
      %mul3A_1099 = arith.muli %arg1, %mul3A_1098 : i32
      %multiple_of3A_1100 = tpu.assume_multiple %mul3A_1099, 128 : i32
      %lt3A_1101 = arith.constant 15 : i32
      %lt3A_1102 = arith.cmpi slt, %arg1, %lt3A_1101 : i32
      %convert_element_type3A_1103 = arith.extui %lt3A_1102 : i1 to i32
      %cond3A_1104 = arith.constant 0 : i32
      %cond3A_1105 = arith.cmpi ne, %convert_element_type3A_1103, %cond3A_1104 : i32
      scf.if %cond3A_1105 {
        "tpu.region"() ({
          %run_scoped3A_1111 = tpu.sem_alloc : memref<!tpu.dma_semaphore, #tpu.memory_space<semaphore_mem>>
          %dma_start3A_1112 = tpu.memref_slice %arg6[%multiple_of3A_1100] : memref<10000xf32, #tpu.memory_space<hbm>> -> memref<640xf32, #tpu.memory_space<hbm>>
          %dma_start3A_1113 = tpu.memref_slice %arg14[%multiple_of3A_1100] : memref<10000xf32, #tpu.memory_space<vmem_shared>> -> memref<640xf32, #tpu.memory_space<vmem_shared>>
          tpu.enqueue_dma source(%dma_start3A_1113 : memref<640xf32, #tpu.memory_space<vmem_shared>>) target(%dma_start3A_1112 : memref<640xf32, #tpu.memory_space<hbm>>) target_semaphore(%run_scoped3A_1111 : memref<!tpu.dma_semaphore, #tpu.memory_space<semaphore_mem>>)
          %dma_wait3A_1114 = tpu.memref_slice %arg6[%multiple_of3A_1100] : memref<10000xf32, #tpu.memory_space<hbm>> -> memref<640xf32, #tpu.memory_space<hbm>>
          %dma_wait3A_1115 = tpu.memref_slice %arg14[%multiple_of3A_1100] : memref<10000xf32, #tpu.memory_space<vmem_shared>> -> memref<640xf32, #tpu.memory_space<vmem_shared>>
          tpu.wait_dma2 semaphore(%run_scoped3A_1111 : memref<!tpu.dma_semaphore, #tpu.memory_space<semaphore_mem>>) src(%dma_wait3A_1115 : memref<640xf32, #tpu.memory_space<vmem_shared>>) dst(%dma_wait3A_1114 : memref<640xf32, #tpu.memory_space<hbm>>)
          tpu.yield
        }) : () -> ()
      } else {
      }
      %eq3A_1106 = arith.constant 15 : i32
      %eq3A_1107 = arith.cmpi eq, %arg1, %eq3A_1106 : i32
      %convert_element_type3A_1108 = arith.extui %eq3A_1107 : i1 to i32
      %cond3A_1109 = arith.constant 0 : i32
      %cond3A_1110 = arith.cmpi ne, %convert_element_type3A_1108, %cond3A_1109 : i32
      scf.if %cond3A_1110 {
        "tpu.region"() ({
          %run_scoped3A_1111 = tpu.sem_alloc : memref<!tpu.dma_semaphore, #tpu.memory_space<semaphore_mem>>
          %dma_start3A_1112 = arith.constant 9600 : i32
          %dma_start3A_1113 = tpu.memref_slice %arg6[%dma_start3A_1112] : memref<10000xf32, #tpu.memory_space<hbm>> -> memref<400xf32, #tpu.memory_space<hbm>>
          %dma_start3A_1114 = arith.constant 9600 : i32
          %dma_start3A_1115 = tpu.memref_slice %arg14[%dma_start3A_1114] : memref<10000xf32, #tpu.memory_space<vmem_shared>> -> memref<400xf32, #tpu.memory_space<vmem_shared>>
          tpu.enqueue_dma source(%dma_start3A_1115 : memref<400xf32, #tpu.memory_space<vmem_shared>>) target(%dma_start3A_1113 : memref<400xf32, #tpu.memory_space<hbm>>) target_semaphore(%run_scoped3A_1111 : memref<!tpu.dma_semaphore, #tpu.memory_space<semaphore_mem>>)
          %dma_wait3A_1116 = arith.constant 9600 : i32
          %dma_wait3A_1117 = tpu.memref_slice %arg6[%dma_wait3A_1116] : memref<10000xf32, #tpu.memory_space<hbm>> -> memref<400xf32, #tpu.memory_space<hbm>>
          %dma_wait3A_1118 = arith.constant 9600 : i32
          %dma_wait3A_1119 = tpu.memref_slice %arg14[%dma_wait3A_1118] : memref<10000xf32, #tpu.memory_space<vmem_shared>> -> memref<400xf32, #tpu.memory_space<vmem_shared>>
          tpu.wait_dma2 semaphore(%run_scoped3A_1111 : memref<!tpu.dma_semaphore, #tpu.memory_space<semaphore_mem>>) src(%dma_wait3A_1119 : memref<400xf32, #tpu.memory_space<vmem_shared>>) dst(%dma_wait3A_1117 : memref<400xf32, #tpu.memory_space<hbm>>)
          tpu.yield
        }) : () -> ()
      } else {
      }
    } else {
    }
    %eq3A_1093 = arith.constant 1 : i32
    %eq3A_1094 = arith.cmpi eq, %arg0, %eq3A_1093 : i32
    %convert_element_type3A_1095 = arith.extui %eq3A_1094 : i1 to i32
    %cond3A_1096 = arith.constant 0 : i32
    %cond3A_1097 = arith.cmpi ne, %convert_element_type3A_1095, %cond3A_1096 : i32
    scf.if %cond3A_1097 {
      %mul3A_1098 = arith.constant 640 : i32
      %mul3A_1099 = arith.muli %arg1, %mul3A_1098 : i32
      %multiple_of3A_1100 = tpu.assume_multiple %mul3A_1099, 128 : i32
      %lt3A_1101 = arith.constant 15 : i32
      %lt3A_1102 = arith.cmpi slt, %arg1, %lt3A_1101 : i32
      %convert_element_type3A_1103 = arith.extui %lt3A_1102 : i1 to i32
      %cond3A_1104 = arith.constant 0 : i32
      %cond3A_1105 = arith.cmpi ne, %convert_element_type3A_1103, %cond3A_1104 : i32
      scf.if %cond3A_1105 {
        "tpu.region"() ({
          %run_scoped3A_1111 = tpu.sem_alloc : memref<!tpu.dma_semaphore, #tpu.memory_space<semaphore_mem>>
          %dma_start3A_1112 = tpu.memref_slice %arg7[%multiple_of3A_1100] : memref<10000xf32, #tpu.memory_space<hbm>> -> memref<640xf32, #tpu.memory_space<hbm>>
          %dma_start3A_1113 = tpu.memref_slice %arg14[%multiple_of3A_1100] : memref<10000xf32, #tpu.memory_space<vmem_shared>> -> memref<640xf32, #tpu.memory_space<vmem_shared>>
          tpu.enqueue_dma source(%dma_start3A_1113 : memref<640xf32, #tpu.memory_space<vmem_shared>>) target(%dma_start3A_1112 : memref<640xf32, #tpu.memory_space<hbm>>) target_semaphore(%run_scoped3A_1111 : memref<!tpu.dma_semaphore, #tpu.memory_space<semaphore_mem>>)
          %dma_wait3A_1114 = tpu.memref_slice %arg7[%multiple_of3A_1100] : memref<10000xf32, #tpu.memory_space<hbm>> -> memref<640xf32, #tpu.memory_space<hbm>>
          %dma_wait3A_1115 = tpu.memref_slice %arg14[%multiple_of3A_1100] : memref<10000xf32, #tpu.memory_space<vmem_shared>> -> memref<640xf32, #tpu.memory_space<vmem_shared>>
          tpu.wait_dma2 semaphore(%run_scoped3A_1111 : memref<!tpu.dma_semaphore, #tpu.memory_space<semaphore_mem>>) src(%dma_wait3A_1115 : memref<640xf32, #tpu.memory_space<vmem_shared>>) dst(%dma_wait3A_1114 : memref<640xf32, #tpu.memory_space<hbm>>)
          tpu.yield
        }) : () -> ()
      } else {
      }
      %eq3A_1106 = arith.constant 15 : i32
      %eq3A_1107 = arith.cmpi eq, %arg1, %eq3A_1106 : i32
      %convert_element_type3A_1108 = arith.extui %eq3A_1107 : i1 to i32
      %cond3A_1109 = arith.constant 0 : i32
      %cond3A_1110 = arith.cmpi ne, %convert_element_type3A_1108, %cond3A_1109 : i32
      scf.if %cond3A_1110 {
        "tpu.region"() ({
          %run_scoped3A_1111 = tpu.sem_alloc : memref<!tpu.dma_semaphore, #tpu.memory_space<semaphore_mem>>
          %dma_start3A_1112 = arith.constant 9600 : i32
          %dma_start3A_1113 = tpu.memref_slice %arg7[%dma_start3A_1112] : memref<10000xf32, #tpu.memory_space<hbm>> -> memref<400xf32, #tpu.memory_space<hbm>>
          %dma_start3A_1114 = arith.constant 9600 : i32
          %dma_start3A_1115 = tpu.memref_slice %arg14[%dma_start3A_1114] : memref<10000xf32, #tpu.memory_space<vmem_shared>> -> memref<400xf32, #tpu.memory_space<vmem_shared>>
          tpu.enqueue_dma source(%dma_start3A_1115 : memref<400xf32, #tpu.memory_space<vmem_shared>>) target(%dma_start3A_1113 : memref<400xf32, #tpu.memory_space<hbm>>) target_semaphore(%run_scoped3A_1111 : memref<!tpu.dma_semaphore, #tpu.memory_space<semaphore_mem>>)
          %dma_wait3A_1116 = arith.constant 9600 : i32
          %dma_wait3A_1117 = tpu.memref_slice %arg7[%dma_wait3A_1116] : memref<10000xf32, #tpu.memory_space<hbm>> -> memref<400xf32, #tpu.memory_space<hbm>>
          %dma_wait3A_1118 = arith.constant 9600 : i32
          %dma_wait3A_1119 = tpu.memref_slice %arg14[%dma_wait3A_1118] : memref<10000xf32, #tpu.memory_space<vmem_shared>> -> memref<400xf32, #tpu.memory_space<vmem_shared>>
          tpu.wait_dma2 semaphore(%run_scoped3A_1111 : memref<!tpu.dma_semaphore, #tpu.memory_space<semaphore_mem>>) src(%dma_wait3A_1119 : memref<400xf32, #tpu.memory_space<vmem_shared>>) dst(%dma_wait3A_1117 : memref<400xf32, #tpu.memory_space<hbm>>)
          tpu.yield
        }) : () -> ()
      } else {
      }
    } else {
    }
    return
  }
}

#map = affine_map<(d0, d1) -> (0, 0)>
#map1 = affine_map<(d0, d1) -> (0, 0, 0)>
module attributes {stable_mosaic.version = 14 : i64} {
  func.func @_sc_head_gather(%arg0: i32, %arg1: i32, %arg2: memref<20000x64xf32, #tpu.memory_space<hbm>>, %arg3: memref<32x125x40xi32, #tpu.memory_space<hbm>>, %arg4: memref<32x125x40xi32, #tpu.memory_space<hbm>>, %arg5: memref<160000x128xf32, #tpu.memory_space<hbm>>, %arg6: memref<125x40xi32, #tpu.memory_space<vmem>>, %arg7: memref<125x40xi32, #tpu.memory_space<vmem>>, %arg8: memref<40x64xf32, #tpu.memory_space<vmem>>, %arg9: memref<40x64xf32, #tpu.memory_space<vmem>>, %arg10: memref<40x64xf32, #tpu.memory_space<vmem>>, %arg11: memref<40x64xf32, #tpu.memory_space<vmem>>, %arg12: memref<!tpu.dma_semaphore, #tpu.memory_space<semaphore_mem>>, %arg13: memref<!tpu.dma_semaphore, #tpu.memory_space<semaphore_mem>>, %arg14: memref<!tpu.dma_semaphore, #tpu.memory_space<semaphore_mem>>, %arg15: memref<!tpu.dma_semaphore, #tpu.memory_space<semaphore_mem>>) attributes {dimension_semantics = [#tpu.dimension_semantics<core_parallel>, #tpu.dimension_semantics<subcore_parallel>], iteration_bounds = array<i64: 2, 16>, scalar_prefetch = 0 : i64, scratch_operands = 10 : i64, tpu.core_type = #tpu.core_type<sc_vector_subcore>, window_params = [{transform_indices = #map}, {transform_indices = #map1}, {transform_indices = #map1}, {transform_indices = #map}]} {
    %mul3A = arith.constant 16 : i32
    %mul3A_0 = arith.muli %arg0, %mul3A : i32
    %add3A = arith.addi %mul3A_0, %arg1 : i32
    %mul3A_1 = arith.constant 5000 : i32
    %mul3A_2 = arith.muli %add3A, %mul3A_1 : i32
    "tpu.region"() ({
      %run_scoped3A = tpu.sem_alloc : memref<!tpu.dma_semaphore, #tpu.memory_space<semaphore_mem>>
      %dma_start3A_36 = arith.constant 0 : i32
      %dma_start3A_37 = arith.constant 0 : i32
      %dma_start3A_38 = tpu.memref_slice %arg3[%add3A, %dma_start3A_36, %dma_start3A_37] : memref<32x125x40xi32, #tpu.memory_space<hbm>> -> memref<1x125x40xi32, #tpu.memory_space<hbm>>
      %dma_start3A_39 = tpu.memref_squeeze %dma_start3A_38 : memref<1x125x40xi32, #tpu.memory_space<hbm>> -> memref<125x40xi32, #tpu.memory_space<hbm>>
      %dma_start3A_40 = arith.constant 0 : i32
      %dma_start3A_41 = arith.constant 0 : i32
      %dma_start3A_42 = tpu.memref_slice %arg3[%add3A, %dma_start3A_40, %dma_start3A_41] : memref<32x125x40xi32, #tpu.memory_space<hbm>> -> memref<1x125x40xi32, #tpu.memory_space<hbm>>
      %dma_start3A_43 = tpu.memref_squeeze %dma_start3A_42 : memref<1x125x40xi32, #tpu.memory_space<hbm>> -> memref<125x40xi32, #tpu.memory_space<hbm>>
      tpu.enqueue_dma source(%dma_start3A_43 : memref<125x40xi32, #tpu.memory_space<hbm>>) target(%arg6 : memref<125x40xi32, #tpu.memory_space<vmem>>) target_semaphore(%run_scoped3A : memref<!tpu.dma_semaphore, #tpu.memory_space<semaphore_mem>>)
      %dma_wait3A_44 = arith.constant 0 : i32
      %dma_wait3A_45 = arith.constant 0 : i32
      %dma_wait3A_46 = tpu.memref_slice %arg3[%add3A, %dma_wait3A_44, %dma_wait3A_45] : memref<32x125x40xi32, #tpu.memory_space<hbm>> -> memref<1x125x40xi32, #tpu.memory_space<hbm>>
      %dma_wait3A_47 = tpu.memref_squeeze %dma_wait3A_46 : memref<1x125x40xi32, #tpu.memory_space<hbm>> -> memref<125x40xi32, #tpu.memory_space<hbm>>
      %dma_wait3A_48 = arith.constant 0 : i32
      %dma_wait3A_49 = arith.constant 0 : i32
      %dma_wait3A_50 = tpu.memref_slice %arg3[%add3A, %dma_wait3A_48, %dma_wait3A_49] : memref<32x125x40xi32, #tpu.memory_space<hbm>> -> memref<1x125x40xi32, #tpu.memory_space<hbm>>
      %dma_wait3A_51 = tpu.memref_squeeze %dma_wait3A_50 : memref<1x125x40xi32, #tpu.memory_space<hbm>> -> memref<125x40xi32, #tpu.memory_space<hbm>>
      tpu.wait_dma2 semaphore(%run_scoped3A : memref<!tpu.dma_semaphore, #tpu.memory_space<semaphore_mem>>) src(%dma_wait3A_51 : memref<125x40xi32, #tpu.memory_space<hbm>>) dst(%arg6 : memref<125x40xi32, #tpu.memory_space<vmem>>)
      tpu.yield
    }) : () -> ()
    "tpu.region"() ({
      %run_scoped3A = tpu.sem_alloc : memref<!tpu.dma_semaphore, #tpu.memory_space<semaphore_mem>>
      %dma_start3A_36 = arith.constant 0 : i32
      %dma_start3A_37 = arith.constant 0 : i32
      %dma_start3A_38 = tpu.memref_slice %arg4[%add3A, %dma_start3A_36, %dma_start3A_37] : memref<32x125x40xi32, #tpu.memory_space<hbm>> -> memref<1x125x40xi32, #tpu.memory_space<hbm>>
      %dma_start3A_39 = tpu.memref_squeeze %dma_start3A_38 : memref<1x125x40xi32, #tpu.memory_space<hbm>> -> memref<125x40xi32, #tpu.memory_space<hbm>>
      %dma_start3A_40 = arith.constant 0 : i32
      %dma_start3A_41 = arith.constant 0 : i32
      %dma_start3A_42 = tpu.memref_slice %arg4[%add3A, %dma_start3A_40, %dma_start3A_41] : memref<32x125x40xi32, #tpu.memory_space<hbm>> -> memref<1x125x40xi32, #tpu.memory_space<hbm>>
      %dma_start3A_43 = tpu.memref_squeeze %dma_start3A_42 : memref<1x125x40xi32, #tpu.memory_space<hbm>> -> memref<125x40xi32, #tpu.memory_space<hbm>>
      tpu.enqueue_dma source(%dma_start3A_43 : memref<125x40xi32, #tpu.memory_space<hbm>>) target(%arg7 : memref<125x40xi32, #tpu.memory_space<vmem>>) target_semaphore(%run_scoped3A : memref<!tpu.dma_semaphore, #tpu.memory_space<semaphore_mem>>)
      %dma_wait3A_44 = arith.constant 0 : i32
      %dma_wait3A_45 = arith.constant 0 : i32
      %dma_wait3A_46 = tpu.memref_slice %arg4[%add3A, %dma_wait3A_44, %dma_wait3A_45] : memref<32x125x40xi32, #tpu.memory_space<hbm>> -> memref<1x125x40xi32, #tpu.memory_space<hbm>>
      %dma_wait3A_47 = tpu.memref_squeeze %dma_wait3A_46 : memref<1x125x40xi32, #tpu.memory_space<hbm>> -> memref<125x40xi32, #tpu.memory_space<hbm>>
      %dma_wait3A_48 = arith.constant 0 : i32
      %dma_wait3A_49 = arith.constant 0 : i32
      %dma_wait3A_50 = tpu.memref_slice %arg4[%add3A, %dma_wait3A_48, %dma_wait3A_49] : memref<32x125x40xi32, #tpu.memory_space<hbm>> -> memref<1x125x40xi32, #tpu.memory_space<hbm>>
      %dma_wait3A_51 = tpu.memref_squeeze %dma_wait3A_50 : memref<1x125x40xi32, #tpu.memory_space<hbm>> -> memref<125x40xi32, #tpu.memory_space<hbm>>
      tpu.wait_dma2 semaphore(%run_scoped3A : memref<!tpu.dma_semaphore, #tpu.memory_space<semaphore_mem>>) src(%dma_wait3A_51 : memref<125x40xi32, #tpu.memory_space<hbm>>) dst(%arg7 : memref<125x40xi32, #tpu.memory_space<vmem>>)
      tpu.yield
    }) : () -> ()
    %dma_start3A = arith.constant 0 : i32
    %dma_start3A_3 = arith.constant 0 : i32
    %dma_start3A_4 = tpu.memref_slice %arg6[%dma_start3A, %dma_start3A_3] : memref<125x40xi32, #tpu.memory_space<vmem>> -> memref<1x40xi32, #tpu.memory_space<vmem>>
    %dma_start3A_5 = tpu.memref_squeeze %dma_start3A_4 : memref<1x40xi32, #tpu.memory_space<vmem>> -> memref<40xi32, #tpu.memory_space<vmem>>
    %dma_start3A_6 = arith.constant 0 : i32
    %dma_start3A_7 = arith.constant 0 : i32
    %dma_start3A_8 = tpu.memref_slice %arg2[%dma_start3A_6, %dma_start3A_7] : memref<20000x64xf32, #tpu.memory_space<hbm>> -> memref<20000x64xf32, #tpu.memory_space<hbm>>
    tpu.enqueue_indirect_dma source(%dma_start3A_8 : memref<20000x64xf32, #tpu.memory_space<hbm>>) target(%arg8 : memref<40x64xf32, #tpu.memory_space<vmem>>) offsets(%dma_start3A_5 : memref<40xi32, #tpu.memory_space<vmem>>) semaphore(%arg12 : memref<!tpu.dma_semaphore, #tpu.memory_space<semaphore_mem>>)
    %dma_start3A_9 = arith.constant 0 : i32
    %dma_start3A_10 = arith.constant 0 : i32
    %dma_start3A_11 = tpu.memref_slice %arg7[%dma_start3A_9, %dma_start3A_10] : memref<125x40xi32, #tpu.memory_space<vmem>> -> memref<1x40xi32, #tpu.memory_space<vmem>>
    %dma_start3A_12 = tpu.memref_squeeze %dma_start3A_11 : memref<1x40xi32, #tpu.memory_space<vmem>> -> memref<40xi32, #tpu.memory_space<vmem>>
    %dma_start3A_13 = arith.constant 0 : i32
    %dma_start3A_14 = arith.constant 0 : i32
    %dma_start3A_15 = tpu.memref_slice %arg2[%dma_start3A_13, %dma_start3A_14] : memref<20000x64xf32, #tpu.memory_space<hbm>> -> memref<20000x64xf32, #tpu.memory_space<hbm>>
    tpu.enqueue_indirect_dma source(%dma_start3A_15 : memref<20000x64xf32, #tpu.memory_space<hbm>>) target(%arg9 : memref<40x64xf32, #tpu.memory_space<vmem>>) offsets(%dma_start3A_12 : memref<40xi32, #tpu.memory_space<vmem>>) semaphore(%arg13 : memref<!tpu.dma_semaphore, #tpu.memory_space<semaphore_mem>>)
    %scan3A = arith.constant 0 : i32
    %scan3A_16 = arith.constant 0 : i32
    %scan3A_17 = arith.constant 62 : i32
    %scan3A_18 = arith.addi %scan3A_16, %scan3A_17 : i32
    %scan3A_19 = arith.constant 1 : i32
    scf.for %scan3A_36 = %scan3A_16 to %scan3A_18 step %scan3A_19  : i32 {
      %mul3A_37 = arith.constant 2 : i32
      %mul3A_38 = arith.muli %mul3A_37, %scan3A_36 : i32
      %add3A_39 = arith.constant 1 : i32
      %add3A_40 = arith.addi %mul3A_38, %add3A_39 : i32
      %dma_start3A_41 = arith.constant 0 : i32
      %dma_start3A_42 = tpu.memref_slice %arg6[%add3A_40, %dma_start3A_41] : memref<125x40xi32, #tpu.memory_space<vmem>> -> memref<1x40xi32, #tpu.memory_space<vmem>>
      %dma_start3A_43 = tpu.memref_squeeze %dma_start3A_42 : memref<1x40xi32, #tpu.memory_space<vmem>> -> memref<40xi32, #tpu.memory_space<vmem>>
      %dma_start3A_44 = arith.constant 0 : i32
      %dma_start3A_45 = arith.constant 0 : i32
      %dma_start3A_46 = tpu.memref_slice %arg2[%dma_start3A_44, %dma_start3A_45] : memref<20000x64xf32, #tpu.memory_space<hbm>> -> memref<20000x64xf32, #tpu.memory_space<hbm>>
      tpu.enqueue_indirect_dma source(%dma_start3A_46 : memref<20000x64xf32, #tpu.memory_space<hbm>>) target(%arg10 : memref<40x64xf32, #tpu.memory_space<vmem>>) offsets(%dma_start3A_43 : memref<40xi32, #tpu.memory_space<vmem>>) semaphore(%arg14 : memref<!tpu.dma_semaphore, #tpu.memory_space<semaphore_mem>>)
      %dma_start3A_47 = arith.constant 0 : i32
      %dma_start3A_48 = tpu.memref_slice %arg7[%add3A_40, %dma_start3A_47] : memref<125x40xi32, #tpu.memory_space<vmem>> -> memref<1x40xi32, #tpu.memory_space<vmem>>
      %dma_start3A_49 = tpu.memref_squeeze %dma_start3A_48 : memref<1x40xi32, #tpu.memory_space<vmem>> -> memref<40xi32, #tpu.memory_space<vmem>>
      %dma_start3A_50 = arith.constant 0 : i32
      %dma_start3A_51 = arith.constant 0 : i32
      %dma_start3A_52 = tpu.memref_slice %arg2[%dma_start3A_50, %dma_start3A_51] : memref<20000x64xf32, #tpu.memory_space<hbm>> -> memref<20000x64xf32, #tpu.memory_space<hbm>>
      tpu.enqueue_indirect_dma source(%dma_start3A_52 : memref<20000x64xf32, #tpu.memory_space<hbm>>) target(%arg11 : memref<40x64xf32, #tpu.memory_space<vmem>>) offsets(%dma_start3A_49 : memref<40xi32, #tpu.memory_space<vmem>>) semaphore(%arg15 : memref<!tpu.dma_semaphore, #tpu.memory_space<semaphore_mem>>)
      %dma_wait3A_53 = arith.constant 0 : i32
      %dma_wait3A_54 = arith.constant 0 : i32
      %dma_wait3A_55 = tpu.memref_slice %arg6[%dma_wait3A_53, %dma_wait3A_54] : memref<125x40xi32, #tpu.memory_space<vmem>> -> memref<1x40xi32, #tpu.memory_space<vmem>>
      %dma_wait3A_56 = tpu.memref_squeeze %dma_wait3A_55 : memref<1x40xi32, #tpu.memory_space<vmem>> -> memref<40xi32, #tpu.memory_space<vmem>>
      %dma_wait3A_57 = arith.constant 0 : i32
      %dma_wait3A_58 = arith.constant 0 : i32
      %dma_wait3A_59 = tpu.memref_slice %arg2[%dma_wait3A_57, %dma_wait3A_58] : memref<20000x64xf32, #tpu.memory_space<hbm>> -> memref<20000x64xf32, #tpu.memory_space<hbm>>
      tpu.wait_indirect_dma semaphore(%arg12 : memref<!tpu.dma_semaphore, #tpu.memory_space<semaphore_mem>>) src(%dma_wait3A_59 : memref<20000x64xf32, #tpu.memory_space<hbm>>) dst(%arg8 : memref<40x64xf32, #tpu.memory_space<vmem>>)
      %dma_wait3A_60 = arith.constant 0 : i32
      %dma_wait3A_61 = arith.constant 0 : i32
      %dma_wait3A_62 = tpu.memref_slice %arg7[%dma_wait3A_60, %dma_wait3A_61] : memref<125x40xi32, #tpu.memory_space<vmem>> -> memref<1x40xi32, #tpu.memory_space<vmem>>
      %dma_wait3A_63 = tpu.memref_squeeze %dma_wait3A_62 : memref<1x40xi32, #tpu.memory_space<vmem>> -> memref<40xi32, #tpu.memory_space<vmem>>
      %dma_wait3A_64 = arith.constant 0 : i32
      %dma_wait3A_65 = arith.constant 0 : i32
      %dma_wait3A_66 = tpu.memref_slice %arg2[%dma_wait3A_64, %dma_wait3A_65] : memref<20000x64xf32, #tpu.memory_space<hbm>> -> memref<20000x64xf32, #tpu.memory_space<hbm>>
      tpu.wait_indirect_dma semaphore(%arg13 : memref<!tpu.dma_semaphore, #tpu.memory_space<semaphore_mem>>) src(%dma_wait3A_66 : memref<20000x64xf32, #tpu.memory_space<hbm>>) dst(%arg9 : memref<40x64xf32, #tpu.memory_space<vmem>>)
      %mul3A_67 = arith.constant 40 : i32
      %mul3A_68 = arith.muli %mul3A_38, %mul3A_67 : i32
      %add3A_69 = arith.addi %mul3A_2, %mul3A_68 : i32
      %multiple_of3A_70 = tpu.assume_multiple %add3A_69, 8 : i32
      "tpu.region"() ({
        %run_scoped3A = tpu.sem_alloc : memref<!tpu.dma_semaphore, #tpu.memory_space<semaphore_mem>>
        %dma_start3A_105 = arith.constant 0 : i32
        %dma_start3A_106 = tpu.memref_slice %arg5[%multiple_of3A_70, %dma_start3A_105] : memref<160000x128xf32, #tpu.memory_space<hbm>> -> memref<40x64xf32, #tpu.memory_space<hbm>>
        %dma_start3A_107 = arith.constant 0 : i32
        %dma_start3A_108 = tpu.memref_slice %arg5[%multiple_of3A_70, %dma_start3A_107] : memref<160000x128xf32, #tpu.memory_space<hbm>> -> memref<40x64xf32, #tpu.memory_space<hbm>>
        tpu.enqueue_dma source(%arg8 : memref<40x64xf32, #tpu.memory_space<vmem>>) target(%dma_start3A_108 : memref<40x64xf32, #tpu.memory_space<hbm>>) target_semaphore(%run_scoped3A : memref<!tpu.dma_semaphore, #tpu.memory_space<semaphore_mem>>)
        %dma_wait3A_109 = arith.constant 0 : i32
        %dma_wait3A_110 = tpu.memref_slice %arg5[%multiple_of3A_70, %dma_wait3A_109] : memref<160000x128xf32, #tpu.memory_space<hbm>> -> memref<40x64xf32, #tpu.memory_space<hbm>>
        %dma_wait3A_111 = arith.constant 0 : i32
        %dma_wait3A_112 = tpu.memref_slice %arg5[%multiple_of3A_70, %dma_wait3A_111] : memref<160000x128xf32, #tpu.memory_space<hbm>> -> memref<40x64xf32, #tpu.memory_space<hbm>>
        tpu.wait_dma2 semaphore(%run_scoped3A : memref<!tpu.dma_semaphore, #tpu.memory_space<semaphore_mem>>) src(%arg8 : memref<40x64xf32, #tpu.memory_space<vmem>>) dst(%dma_wait3A_112 : memref<40x64xf32, #tpu.memory_space<hbm>>)
        tpu.yield
      }) : () -> ()
      "tpu.region"() ({
        %run_scoped3A = tpu.sem_alloc : memref<!tpu.dma_semaphore, #tpu.memory_space<semaphore_mem>>
        %dma_start3A_105 = arith.constant 64 : i32
        %dma_start3A_106 = tpu.memref_slice %arg5[%multiple_of3A_70, %dma_start3A_105] : memref<160000x128xf32, #tpu.memory_space<hbm>> -> memref<40x64xf32, #tpu.memory_space<hbm>>
        %dma_start3A_107 = arith.constant 64 : i32
        %dma_start3A_108 = tpu.memref_slice %arg5[%multiple_of3A_70, %dma_start3A_107] : memref<160000x128xf32, #tpu.memory_space<hbm>> -> memref<40x64xf32, #tpu.memory_space<hbm>>
        tpu.enqueue_dma source(%arg9 : memref<40x64xf32, #tpu.memory_space<vmem>>) target(%dma_start3A_108 : memref<40x64xf32, #tpu.memory_space<hbm>>) target_semaphore(%run_scoped3A : memref<!tpu.dma_semaphore, #tpu.memory_space<semaphore_mem>>)
        %dma_wait3A_109 = arith.constant 64 : i32
        %dma_wait3A_110 = tpu.memref_slice %arg5[%multiple_of3A_70, %dma_wait3A_109] : memref<160000x128xf32, #tpu.memory_space<hbm>> -> memref<40x64xf32, #tpu.memory_space<hbm>>
        %dma_wait3A_111 = arith.constant 64 : i32
        %dma_wait3A_112 = tpu.memref_slice %arg5[%multiple_of3A_70, %dma_wait3A_111] : memref<160000x128xf32, #tpu.memory_space<hbm>> -> memref<40x64xf32, #tpu.memory_space<hbm>>
        tpu.wait_dma2 semaphore(%run_scoped3A : memref<!tpu.dma_semaphore, #tpu.memory_space<semaphore_mem>>) src(%arg9 : memref<40x64xf32, #tpu.memory_space<vmem>>) dst(%dma_wait3A_112 : memref<40x64xf32, #tpu.memory_space<hbm>>)
        tpu.yield
      }) : () -> ()
      %add3A_71 = arith.constant 2 : i32
      %add3A_72 = arith.addi %mul3A_38, %add3A_71 : i32
      %dma_start3A_73 = arith.constant 0 : i32
      %dma_start3A_74 = tpu.memref_slice %arg6[%add3A_72, %dma_start3A_73] : memref<125x40xi32, #tpu.memory_space<vmem>> -> memref<1x40xi32, #tpu.memory_space<vmem>>
      %dma_start3A_75 = tpu.memref_squeeze %dma_start3A_74 : memref<1x40xi32, #tpu.memory_space<vmem>> -> memref<40xi32, #tpu.memory_space<vmem>>
      %dma_start3A_76 = arith.constant 0 : i32
      %dma_start3A_77 = arith.constant 0 : i32
      %dma_start3A_78 = tpu.memref_slice %arg2[%dma_start3A_76, %dma_start3A_77] : memref<20000x64xf32, #tpu.memory_space<hbm>> -> memref<20000x64xf32, #tpu.memory_space<hbm>>
      tpu.enqueue_indirect_dma source(%dma_start3A_78 : memref<20000x64xf32, #tpu.memory_space<hbm>>) target(%arg8 : memref<40x64xf32, #tpu.memory_space<vmem>>) offsets(%dma_start3A_75 : memref<40xi32, #tpu.memory_space<vmem>>) semaphore(%arg12 : memref<!tpu.dma_semaphore, #tpu.memory_space<semaphore_mem>>)
      %dma_start3A_79 = arith.constant 0 : i32
      %dma_start3A_80 = tpu.memref_slice %arg7[%add3A_72, %dma_start3A_79] : memref<125x40xi32, #tpu.memory_space<vmem>> -> memref<1x40xi32, #tpu.memory_space<vmem>>
      %dma_start3A_81 = tpu.memref_squeeze %dma_start3A_80 : memref<1x40xi32, #tpu.memory_space<vmem>> -> memref<40xi32, #tpu.memory_space<vmem>>
      %dma_start3A_82 = arith.constant 0 : i32
      %dma_start3A_83 = arith.constant 0 : i32
      %dma_start3A_84 = tpu.memref_slice %arg2[%dma_start3A_82, %dma_start3A_83] : memref<20000x64xf32, #tpu.memory_space<hbm>> -> memref<20000x64xf32, #tpu.memory_space<hbm>>
      tpu.enqueue_indirect_dma source(%dma_start3A_84 : memref<20000x64xf32, #tpu.memory_space<hbm>>) target(%arg9 : memref<40x64xf32, #tpu.memory_space<vmem>>) offsets(%dma_start3A_81 : memref<40xi32, #tpu.memory_space<vmem>>) semaphore(%arg13 : memref<!tpu.dma_semaphore, #tpu.memory_space<semaphore_mem>>)
      %dma_wait3A_85 = arith.constant 0 : i32
      %dma_wait3A_86 = arith.constant 0 : i32
      %dma_wait3A_87 = tpu.memref_slice %arg6[%dma_wait3A_85, %dma_wait3A_86] : memref<125x40xi32, #tpu.memory_space<vmem>> -> memref<1x40xi32, #tpu.memory_space<vmem>>
      %dma_wait3A_88 = tpu.memref_squeeze %dma_wait3A_87 : memref<1x40xi32, #tpu.memory_space<vmem>> -> memref<40xi32, #tpu.memory_space<vmem>>
      %dma_wait3A_89 = arith.constant 0 : i32
      %dma_wait3A_90 = arith.constant 0 : i32
      %dma_wait3A_91 = tpu.memref_slice %arg2[%dma_wait3A_89, %dma_wait3A_90] : memref<20000x64xf32, #tpu.memory_space<hbm>> -> memref<20000x64xf32, #tpu.memory_space<hbm>>
      tpu.wait_indirect_dma semaphore(%arg14 : memref<!tpu.dma_semaphore, #tpu.memory_space<semaphore_mem>>) src(%dma_wait3A_91 : memref<20000x64xf32, #tpu.memory_space<hbm>>) dst(%arg10 : memref<40x64xf32, #tpu.memory_space<vmem>>)
      %dma_wait3A_92 = arith.constant 0 : i32
      %dma_wait3A_93 = arith.constant 0 : i32
      %dma_wait3A_94 = tpu.memref_slice %arg7[%dma_wait3A_92, %dma_wait3A_93] : memref<125x40xi32, #tpu.memory_space<vmem>> -> memref<1x40xi32, #tpu.memory_space<vmem>>
      %dma_wait3A_95 = tpu.memref_squeeze %dma_wait3A_94 : memref<1x40xi32, #tpu.memory_space<vmem>> -> memref<40xi32, #tpu.memory_space<vmem>>
      %dma_wait3A_96 = arith.constant 0 : i32
      %dma_wait3A_97 = arith.constant 0 : i32
      %dma_wait3A_98 = tpu.memref_slice %arg2[%dma_wait3A_96, %dma_wait3A_97] : memref<20000x64xf32, #tpu.memory_space<hbm>> -> memref<20000x64xf32, #tpu.memory_space<hbm>>
      tpu.wait_indirect_dma semaphore(%arg15 : memref<!tpu.dma_semaphore, #tpu.memory_space<semaphore_mem>>) src(%dma_wait3A_98 : memref<20000x64xf32, #tpu.memory_space<hbm>>) dst(%arg11 : memref<40x64xf32, #tpu.memory_space<vmem>>)
      %add3A_99 = arith.constant 1 : i32
      %add3A_100 = arith.addi %mul3A_38, %add3A_99 : i32
      %mul3A_101 = arith.constant 40 : i32
      %mul3A_102 = arith.muli %add3A_100, %mul3A_101 : i32
      %add3A_103 = arith.addi %mul3A_2, %mul3A_102 : i32
      %multiple_of3A_104 = tpu.assume_multiple %add3A_103, 8 : i32
      "tpu.region"() ({
        %run_scoped3A = tpu.sem_alloc : memref<!tpu.dma_semaphore, #tpu.memory_space<semaphore_mem>>
        %dma_start3A_105 = arith.constant 0 : i32
        %dma_start3A_106 = tpu.memref_slice %arg5[%multiple_of3A_104, %dma_start3A_105] : memref<160000x128xf32, #tpu.memory_space<hbm>> -> memref<40x64xf32, #tpu.memory_space<hbm>>
        %dma_start3A_107 = arith.constant 0 : i32
        %dma_start3A_108 = tpu.memref_slice %arg5[%multiple_of3A_104, %dma_start3A_107] : memref<160000x128xf32, #tpu.memory_space<hbm>> -> memref<40x64xf32, #tpu.memory_space<hbm>>
        tpu.enqueue_dma source(%arg10 : memref<40x64xf32, #tpu.memory_space<vmem>>) target(%dma_start3A_108 : memref<40x64xf32, #tpu.memory_space<hbm>>) target_semaphore(%run_scoped3A : memref<!tpu.dma_semaphore, #tpu.memory_space<semaphore_mem>>)
        %dma_wait3A_109 = arith.constant 0 : i32
        %dma_wait3A_110 = tpu.memref_slice %arg5[%multiple_of3A_104, %dma_wait3A_109] : memref<160000x128xf32, #tpu.memory_space<hbm>> -> memref<40x64xf32, #tpu.memory_space<hbm>>
        %dma_wait3A_111 = arith.constant 0 : i32
        %dma_wait3A_112 = tpu.memref_slice %arg5[%multiple_of3A_104, %dma_wait3A_111] : memref<160000x128xf32, #tpu.memory_space<hbm>> -> memref<40x64xf32, #tpu.memory_space<hbm>>
        tpu.wait_dma2 semaphore(%run_scoped3A : memref<!tpu.dma_semaphore, #tpu.memory_space<semaphore_mem>>) src(%arg10 : memref<40x64xf32, #tpu.memory_space<vmem>>) dst(%dma_wait3A_112 : memref<40x64xf32, #tpu.memory_space<hbm>>)
        tpu.yield
      }) : () -> ()
      "tpu.region"() ({
        %run_scoped3A = tpu.sem_alloc : memref<!tpu.dma_semaphore, #tpu.memory_space<semaphore_mem>>
        %dma_start3A_105 = arith.constant 64 : i32
        %dma_start3A_106 = tpu.memref_slice %arg5[%multiple_of3A_104, %dma_start3A_105] : memref<160000x128xf32, #tpu.memory_space<hbm>> -> memref<40x64xf32, #tpu.memory_space<hbm>>
        %dma_start3A_107 = arith.constant 64 : i32
        %dma_start3A_108 = tpu.memref_slice %arg5[%multiple_of3A_104, %dma_start3A_107] : memref<160000x128xf32, #tpu.memory_space<hbm>> -> memref<40x64xf32, #tpu.memory_space<hbm>>
        tpu.enqueue_dma source(%arg11 : memref<40x64xf32, #tpu.memory_space<vmem>>) target(%dma_start3A_108 : memref<40x64xf32, #tpu.memory_space<hbm>>) target_semaphore(%run_scoped3A : memref<!tpu.dma_semaphore, #tpu.memory_space<semaphore_mem>>)
        %dma_wait3A_109 = arith.constant 64 : i32
        %dma_wait3A_110 = tpu.memref_slice %arg5[%multiple_of3A_104, %dma_wait3A_109] : memref<160000x128xf32, #tpu.memory_space<hbm>> -> memref<40x64xf32, #tpu.memory_space<hbm>>
        %dma_wait3A_111 = arith.constant 64 : i32
        %dma_wait3A_112 = tpu.memref_slice %arg5[%multiple_of3A_104, %dma_wait3A_111] : memref<160000x128xf32, #tpu.memory_space<hbm>> -> memref<40x64xf32, #tpu.memory_space<hbm>>
        tpu.wait_dma2 semaphore(%run_scoped3A : memref<!tpu.dma_semaphore, #tpu.memory_space<semaphore_mem>>) src(%arg11 : memref<40x64xf32, #tpu.memory_space<vmem>>) dst(%dma_wait3A_112 : memref<40x64xf32, #tpu.memory_space<hbm>>)
        tpu.yield
      }) : () -> ()
    }
    %scan3A_20 = arith.constant 62 : i32
    %dma_wait3A = arith.constant 0 : i32
    %dma_wait3A_21 = arith.constant 0 : i32
    %dma_wait3A_22 = tpu.memref_slice %arg6[%dma_wait3A, %dma_wait3A_21] : memref<125x40xi32, #tpu.memory_space<vmem>> -> memref<1x40xi32, #tpu.memory_space<vmem>>
    %dma_wait3A_23 = tpu.memref_squeeze %dma_wait3A_22 : memref<1x40xi32, #tpu.memory_space<vmem>> -> memref<40xi32, #tpu.memory_space<vmem>>
    %dma_wait3A_24 = arith.constant 0 : i32
    %dma_wait3A_25 = arith.constant 0 : i32
    %dma_wait3A_26 = tpu.memref_slice %arg2[%dma_wait3A_24, %dma_wait3A_25] : memref<20000x64xf32, #tpu.memory_space<hbm>> -> memref<20000x64xf32, #tpu.memory_space<hbm>>
    tpu.wait_indirect_dma semaphore(%arg12 : memref<!tpu.dma_semaphore, #tpu.memory_space<semaphore_mem>>) src(%dma_wait3A_26 : memref<20000x64xf32, #tpu.memory_space<hbm>>) dst(%arg8 : memref<40x64xf32, #tpu.memory_space<vmem>>)
    %dma_wait3A_27 = arith.constant 0 : i32
    %dma_wait3A_28 = arith.constant 0 : i32
    %dma_wait3A_29 = tpu.memref_slice %arg7[%dma_wait3A_27, %dma_wait3A_28] : memref<125x40xi32, #tpu.memory_space<vmem>> -> memref<1x40xi32, #tpu.memory_space<vmem>>
    %dma_wait3A_30 = tpu.memref_squeeze %dma_wait3A_29 : memref<1x40xi32, #tpu.memory_space<vmem>> -> memref<40xi32, #tpu.memory_space<vmem>>
    %dma_wait3A_31 = arith.constant 0 : i32
    %dma_wait3A_32 = arith.constant 0 : i32
    %dma_wait3A_33 = tpu.memref_slice %arg2[%dma_wait3A_31, %dma_wait3A_32] : memref<20000x64xf32, #tpu.memory_space<hbm>> -> memref<20000x64xf32, #tpu.memory_space<hbm>>
    tpu.wait_indirect_dma semaphore(%arg13 : memref<!tpu.dma_semaphore, #tpu.memory_space<semaphore_mem>>) src(%dma_wait3A_33 : memref<20000x64xf32, #tpu.memory_space<hbm>>) dst(%arg9 : memref<40x64xf32, #tpu.memory_space<vmem>>)
    %add3A_34 = arith.constant 4960 : i32
    %add3A_35 = arith.addi %mul3A_2, %add3A_34 : i32
    %multiple_of3A = tpu.assume_multiple %add3A_35, 8 : i32
    "tpu.region"() ({
      %run_scoped3A = tpu.sem_alloc : memref<!tpu.dma_semaphore, #tpu.memory_space<semaphore_mem>>
      %dma_start3A_36 = arith.constant 0 : i32
      %dma_start3A_37 = tpu.memref_slice %arg5[%multiple_of3A, %dma_start3A_36] : memref<160000x128xf32, #tpu.memory_space<hbm>> -> memref<40x64xf32, #tpu.memory_space<hbm>>
      %dma_start3A_38 = arith.constant 0 : i32
      %dma_start3A_39 = tpu.memref_slice %arg5[%multiple_of3A, %dma_start3A_38] : memref<160000x128xf32, #tpu.memory_space<hbm>> -> memref<40x64xf32, #tpu.memory_space<hbm>>
      tpu.enqueue_dma source(%arg8 : memref<40x64xf32, #tpu.memory_space<vmem>>) target(%dma_start3A_39 : memref<40x64xf32, #tpu.memory_space<hbm>>) target_semaphore(%run_scoped3A : memref<!tpu.dma_semaphore, #tpu.memory_space<semaphore_mem>>)
      %dma_wait3A_40 = arith.constant 0 : i32
      %dma_wait3A_41 = tpu.memref_slice %arg5[%multiple_of3A, %dma_wait3A_40] : memref<160000x128xf32, #tpu.memory_space<hbm>> -> memref<40x64xf32, #tpu.memory_space<hbm>>
      %dma_wait3A_42 = arith.constant 0 : i32
      %dma_wait3A_43 = tpu.memref_slice %arg5[%multiple_of3A, %dma_wait3A_42] : memref<160000x128xf32, #tpu.memory_space<hbm>> -> memref<40x64xf32, #tpu.memory_space<hbm>>
      tpu.wait_dma2 semaphore(%run_scoped3A : memref<!tpu.dma_semaphore, #tpu.memory_space<semaphore_mem>>) src(%arg8 : memref<40x64xf32, #tpu.memory_space<vmem>>) dst(%dma_wait3A_43 : memref<40x64xf32, #tpu.memory_space<hbm>>)
      tpu.yield
    }) : () -> ()
    "tpu.region"() ({
      %run_scoped3A = tpu.sem_alloc : memref<!tpu.dma_semaphore, #tpu.memory_space<semaphore_mem>>
      %dma_start3A_36 = arith.constant 64 : i32
      %dma_start3A_37 = tpu.memref_slice %arg5[%multiple_of3A, %dma_start3A_36] : memref<160000x128xf32, #tpu.memory_space<hbm>> -> memref<40x64xf32, #tpu.memory_space<hbm>>
      %dma_start3A_38 = arith.constant 64 : i32
      %dma_start3A_39 = tpu.memref_slice %arg5[%multiple_of3A, %dma_start3A_38] : memref<160000x128xf32, #tpu.memory_space<hbm>> -> memref<40x64xf32, #tpu.memory_space<hbm>>
      tpu.enqueue_dma source(%arg9 : memref<40x64xf32, #tpu.memory_space<vmem>>) target(%dma_start3A_39 : memref<40x64xf32, #tpu.memory_space<hbm>>) target_semaphore(%run_scoped3A : memref<!tpu.dma_semaphore, #tpu.memory_space<semaphore_mem>>)
      %dma_wait3A_40 = arith.constant 64 : i32
      %dma_wait3A_41 = tpu.memref_slice %arg5[%multiple_of3A, %dma_wait3A_40] : memref<160000x128xf32, #tpu.memory_space<hbm>> -> memref<40x64xf32, #tpu.memory_space<hbm>>
      %dma_wait3A_42 = arith.constant 64 : i32
      %dma_wait3A_43 = tpu.memref_slice %arg5[%multiple_of3A, %dma_wait3A_42] : memref<160000x128xf32, #tpu.memory_space<hbm>> -> memref<40x64xf32, #tpu.memory_space<hbm>>
      tpu.wait_dma2 semaphore(%run_scoped3A : memref<!tpu.dma_semaphore, #tpu.memory_space<semaphore_mem>>) src(%arg9 : memref<40x64xf32, #tpu.memory_space<vmem>>) dst(%dma_wait3A_43 : memref<40x64xf32, #tpu.memory_space<hbm>>)
      tpu.yield
    }) : () -> ()
    return
  }
}

module attributes {stable_mosaic.version = 14 : i64} {
  func.func @_tc_a_body(%arg0: memref<10000x128xf32, #tpu.memory_space<vmem>>, %arg1: memref<128x32xf32, #tpu.memory_space<vmem>>, %arg2: memref<1x32xf32, #tpu.memory_space<vmem>>, %arg3: memref<32x32xf32, #tpu.memory_space<vmem>>, %arg4: memref<1x32xf32, #tpu.memory_space<vmem>>, %arg5: memref<32x32xf32, #tpu.memory_space<vmem>>, %arg6: memref<1x32xf32, #tpu.memory_space<vmem>>, %arg7: memref<10000x32xf32, #tpu.memory_space<vmem>>, %arg8: memref<10000x32xf32, #tpu.memory_space<vmem>>) attributes {dimension_semantics = [], scalar_prefetch = 0 : i64, scratch_operands = 0 : i64, tpu.core_type = #tpu.core_type<tc>} {
    %get3A = arith.constant 0 : index
    %get3A_0 = arith.constant 0 : index
    %get3A_1 = vector.load %arg0[%get3A, %get3A_0] : memref<10000x128xf32, #tpu.memory_space<vmem>>, vector<10000x128xf32>
    %get3A_2 = arith.constant 0 : index
    %get3A_3 = arith.constant 0 : index
    %get3A_4 = vector.load %arg1[%get3A_2, %get3A_3] : memref<128x32xf32, #tpu.memory_space<vmem>>, vector<128x32xf32>
    %dot_general3A = arith.constant dense<0.000000e+00> : vector<10000x32xf32>
    %dot_general3A_5 = tpu.matmul %get3A_1, %get3A_4, %dot_general3A {dimension_numbers = #tpu.dot_dimension_numbers<[1], [0], [0], [1], [0, 0, 1, 1], [], []>, transpose_lhs_hint = false} : vector<10000x128xf32>, vector<128x32xf32>, vector<10000x32xf32> -> vector<10000x32xf32>
    %get3A_6 = arith.constant 0 : index
    %get3A_7 = arith.constant 0 : index
    %get3A_8 = vector.load %arg2[%get3A_6, %get3A_7] : memref<1x32xf32, #tpu.memory_space<vmem>>, vector<1x32xf32>
    %add3A = vector.broadcast %get3A_8 : vector<1x32xf32> to vector<10000x32xf32>
    %add3A_9 = arith.addf %dot_general3A_5, %add3A : vector<10000x32xf32>
    %swap3A = arith.constant 0 : index
    %swap3A_10 = arith.constant 0 : index
    %swap3A_11 = vector.load %arg7[%swap3A, %swap3A_10] : memref<10000x32xf32, #tpu.memory_space<vmem>>, vector<10000x32xf32>
    tpu.vector_store %arg7[%swap3A, %swap3A_10], %add3A_9 {strides = array<i32>} : memref<10000x32xf32, #tpu.memory_space<vmem>>, vector<10000x32xf32>,
    %get3A_12 = arith.constant 0 : index
    %get3A_13 = arith.constant 0 : index
    %get3A_14 = vector.load %arg3[%get3A_12, %get3A_13] : memref<32x32xf32, #tpu.memory_space<vmem>>, vector<32x32xf32>
    %dot_general3A_15 = arith.constant dense<0.000000e+00> : vector<10000x32xf32>
    %dot_general3A_16 = tpu.matmul %add3A_9, %get3A_14, %dot_general3A_15 {dimension_numbers = #tpu.dot_dimension_numbers<[1], [0], [0], [1], [0, 0, 1, 1], [], []>, transpose_lhs_hint = false} : vector<10000x32xf32>, vector<32x32xf32>, vector<10000x32xf32> -> vector<10000x32xf32>
    %get3A_17 = arith.constant 0 : index
    %get3A_18 = arith.constant 0 : index
    %get3A_19 = vector.load %arg4[%get3A_17, %get3A_18] : memref<1x32xf32, #tpu.memory_space<vmem>>, vector<1x32xf32>
    %add3A_20 = vector.broadcast %get3A_19 : vector<1x32xf32> to vector<10000x32xf32>
    %add3A_21 = arith.addf %dot_general3A_16, %add3A_20 : vector<10000x32xf32>
    %max3A = arith.constant 0.000000e+00 : f32
    %max3A_22 = vector.broadcast %max3A : f32 to vector<10000x32xf32>
    %max3A_23 = arith.maximumf %add3A_21, %max3A_22 : vector<10000x32xf32>
    %get3A_24 = arith.constant 0 : index
    %get3A_25 = arith.constant 0 : index
    %get3A_26 = vector.load %arg5[%get3A_24, %get3A_25] : memref<32x32xf32, #tpu.memory_space<vmem>>, vector<32x32xf32>
    %dot_general3A_27 = arith.constant dense<0.000000e+00> : vector<10000x32xf32>
    %dot_general3A_28 = tpu.matmul %max3A_23, %get3A_26, %dot_general3A_27 {dimension_numbers = #tpu.dot_dimension_numbers<[1], [0], [0], [1], [0, 0, 1, 1], [], []>, transpose_lhs_hint = false} : vector<10000x32xf32>, vector<32x32xf32>, vector<10000x32xf32> -> vector<10000x32xf32>
    %get3A_29 = arith.constant 0 : index
    %get3A_30 = arith.constant 0 : index
    %get3A_31 = vector.load %arg6[%get3A_29, %get3A_30] : memref<1x32xf32, #tpu.memory_space<vmem>>, vector<1x32xf32>
    %add3A_32 = vector.broadcast %get3A_31 : vector<1x32xf32> to vector<10000x32xf32>
    %add3A_33 = arith.addf %dot_general3A_28, %add3A_32 : vector<10000x32xf32>
    %max3A_34 = arith.constant 0.000000e+00 : f32
    %max3A_35 = vector.broadcast %max3A_34 : f32 to vector<10000x32xf32>
    %max3A_36 = arith.maximumf %add3A_33, %max3A_35 : vector<10000x32xf32>
    %swap3A_37 = arith.constant 0 : index
    %swap3A_38 = arith.constant 0 : index
    %swap3A_39 = vector.load %arg8[%swap3A_37, %swap3A_38] : memref<10000x32xf32, #tpu.memory_space<vmem>>, vector<10000x32xf32>
    tpu.vector_store %arg8[%swap3A_37, %swap3A_38], %max3A_36 {strides = array<i32>} : memref<10000x32xf32, #tpu.memory_space<vmem>>, vector<10000x32xf32>,
    return
  }
}

module attributes {stable_mosaic.version = 14 : i64} {
  func.func @_tc_mid_body(%arg0: memref<10000x32xf32, #tpu.memory_space<vmem>>, %arg1: memref<2x10000x32xf32, #tpu.memory_space<vmem>>, %arg2: memref<2x10000x1xf32, #tpu.memory_space<vmem>>, %arg3: memref<32x32xf32, #tpu.memory_space<vmem>>, %arg4: memref<32x32xf32, #tpu.memory_space<vmem>>, %arg5: memref<1x32xf32, #tpu.memory_space<vmem>>, %arg6: memref<32x32xf32, #tpu.memory_space<vmem>>, %arg7: memref<1x32xf32, #tpu.memory_space<vmem>>, %arg8: memref<32x32xf32, #tpu.memory_space<vmem>>, %arg9: memref<1x32xf32, #tpu.memory_space<vmem>>, %arg10: memref<32x32xf32, #tpu.memory_space<vmem>>, %arg11: memref<1x32xf32, #tpu.memory_space<vmem>>, %arg12: memref<10000x32xf32, #tpu.memory_space<vmem>>, %arg13: memref<10000x32xf32, #tpu.memory_space<vmem>>, %arg14: memref<10000x1xf32, #tpu.memory_space<vmem>>) attributes {dimension_semantics = [], scalar_prefetch = 0 : i64, scratch_operands = 0 : i64, tpu.core_type = #tpu.core_type<tc>} {
    %get3A = arith.constant 0 : index
    %get3A_0 = arith.constant 0 : index
    %get3A_1 = vector.load %arg0[%get3A, %get3A_0] : memref<10000x32xf32, #tpu.memory_space<vmem>>, vector<10000x32xf32>
    %get3A_2 = arith.constant 0 : index
    %get3A_3 = arith.constant 0 : index
    %get3A_4 = arith.constant 0 : index
    %get3A_5 = vector.load %arg1[%get3A_2, %get3A_3, %get3A_4] : memref<2x10000x32xf32, #tpu.memory_space<vmem>>, vector<1x10000x32xf32>
    %get3A_6 = vector.shape_cast %get3A_5 : vector<1x10000x32xf32> to vector<10000x32xf32>
    %get3A_7 = arith.constant 1 : index
    %get3A_8 = arith.constant 0 : index
    %get3A_9 = arith.constant 0 : index
    %get3A_10 = vector.load %arg1[%get3A_7, %get3A_8, %get3A_9] : memref<2x10000x32xf32, #tpu.memory_space<vmem>>, vector<1x10000x32xf32>
    %get3A_11 = vector.shape_cast %get3A_10 : vector<1x10000x32xf32> to vector<10000x32xf32>
    %add3A = arith.addf %get3A_6, %get3A_11 : vector<10000x32xf32>
    %get3A_12 = arith.constant 0 : index
    %get3A_13 = arith.constant 0 : index
    %get3A_14 = arith.constant 0 : index
    %get3A_15 = vector.load %arg2[%get3A_12, %get3A_13, %get3A_14] : memref<2x10000x1xf32, #tpu.memory_space<vmem>>, vector<1x10000x1xf32>
    %get3A_16 = vector.shape_cast %get3A_15 : vector<1x10000x1xf32> to vector<10000x1xf32>
    %get3A_17 = arith.constant 1 : index
    %get3A_18 = arith.constant 0 : index
    %get3A_19 = arith.constant 0 : index
    %get3A_20 = vector.load %arg2[%get3A_17, %get3A_18, %get3A_19] : memref<2x10000x1xf32, #tpu.memory_space<vmem>>, vector<1x10000x1xf32>
    %get3A_21 = vector.shape_cast %get3A_20 : vector<1x10000x1xf32> to vector<10000x1xf32>
    %add3A_22 = arith.addf %get3A_16, %get3A_21 : vector<10000x1xf32>
    %swap3A = arith.constant 0 : index
    %swap3A_23 = arith.constant 0 : index
    %swap3A_24 = vector.load %arg14[%swap3A, %swap3A_23] : memref<10000x1xf32, #tpu.memory_space<vmem>>, vector<10000x1xf32>
    tpu.vector_store %arg14[%swap3A, %swap3A_23], %add3A_22 {strides = array<i32>} : memref<10000x1xf32, #tpu.memory_space<vmem>>, vector<10000x1xf32>,
    %max3A = arith.constant 1.000000e+00 : f32
    %max3A_25 = vector.broadcast %max3A : f32 to vector<10000x1xf32>
    %max3A_26 = arith.maximumf %add3A_22, %max3A_25 : vector<10000x1xf32>
    %div3A = vector.broadcast %max3A_26 : vector<10000x1xf32> to vector<10000x32xf32>
    %div3A_27 = arith.divf %add3A, %div3A : vector<10000x32xf32>
    %get3A_28 = arith.constant 0 : index
    %get3A_29 = arith.constant 0 : index
    %get3A_30 = vector.load %arg3[%get3A_28, %get3A_29] : memref<32x32xf32, #tpu.memory_space<vmem>>, vector<32x32xf32>
    %dot_general3A = arith.constant dense<0.000000e+00> : vector<10000x32xf32>
    %dot_general3A_31 = tpu.matmul %get3A_1, %get3A_30, %dot_general3A {dimension_numbers = #tpu.dot_dimension_numbers<[1], [0], [0], [1], [0, 0, 1, 1], [], []>, transpose_lhs_hint = false} : vector<10000x32xf32>, vector<32x32xf32>, vector<10000x32xf32> -> vector<10000x32xf32>
    %get3A_32 = arith.constant 0 : index
    %get3A_33 = arith.constant 0 : index
    %get3A_34 = vector.load %arg4[%get3A_32, %get3A_33] : memref<32x32xf32, #tpu.memory_space<vmem>>, vector<32x32xf32>
    %dot_general3A_35 = arith.constant dense<0.000000e+00> : vector<10000x32xf32>
    %dot_general3A_36 = tpu.matmul %div3A_27, %get3A_34, %dot_general3A_35 {dimension_numbers = #tpu.dot_dimension_numbers<[1], [0], [0], [1], [0, 0, 1, 1], [], []>, transpose_lhs_hint = false} : vector<10000x32xf32>, vector<32x32xf32>, vector<10000x32xf32> -> vector<10000x32xf32>
    %add3A_37 = arith.addf %dot_general3A_31, %dot_general3A_36 : vector<10000x32xf32>
    %get3A_38 = arith.constant 0 : index
    %get3A_39 = arith.constant 0 : index
    %get3A_40 = vector.load %arg5[%get3A_38, %get3A_39] : memref<1x32xf32, #tpu.memory_space<vmem>>, vector<1x32xf32>
    %add3A_41 = vector.broadcast %get3A_40 : vector<1x32xf32> to vector<10000x32xf32>
    %add3A_42 = arith.addf %add3A_37, %add3A_41 : vector<10000x32xf32>
    %max3A_43 = arith.constant 0.000000e+00 : f32
    %max3A_44 = vector.broadcast %max3A_43 : f32 to vector<10000x32xf32>
    %max3A_45 = arith.maximumf %add3A_42, %max3A_44 : vector<10000x32xf32>
    %get3A_46 = arith.constant 0 : index
    %get3A_47 = arith.constant 0 : index
    %get3A_48 = vector.load %arg6[%get3A_46, %get3A_47] : memref<32x32xf32, #tpu.memory_space<vmem>>, vector<32x32xf32>
    %dot_general3A_49 = arith.constant dense<0.000000e+00> : vector<10000x32xf32>
    %dot_general3A_50 = tpu.matmul %max3A_45, %get3A_48, %dot_general3A_49 {dimension_numbers = #tpu.dot_dimension_numbers<[1], [0], [0], [1], [0, 0, 1, 1], [], []>, transpose_lhs_hint = false} : vector<10000x32xf32>, vector<32x32xf32>, vector<10000x32xf32> -> vector<10000x32xf32>
    %get3A_51 = arith.constant 0 : index
    %get3A_52 = arith.constant 0 : index
    %get3A_53 = vector.load %arg7[%get3A_51, %get3A_52] : memref<1x32xf32, #tpu.memory_space<vmem>>, vector<1x32xf32>
    %add3A_54 = vector.broadcast %get3A_53 : vector<1x32xf32> to vector<10000x32xf32>
    %add3A_55 = arith.addf %dot_general3A_50, %add3A_54 : vector<10000x32xf32>
    %add3A_56 = arith.addf %get3A_1, %add3A_55 : vector<10000x32xf32>
    %swap3A_57 = arith.constant 0 : index
    %swap3A_58 = arith.constant 0 : index
    %swap3A_59 = vector.load %arg12[%swap3A_57, %swap3A_58] : memref<10000x32xf32, #tpu.memory_space<vmem>>, vector<10000x32xf32>
    tpu.vector_store %arg12[%swap3A_57, %swap3A_58], %add3A_56 {strides = array<i32>} : memref<10000x32xf32, #tpu.memory_space<vmem>>, vector<10000x32xf32>,
    %get3A_60 = arith.constant 0 : index
    %get3A_61 = arith.constant 0 : index
    %get3A_62 = vector.load %arg8[%get3A_60, %get3A_61] : memref<32x32xf32, #tpu.memory_space<vmem>>, vector<32x32xf32>
    %dot_general3A_63 = arith.constant dense<0.000000e+00> : vector<10000x32xf32>
    %dot_general3A_64 = tpu.matmul %add3A_56, %get3A_62, %dot_general3A_63 {dimension_numbers = #tpu.dot_dimension_numbers<[1], [0], [0], [1], [0, 0, 1, 1], [], []>, transpose_lhs_hint = false} : vector<10000x32xf32>, vector<32x32xf32>, vector<10000x32xf32> -> vector<10000x32xf32>
    %get3A_65 = arith.constant 0 : index
    %get3A_66 = arith.constant 0 : index
    %get3A_67 = vector.load %arg9[%get3A_65, %get3A_66] : memref<1x32xf32, #tpu.memory_space<vmem>>, vector<1x32xf32>
    %add3A_68 = vector.broadcast %get3A_67 : vector<1x32xf32> to vector<10000x32xf32>
    %add3A_69 = arith.addf %dot_general3A_64, %add3A_68 : vector<10000x32xf32>
    %max3A_70 = arith.constant 0.000000e+00 : f32
    %max3A_71 = vector.broadcast %max3A_70 : f32 to vector<10000x32xf32>
    %max3A_72 = arith.maximumf %add3A_69, %max3A_71 : vector<10000x32xf32>
    %get3A_73 = arith.constant 0 : index
    %get3A_74 = arith.constant 0 : index
    %get3A_75 = vector.load %arg10[%get3A_73, %get3A_74] : memref<32x32xf32, #tpu.memory_space<vmem>>, vector<32x32xf32>
    %dot_general3A_76 = arith.constant dense<0.000000e+00> : vector<10000x32xf32>
    %dot_general3A_77 = tpu.matmul %max3A_72, %get3A_75, %dot_general3A_76 {dimension_numbers = #tpu.dot_dimension_numbers<[1], [0], [0], [1], [0, 0, 1, 1], [], []>, transpose_lhs_hint = false} : vector<10000x32xf32>, vector<32x32xf32>, vector<10000x32xf32> -> vector<10000x32xf32>
    %get3A_78 = arith.constant 0 : index
    %get3A_79 = arith.constant 0 : index
    %get3A_80 = vector.load %arg11[%get3A_78, %get3A_79] : memref<1x32xf32, #tpu.memory_space<vmem>>, vector<1x32xf32>
    %add3A_81 = vector.broadcast %get3A_80 : vector<1x32xf32> to vector<10000x32xf32>
    %add3A_82 = arith.addf %dot_general3A_77, %add3A_81 : vector<10000x32xf32>
    %max3A_83 = arith.constant 0.000000e+00 : f32
    %max3A_84 = vector.broadcast %max3A_83 : f32 to vector<10000x32xf32>
    %max3A_85 = arith.maximumf %add3A_82, %max3A_84 : vector<10000x32xf32>
    %swap3A_86 = arith.constant 0 : index
    %swap3A_87 = arith.constant 0 : index
    %swap3A_88 = vector.load %arg13[%swap3A_86, %swap3A_87] : memref<10000x32xf32, #tpu.memory_space<vmem>>, vector<10000x32xf32>
    tpu.vector_store %arg13[%swap3A_86, %swap3A_87], %max3A_85 {strides = array<i32>} : memref<10000x32xf32, #tpu.memory_space<vmem>>, vector<10000x32xf32>,
    return
  }
}

module attributes {stable_mosaic.version = 14 : i64} {
  func.func @_tc_c_body(%arg0: memref<10000x32xf32, #tpu.memory_space<vmem>>, %arg1: memref<2x10000x32xf32, #tpu.memory_space<vmem>>, %arg2: memref<10000x1xf32, #tpu.memory_space<vmem>>, %arg3: memref<32x32xf32, #tpu.memory_space<vmem>>, %arg4: memref<32x32xf32, #tpu.memory_space<vmem>>, %arg5: memref<1x32xf32, #tpu.memory_space<vmem>>, %arg6: memref<32x32xf32, #tpu.memory_space<vmem>>, %arg7: memref<1x32xf32, #tpu.memory_space<vmem>>, %arg8: memref<32x64xf32, #tpu.memory_space<vmem>>, %arg9: memref<32x64xf32, #tpu.memory_space<vmem>>, %arg10: memref<1x64xf32, #tpu.memory_space<vmem>>, %arg11: memref<1x64xf32, #tpu.memory_space<vmem>>, %arg12: memref<20000x64xf32, #tpu.memory_space<vmem>>) attributes {dimension_semantics = [], scalar_prefetch = 0 : i64, scratch_operands = 0 : i64, tpu.core_type = #tpu.core_type<tc>} {
    %get3A = arith.constant 0 : index
    %get3A_0 = arith.constant 0 : index
    %get3A_1 = vector.load %arg0[%get3A, %get3A_0] : memref<10000x32xf32, #tpu.memory_space<vmem>>, vector<10000x32xf32>
    %get3A_2 = arith.constant 0 : index
    %get3A_3 = arith.constant 0 : index
    %get3A_4 = arith.constant 0 : index
    %get3A_5 = vector.load %arg1[%get3A_2, %get3A_3, %get3A_4] : memref<2x10000x32xf32, #tpu.memory_space<vmem>>, vector<1x10000x32xf32>
    %get3A_6 = vector.shape_cast %get3A_5 : vector<1x10000x32xf32> to vector<10000x32xf32>
    %get3A_7 = arith.constant 1 : index
    %get3A_8 = arith.constant 0 : index
    %get3A_9 = arith.constant 0 : index
    %get3A_10 = vector.load %arg1[%get3A_7, %get3A_8, %get3A_9] : memref<2x10000x32xf32, #tpu.memory_space<vmem>>, vector<1x10000x32xf32>
    %get3A_11 = vector.shape_cast %get3A_10 : vector<1x10000x32xf32> to vector<10000x32xf32>
    %add3A = arith.addf %get3A_6, %get3A_11 : vector<10000x32xf32>
    %get3A_12 = arith.constant 0 : index
    %get3A_13 = arith.constant 0 : index
    %get3A_14 = vector.load %arg2[%get3A_12, %get3A_13] : memref<10000x1xf32, #tpu.memory_space<vmem>>, vector<10000x1xf32>
    %max3A = arith.constant 1.000000e+00 : f32
    %max3A_15 = vector.broadcast %max3A : f32 to vector<10000x1xf32>
    %max3A_16 = arith.maximumf %get3A_14, %max3A_15 : vector<10000x1xf32>
    %div3A = vector.broadcast %max3A_16 : vector<10000x1xf32> to vector<10000x32xf32>
    %div3A_17 = arith.divf %add3A, %div3A : vector<10000x32xf32>
    %get3A_18 = arith.constant 0 : index
    %get3A_19 = arith.constant 0 : index
    %get3A_20 = vector.load %arg3[%get3A_18, %get3A_19] : memref<32x32xf32, #tpu.memory_space<vmem>>, vector<32x32xf32>
    %dot_general3A = arith.constant dense<0.000000e+00> : vector<10000x32xf32>
    %dot_general3A_21 = tpu.matmul %get3A_1, %get3A_20, %dot_general3A {dimension_numbers = #tpu.dot_dimension_numbers<[1], [0], [0], [1], [0, 0, 1, 1], [], []>, transpose_lhs_hint = false} : vector<10000x32xf32>, vector<32x32xf32>, vector<10000x32xf32> -> vector<10000x32xf32>
    %get3A_22 = arith.constant 0 : index
    %get3A_23 = arith.constant 0 : index
    %get3A_24 = vector.load %arg4[%get3A_22, %get3A_23] : memref<32x32xf32, #tpu.memory_space<vmem>>, vector<32x32xf32>
    %dot_general3A_25 = arith.constant dense<0.000000e+00> : vector<10000x32xf32>
    %dot_general3A_26 = tpu.matmul %div3A_17, %get3A_24, %dot_general3A_25 {dimension_numbers = #tpu.dot_dimension_numbers<[1], [0], [0], [1], [0, 0, 1, 1], [], []>, transpose_lhs_hint = false} : vector<10000x32xf32>, vector<32x32xf32>, vector<10000x32xf32> -> vector<10000x32xf32>
    %add3A_27 = arith.addf %dot_general3A_21, %dot_general3A_26 : vector<10000x32xf32>
    %get3A_28 = arith.constant 0 : index
    %get3A_29 = arith.constant 0 : index
    %get3A_30 = vector.load %arg5[%get3A_28, %get3A_29] : memref<1x32xf32, #tpu.memory_space<vmem>>, vector<1x32xf32>
    %add3A_31 = vector.broadcast %get3A_30 : vector<1x32xf32> to vector<10000x32xf32>
    %add3A_32 = arith.addf %add3A_27, %add3A_31 : vector<10000x32xf32>
    %max3A_33 = arith.constant 0.000000e+00 : f32
    %max3A_34 = vector.broadcast %max3A_33 : f32 to vector<10000x32xf32>
    %max3A_35 = arith.maximumf %add3A_32, %max3A_34 : vector<10000x32xf32>
    %get3A_36 = arith.constant 0 : index
    %get3A_37 = arith.constant 0 : index
    %get3A_38 = vector.load %arg6[%get3A_36, %get3A_37] : memref<32x32xf32, #tpu.memory_space<vmem>>, vector<32x32xf32>
    %dot_general3A_39 = arith.constant dense<0.000000e+00> : vector<10000x32xf32>
    %dot_general3A_40 = tpu.matmul %max3A_35, %get3A_38, %dot_general3A_39 {dimension_numbers = #tpu.dot_dimension_numbers<[1], [0], [0], [1], [0, 0, 1, 1], [], []>, transpose_lhs_hint = false} : vector<10000x32xf32>, vector<32x32xf32>, vector<10000x32xf32> -> vector<10000x32xf32>
    %get3A_41 = arith.constant 0 : index
    %get3A_42 = arith.constant 0 : index
    %get3A_43 = vector.load %arg7[%get3A_41, %get3A_42] : memref<1x32xf32, #tpu.memory_space<vmem>>, vector<1x32xf32>
    %add3A_44 = vector.broadcast %get3A_43 : vector<1x32xf32> to vector<10000x32xf32>
    %add3A_45 = arith.addf %dot_general3A_40, %add3A_44 : vector<10000x32xf32>
    %add3A_46 = arith.addf %get3A_1, %add3A_45 : vector<10000x32xf32>
    %get3A_47 = arith.constant 0 : index
    %get3A_48 = arith.constant 0 : index
    %get3A_49 = vector.load %arg8[%get3A_47, %get3A_48] : memref<32x64xf32, #tpu.memory_space<vmem>>, vector<32x64xf32>
    %dot_general3A_50 = arith.constant dense<0.000000e+00> : vector<10000x64xf32>
    %dot_general3A_51 = tpu.matmul %add3A_46, %get3A_49, %dot_general3A_50 {dimension_numbers = #tpu.dot_dimension_numbers<[1], [0], [0], [1], [0, 0, 1, 1], [], []>, transpose_lhs_hint = false} : vector<10000x32xf32>, vector<32x64xf32>, vector<10000x64xf32> -> vector<10000x64xf32>
    %get3A_52 = arith.constant 0 : index
    %get3A_53 = arith.constant 0 : index
    %get3A_54 = vector.load %arg10[%get3A_52, %get3A_53] : memref<1x64xf32, #tpu.memory_space<vmem>>, vector<1x64xf32>
    %mul3A = vector.broadcast %get3A_14 : vector<10000x1xf32> to vector<10000x64xf32>
    %mul3A_55 = vector.broadcast %get3A_54 : vector<1x64xf32> to vector<10000x64xf32>
    %mul3A_56 = arith.mulf %mul3A, %mul3A_55 : vector<10000x64xf32>
    %add3A_57 = arith.addf %dot_general3A_51, %mul3A_56 : vector<10000x64xf32>
    %swap3A = arith.constant 0 : index
    %swap3A_58 = arith.constant 0 : index
    %swap3A_59 = vector.load %arg12[%swap3A, %swap3A_58] : memref<20000x64xf32, #tpu.memory_space<vmem>>, vector<10000x64xf32>
    tpu.vector_store %arg12[%swap3A, %swap3A_58], %add3A_57 {strides = array<i32>} : memref<20000x64xf32, #tpu.memory_space<vmem>>, vector<10000x64xf32>,
    %get3A_60 = arith.constant 0 : index
    %get3A_61 = arith.constant 0 : index
    %get3A_62 = vector.load %arg9[%get3A_60, %get3A_61] : memref<32x64xf32, #tpu.memory_space<vmem>>, vector<32x64xf32>
    %dot_general3A_63 = arith.constant dense<0.000000e+00> : vector<10000x64xf32>
    %dot_general3A_64 = tpu.matmul %add3A_46, %get3A_62, %dot_general3A_63 {dimension_numbers = #tpu.dot_dimension_numbers<[1], [0], [0], [1], [0, 0, 1, 1], [], []>, transpose_lhs_hint = false} : vector<10000x32xf32>, vector<32x64xf32>, vector<10000x64xf32> -> vector<10000x64xf32>
    %get3A_65 = arith.constant 0 : index
    %get3A_66 = arith.constant 0 : index
    %get3A_67 = vector.load %arg11[%get3A_65, %get3A_66] : memref<1x64xf32, #tpu.memory_space<vmem>>, vector<1x64xf32>
    %mul3A_68 = vector.broadcast %get3A_14 : vector<10000x1xf32> to vector<10000x64xf32>
    %mul3A_69 = vector.broadcast %get3A_67 : vector<1x64xf32> to vector<10000x64xf32>
    %mul3A_70 = arith.mulf %mul3A_68, %mul3A_69 : vector<10000x64xf32>
    %add3A_71 = arith.addf %dot_general3A_64, %mul3A_70 : vector<10000x64xf32>
    %swap3A_72 = arith.constant 10000 : index
    %swap3A_73 = arith.constant 0 : index
    %swap3A_74 = vector.load %arg12[%swap3A_72, %swap3A_73] : memref<20000x64xf32, #tpu.memory_space<vmem>>, vector<10000x64xf32>
    tpu.vector_store %arg12[%swap3A_72, %swap3A_73], %add3A_71 {strides = array<i32>} : memref<20000x64xf32, #tpu.memory_space<vmem>>, vector<10000x64xf32>,
    return
  }
}

module attributes {stable_mosaic.version = 14 : i64} {
  func.func @_tc_head_body(%arg0: i32, %arg1: memref<256x128xf32, #tpu.memory_space<vmem>>, %arg2: memref<1x64xf32, #tpu.memory_space<vmem>>, %arg3: memref<1x64xf32, #tpu.memory_space<vmem>>, %arg4: memref<1x1xf32, #tpu.memory_space<vmem>>, %arg5: memref<256xf32, #tpu.memory_space<vmem>>) attributes {dimension_semantics = [#tpu.dimension_semantics<arbitrary>], iteration_bounds = array<i64: 625>, scalar_prefetch = 0 : i64, scratch_operands = 0 : i64, tpu.core_type = #tpu.core_type<tc>, window_params = [{transform_indices = @transform_0, window_bounds = array<i64: 256, 128>}, {pipeline_mode = #tpu.pipeline_mode<synchronous>, transform_indices = @transform_1, window_bounds = array<i64: 1, 64>}, {pipeline_mode = #tpu.pipeline_mode<synchronous>, transform_indices = @transform_2, window_bounds = array<i64: 1, 64>}, {pipeline_mode = #tpu.pipeline_mode<synchronous>, transform_indices = @transform_3, window_bounds = array<i64: 1, 1>}, {transform_indices = @transform_4, window_bounds = array<i64: 256>}]} {
    %get3A = arith.constant 0 : index
    %get3A_0 = arith.constant 0 : index
    %get3A_1 = vector.load %arg1[%get3A, %get3A_0] : memref<256x128xf32, #tpu.memory_space<vmem>>, vector<256x128xf32>
    %slice3A = vector.extract_strided_slice %get3A_1 {offsets = [0, 0], sizes = [256, 64], strides = [1, 1]} : vector<256x128xf32> to vector<256x64xf32>
    %slice3A_2 = vector.extract_strided_slice %get3A_1 {offsets = [0, 64], sizes = [256, 64], strides = [1, 1]} : vector<256x128xf32> to vector<256x64xf32>
    %add3A = arith.addf %slice3A, %slice3A_2 : vector<256x64xf32>
    %get3A_3 = arith.constant 0 : index
    %get3A_4 = arith.constant 0 : index
    %get3A_5 = vector.load %arg2[%get3A_3, %get3A_4] : memref<1x64xf32, #tpu.memory_space<vmem>>, vector<1x64xf32>
    %add3A_6 = vector.broadcast %get3A_5 : vector<1x64xf32> to vector<256x64xf32>
    %add3A_7 = arith.addf %add3A, %add3A_6 : vector<256x64xf32>
    %max3A = arith.constant 0.000000e+00 : f32
    %max3A_8 = vector.broadcast %max3A : f32 to vector<256x64xf32>
    %max3A_9 = arith.maximumf %add3A_7, %max3A_8 : vector<256x64xf32>
    %get3A_10 = arith.constant 0 : index
    %get3A_11 = arith.constant 0 : index
    %get3A_12 = vector.load %arg3[%get3A_10, %get3A_11] : memref<1x64xf32, #tpu.memory_space<vmem>>, vector<1x64xf32>
    %mul3A = vector.broadcast %get3A_12 : vector<1x64xf32> to vector<256x64xf32>
    %mul3A_13 = arith.mulf %max3A_9, %mul3A : vector<256x64xf32>
    %reduce_sum3A = arith.constant dense<0.000000e+00> : vector<256xf32>
    %reduce_sum3A_14 = vector.multi_reduction <add>, %mul3A_13, %reduce_sum3A [1] : vector<256x64xf32> to vector<256xf32>
    %get3A_15 = arith.constant 0 : index
    %get3A_16 = arith.constant 0 : index
    %get3A_17 = vector.load %arg4[%get3A_15, %get3A_16] : memref<1x1xf32, #tpu.memory_space<vmem>>, vector<1x1xf32>
    %get3A_18 = vector.extract %get3A_17[0, 0] : f32 from vector<1x1xf32>
    %add3A_19 = vector.broadcast %get3A_18 : f32 to vector<256xf32>
    %add3A_20 = arith.addf %reduce_sum3A_14, %add3A_19 : vector<256xf32>
    %max3A_21 = arith.constant 0.000000e+00 : f32
    %max3A_22 = vector.broadcast %max3A_21 : f32 to vector<256xf32>
    %max3A_23 = arith.maximumf %add3A_20, %max3A_22 : vector<256xf32>
    %abs3A = math.absf %add3A_20 : vector<256xf32>
    %neg3A = arith.constant 0.000000e+00 : f32
    %neg3A_24 = vector.broadcast %neg3A : f32 to vector<256xf32>
    %neg3A_25 = arith.subf %neg3A_24, %abs3A : vector<256xf32>
    %exp3A = math.exp %neg3A_25 : vector<256xf32>
    %log1p3A = math.log1p %exp3A : vector<256xf32>
    %add3A_26 = arith.addf %max3A_23, %log1p3A : vector<256xf32>
    %add3A_27 = arith.constant 9.99999997E-7 : f32
    %add3A_28 = vector.broadcast %add3A_27 : f32 to vector<256xf32>
    %add3A_29 = arith.addf %add3A_26, %add3A_28 : vector<256xf32>
    %swap3A = arith.constant 0 : index
    %swap3A_30 = vector.load %arg5[%swap3A] : memref<256xf32, #tpu.memory_space<vmem>>, vector<256xf32>
    tpu.vector_store %arg5[%swap3A], %add3A_29 {strides = array<i32>} : memref<256xf32, #tpu.memory_space<vmem>>, vector<256xf32>,
    return
  }
  func.func @transform_0(%arg0: i32) -> (i32, i32) {
    %c0_i32 = arith.constant 0 : i32
    %c0_i32_0 = arith.constant 0 : i32
    return %arg0, %c0_i32 : i32, i32
  }
  func.func @transform_1(%arg0: i32) -> (i32, i32) {
    %c0_i32 = arith.constant 0 : i32
    %c0_i32_0 = arith.constant 0 : i32
    %c0_i32_1 = arith.constant 0 : i32
    return %c0_i32, %c0_i32_0 : i32, i32
  }
  func.func @transform_2(%arg0: i32) -> (i32, i32) {
    %c0_i32 = arith.constant 0 : i32
    %c0_i32_0 = arith.constant 0 : i32
    %c0_i32_1 = arith.constant 0 : i32
    return %c0_i32, %c0_i32_0 : i32, i32
  }
  func.func @transform_3(%arg0: i32) -> (i32, i32) {
    %c0_i32 = arith.constant 0 : i32
    %c0_i32_0 = arith.constant 0 : i32
    %c0_i32_1 = arith.constant 0 : i32
    return %c0_i32, %c0_i32_0 : i32, i32
  }
  func.func @transform_4(%arg0: i32) -> i32 {
    %c0_i32 = arith.constant 0 : i32
    return %arg0 : i32
  }
}

</mosaic_0001>

<sc_bundles>
// kernel: kernel.12.cloned.1.call-start
scs
__scs_entry_jumppad:
0x0: {  	(pc) =	sbr.rel $0x88, $3  }
0x1: {  	(tag) =	ssettag $0x0;
	lr =	simm.s32 $0x1  }
0x2: {  	[smem:$0x3F91] =	sst lr;
	_ =	strace $0xD0000000  }
0x3: {  	_ = 	snop  }
0x4: {  	_ = 	snop  }
0x5: {  	_ = 	snop  }
0x6: {  	_ = 	snop  }
0x7: {  	_ = 	snop  }
__scs_overlays_trampoline_lowered:
0x8: {  	[smem:$0x3FA0] =	sst s0  }
0x9: {  	[smem:$0x3FA1] =	sst s1  }
0xa: {  	[smem:$0x3FA2] =	sst s2  }
0xb: {  	[smem:$0x3FA3] =	sst s3  }
0xc: {  	[smem:$0x3FA4] =	sst s4  }
0xd: {  	[smem:$0x3FA5] =	sst s5  }
0xe: {  	[smem:$0x3FA6] =	sst s6  }
0xf: {  	[smem:$0x3FA7] =	sst s7  }
0x10: {  	[smem:$0x3FA8] =	sst s8  }
0x11: {  	[smem:$0x3FA9] =	sst s9;
	s0 =	simm.s32 @!p0 $0x0  }
0x12: {  	s1 =	sld [smem:$0x3F8F];
	s0 =	simm.s32 @p0 $0x1  }
0x13: {  	[smem:$0x3FAA] =	sst s0;
	s0 =	simm.s32 @!p1 $0x0  }
0x14: {  	s2 =	sld [smem:$0x3F8E];
	s0 =	simm.s32 @p1 $0x1  }
0x15: {  	[smem:$0x3FAB] =	sst s0;
	s0 =	simm.s32 @!p2 $0x0  }
0x16: {  	s3 =	sld [smem:$0x3FDB];
	s0 =	simm.s32 @p2 $0x1  }
0x17: {  	s4 =	simm.s32 $0x1BF5;
	[smem:$0x3FAD] =	sst s0  }
0x18: {  	s0 =	sld [smem:$0x3F90];
	_ =	swait.ge [sflag:s4], $0x0  }
0x19: {  	s7 =	sld [smem:$0x3F91]  }
0x1a: {  	s8 =	sadd.s32 $0xFFFFE003, lr  }
0x1b: {  	s9 =	sadd.s32 $0xFFFFFEF7, lr;
	s5 =	simm.s32 $0xFFFFFFFF;
	p2 =	slt.u32 s8, $0xFFFFF086  }
0x1c: {  	p1 =	slt.u32 s9, $0xF7A;
	s5 =	simm.s32 @!p2 $0x0  }
0x1d: {  	s5 =	simm.s32 @p1 $0x1;
	p0 =	seq.s32 s7, s2  }
0x1e: {  	s7 =	smul.u32 @!p0 $0xF7A, s2;
	p2 =	seq.s32 @!p0 s5, $0x0  }
0x1f: {  	s9 =	smul.u32 $0xF7A, s1;
	s8 =	simm.s32 @!p0 $0x1BF5;
	p2 =	por !p2, p0  }
0x20: {  	[sflag:s8] =	ssyncset.s32 @!p0 $0xFFFFF086;
	s6 =	sadd.s32 @!p0 s3, s7;
	s7 =	simm.s32 @!p0 $0x108  }
0x21: {  	s3 =	sadd.s32 s3, s9;
	s6 =	sadd.s32 @!p0 $0x88, s6;
	s7 =	simm.s32 @p2 $0x1082  }
0x22: {  	[simem:s7], [sflag:s8] =	dma.local @!p0 [hbm:s6], $0xF7A  }
0x23: {  	s9 =	sor.u32 $0xD0000000, s2;
	s6 =	simm.s32 $0x108;
	_ =	swait.ge @!p0 [sflag:s8], $0x0  }
0x24: {  	s3 =	sadd.s32 $0x88, s3;
	s6 =	simm.s32 @!p1 $0x1082;
	[sflag:s4] =	ssyncset.s32 $0xFFFFF086  }
0x25: {  	[simem:s6], [sflag:s4] =	dma.local [hbm:s3], $0xF7A  }
0x26: {  	[smem:$0x3F91] =	sst s1;
	(tag) =	ssettag s2;
	_ =	strace s9  }
0x27: {  	s1 =	sld [smem:$0x3FA1]  }
0x28: {  	s2 =	sld [smem:$0x3FA2]  }
0x29: {  	s4 =	sld [smem:$0x3FA4]  }
0x2a: {  	p0 =	seq.s32 s5, $0x0;
	s5 =	sld [smem:$0x3FA5]  }
0x2b: {  	s6 =	sld [smem:$0x3FA6]  }
0x2c: {  	s7 =	sld [smem:$0x3FA7]  }
0x2d: {  	s3 =	simm.s32 $0x108;
	s8 =	sld [smem:$0x3FA8]  }
0x2e: {  	s3 =	simm.s32 @!p0 $0x1082;
	s9 =	sld [smem:$0x3FA9]  }
0x2f: {  	lr =	sadd.s32 s0, s3;
	s0 =	sld [smem:$0x3FA0]  }
0x30: {  	s3 =	sld [smem:$0x3FA3]  }
0x31: {  	[smem:$0x3FAC] =	sst s10  }
0x32: {  	s10 =	sld [smem:$0x3FAA];
	_ =	sdelay $0x3  }
0x33: {  	p0 =	seq.s32 s10, $0x1;
	s10 =	sld [smem:$0x3FAC];
	_ =	sdelay $0x3  }
0x34: {  	[smem:$0x3FAC] =	sst s10  }
0x35: {  	s10 =	sld [smem:$0x3FAB];
	_ =	sdelay $0x3  }
0x36: {  	p1 =	seq.s32 s10, $0x1;
	s10 =	sld [smem:$0x3FAC];
	_ =	sdelay $0x3  }
0x37: {  	[smem:$0x3FAC] =	sst s10  }
0x38: {  	s10 =	sld [smem:$0x3FAD]  }
0x39: {  	_ = 	snop;
	(pc) =	sbr.ind lr, $3  }
0x3a: {  	_ = 	snop  }
0x3b: {  	_ = 	snop  }
0x3c: {  	p2 =	seq.s32 s10, $0x1;
	s10 =	sld [smem:$0x3FAC]  }
0x3d: {  	_ =	shalt  }
0x3e: {  	_ =	shalt  }
0x3f: {  	_ =	shalt  }
0x40: {  	_ =	shalt  }
0x41: {  	_ =	shalt  }
0x42: {  	_ =	shalt  }
0x43: {  	_ =	shalt  }
0x44: {  	_ =	shalt  }
0x45: {  	_ =	shalt  }
0x46: {  	_ =	shalt  }
0x47: {  	_ =	shalt  }
0x48: {  	_ =	shalt  }
0x49: {  	_ =	shalt  }
0x4a: {  	_ =	shalt  }
0x4b: {  	_ =	shalt  }
0x4c: {  	_ =	shalt  }
0x4d: {  	_ =	shalt  }
0x4e: {  	_ =	shalt  }
0x4f: {  	_ =	shalt  }
0x50: {  	_ =	shalt  }
0x51: {  	_ =	shalt  }
0x52: {  	_ =	shalt  }
0x53: {  	_ =	shalt  }
0x54: {  	_ =	shalt  }
0x55: {  	_ =	shalt  }
0x56: {  	_ =	shalt  }
0x57: {  	_ =	shalt  }
0x58: {  	_ =	shalt  }
0x59: {  	_ =	shalt  }
0x5a: {  	_ =	shalt  }
0x5b: {  	_ =	shalt  }
0x5c: {  	_ =	shalt  }
0x5d: {  	_ =	shalt  }
0x5e: {  	_ =	shalt  }
0x5f: {  	_ =	shalt  }
0x60: {  	_ =	shalt  }
0x61: {  	_ =	shalt  }
0x62: {  	_ =	shalt  }
0x63: {  	_ =	shalt  }
0x64: {  	_ =	shalt  }
0x65: {  	_ =	shalt  }
0x66: {  	_ =	shalt  }
0x67: {  	_ =	shalt  }
0x68: {  	_ =	shalt  }
0x69: {  	_ =	shalt  }
0x6a: {  	_ =	shalt  }
0x6b: {  	_ =	shalt  }
0x6c: {  	_ =	shalt  }
0x6d: {  	_ =	shalt  }
0x6e: {  	_ =	shalt  }
0x6f: {  	_ =	shalt  }
0x70: {  	_ =	shalt  }
0x71: {  	_ =	shalt  }
0x72: {  	_ =	shalt  }
0x73: {  	_ =	shalt  }
0x74: {  	_ =	shalt  }
0x75: {  	_ =	shalt  }
0x76: {  	_ =	shalt  }
0x77: {  	_ =	shalt  }
0x78: {  	_ =	shalt  }
0x79: {  	_ =	shalt  }
0x7a: {  	_ =	shalt  }
0x7b: {  	_ =	shalt  }
0x7c: {  	_ =	shalt  }
0x7d: {  	_ =	shalt  }
0x7e: {  	_ =	shalt  }
0x7f: {  	_ =	shalt  }
0x80: {  	_ =	shalt  }
0x81: {  	_ =	shalt  }
0x82: {  	_ =	shalt  }
0x83: {  	_ =	shalt  }
0x84: {  	_ =	shalt  }
0x85: {  	_ =	shalt  }
0x86: {  	_ =	shalt  }
0x87: {  	_ =	shalt  }
.Lfunc_end0:
.L_simem_size_0:
called_computation.1_lowered:
.L_overlay_start_0:
0x88: {  	s2 =	sld [smem:$0x3FD9]  }
0x89: {  	s3 =	sld [smem:$0x3FFE];
	_ =	sdelay $0x1  }
0x8a: {  	s1 =	srdreg.scid  }
0x8b: {  	s0 =	sand.u32 $0x1, s1  }
0x8c: {  	s16 =	sshll.u32 s0, $0xA;
	s2 =	sadd.s32 s3, s2  }
0x8d: {  	s2 =	sadd.s32 s2, s16  }
0x8e: {  	[smem:$0x3FB8] =	sst s2  }
0x8f: {  	_ = 	snop  }
0x90: {  	(tm) =	ssettm $0x1  }
0x91: {  	s17 =	sld [smem:$0x3FFB];
	_ =	sdelay $0x3  }
0x92: {  	_ =	strace s17  }
0x93: {  	s2 =	sld [smem:$0x3FFC];
	_ =	sdelay $0x3  }
0x94: {  	_ =	strace s2  }
0x95: {  	s2 =	sld [smem:$0x3FFD];
	_ =	sdelay $0x3  }
0x96: {  	_ =	strace s2  }
0x97: {  	_ =	strace $0x8FFFFFFF  }
0x98: {  	s18 =	sld [smem:$0x3FDB];
	_ =	sdelay $0x1  }
0x99: {  	s19 =	simm.s32 $_scs_section_size  }
0x9a: {  	s4 =	simm.s32 $_size__tile_overlayer_lowered;
	s5 =	simm.s32 $_tile_overlayer_lowered  }
0x9b: {  	s22 =	simm.s32 $0x1BFF;
	s21 =	sshll.u32 s5, $0x1;
	s2 =	sadd.s32 s19, s18  }
0x9c: {  	s6 =	simm.s32 $0x0;
	s20 =	sshll.u32 s4, $0x1;
	s4 =	sadd.s32 s21, s2  }
0x9d: {  	[timem:s6], [sflag:s22] =	dma.local [hbm:s4], s20  }
0x9e: {  	_ =	swait.ge [sflag:s22], s20  }
0x9f: {  	s3 =	ssub.s32 $0x0, s20;
	[sflag:s22] =	ssyncset.done $0x0  }
0xa0: {  	[sflag:s22] =	ssyncadd.s32 s3;
	_ =	sdelay $0x1  }
0xa1: {  	s23 =	simm.s32 $0x1B8B  }
0xa2: {  	_ =	swait.ge [sflag:s23], $0x1  }
0xa3: {  	[sflag:s23] =	ssyncset.done $0x0  }
0xa4: {  	s25 =	simm.s32 $0x1B8E;
	s24 =	sld [smem:$0x3FFE];
	[sflag:s23] =	ssyncadd.s32 $0xFFFFFFFF  }
0xa5: {  	s26 =	simm.s32 $execute0_lowered;
	[smem:$0x3FD2] =	sst s25  }
0xa6: {  	s4 =	sshll.u32 s26, $0x1;
	_ =	strace $0x80000049;
	[dreg:$0x1] =	wrdreg $0xFFFFFFFF  }
0xa7: {  	s28 =	simm.s32 $_size_execute0_lowered;
	s2 =	sadd.s32 s2, s4;
	[dreg:$0x0] =	wrdreg $0x0  }
0xa8: {  	s4 =	sshll.u32 s28, $0x1;
	[dreg:$0x2] =	wrdreg s2  }
0xa9: {  	[dreg:$0x3] =	wrdreg s4  }
0xaa: {  	[dreg:$0x4] =	wrdreg $0xC0  }
0xab: {  	_ =	task [dreg:s6], $0x5FFFF  }
0xac: {  	[dreg:$0x1] =	wrdreg $0xFFFFFFFF  }
0xad: {  	[dreg:$0x0] =	wrdreg $0x60  }
0xae: {  	[dreg:$0x2] =	wrdreg s24  }
0xaf: {  	[dreg:$0x3] =	wrdreg $0x62200  }
0xb0: {  	[dreg:$0x4] =	wrdreg $0x9  }
0xb1: {  	_ =	task.clear_ibuf [dreg:s6], $0x5FFFF;
	_ =	strace $0x90000049  }
0xb2: {  	s29 =	simm.s32 $0x9;
	_ =	strace $0x8000004B  }
0xb3: {  	_ =	swait.ge [sflag:s29], $0x1  }
0xb4: {  	[sflag:s29] =	ssyncadd.s32 $0xFFFFFFFF  }
0xb5: {  	_ =	strace $0x9000004B  }
0xb6: {  	_ =	sfence  }
0xb7: {  	s30 =	sld [smem:$0x0];
	_ =	sdelay $0x2  }
0xb8: {  	s31 =	sshll.u32 s1, $0xD;
	s1 =	sshrl.u32 s1, $0x2  }
0xb9: {  	s3 =	sand.u32 $0x4000, s31;
	s1 =	sadd.s32 s1, s30  }
0xba: {  	s0 =	sor.u32 s3, s0;
	s1 =	sshll.u32 s1, $0x11  }
0xbb: {  	s0 =	sor.u32 s1, s0  }
0xbc: {  	s0 =	sadd.s32 $0x8F2B, s0  }
0xbd: {  	[sflag:s0] =	ssyncadd.remote.s32 $0x1  }
0xbe: {  	_ =	sfence.sel $0xFFFF  }
0xbf: {  	[dreg:$0x0] =	wrdreg $0xFFFFFFFF;
	(pc) =	sbr.abs _section_cstart, $3  }
0xc0: {  	[dreg:$0x1] =	wrdreg $0xFFFFFFFF  }
0xc1: {  	_ =	task.clear_ibuf [dreg:s6], $0x2FFFF;
	_ =	strace $0x9FFFFFFF  }
0xc2: {  	(tm) =	ssettm $0x7FFFFFFF  }
0xc3: {  	_ =	shalt  }
tec
execute0_lowered:
.L_overlay_start_1:
0x0: {  	(tag) =	ssettag $0x1  }
0x1: {  	s6 =	rddreg [dreg:$0x0]  }
0x2: {  	s0 =	srdreg.scid;
	s2 =	rddreg [dreg:$0x1]  }
0x3: {  	s3 =	simm.s32 $0x0;
	s18 =	simm.s32 $0x3;
	s20 =	simm.s32 $0x50  }
0x4: {  	s21 =	simm.s32 $0x5820;
	s22 =	simm.s32 $0x1;
	s26 =	simm.s32 $0x2  }
0x5: {  	s29 =	simm.s32 $0x0;
	s5 =	sand.u32 $0x1, s0;
	s0 =	stileid.u32  }
0x6: {  	[smem:$0x7FF] =	sst s3;
	s23 =	sadd.s32 $0x4B000, s2;
	s8 =	smul.u32 $0x2800, s0  }
0x7: {  	s1 =	sshll.u32 s5, $0x4;
	_ =	strace $0x8000004A;
	s9 =	smul.u32 $0x9C40, s5  }
0x8: {  	s28 =	ssub.s32 $0x2, s5;
	s17 =	smul.u32 $0x5000, s0;
	p0 =	sgt.u32 s0, $0xC  }
0x9: {  	p1 =	seq.s32 s0, $0xF;
	s4 =	sor.u32 s0, s1;
	s31 =	sshrl.u32 s28, $0x1  }
0xa: {  	s23 =	sshrl.u32 @p1 s23, $0x3;
	s7 =	smul.u32 $0x4E2, s4;
	s4 =	sadd.s32 $0x2800, s6  }
0xb: {  	s30 =	sshrl.u32 s8, $0x2;
	s15 =	sadd.s32 s9, s6;
	s16 =	ssub.s32 s28, s31  }
0xc: {  	s24 =	sshrl.u32 s17, $0x3;
	s25 =	sadd.s32 s17, s2;
	s17 =	simm.s32 $0x4E20  }
0xd: {  	s5 =	sadd.s32 s30, s2;
	s15 =	sadd.s32 $0x20200, s15;
	s16 =	smax.u32 s16, $0x1  }
0xe: {  	s25 =	sshrl.u32 @!p1 s25, $0x3;
	s14 =	sadd.s32 s7, s6;
	s6 =	sadd.s32 $0xA000, s5  }
0xf: {  	s7 =	sadd.s32 $0x14000, s5;
	s8 =	sadd.s32 $0x1E000, s5;
	s9 =	sadd.s32 $0x28000, s5  }
0x10: {  	s10 =	sadd.s32 $0x32000, s5;
	s11 =	sadd.s32 $0x3C000, s5;
	s12 =	sadd.s32 $0x46000, s5  }
0x11: {  	v0 =	vimm.f32 $0.0e+00;
	s24 =	sadd.s32 @!p1 s24, s15;
	s13 =	sadd.s32 $0xC600, s14;
	s14 =	sadd.s32 $0x16400, s14  }
.LBB2_1:
0x12: {  	[tilespmem:$0x4E20] =	vst v0  }
0x13: {  	[tilespmem:$0x4E30] =	vst v0  }
0x14: {  	[tilespmem:$0x4E40] =	vst v0  }
0x15: {  	[tilespmem:$0x4E50] =	vst v0  }
0x16: {  	[tilespmem:$0x4E60] =	vst v0  }
0x17: {  	[tilespmem:$0x4E70] =	vst v0  }
0x18: {  	[tilespmem:$0x4E80] =	vst v0  }
0x19: {  	[tilespmem:$0x4E90] =	vst v0  }
0x1a: {  	[tilespmem:$0x4EA0] =	vst v0  }
0x1b: {  	[tilespmem:$0x4EB0] =	vst v0  }
0x1c: {  	[tilespmem:$0x4EC0] =	vst v0  }
0x1d: {  	[tilespmem:$0x4ED0] =	vst v0  }
0x1e: {  	[tilespmem:$0x4EE0] =	vst v0  }
0x1f: {  	[tilespmem:$0x4EF0] =	vst v0  }
0x20: {  	[tilespmem:$0x4F00] =	vst v0  }
0x21: {  	[tilespmem:$0x4F10] =	vst v0  }
0x22: {  	[tilespmem:$0x4F20] =	vst v0  }
0x23: {  	[tilespmem:$0x4F30] =	vst v0  }
0x24: {  	[tilespmem:$0x4F40] =	vst v0  }
0x25: {  	[tilespmem:$0x4F50] =	vst v0  }
0x26: {  	[tilespmem:$0x4F60] =	vst v0  }
0x27: {  	[tilespmem:$0x4F70] =	vst v0  }
0x28: {  	[tilespmem:$0x4F80] =	vst v0  }
0x29: {  	[tilespmem:$0x4F90] =	vst v0  }
0x2a: {  	[tilespmem:$0x4FA0] =	vst v0  }
0x2b: {  	[tilespmem:$0x4FB0] =	vst v0  }
0x2c: {  	[tilespmem:$0x4FC0] =	vst v0  }
0x2d: {  	[tilespmem:$0x4FD0] =	vst v0  }
0x2e: {  	[tilespmem:$0x4FE0] =	vst v0  }
0x2f: {  	[tilespmem:$0x4FF0] =	vst v0  }
0x30: {  	[tilespmem:$0x5000] =	vst v0  }
0x31: {  	[tilespmem:$0x5010] =	vst v0  }
0x32: {  	[tilespmem:$0x5020] =	vst v0  }
0x33: {  	[tilespmem:$0x5030] =	vst v0  }
0x34: {  	[tilespmem:$0x5040] =	vst v0  }
0x35: {  	[tilespmem:$0x5050] =	vst v0  }
0x36: {  	[tilespmem:$0x5060] =	vst v0  }
0x37: {  	[tilespmem:$0x5070] =	vst v0  }
0x38: {  	[tilespmem:$0x5080] =	vst v0  }
0x39: {  	[tilespmem:$0x5090] =	vst v0  }
0x3a: {  	[tilespmem:$0x50A0] =	vst v0  }
0x3b: {  	[tilespmem:$0x50B0] =	vst v0  }
0x3c: {  	[tilespmem:$0x50C0] =	vst v0  }
0x3d: {  	[tilespmem:$0x50D0] =	vst v0  }
0x3e: {  	[tilespmem:$0x50E0] =	vst v0  }
0x3f: {  	[tilespmem:$0x50F0] =	vst v0  }
0x40: {  	[tilespmem:$0x5100] =	vst v0  }
0x41: {  	[tilespmem:$0x5110] =	vst v0  }
0x42: {  	[tilespmem:$0x5120] =	vst v0  }
0x43: {  	[tilespmem:$0x5130] =	vst v0  }
0x44: {  	[tilespmem:$0x5140] =	vst v0  }
0x45: {  	[tilespmem:$0x5150] =	vst v0  }
0x46: {  	[tilespmem:$0x5160] =	vst v0  }
0x47: {  	[tilespmem:$0x5170] =	vst v0  }
0x48: {  	[tilespmem:$0x5180] =	vst v0  }
0x49: {  	[tilespmem:$0x5190] =	vst v0  }
0x4a: {  	[tilespmem:$0x51A0] =	vst v0  }
0x4b: {  	[tilespmem:$0x51B0] =	vst v0  }
0x4c: {  	[tilespmem:$0x51C0] =	vst v0  }
0x4d: {  	[tilespmem:$0x51D0] =	vst v0  }
0x4e: {  	[tilespmem:$0x51E0] =	vst v0  }
0x4f: {  	[tilespmem:$0x51F0] =	vst v0  }
0x50: {  	[tilespmem:$0x5200] =	vst v0  }
0x51: {  	[tilespmem:$0x5210] =	vst v0  }
0x52: {  	[tilespmem:$0x5220] =	vst v0  }
0x53: {  	[tilespmem:$0x5230] =	vst v0  }
0x54: {  	[tilespmem:$0x5240] =	vst v0  }
0x55: {  	[tilespmem:$0x5250] =	vst v0  }
0x56: {  	[tilespmem:$0x5260] =	vst v0  }
0x57: {  	[tilespmem:$0x5270] =	vst v0  }
0x58: {  	[tilespmem:$0x5280] =	vst v0  }
0x59: {  	[tilespmem:$0x5290] =	vst v0  }
0x5a: {  	[tilespmem:$0x52A0] =	vst v0  }
0x5b: {  	[tilespmem:$0x52B0] =	vst v0  }
0x5c: {  	[tilespmem:$0x52C0] =	vst v0  }
0x5d: {  	[tilespmem:$0x52D0] =	vst v0  }
0x5e: {  	[tilespmem:$0x52E0] =	vst v0  }
0x5f: {  	[tilespmem:$0x52F0] =	vst v0  }
0x60: {  	[tilespmem:$0x5300] =	vst v0  }
0x61: {  	[tilespmem:$0x5310] =	vst v0  }
0x62: {  	[tilespmem:$0x5320] =	vst v0  }
0x63: {  	[tilespmem:$0x5330] =	vst v0  }
0x64: {  	[tilespmem:$0x5340] =	vst v0  }
0x65: {  	[tilespmem:$0x5350] =	vst v0  }
0x66: {  	[tilespmem:$0x5360] =	vst v0  }
0x67: {  	[tilespmem:$0x5370] =	vst v0  }
0x68: {  	[tilespmem:$0x5380] =	vst v0  }
0x69: {  	[tilespmem:$0x5390] =	vst v0  }
0x6a: {  	[tilespmem:$0x53A0] =	vst v0  }
0x6b: {  	[tilespmem:$0x53B0] =	vst v0  }
0x6c: {  	[tilespmem:$0x53C0] =	vst v0  }
0x6d: {  	[tilespmem:$0x53D0] =	vst v0  }
0x6e: {  	[tilespmem:$0x53E0] =	vst v0  }
0x6f: {  	[tilespmem:$0x53F0] =	vst v0  }
0x70: {  	[tilespmem:$0x5400] =	vst v0  }
0x71: {  	[tilespmem:$0x5410] =	vst v0  }
0x72: {  	[tilespmem:$0x5420] =	vst v0  }
0x73: {  	[tilespmem:$0x5430] =	vst v0  }
0x74: {  	[tilespmem:$0x5440] =	vst v0  }
0x75: {  	[tilespmem:$0x5450] =	vst v0  }
0x76: {  	[tilespmem:$0x5460] =	vst v0  }
0x77: {  	[tilespmem:$0x5470] =	vst v0  }
0x78: {  	[tilespmem:$0x5480] =	vst v0  }
0x79: {  	[tilespmem:$0x5490] =	vst v0  }
0x7a: {  	[tilespmem:$0x54A0] =	vst v0  }
0x7b: {  	[tilespmem:$0x54B0] =	vst v0  }
0x7c: {  	[tilespmem:$0x54C0] =	vst v0  }
0x7d: {  	[tilespmem:$0x54D0] =	vst v0  }
0x7e: {  	[tilespmem:$0x54E0] =	vst v0  }
0x7f: {  	[tilespmem:$0x54F0] =	vst v0  }
0x80: {  	[tilespmem:$0x5500] =	vst v0  }
0x81: {  	[tilespmem:$0x5510] =	vst v0  }
0x82: {  	[tilespmem:$0x5520] =	vst v0  }
0x83: {  	[tilespmem:$0x5530] =	vst v0  }
0x84: {  	[tilespmem:$0x5540] =	vst v0  }
0x85: {  	[tilespmem:$0x5550] =	vst v0  }
0x86: {  	[tilespmem:$0x5560] =	vst v0  }
0x87: {  	[tilespmem:$0x5570] =	vst v0  }
0x88: {  	[tilespmem:$0x5580] =	vst v0  }
0x89: {  	[tilespmem:$0x5590] =	vst v0  }
0x8a: {  	[tilespmem:$0x55A0] =	vst v0  }
0x8b: {  	[tilespmem:$0x55B0] =	vst v0  }
0x8c: {  	[tilespmem:$0x55C0] =	vst v0  }
0x8d: {  	[tilespmem:$0x55D0] =	vst v0  }
0x8e: {  	[tilespmem:$0x55E0] =	vst v0  }
0x8f: {  	[tilespmem:$0x55F0] =	vst v0  }
0x90: {  	[tilespmem:$0x5600] =	vst v0  }
0x91: {  	[tilespmem:$0x5610] =	vst v0  }
0x92: {  	[tilespmem:$0x5620] =	vst v0  }
0x93: {  	[tilespmem:$0x5630] =	vst v0  }
0x94: {  	[tilespmem:$0x5640] =	vst v0  }
0x95: {  	[tilespmem:$0x5650] =	vst v0  }
0x96: {  	[tilespmem:$0x5660] =	vst v0  }
0x97: {  	[tilespmem:$0x5670] =	vst v0  }
0x98: {  	[tilespmem:$0x5680] =	vst v0  }
0x99: {  	[tilespmem:$0x5690] =	vst v0  }
0x9a: {  	[tilespmem:$0x56A0] =	vst v0  }
0x9b: {  	[tilespmem:$0x56B0] =	vst v0  }
0x9c: {  	[tilespmem:$0x56C0] =	vst v0  }
0x9d: {  	[tilespmem:$0x56D0] =	vst v0  }
0x9e: {  	[tilespmem:$0x56E0] =	vst v0  }
0x9f: {  	[tilespmem:$0x56F0] =	vst v0  }
0xa0: {  	[tilespmem:$0x5700] =	vst v0  }
0xa1: {  	[tilespmem:$0x5710] =	vst v0  }
0xa2: {  	[tilespmem:$0x5720] =	vst v0  }
0xa3: {  	[tilespmem:$0x5730] =	vst v0  }
0xa4: {  	[tilespmem:$0x5740] =	vst v0  }
0xa5: {  	[tilespmem:$0x5750] =	vst v0  }
0xa6: {  	[tilespmem:$0x5760] =	vst v0  }
0xa7: {  	[tilespmem:$0x5770] =	vst v0  }
0xa8: {  	[tilespmem:$0x5780] =	vst v0  }
0xa9: {  	[tilespmem:$0x5790] =	vst v0  }
0xaa: {  	[tilespmem:$0x57A0] =	vst v0  }
0xab: {  	[tilespmem:$0x57B0] =	vst v0  }
0xac: {  	[tilespmem:$0x57C0] =	vst v0  }
0xad: {  	[tilespmem:$0x57D0] =	vst v0  }
0xae: {  	[tilespmem:$0x57E0] =	vst v0  }
0xaf: {  	[tilespmem:$0x57F0] =	vst v0  }
0xb0: {  	[tilespmem:$0x5800] =	vst v0  }
0xb1: {  	[tilespmem:$0x5810] =	vst v0  }
0xb2: {  	[spmem:s5] =	stream.linear.scatter [tilespmem:s17], [sflag:$0x3], $0xA00, $0x38;
	[tilespmem:$0xB040] =	vst v63  }
0xb3: {  	_ =	swait.ge [sflag:s18], $0xA00  }
0xb4: {  	[sflag:s18] =	ssyncset.done $0x0  }
0xb5: {  	[sflag:s18] =	ssyncadd.s32 $0xFFFFF600  }
0xb6: {  	[spmem:s6] =	stream.linear.scatter [tilespmem:s17], [sflag:$0x3], $0xA00, $0x38;
	[tilespmem:$0xB040] =	vst v63  }
0xb7: {  	_ =	swait.ge [sflag:s18], $0xA00  }
0xb8: {  	[sflag:s18] =	ssyncset.done $0x0  }
0xb9: {  	[sflag:s18] =	ssyncadd.s32 $0xFFFFF600  }
0xba: {  	[spmem:s7] =	stream.linear.scatter [tilespmem:s17], [sflag:$0x3], $0xA00, $0x38;
	[tilespmem:$0xB040] =	vst v63  }
0xbb: {  	_ =	swait.ge [sflag:s18], $0xA00  }
0xbc: {  	[sflag:s18] =	ssyncset.done $0x0  }
0xbd: {  	[sflag:s18] =	ssyncadd.s32 $0xFFFFF600  }
0xbe: {  	[spmem:s8] =	stream.linear.scatter [tilespmem:s17], [sflag:$0x3], $0xA00, $0x38;
	[tilespmem:$0xB040] =	vst v63  }
0xbf: {  	_ =	swait.ge [sflag:s18], $0xA00  }
0xc0: {  	[sflag:s18] =	ssyncset.done $0x0  }
0xc1: {  	[sflag:s18] =	ssyncadd.s32 $0xFFFFF600  }
0xc2: {  	[spmem:s9] =	stream.linear.scatter [tilespmem:s17], [sflag:$0x3], $0xA00, $0x38;
	[tilespmem:$0xB040] =	vst v63  }
0xc3: {  	_ =	swait.ge [sflag:s18], $0xA00  }
0xc4: {  	[sflag:s18] =	ssyncset.done $0x0  }
0xc5: {  	[sflag:s18] =	ssyncadd.s32 $0xFFFFF600  }
0xc6: {  	[spmem:s10] =	stream.linear.scatter [tilespmem:s17], [sflag:$0x3], $0xA00, $0x38;
	[tilespmem:$0xB040] =	vst v63  }
0xc7: {  	_ =	swait.ge [sflag:s18], $0xA00  }
0xc8: {  	[sflag:s18] =	ssyncset.done $0x0  }
0xc9: {  	[sflag:s18] =	ssyncadd.s32 $0xFFFFF600  }
0xca: {  	[spmem:s11] =	stream.linear.scatter [tilespmem:s17], [sflag:$0x3], $0xA00, $0x38;
	[tilespmem:$0xB040] =	vst v63  }
0xcb: {  	_ =	swait.ge [sflag:s18], $0xA00  }
0xcc: {  	[sflag:s18] =	ssyncset.done $0x0  }
0xcd: {  	s30 =	simm.s32 @!p0 $0x4E20;
	[sflag:s18] =	ssyncadd.s32 $0xFFFFF600  }
0xce: {  	[spmem:s12] =	stream.linear.scatter @!p0 [tilespmem:s30], [sflag:$0x3], $0xA00, $0x38;
	[tilespmem:$0xB040] =	vst v63  }
0xcf: {  	s30 =	simm.s32 @!p0 $0x3  }
0xd0: {  	_ =	swait.ge @!p0 [sflag:s30], $0xA00  }
0xd1: {  	[sflag:s30] =	ssyncset.done @!p0 $0x0  }
0xd2: {  	[sflag:s30] =	ssyncadd.s32 @!p0 $0xFFFFF600  }
0xd3: {  	[tilespmem:s3], [sflag:$0x3] =	stream.linear.gather [hbm4b:s13+s3], $0x2710, $0x38;
	[tilespmem:$0xB040] =	vst v63  }
0xd4: {  	_ =	swait.ge [sflag:s18], $0x2710  }
0xd5: {  	[sflag:s18] =	ssyncset.done $0x0  }
0xd6: {  	s1 =	simm.s32 $0x2710;
	[sflag:s18] =	ssyncadd.s32 $0xFFFFD8F0  }
0xd7: {  	[tilespmem:s1], [sflag:$0x3] =	stream.linear.gather [hbm4b:s14+s3], $0x2710, $0x38;
	[tilespmem:$0xB040] =	vst v63  }
0xd8: {  	_ =	swait.ge [sflag:s18], $0x2710  }
0xd9: {  	[sflag:s18] =	ssyncset.done $0x0  }
0xda: {  	[sflag:s18] =	ssyncadd.s32 $0xFFFFD8F0  }
0xdb: {  	[bflag:$0x0] =	sbarrier.arrive $0xFFFF  }
0xdc: {  	[tilespmem:s17], [sflag:$0x1] =	stream.indirect.gather [hbm4b:s4+s20], $0x20, s3, s20, $0xb8;
	[tilespmem:$0xB040] =	vst v63  }
0xdd: {  	s30 =	simm.s32 $0x50  }
0xde: {  	[tilespmem:s21], [sflag:$0x2] =	stream.indirect.gather [hbm4b:s4+s20], $0x20, s30, s20, $0xb8;
	[tilespmem:$0xB040] =	vst v63  }
0xdf: {  	_ =	swait.ge [sflag:s22], $0xA00  }
0xe0: {  	[sflag:s22] =	ssyncset.done $0x0  }
0xe1: {  	s30 =	simm.s32 $0x2710;
	[sflag:s22] =	ssyncadd.s32 $0xFFFFF600  }
0xe2: {  	[spmem:s2] =	stream.indirect.scatter.add.f32 [tilespmem:s17], [sflag:$0x3], $0x20, s30, s20, $0xb8;
	[tilespmem:$0xB040] =	vst v63  }
0xe3: {  	_ =	swait.ge [sflag:s18], $0xA00  }
0xe4: {  	[sflag:s18] =	ssyncset.done $0x0  }
0xe5: {  	s30 =	simm.s32 $0xA0;
	[sflag:s18] =	ssyncadd.s32 $0xFFFFF600  }
0xe6: {  	[tilespmem:s17], [sflag:$0x1] =	stream.indirect.gather [hbm4b:s4+s20], $0x20, s30, s20, $0xb8;
	[tilespmem:$0xB040] =	vst v63  }
0xe7: {  	_ =	swait.ge [sflag:s26], $0xA00  }
0xe8: {  	[sflag:s26] =	ssyncset.done $0x0  }
0xe9: {  	s30 =	simm.s32 $0x2760;
	[sflag:s26] =	ssyncadd.s32 $0xFFFFF600  }
0xea: {  	[spmem:s2] =	stream.indirect.scatter.add.f32 [tilespmem:s21], [sflag:$0x3], $0x20, s30, s20, $0xb8;
	[tilespmem:$0xB040] =	vst v63  }
0xeb: {  	_ =	swait.ge [sflag:s18], $0xA00  }
0xec: {  	s31 =	simm.s32 $0x500;
	s30 =	simm.s32 $0xA0;
	[sflag:s18] =	ssyncset.done $0x0  }
.LBB2_2:
0xed: {  	s1 =	sadd.s32 $0x50, s30  }
0xee: {  	[sflag:s18] =	ssyncadd.s32 $0xFFFFF600;
	s19 =	smov.u32 s31;
	s28 =	sadd.s32 $0x280, s31  }
0xef: {  	[tilespmem:s21], [sflag:$0x2] =	stream.indirect.gather [hbm4b:s4+s20], $0x20, s1, s20, $0xb8;
	[tilespmem:$0xB040] =	vst v63  }
0xf0: {  	p2 =	sne.s32 s31, $0x9880;
	_ =	swait.ge [sflag:s22], $0xA00  }
0xf1: {  	[sflag:s22] =	ssyncset.done $0x0  }
0xf2: {  	s1 =	sadd.s32 $0x2710, s30;
	[sflag:s22] =	ssyncadd.s32 $0xFFFFF600  }
0xf3: {  	[spmem:s2] =	stream.indirect.scatter.add.f32 [tilespmem:s17], [sflag:$0x3], $0x20, s1, s20, $0xb8;
	[tilespmem:$0xB040] =	vst v63  }
0xf4: {  	_ =	swait.ge [sflag:s18], $0xA00  }
0xf5: {  	[sflag:s18] =	ssyncset.done $0x0  }
0xf6: {  	s1 =	sadd.s32 $0xA0, s30;
	[sflag:s18] =	ssyncadd.s32 $0xFFFFF600  }
0xf7: {  	[tilespmem:s17], [sflag:$0x1] =	stream.indirect.gather [hbm4b:s4+s20], $0x20, s1, s20, $0xb8;
	[tilespmem:$0xB040] =	vst v63  }
0xf8: {  	_ =	swait.ge [sflag:s26], $0xA00  }
.Ltmp0:
0xf9: {  	[sflag:s26] =	ssyncset.done $0x0;
	(pc) =	sbr.rel @p2 .LBB2_2-.Ltmp0, $4  }
0xfa: {  	s1 =	sadd.s32 $0x2760, s30;
	[sflag:s26] =	ssyncadd.s32 $0xFFFFF600  }
0xfb: {  	[spmem:s2] =	stream.indirect.scatter.add.f32 [tilespmem:s21], [sflag:$0x3], $0x20, s1, s20, $0xb8;
	[tilespmem:$0xB040] =	vst v63  }
0xfc: {  	_ =	swait.ge [sflag:s18], $0xA00  }
0xfd: {  	s31 =	smov.u32 s28;
	s30 =	sshra.s32 s19, $0x2;
	[sflag:s18] =	ssyncset.done $0x0  }
0xfe: {  	s1 =	sadd.s32 $0x50, s30;
	[sflag:s18] =	ssyncadd.s32 $0xFFFFF600  }
0xff: {  	[tilespmem:s21], [sflag:$0x2] =	stream.indirect.gather [hbm4b:s4+s20], $0x20, s1, s20, $0xb8;
	[tilespmem:$0xB040] =	vst v63  }
0x100: {  	_ =	swait.ge [sflag:s22], $0xA00  }
0x101: {  	[sflag:s22] =	ssyncset.done $0x0  }
0x102: {  	s19 =	sadd.s32 $0x2710, s30;
	[sflag:s22] =	ssyncadd.s32 $0xFFFFF600  }
0x103: {  	[spmem:s2] =	stream.indirect.scatter.add.f32 [tilespmem:s17], [sflag:$0x3], $0x20, s19, s20, $0xb8;
	[tilespmem:$0xB040] =	vst v63  }
0x104: {  	_ =	swait.ge [sflag:s18], $0xA00  }
0x105: {  	[sflag:s18] =	ssyncset.done $0x0  }
0x106: {  	s28 =	sadd.s32 $0xA0, s30;
	[sflag:s18] =	ssyncadd.s32 $0xFFFFF600  }
0x107: {  	[tilespmem:s17], [sflag:$0x1] =	stream.indirect.gather [hbm4b:s4+s20], $0x20, s28, s20, $0xb8;
	[tilespmem:$0xB040] =	vst v63  }
0x108: {  	_ =	swait.ge [sflag:s26], $0xA00  }
0x109: {  	[sflag:s26] =	ssyncset.done $0x0  }
0x10a: {  	s30 =	sadd.s32 $0x2760, s30;
	[sflag:s26] =	ssyncadd.s32 $0xFFFFF600  }
0x10b: {  	[spmem:s2] =	stream.indirect.scatter.add.f32 [tilespmem:s21], [sflag:$0x3], $0x20, s30, s20, $0xb8;
	[tilespmem:$0xB040] =	vst v63  }
0x10c: {  	_ =	swait.ge [sflag:s18], $0xA00  }
0x10d: {  	[sflag:s18] =	ssyncset.done $0x0  }
0x10e: {  	[sflag:s18] =	ssyncadd.s32 $0xFFFFF600  }
0x10f: {  	_ =	swait.ge [sflag:s22], $0xA00  }
0x110: {  	[sflag:s22] =	ssyncset.done $0x0  }
0x111: {  	s31 =	simm.s32 $0x4DD0;
	[sflag:s22] =	ssyncadd.s32 $0xFFFFF600  }
0x112: {  	[spmem:s2] =	stream.indirect.scatter.add.f32 [tilespmem:s17], [sflag:$0x3], $0x20, s31, s20, $0xb8;
	[tilespmem:$0xB040] =	vst v63  }
0x113: {  	_ =	swait.ge [sflag:s18], $0xA00  }
0x114: {  	[sflag:s18] =	ssyncset.done $0x0  }
0x115: {  	[sflag:s18] =	ssyncadd.s32 $0xFFFFF600  }
0x116: {  	s1 =	sadd.s32 @p1 $0x9600, s15;
	s19 =	simm.s32 @p1 $0x1FC3;
	[bflag:$0x0] =	sbarrier.arrive $0xFFFF  }
0x117: {  	[hbm:s1], [sflag:s19] =	dma.local @p1 [spmem:s23], $0x640  }
0x118: {  	s1 =	simm.s32 @p1 $0x3  }
0x119: {  	_ =	swait.ge @p1 [sflag:s1], $0x640  }
0x11a: {  	s29 =	sadd.s32 $0x1, s29;
	s19 =	sshll.u32 @!p1 s0, $0x6;
	[sflag:s1] =	ssyncset.done @p1 $0x0  }
0x11b: {  	p2 =	sne.s32 s29, s16;
	[sflag:s1] =	ssyncadd.s32 @p1 $0xFFFFF9C0;
	s1 =	sor.u32 @!p1 $0x1C03, s19  }
0x11c: {  	[hbm:s24], [sflag:s1] =	dma.local @!p1 [spmem:s25], $0xA00  }
.Ltmp1:
0x11d: {  	_ = 	snop;
	(pc) =	sbr.rel @p2 .LBB2_1-.Ltmp1, $4  }
0x11e: {  	s1 =	simm.s32 @!p1 $0x3  }
0x11f: {  	_ =	swait.ge @!p1 [sflag:s1], $0xA00  }
0x120: {  	[sflag:s1] =	ssyncset.done @!p1 $0x0  }
0x121: {  	[sflag:s1] =	ssyncadd.s32 @!p1 $0xFFFFF600  }
0x122: {  	_ =	sfence.sel $0x180000  }
0x123: {  	[bflag:$0x0] =	sbarrier.arrive $0xFFFF  }
0x124: {  	_ =	strace $0x9000004A  }
0x125: {  	[bflag:$0x2] =	sbarrier.arrive $0xFFFF  }
0x126: {  	p0 =	sne.s32 s0, $0x0;
	s0 =	rddreg [dreg:$0x2]  }
0x127: {  	s0 =	sadd.s32 @!p0 $0x100000, s0  }
0x128: {  	[sflag:s0] =	ssyncadd.tile.s32 @!p0 $0x1;
	_ =	shalt  }
.Lfunc_end2:
_tile_overlayer_lowered:
.L_overlay_start_2:
0x129: {  	(tag) =	ssettag $0x2  }
0x12a: {  	s0 =	rddreg [dreg:$0x0];
	s2 =	stileid.u32  }
0x12b: {  	s1 =	rddreg [dreg:$0x1];
	p0 =	sne.s32 s2, $0x0  }
0x12c: {  	s3 =	rddreg [dreg:$0x2];
	[bflag:$0x3] =	sbarrier.arrive $0xFFFF;
	s2 =	simm.s32 @!p0 $0x1C03  }
0x12d: {  	[timem:s3], [sflag:s2] =	dma.local @!p0 [hbm:s0], s1  }
0x12e: {  	s0 =	simm.s32 @!p0 $0x3  }
0x12f: {  	_ =	swait.ge @!p0 [sflag:s0], s1  }
0x130: {  	s1 =	ssub.s32 @!p0 $0x0, s1;
	[sflag:s0] =	ssyncset.done @!p0 $0x0  }
0x131: {  	[sflag:s0] =	ssyncadd.s32 @!p0 s1  }
0x132: {  	[bflag:$0x3] =	sbarrier.arrive $0xFFFF  }
0x133: {  	_ =	shalt  }

// kernel: kernel.15.cloned.1.call-start
scs
__scs_entry_jumppad:
0x0: {  	(pc) =	sbr.rel $0x88, $3  }
0x1: {  	(tag) =	ssettag $0x0;
	lr =	simm.s32 $0x1  }
0x2: {  	[smem:$0x3F91] =	sst lr;
	_ =	strace $0xD0000000  }
0x3: {  	_ = 	snop  }
0x4: {  	_ = 	snop  }
0x5: {  	_ = 	snop  }
0x6: {  	_ = 	snop  }
0x7: {  	_ = 	snop  }
__scs_overlays_trampoline_lowered:
0x8: {  	[smem:$0x3FA0] =	sst s0  }
0x9: {  	[smem:$0x3FA1] =	sst s1  }
0xa: {  	[smem:$0x3FA2] =	sst s2  }
0xb: {  	[smem:$0x3FA3] =	sst s3  }
0xc: {  	[smem:$0x3FA4] =	sst s4  }
0xd: {  	[smem:$0x3FA5] =	sst s5  }
0xe: {  	[smem:$0x3FA6] =	sst s6  }
0xf: {  	[smem:$0x3FA7] =	sst s7  }
0x10: {  	[smem:$0x3FA8] =	sst s8  }
0x11: {  	[smem:$0x3FA9] =	sst s9;
	s0 =	simm.s32 @!p0 $0x0  }
0x12: {  	s1 =	sld [smem:$0x3F8F];
	s0 =	simm.s32 @p0 $0x1  }
0x13: {  	[smem:$0x3FAA] =	sst s0;
	s0 =	simm.s32 @!p1 $0x0  }
0x14: {  	s2 =	sld [smem:$0x3F8E];
	s0 =	simm.s32 @p1 $0x1  }
0x15: {  	[smem:$0x3FAB] =	sst s0;
	s0 =	simm.s32 @!p2 $0x0  }
0x16: {  	s3 =	sld [smem:$0x3FDB];
	s0 =	simm.s32 @p2 $0x1  }
0x17: {  	s4 =	simm.s32 $0x1BF5;
	[smem:$0x3FAD] =	sst s0  }
0x18: {  	s0 =	sld [smem:$0x3F90];
	_ =	swait.ge [sflag:s4], $0x0  }
0x19: {  	s7 =	sld [smem:$0x3F91]  }
0x1a: {  	s8 =	sadd.s32 $0xFFFFE003, lr  }
0x1b: {  	s9 =	sadd.s32 $0xFFFFFEF7, lr;
	s5 =	simm.s32 $0xFFFFFFFF;
	p2 =	slt.u32 s8, $0xFFFFF086  }
0x1c: {  	p1 =	slt.u32 s9, $0xF7A;
	s5 =	simm.s32 @!p2 $0x0  }
0x1d: {  	s5 =	simm.s32 @p1 $0x1;
	p0 =	seq.s32 s7, s2  }
0x1e: {  	s7 =	smul.u32 @!p0 $0xF7A, s2;
	p2 =	seq.s32 @!p0 s5, $0x0  }
0x1f: {  	s9 =	smul.u32 $0xF7A, s1;
	s8 =	simm.s32 @!p0 $0x1BF5;
	p2 =	por !p2, p0  }
0x20: {  	[sflag:s8] =	ssyncset.s32 @!p0 $0xFFFFF086;
	s6 =	sadd.s32 @!p0 s3, s7;
	s7 =	simm.s32 @!p0 $0x108  }
0x21: {  	s3 =	sadd.s32 s3, s9;
	s6 =	sadd.s32 @!p0 $0x88, s6;
	s7 =	simm.s32 @p2 $0x1082  }
0x22: {  	[simem:s7], [sflag:s8] =	dma.local @!p0 [hbm:s6], $0xF7A  }
0x23: {  	s9 =	sor.u32 $0xD0000000, s2;
	s6 =	simm.s32 $0x108;
	_ =	swait.ge @!p0 [sflag:s8], $0x0  }
0x24: {  	s3 =	sadd.s32 $0x88, s3;
	s6 =	simm.s32 @!p1 $0x1082;
	[sflag:s4] =	ssyncset.s32 $0xFFFFF086  }
0x25: {  	[simem:s6], [sflag:s4] =	dma.local [hbm:s3], $0xF7A  }
0x26: {  	[smem:$0x3F91] =	sst s1;
	(tag) =	ssettag s2;
	_ =	strace s9  }
0x27: {  	s1 =	sld [smem:$0x3FA1]  }
0x28: {  	s2 =	sld [smem:$0x3FA2]  }
0x29: {  	s4 =	sld [smem:$0x3FA4]  }
0x2a: {  	p0 =	seq.s32 s5, $0x0;
	s5 =	sld [smem:$0x3FA5]  }
0x2b: {  	s6 =	sld [smem:$0x3FA6]  }
0x2c: {  	s7 =	sld [smem:$0x3FA7]  }
0x2d: {  	s3 =	simm.s32 $0x108;
	s8 =	sld [smem:$0x3FA8]  }
0x2e: {  	s3 =	simm.s32 @!p0 $0x1082;
	s9 =	sld [smem:$0x3FA9]  }
0x2f: {  	lr =	sadd.s32 s0, s3;
	s0 =	sld [smem:$0x3FA0]  }
0x30: {  	s3 =	sld [smem:$0x3FA3]  }
0x31: {  	[smem:$0x3FAC] =	sst s10  }
0x32: {  	s10 =	sld [smem:$0x3FAA];
	_ =	sdelay $0x3  }
0x33: {  	p0 =	seq.s32 s10, $0x1;
	s10 =	sld [smem:$0x3FAC];
	_ =	sdelay $0x3  }
0x34: {  	[smem:$0x3FAC] =	sst s10  }
0x35: {  	s10 =	sld [smem:$0x3FAB];
	_ =	sdelay $0x3  }
0x36: {  	p1 =	seq.s32 s10, $0x1;
	s10 =	sld [smem:$0x3FAC];
	_ =	sdelay $0x3  }
0x37: {  	[smem:$0x3FAC] =	sst s10  }
0x38: {  	s10 =	sld [smem:$0x3FAD]  }
0x39: {  	_ = 	snop;
	(pc) =	sbr.ind lr, $3  }
0x3a: {  	_ = 	snop  }
0x3b: {  	_ = 	snop  }
0x3c: {  	p2 =	seq.s32 s10, $0x1;
	s10 =	sld [smem:$0x3FAC]  }
0x3d: {  	_ =	shalt  }
0x3e: {  	_ =	shalt  }
0x3f: {  	_ =	shalt  }
0x40: {  	_ =	shalt  }
0x41: {  	_ =	shalt  }
0x42: {  	_ =	shalt  }
0x43: {  	_ =	shalt  }
0x44: {  	_ =	shalt  }
0x45: {  	_ =	shalt  }
0x46: {  	_ =	shalt  }
0x47: {  	_ =	shalt  }
0x48: {  	_ =	shalt  }
0x49: {  	_ =	shalt  }
0x4a: {  	_ =	shalt  }
0x4b: {  	_ =	shalt  }
0x4c: {  	_ =	shalt  }
0x4d: {  	_ =	shalt  }
0x4e: {  	_ =	shalt  }
0x4f: {  	_ =	shalt  }
0x50: {  	_ =	shalt  }
0x51: {  	_ =	shalt  }
0x52: {  	_ =	shalt  }
0x53: {  	_ =	shalt  }
0x54: {  	_ =	shalt  }
0x55: {  	_ =	shalt  }
0x56: {  	_ =	shalt  }
0x57: {  	_ =	shalt  }
0x58: {  	_ =	shalt  }
0x59: {  	_ =	shalt  }
0x5a: {  	_ =	shalt  }
0x5b: {  	_ =	shalt  }
0x5c: {  	_ =	shalt  }
0x5d: {  	_ =	shalt  }
0x5e: {  	_ =	shalt  }
0x5f: {  	_ =	shalt  }
0x60: {  	_ =	shalt  }
0x61: {  	_ =	shalt  }
0x62: {  	_ =	shalt  }
0x63: {  	_ =	shalt  }
0x64: {  	_ =	shalt  }
0x65: {  	_ =	shalt  }
0x66: {  	_ =	shalt  }
0x67: {  	_ =	shalt  }
0x68: {  	_ =	shalt  }
0x69: {  	_ =	shalt  }
0x6a: {  	_ =	shalt  }
0x6b: {  	_ =	shalt  }
0x6c: {  	_ =	shalt  }
0x6d: {  	_ =	shalt  }
0x6e: {  	_ =	shalt  }
0x6f: {  	_ =	shalt  }
0x70: {  	_ =	shalt  }
0x71: {  	_ =	shalt  }
0x72: {  	_ =	shalt  }
0x73: {  	_ =	shalt  }
0x74: {  	_ =	shalt  }
0x75: {  	_ =	shalt  }
0x76: {  	_ =	shalt  }
0x77: {  	_ =	shalt  }
0x78: {  	_ =	shalt  }
0x79: {  	_ =	shalt  }
0x7a: {  	_ =	shalt  }
0x7b: {  	_ =	shalt  }
0x7c: {  	_ =	shalt  }
0x7d: {  	_ =	shalt  }
0x7e: {  	_ =	shalt  }
0x7f: {  	_ =	shalt  }
0x80: {  	_ =	shalt  }
0x81: {  	_ =	shalt  }
0x82: {  	_ =	shalt  }
0x83: {  	_ =	shalt  }
0x84: {  	_ =	shalt  }
0x85: {  	_ =	shalt  }
0x86: {  	_ =	shalt  }
0x87: {  	_ =	shalt  }
.Lfunc_end0:
.L_simem_size_0:
called_computation.2_lowered:
.L_overlay_start_0:
0x88: {  	s2 =	sld [smem:$0x3FD9]  }
0x89: {  	s3 =	sld [smem:$0x3FFE];
	_ =	sdelay $0x1  }
0x8a: {  	s1 =	srdreg.scid  }
0x8b: {  	s0 =	sand.u32 $0x1, s1  }
0x8c: {  	s17 =	sshll.u32 s0, $0xA;
	s2 =	sadd.s32 s3, s2  }
0x8d: {  	s2 =	sadd.s32 s2, s17  }
0x8e: {  	[smem:$0x3FB8] =	sst s2  }
0x8f: {  	_ = 	snop  }
0x90: {  	s2 =	sld [smem:$0x3FD0];
	(tm) =	ssettm $0x1  }
0x91: {  	s18 =	sld [smem:$0x3FFB];
	_ =	sdelay $0x3  }
0x92: {  	_ =	strace s18  }
0x93: {  	s3 =	sld [smem:$0x3FFC];
	_ =	sdelay $0x3  }
0x94: {  	_ =	strace s3  }
0x95: {  	s3 =	sld [smem:$0x3FFD];
	_ =	sdelay $0x3  }
0x96: {  	_ =	strace s3  }
0x97: {  	_ =	strace $0x8FFFFFFF  }
0x98: {  	s19 =	sld [smem:$0x3FDB];
	_ =	sdelay $0x1  }
0x99: {  	s4 =	simm.s32 $_scs_section_size  }
0x9a: {  	s5 =	simm.s32 $_size__tile_overlayer_lowered;
	s6 =	simm.s32 $_tile_overlayer_lowered  }
0x9b: {  	s22 =	simm.s32 $0x1BFF;
	s21 =	sshll.u32 s6, $0x1;
	s3 =	sadd.s32 s4, s19  }
0x9c: {  	s7 =	simm.s32 $0x0;
	s20 =	sshll.u32 s5, $0x1;
	s5 =	sadd.s32 s21, s3  }
0x9d: {  	[timem:s7], [sflag:s22] =	dma.local [hbm:s5], s20  }
0x9e: {  	_ =	swait.ge [sflag:s22], s20  }
0x9f: {  	s4 =	ssub.s32 $0x0, s20;
	[sflag:s22] =	ssyncset.done $0x0  }
0xa0: {  	[sflag:s22] =	ssyncadd.s32 s4;
	_ =	sdelay $0x1  }
0xa1: {  	s23 =	simm.s32 $0x1B8B  }
0xa2: {  	_ =	swait.ge [sflag:s23], $0x1  }
0xa3: {  	[sflag:s23] =	ssyncset.done $0x0  }
0xa4: {  	s25 =	simm.s32 $0x1B8E;
	s24 =	sld [smem:$0x3FFE];
	[sflag:s23] =	ssyncadd.s32 $0xFFFFFFFF  }
0xa5: {  	s26 =	simm.s32 $execute0_lowered;
	[smem:$0x3FD2] =	sst s25  }
0xa6: {  	s5 =	sshll.u32 s26, $0x1;
	_ =	strace $0x8000004C;
	[dreg:$0x1] =	wrdreg $0xFFFFFFFF  }
0xa7: {  	s28 =	simm.s32 $_size_execute0_lowered;
	s3 =	sadd.s32 s3, s5;
	[dreg:$0x0] =	wrdreg $0x0  }
0xa8: {  	s5 =	sshll.u32 s28, $0x1;
	[dreg:$0x2] =	wrdreg s3  }
0xa9: {  	[dreg:$0x3] =	wrdreg s5  }
0xaa: {  	[dreg:$0x4] =	wrdreg $0xC0  }
0xab: {  	_ =	task [dreg:s7], $0x5FFFF  }
0xac: {  	[dreg:$0x1] =	wrdreg $0xFFFFFFFF  }
0xad: {  	[dreg:$0x0] =	wrdreg $0x60  }
0xae: {  	[dreg:$0x2] =	wrdreg s24  }
0xaf: {  	[dreg:$0x3] =	wrdreg s2  }
0xb0: {  	[dreg:$0x4] =	wrdreg $0x9  }
0xb1: {  	_ =	task.clear_ibuf [dreg:s7], $0x5FFFF;
	_ =	strace $0x9000004C  }
0xb2: {  	s29 =	simm.s32 $0x9;
	_ =	strace $0x8000004E  }
0xb3: {  	_ =	swait.ge [sflag:s29], $0x1  }
0xb4: {  	[sflag:s29] =	ssyncadd.s32 $0xFFFFFFFF  }
0xb5: {  	_ =	strace $0x9000004E  }
0xb6: {  	_ =	sfence  }
0xb7: {  	s30 =	sld [smem:$0x0];
	_ =	sdelay $0x2  }
0xb8: {  	s31 =	sshll.u32 s1, $0xD;
	s1 =	sshrl.u32 s1, $0x2  }
0xb9: {  	s3 =	sand.u32 $0x4000, s31;
	s1 =	sadd.s32 s1, s30  }
0xba: {  	s0 =	sor.u32 s3, s0;
	s1 =	sshll.u32 s1, $0x11  }
0xbb: {  	s0 =	sor.u32 s1, s0  }
0xbc: {  	s0 =	sadd.s32 $0x8F2B, s0  }
0xbd: {  	[sflag:s0] =	ssyncadd.remote.s32 $0x1  }
0xbe: {  	_ =	sfence.sel $0xFFFF  }
0xbf: {  	[dreg:$0x0] =	wrdreg $0xFFFFFFFF;
	(pc) =	sbr.abs _section_cstart, $3  }
0xc0: {  	[dreg:$0x1] =	wrdreg $0xFFFFFFFF  }
0xc1: {  	_ =	task.clear_ibuf [dreg:s7], $0x2FFFF;
	_ =	strace $0x9FFFFFFF  }
0xc2: {  	(tm) =	ssettm $0x7FFFFFFF  }
0xc3: {  	_ =	shalt  }
tec
execute0_lowered:
.L_overlay_start_1:
0x0: {  	(tag) =	ssettag $0x1  }
0x1: {  	s4 =	rddreg [dreg:$0x0]  }
0x2: {  	s0 =	srdreg.scid;
	s6 =	rddreg [dreg:$0x1]  }
0x3: {  	s1 =	stileid.u32;
	s2 =	simm.s32 $0x0;
	s13 =	simm.s32 $0x2710  }
0x4: {  	s14 =	simm.s32 $0x3110;
	s15 =	simm.s32 $0x3B10;
	s16 =	simm.s32 $0x4510  }
0x5: {  	s17 =	simm.s32 $0x1;
	s18 =	simm.s32 $0x2;
	s19 =	simm.s32 $0x40  }
0x6: {  	s20 =	simm.s32 $0x80;
	s21 =	simm.s32 $0x3;
	s22 =	simm.s32 $0x4  }
0x7: {  	s23 =	simm.s32 $0x0;
	s5 =	sand.u32 $0x1, s0;
	s0 =	rddreg [dreg:$0x2]  }
0x8: {  	[smem:$0x7FF] =	sst s2;
	s30 =	smul.u32 $0x13880, s1;
	s3 =	sshll.u32 s5, $0x4  }
0x9: {  	s12 =	sadd.s32 $0x38C00, s4;
	s29 =	smul.u32 $0x138800, s5;
	s3 =	sor.u32 s1, s3  }
0xa: {  	_ =	strace $0x8000004D;
	s8 =	ssub.s32 $0x2, s5;
	s7 =	smul.u32 $0x1388, s3  }
0xb: {  	s11 =	sshrl.u32 s8, $0x1;
	s9 =	smul.u32 $0x9C400, s3;
	s3 =	sadd.s32 $0x2800, s4  }
0xc: {  	s8 =	ssub.s32 s8, s11;
	s31 =	sadd.s32 s29, s12;
	s11 =	simm.s32 $0x1388  }
0xd: {  	s8 =	smax.u32 s8, $0x1;
	s7 =	sshrl.u32 s7, $0x3;
	s9 =	sshrl.u32 s9, $0x3  }
0xe: {  	s10 =	sadd.s32 s7, s4;
	s9 =	sadd.s32 s12, s9;
	s5 =	sadd.s32 s6, s7  }
0xf: {  	s12 =	simm.s32 $0x28;
	s4 =	sadd.s32 $0x33C00, s10;
	s6 =	sadd.s32 $0x13600, s9  }
0x10: {  	s7 =	sadd.s32 $0x13608, s9;
	s9 =	sadd.s32 s30, s31;
	s10 =	simm.s32 $0x5  }
.LBB2_1:
0x11: {  	[tilespmem:s2], [sflag:$0x5] =	stream.linear.gather [hbm4b:s4+s2], $0x1388, $0x38;
	[tilespmem:$0x4F10] =	vst v63  }
0x12: {  	_ =	swait.ge [sflag:s10], $0x1388  }
0x13: {  	[sflag:s10] =	ssyncset.done $0x0  }
0x14: {  	[sflag:s10] =	ssyncadd.s32 $0xFFFFEC78  }
0x15: {  	[tilespmem:s11], [sflag:$0x5] =	stream.linear.gather [hbm4b:s5+s2], $0x1388, $0x38;
	[tilespmem:$0x4F10] =	vst v63  }
0x16: {  	_ =	swait.ge [sflag:s10], $0x1388  }
0x17: {  	[sflag:s10] =	ssyncset.done $0x0  }
0x18: {  	[sflag:s10] =	ssyncadd.s32 $0xFFFFEC78  }
0x19: {  	[tilespmem:s13], [sflag:$0x1] =	stream.indirect.gather [hbm4b:s3+s12], $0x40, s2, s12, $0xb8;
	[tilespmem:$0x4F10] =	vst v63  }
0x1a: {  	_ = 	snop  }
0x1b: {  	[tilespmem:s14], [sflag:$0x2] =	stream.indirect.gather [hbm4b:s3+s12], $0x40, s11, s12, $0xb8;
	[tilespmem:$0x4F10] =	vst v63  }
0x1c: {  	s24 =	simm.s32 $0x28  }
0x1d: {  	[tilespmem:s15], [sflag:$0x3] =	stream.indirect.gather [hbm4b:s3+s12], $0x40, s24, s12, $0xb8;
	[tilespmem:$0x4F10] =	vst v63  }
0x1e: {  	s31 =	simm.s32 $0x13B0  }
0x1f: {  	[tilespmem:s16], [sflag:$0x4] =	stream.indirect.gather [hbm4b:s3+s12], $0x40, s31, s12, $0xb8;
	[tilespmem:$0x4F10] =	vst v63  }
0x20: {  	_ =	swait.ge [sflag:s17], $0xA00  }
0x21: {  	[sflag:s17] =	ssyncset.done $0x0  }
0x22: {  	[sflag:s17] =	ssyncadd.s32 $0xFFFFF600  }
0x23: {  	_ =	swait.ge [sflag:s18], $0xA00  }
0x24: {  	[sflag:s18] =	ssyncset.done $0x0  }
0x25: {  	[sflag:s18] =	ssyncadd.s32 $0xFFFFF600  }
0x26: {  	[hbm4b:s9+s19] =	stream.strided.scatter [tilespmem:s13], [sflag:$0x5], $0xA00, s20, s19, $0x38;
	[tilespmem:$0x4F10] =	vst v63  }
0x27: {  	_ =	swait.ge [sflag:s10], $0xA00  }
0x28: {  	[sflag:s10] =	ssyncset.done $0x0  }
0x29: {  	s25 =	sadd.s32 $0x8, s9;
	[sflag:s10] =	ssyncadd.s32 $0xFFFFF600  }
0x2a: {  	[hbm4b:s25+s19] =	stream.strided.scatter [tilespmem:s14], [sflag:$0x5], $0xA00, s20, s19, $0x38;
	[tilespmem:$0x4F10] =	vst v63  }
0x2b: {  	_ =	swait.ge [sflag:s10], $0xA00  }
0x2c: {  	[sflag:s10] =	ssyncset.done $0x0  }
0x2d: {  	s26 =	simm.s32 $0x50;
	[sflag:s10] =	ssyncadd.s32 $0xFFFFF600  }
0x2e: {  	[tilespmem:s13], [sflag:$0x1] =	stream.indirect.gather [hbm4b:s3+s12], $0x40, s26, s12, $0xb8;
	[tilespmem:$0x4F10] =	vst v63  }
0x2f: {  	s28 =	simm.s32 $0x13D8  }
0x30: {  	[tilespmem:s14], [sflag:$0x2] =	stream.indirect.gather [hbm4b:s3+s12], $0x40, s28, s12, $0xb8;
	[tilespmem:$0x4F10] =	vst v63  }
0x31: {  	_ =	swait.ge [sflag:s21], $0xA00  }
0x32: {  	[sflag:s21] =	ssyncset.done $0x0  }
0x33: {  	[sflag:s21] =	ssyncadd.s32 $0xFFFFF600  }
0x34: {  	_ =	swait.ge [sflag:s22], $0xA00  }
0x35: {  	[sflag:s22] =	ssyncset.done $0x0  }
0x36: {  	s30 =	sadd.s32 $0x280, s9;
	[sflag:s22] =	ssyncadd.s32 $0xFFFFF600  }
0x37: {  	[hbm4b:s30+s19] =	stream.strided.scatter [tilespmem:s15], [sflag:$0x5], $0xA00, s20, s19, $0x38;
	[tilespmem:$0x4F10] =	vst v63  }
0x38: {  	_ =	swait.ge [sflag:s10], $0xA00  }
0x39: {  	[sflag:s10] =	ssyncset.done $0x0  }
0x3a: {  	s31 =	sadd.s32 $0x288, s9;
	[sflag:s10] =	ssyncadd.s32 $0xFFFFF600  }
0x3b: {  	[hbm4b:s31+s19] =	stream.strided.scatter [tilespmem:s16], [sflag:$0x5], $0xA00, s20, s19, $0x38;
	[tilespmem:$0x4F10] =	vst v63  }
0x3c: {  	s29 =	simm.s32 $0x280;
	_ =	swait.ge [sflag:s10], $0xA00  }
0x3d: {  	s24 =	sadd.s32 $0x500, s9;
	s25 =	simm.s32 $0x50;
	[sflag:s10] =	ssyncset.done $0x0  }
.LBB2_2:
0x3e: {  	s30 =	sadd.s32 $0x28, s25  }
0x3f: {  	[sflag:s10] =	ssyncadd.s32 $0xFFFFF600;
	s28 =	smov.u32 s29;
	s26 =	sadd.s32 $0x140, s29  }
0x40: {  	[tilespmem:s15], [sflag:$0x3] =	stream.indirect.gather [hbm4b:s3+s12], $0x40, s30, s12, $0xb8;
	[tilespmem:$0x4F10] =	vst v63  }
0x41: {  	p0 =	sne.s32 s29, $0x4C40;
	s29 =	sadd.s32 $0x13B0, s25  }
0x42: {  	[tilespmem:s16], [sflag:$0x4] =	stream.indirect.gather [hbm4b:s3+s12], $0x40, s29, s12, $0xb8;
	[tilespmem:$0x4F10] =	vst v63  }
0x43: {  	_ =	swait.ge [sflag:s17], $0xA00  }
0x44: {  	[sflag:s17] =	ssyncset.done $0x0  }
0x45: {  	[sflag:s17] =	ssyncadd.s32 $0xFFFFF600  }
0x46: {  	_ =	swait.ge [sflag:s18], $0xA00  }
0x47: {  	[sflag:s18] =	ssyncset.done $0x0  }
0x48: {  	[sflag:s18] =	ssyncadd.s32 $0xFFFFF600  }
0x49: {  	[hbm4b:s24+s19] =	stream.strided.scatter [tilespmem:s13], [sflag:$0x5], $0xA00, s20, s19, $0x38;
	[tilespmem:$0x4F10] =	vst v63  }
0x4a: {  	_ =	swait.ge [sflag:s10], $0xA00  }
0x4b: {  	[sflag:s10] =	ssyncset.done $0x0  }
0x4c: {  	s29 =	sadd.s32 $0x8, s24;
	[sflag:s10] =	ssyncadd.s32 $0xFFFFF600  }
0x4d: {  	[hbm4b:s29+s19] =	stream.strided.scatter [tilespmem:s14], [sflag:$0x5], $0xA00, s20, s19, $0x38;
	[tilespmem:$0x4F10] =	vst v63  }
0x4e: {  	_ =	swait.ge [sflag:s10], $0xA00  }
0x4f: {  	[sflag:s10] =	ssyncset.done $0x0  }
0x50: {  	s29 =	sadd.s32 $0x50, s25;
	[sflag:s10] =	ssyncadd.s32 $0xFFFFF600  }
0x51: {  	[tilespmem:s13], [sflag:$0x1] =	stream.indirect.gather [hbm4b:s3+s12], $0x40, s29, s12, $0xb8;
	[tilespmem:$0x4F10] =	vst v63  }
0x52: {  	s25 =	sadd.s32 $0x13D8, s25  }
0x53: {  	[tilespmem:s14], [sflag:$0x2] =	stream.indirect.gather [hbm4b:s3+s12], $0x40, s25, s12, $0xb8;
	[tilespmem:$0x4F10] =	vst v63  }
0x54: {  	_ =	swait.ge [sflag:s21], $0xA00  }
0x55: {  	[sflag:s21] =	ssyncset.done $0x0  }
0x56: {  	[sflag:s21] =	ssyncadd.s32 $0xFFFFF600  }
0x57: {  	_ =	swait.ge [sflag:s22], $0xA00  }
0x58: {  	[sflag:s22] =	ssyncset.done $0x0  }
0x59: {  	s25 =	sadd.s32 $0x280, s24;
	[sflag:s22] =	ssyncadd.s32 $0xFFFFF600  }
0x5a: {  	[hbm4b:s25+s19] =	stream.strided.scatter [tilespmem:s15], [sflag:$0x5], $0xA00, s20, s19, $0x38;
	[tilespmem:$0x4F10] =	vst v63  }
0x5b: {  	_ =	swait.ge [sflag:s10], $0xA00  }
.Ltmp0:
0x5c: {  	[sflag:s10] =	ssyncset.done $0x0;
	(pc) =	sbr.rel @p0 .LBB2_2-.Ltmp0, $4  }
0x5d: {  	s25 =	sadd.s32 $0x288, s24;
	[sflag:s10] =	ssyncadd.s32 $0xFFFFF600  }
0x5e: {  	[hbm4b:s25+s19] =	stream.strided.scatter [tilespmem:s16], [sflag:$0x5], $0xA00, s20, s19, $0x38;
	[tilespmem:$0x4F10] =	vst v63  }
0x5f: {  	s29 =	smov.u32 s26;
	_ =	swait.ge [sflag:s10], $0xA00  }
0x60: {  	s24 =	sadd.s32 $0x500, s24;
	s25 =	sshra.s32 s28, $0x2;
	[sflag:s10] =	ssyncset.done $0x0  }
0x61: {  	s26 =	sadd.s32 $0x28, s25;
	[sflag:s10] =	ssyncadd.s32 $0xFFFFF600  }
0x62: {  	[tilespmem:s15], [sflag:$0x3] =	stream.indirect.gather [hbm4b:s3+s12], $0x40, s26, s12, $0xb8;
	[tilespmem:$0x4F10] =	vst v63  }
0x63: {  	s30 =	sadd.s32 $0x13B0, s25  }
0x64: {  	[tilespmem:s16], [sflag:$0x4] =	stream.indirect.gather [hbm4b:s3+s12], $0x40, s30, s12, $0xb8;
	[tilespmem:$0x4F10] =	vst v63  }
0x65: {  	_ =	swait.ge [sflag:s17], $0xA00  }
0x66: {  	[sflag:s17] =	ssyncset.done $0x0  }
0x67: {  	[sflag:s17] =	ssyncadd.s32 $0xFFFFF600  }
0x68: {  	_ =	swait.ge [sflag:s18], $0xA00  }
0x69: {  	[sflag:s18] =	ssyncset.done $0x0  }
0x6a: {  	[sflag:s18] =	ssyncadd.s32 $0xFFFFF600  }
0x6b: {  	[hbm4b:s24+s19] =	stream.strided.scatter [tilespmem:s13], [sflag:$0x5], $0xA00, s20, s19, $0x38;
	[tilespmem:$0x4F10] =	vst v63  }
0x6c: {  	_ =	swait.ge [sflag:s10], $0xA00  }
0x6d: {  	[sflag:s10] =	ssyncset.done $0x0  }
0x6e: {  	s31 =	sadd.s32 $0x8, s24;
	[sflag:s10] =	ssyncadd.s32 $0xFFFFF600  }
0x6f: {  	[hbm4b:s31+s19] =	stream.strided.scatter [tilespmem:s14], [sflag:$0x5], $0xA00, s20, s19, $0x38;
	[tilespmem:$0x4F10] =	vst v63  }
0x70: {  	_ =	swait.ge [sflag:s10], $0xA00  }
0x71: {  	[sflag:s10] =	ssyncset.done $0x0  }
0x72: {  	s28 =	sadd.s32 $0x50, s25;
	[sflag:s10] =	ssyncadd.s32 $0xFFFFF600  }
0x73: {  	[tilespmem:s13], [sflag:$0x1] =	stream.indirect.gather [hbm4b:s3+s12], $0x40, s28, s12, $0xb8;
	[tilespmem:$0x4F10] =	vst v63  }
0x74: {  	s29 =	sadd.s32 $0x13D8, s25  }
0x75: {  	[tilespmem:s14], [sflag:$0x2] =	stream.indirect.gather [hbm4b:s3+s12], $0x40, s29, s12, $0xb8;
	[tilespmem:$0x4F10] =	vst v63  }
0x76: {  	_ =	swait.ge [sflag:s21], $0xA00  }
0x77: {  	[sflag:s21] =	ssyncset.done $0x0  }
0x78: {  	[sflag:s21] =	ssyncadd.s32 $0xFFFFF600  }
0x79: {  	_ =	swait.ge [sflag:s22], $0xA00  }
0x7a: {  	[sflag:s22] =	ssyncset.done $0x0  }
0x7b: {  	s30 =	sadd.s32 $0x280, s24;
	[sflag:s22] =	ssyncadd.s32 $0xFFFFF600  }
0x7c: {  	[hbm4b:s30+s19] =	stream.strided.scatter [tilespmem:s15], [sflag:$0x5], $0xA00, s20, s19, $0x38;
	[tilespmem:$0x4F10] =	vst v63  }
0x7d: {  	_ =	swait.ge [sflag:s10], $0xA00  }
0x7e: {  	[sflag:s10] =	ssyncset.done $0x0  }
0x7f: {  	s31 =	sadd.s32 $0x288, s24;
	[sflag:s10] =	ssyncadd.s32 $0xFFFFF600  }
0x80: {  	[hbm4b:s31+s19] =	stream.strided.scatter [tilespmem:s16], [sflag:$0x5], $0xA00, s20, s19, $0x38;
	[tilespmem:$0x4F10] =	vst v63  }
0x81: {  	_ =	swait.ge [sflag:s10], $0xA00  }
0x82: {  	[sflag:s10] =	ssyncset.done $0x0  }
0x83: {  	[sflag:s10] =	ssyncadd.s32 $0xFFFFF600  }
0x84: {  	_ =	swait.ge [sflag:s17], $0xA00  }
0x85: {  	[sflag:s17] =	ssyncset.done $0x0  }
0x86: {  	[sflag:s17] =	ssyncadd.s32 $0xFFFFF600  }
0x87: {  	_ =	swait.ge [sflag:s18], $0xA00  }
0x88: {  	[sflag:s18] =	ssyncset.done $0x0  }
0x89: {  	[sflag:s18] =	ssyncadd.s32 $0xFFFFF600  }
0x8a: {  	[hbm4b:s6+s19] =	stream.strided.scatter [tilespmem:s13], [sflag:$0x5], $0xA00, s20, s19, $0x38;
	[tilespmem:$0x4F10] =	vst v63  }
0x8b: {  	s23 =	sadd.s32 $0x1, s23;
	_ =	swait.ge [sflag:s10], $0xA00  }
0x8c: {  	p0 =	sne.s32 s23, s8;
	[sflag:s10] =	ssyncset.done $0x0  }
.Ltmp1:
0x8d: {  	[sflag:s10] =	ssyncadd.s32 $0xFFFFF600;
	(pc) =	sbr.rel @p0 .LBB2_1-.Ltmp1, $4  }
0x8e: {  	[hbm4b:s7+s19] =	stream.strided.scatter [tilespmem:s14], [sflag:$0x5], $0xA00, s20, s19, $0x38;
	[tilespmem:$0x4F10] =	vst v63  }
0x8f: {  	_ =	swait.ge [sflag:s10], $0xA00  }
0x90: {  	[sflag:s10] =	ssyncset.done $0x0  }
0x91: {  	[sflag:s10] =	ssyncadd.s32 $0xFFFFF600  }
0x92: {  	_ =	sfence.sel $0x180000  }
0x93: {  	[bflag:$0x0] =	sbarrier.arrive $0xFFFF  }
0x94: {  	p0 =	sne.s32 s1, $0x0;
	_ =	strace $0x9000004D  }
0x95: {  	s0 =	sadd.s32 @!p0 $0x100000, s0;
	[bflag:$0x2] =	sbarrier.arrive $0xFFFF  }
0x96: {  	[sflag:s0] =	ssyncadd.tile.s32 @!p0 $0x1;
	_ =	shalt  }
.Lfunc_end2:
_tile_overlayer_lowered:
.L_overlay_start_2:
0x97: {  	(tag) =	ssettag $0x2  }
0x98: {  	s0 =	rddreg [dreg:$0x0];
	s2 =	stileid.u32  }
0x99: {  	s1 =	rddreg [dreg:$0x1];
	p0 =	sne.s32 s2, $0x0  }
0x9a: {  	s3 =	rddreg [dreg:$0x2];
	[bflag:$0x3] =	sbarrier.arrive $0xFFFF;
	s2 =	simm.s32 @!p0 $0x1C05  }
0x9b: {  	[timem:s3], [sflag:s2] =	dma.local @!p0 [hbm:s0], s1  }
0x9c: {  	s0 =	simm.s32 @!p0 $0x5  }
0x9d: {  	_ =	swait.ge @!p0 [sflag:s0], s1  }
0x9e: {  	s1 =	ssub.s32 @!p0 $0x0, s1;
	[sflag:s0] =	ssyncset.done @!p0 $0x0  }
0x9f: {  	[sflag:s0] =	ssyncadd.s32 @!p0 s1  }
0xa0: {  	[bflag:$0x3] =	sbarrier.arrive $0xFFFF  }
0xa1: {  	_ =	shalt  }

// kernel: kernel.9.cloned.1.call-start
scs
__scs_entry_jumppad:
0x0: {  	(pc) =	sbr.rel $0x88, $3  }
0x1: {  	(tag) =	ssettag $0x0;
	lr =	simm.s32 $0x1  }
0x2: {  	[smem:$0x3F91] =	sst lr;
	_ =	strace $0xD0000000  }
0x3: {  	_ = 	snop  }
0x4: {  	_ = 	snop  }
0x5: {  	_ = 	snop  }
0x6: {  	_ = 	snop  }
0x7: {  	_ = 	snop  }
__scs_overlays_trampoline_lowered:
0x8: {  	[smem:$0x3FA0] =	sst s0  }
0x9: {  	[smem:$0x3FA1] =	sst s1  }
0xa: {  	[smem:$0x3FA2] =	sst s2  }
0xb: {  	[smem:$0x3FA3] =	sst s3  }
0xc: {  	[smem:$0x3FA4] =	sst s4  }
0xd: {  	[smem:$0x3FA5] =	sst s5  }
0xe: {  	[smem:$0x3FA6] =	sst s6  }
0xf: {  	[smem:$0x3FA7] =	sst s7  }
0x10: {  	[smem:$0x3FA8] =	sst s8  }
0x11: {  	[smem:$0x3FA9] =	sst s9;
	s0 =	simm.s32 @!p0 $0x0  }
0x12: {  	s1 =	sld [smem:$0x3F8F];
	s0 =	simm.s32 @p0 $0x1  }
0x13: {  	[smem:$0x3FAA] =	sst s0;
	s0 =	simm.s32 @!p1 $0x0  }
0x14: {  	s2 =	sld [smem:$0x3F8E];
	s0 =	simm.s32 @p1 $0x1  }
0x15: {  	[smem:$0x3FAB] =	sst s0;
	s0 =	simm.s32 @!p2 $0x0  }
0x16: {  	s3 =	sld [smem:$0x3FDB];
	s0 =	simm.s32 @p2 $0x1  }
0x17: {  	s4 =	simm.s32 $0x1BF5;
	[smem:$0x3FAD] =	sst s0  }
0x18: {  	s0 =	sld [smem:$0x3F90];
	_ =	swait.ge [sflag:s4], $0x0  }
0x19: {  	s7 =	sld [smem:$0x3F91]  }
0x1a: {  	s8 =	sadd.s32 $0xFFFFE003, lr  }
0x1b: {  	s9 =	sadd.s32 $0xFFFFFEF7, lr;
	s5 =	simm.s32 $0xFFFFFFFF;
	p2 =	slt.u32 s8, $0xFFFFF086  }
0x1c: {  	p1 =	slt.u32 s9, $0xF7A;
	s5 =	simm.s32 @!p2 $0x0  }
0x1d: {  	s5 =	simm.s32 @p1 $0x1;
	p0 =	seq.s32 s7, s2  }
0x1e: {  	s7 =	smul.u32 @!p0 $0xF7A, s2;
	p2 =	seq.s32 @!p0 s5, $0x0  }
0x1f: {  	s9 =	smul.u32 $0xF7A, s1;
	s8 =	simm.s32 @!p0 $0x1BF5;
	p2 =	por !p2, p0  }
0x20: {  	[sflag:s8] =	ssyncset.s32 @!p0 $0xFFFFF086;
	s6 =	sadd.s32 @!p0 s3, s7;
	s7 =	simm.s32 @!p0 $0x108  }
0x21: {  	s3 =	sadd.s32 s3, s9;
	s6 =	sadd.s32 @!p0 $0x88, s6;
	s7 =	simm.s32 @p2 $0x1082  }
0x22: {  	[simem:s7], [sflag:s8] =	dma.local @!p0 [hbm:s6], $0xF7A  }
0x23: {  	s9 =	sor.u32 $0xD0000000, s2;
	s6 =	simm.s32 $0x108;
	_ =	swait.ge @!p0 [sflag:s8], $0x0  }
0x24: {  	s3 =	sadd.s32 $0x88, s3;
	s6 =	simm.s32 @!p1 $0x1082;
	[sflag:s4] =	ssyncset.s32 $0xFFFFF086  }
0x25: {  	[simem:s6], [sflag:s4] =	dma.local [hbm:s3], $0xF7A  }
0x26: {  	[smem:$0x3F91] =	sst s1;
	(tag) =	ssettag s2;
	_ =	strace s9  }
0x27: {  	s1 =	sld [smem:$0x3FA1]  }
0x28: {  	s2 =	sld [smem:$0x3FA2]  }
0x29: {  	s4 =	sld [smem:$0x3FA4]  }
0x2a: {  	p0 =	seq.s32 s5, $0x0;
	s5 =	sld [smem:$0x3FA5]  }
0x2b: {  	s6 =	sld [smem:$0x3FA6]  }
0x2c: {  	s7 =	sld [smem:$0x3FA7]  }
0x2d: {  	s3 =	simm.s32 $0x108;
	s8 =	sld [smem:$0x3FA8]  }
0x2e: {  	s3 =	simm.s32 @!p0 $0x1082;
	s9 =	sld [smem:$0x3FA9]  }
0x2f: {  	lr =	sadd.s32 s0, s3;
	s0 =	sld [smem:$0x3FA0]  }
0x30: {  	s3 =	sld [smem:$0x3FA3]  }
0x31: {  	[smem:$0x3FAC] =	sst s10  }
0x32: {  	s10 =	sld [smem:$0x3FAA];
	_ =	sdelay $0x3  }
0x33: {  	p0 =	seq.s32 s10, $0x1;
	s10 =	sld [smem:$0x3FAC];
	_ =	sdelay $0x3  }
0x34: {  	[smem:$0x3FAC] =	sst s10  }
0x35: {  	s10 =	sld [smem:$0x3FAB];
	_ =	sdelay $0x3  }
0x36: {  	p1 =	seq.s32 s10, $0x1;
	s10 =	sld [smem:$0x3FAC];
	_ =	sdelay $0x3  }
0x37: {  	[smem:$0x3FAC] =	sst s10  }
0x38: {  	s10 =	sld [smem:$0x3FAD]  }
0x39: {  	_ = 	snop;
	(pc) =	sbr.ind lr, $3  }
0x3a: {  	_ = 	snop  }
0x3b: {  	_ = 	snop  }
0x3c: {  	p2 =	seq.s32 s10, $0x1;
	s10 =	sld [smem:$0x3FAC]  }
0x3d: {  	_ =	shalt  }
0x3e: {  	_ =	shalt  }
0x3f: {  	_ =	shalt  }
0x40: {  	_ =	shalt  }
0x41: {  	_ =	shalt  }
0x42: {  	_ =	shalt  }
0x43: {  	_ =	shalt  }
0x44: {  	_ =	shalt  }
0x45: {  	_ =	shalt  }
0x46: {  	_ =	shalt  }
0x47: {  	_ =	shalt  }
0x48: {  	_ =	shalt  }
0x49: {  	_ =	shalt  }
0x4a: {  	_ =	shalt  }
0x4b: {  	_ =	shalt  }
0x4c: {  	_ =	shalt  }
0x4d: {  	_ =	shalt  }
0x4e: {  	_ =	shalt  }
0x4f: {  	_ =	shalt  }
0x50: {  	_ =	shalt  }
0x51: {  	_ =	shalt  }
0x52: {  	_ =	shalt  }
0x53: {  	_ =	shalt  }
0x54: {  	_ =	shalt  }
0x55: {  	_ =	shalt  }
0x56: {  	_ =	shalt  }
0x57: {  	_ =	shalt  }
0x58: {  	_ =	shalt  }
0x59: {  	_ =	shalt  }
0x5a: {  	_ =	shalt  }
0x5b: {  	_ =	shalt  }
0x5c: {  	_ =	shalt  }
0x5d: {  	_ =	shalt  }
0x5e: {  	_ =	shalt  }
0x5f: {  	_ =	shalt  }
0x60: {  	_ =	shalt  }
0x61: {  	_ =	shalt  }
0x62: {  	_ =	shalt  }
0x63: {  	_ =	shalt  }
0x64: {  	_ =	shalt  }
0x65: {  	_ =	shalt  }
0x66: {  	_ =	shalt  }
0x67: {  	_ =	shalt  }
0x68: {  	_ =	shalt  }
0x69: {  	_ =	shalt  }
0x6a: {  	_ =	shalt  }
0x6b: {  	_ =	shalt  }
0x6c: {  	_ =	shalt  }
0x6d: {  	_ =	shalt  }
0x6e: {  	_ =	shalt  }
0x6f: {  	_ =	shalt  }
0x70: {  	_ =	shalt  }
0x71: {  	_ =	shalt  }
0x72: {  	_ =	shalt  }
0x73: {  	_ =	shalt  }
0x74: {  	_ =	shalt  }
0x75: {  	_ =	shalt  }
0x76: {  	_ =	shalt  }
0x77: {  	_ =	shalt  }
0x78: {  	_ =	shalt  }
0x79: {  	_ =	shalt  }
0x7a: {  	_ =	shalt  }
0x7b: {  	_ =	shalt  }
0x7c: {  	_ =	shalt  }
0x7d: {  	_ =	shalt  }
0x7e: {  	_ =	shalt  }
0x7f: {  	_ =	shalt  }
0x80: {  	_ =	shalt  }
0x81: {  	_ =	shalt  }
0x82: {  	_ =	shalt  }
0x83: {  	_ =	shalt  }
0x84: {  	_ =	shalt  }
0x85: {  	_ =	shalt  }
0x86: {  	_ =	shalt  }
0x87: {  	_ =	shalt  }
.Lfunc_end0:
.L_simem_size_0:
called_computation_lowered:
.L_overlay_start_0:
0x88: {  	s2 =	sld [smem:$0x3FD9]  }
0x89: {  	s3 =	sld [smem:$0x3FFE];
	_ =	sdelay $0x1  }
0x8a: {  	s1 =	srdreg.scid  }
0x8b: {  	s0 =	sand.u32 $0x1, s1  }
0x8c: {  	s17 =	sshll.u32 s0, $0xA;
	s2 =	sadd.s32 s3, s2  }
0x8d: {  	s2 =	sadd.s32 s2, s17  }
0x8e: {  	[smem:$0x3FB8] =	sst s2  }
0x8f: {  	_ = 	snop  }
0x90: {  	s2 =	sld [smem:$0x3FD0];
	(tm) =	ssettm $0x1  }
0x91: {  	s18 =	sld [smem:$0x3FFB];
	_ =	sdelay $0x3  }
0x92: {  	_ =	strace s18  }
0x93: {  	s3 =	sld [smem:$0x3FFC];
	_ =	sdelay $0x3  }
0x94: {  	_ =	strace s3  }
0x95: {  	s3 =	sld [smem:$0x3FFD];
	_ =	sdelay $0x3  }
0x96: {  	_ =	strace s3  }
0x97: {  	_ =	strace $0x8FFFFFFF  }
0x98: {  	s19 =	sld [smem:$0x3FDB];
	_ =	sdelay $0x1  }
0x99: {  	s4 =	simm.s32 $_scs_section_size  }
0x9a: {  	s5 =	simm.s32 $_size__tile_overlayer_lowered;
	s6 =	simm.s32 $_tile_overlayer_lowered  }
0x9b: {  	s22 =	simm.s32 $0x1BFF;
	s21 =	sshll.u32 s6, $0x1;
	s3 =	sadd.s32 s4, s19  }
0x9c: {  	s7 =	simm.s32 $0x0;
	s20 =	sshll.u32 s5, $0x1;
	s5 =	sadd.s32 s21, s3  }
0x9d: {  	[timem:s7], [sflag:s22] =	dma.local [hbm:s5], s20  }
0x9e: {  	_ =	swait.ge [sflag:s22], s20  }
0x9f: {  	s4 =	ssub.s32 $0x0, s20;
	[sflag:s22] =	ssyncset.done $0x0  }
0xa0: {  	[sflag:s22] =	ssyncadd.s32 s4;
	_ =	sdelay $0x1  }
0xa1: {  	s23 =	simm.s32 $0x1B8B  }
0xa2: {  	_ =	swait.ge [sflag:s23], $0x1  }
0xa3: {  	[sflag:s23] =	ssyncset.done $0x0  }
0xa4: {  	s25 =	simm.s32 $0x1B8E;
	s24 =	sld [smem:$0x3FFE];
	[sflag:s23] =	ssyncadd.s32 $0xFFFFFFFF  }
0xa5: {  	s26 =	simm.s32 $execute0_lowered;
	[smem:$0x3FD2] =	sst s25  }
0xa6: {  	s5 =	sshll.u32 s26, $0x1;
	_ =	strace $0x80000046;
	[dreg:$0x1] =	wrdreg $0xFFFFFFFF  }
0xa7: {  	s28 =	simm.s32 $_size_execute0_lowered;
	s3 =	sadd.s32 s3, s5;
	[dreg:$0x0] =	wrdreg $0x0  }
0xa8: {  	s5 =	sshll.u32 s28, $0x1;
	[dreg:$0x2] =	wrdreg s3  }
0xa9: {  	[dreg:$0x3] =	wrdreg s5  }
0xaa: {  	[dreg:$0x4] =	wrdreg $0xC0  }
0xab: {  	_ =	task [dreg:s7], $0x5FFFF  }
0xac: {  	[dreg:$0x1] =	wrdreg $0xFFFFFFFF  }
0xad: {  	[dreg:$0x0] =	wrdreg $0x60  }
0xae: {  	[dreg:$0x2] =	wrdreg s24  }
0xaf: {  	[dreg:$0x3] =	wrdreg s2  }
0xb0: {  	[dreg:$0x4] =	wrdreg $0x62700  }
0xb1: {  	[dreg:$0x5] =	wrdreg $0xB0900  }
0xb2: {  	[dreg:$0x6] =	wrdreg $0x9  }
0xb3: {  	_ =	task.clear_ibuf [dreg:s7], $0x7FFFF;
	_ =	strace $0x90000046  }
0xb4: {  	s29 =	simm.s32 $0x9;
	_ =	strace $0x80000048  }
0xb5: {  	_ =	swait.ge [sflag:s29], $0x1  }
0xb6: {  	[sflag:s29] =	ssyncadd.s32 $0xFFFFFFFF  }
0xb7: {  	_ =	strace $0x90000048  }
0xb8: {  	_ =	sfence  }
0xb9: {  	s30 =	sld [smem:$0x0];
	_ =	sdelay $0x2  }
0xba: {  	s31 =	sshll.u32 s1, $0xD;
	s1 =	sshrl.u32 s1, $0x2  }
0xbb: {  	s3 =	sand.u32 $0x4000, s31;
	s1 =	sadd.s32 s1, s30  }
0xbc: {  	s0 =	sor.u32 s3, s0;
	s1 =	sshll.u32 s1, $0x11  }
0xbd: {  	s0 =	sor.u32 s1, s0  }
0xbe: {  	s0 =	sadd.s32 $0x8F2B, s0  }
0xbf: {  	[sflag:s0] =	ssyncadd.remote.s32 $0x1  }
0xc0: {  	_ =	sfence.sel $0xFFFF  }
0xc1: {  	[dreg:$0x0] =	wrdreg $0xFFFFFFFF;
	(pc) =	sbr.abs _section_cstart, $3  }
0xc2: {  	[dreg:$0x1] =	wrdreg $0xFFFFFFFF  }
0xc3: {  	_ =	task.clear_ibuf [dreg:s7], $0x2FFFF;
	_ =	strace $0x9FFFFFFF  }
0xc4: {  	(tm) =	ssettm $0x7FFFFFFF  }
0xc5: {  	_ =	shalt  }
tec
execute0_lowered:
.L_overlay_start_1:
0x0: {  	(tag) =	ssettag $0x1  }
0x1: {  	s0 =	rddreg [dreg:$0x0];
	s14 =	stileid.u32  }
0x2: {  	s2 =	srdreg.scid;
	s9 =	smul.u32 $0x2800, s14  }
0x3: {  	s1 =	rddreg [dreg:$0x1];
	s6 =	sand.u32 $0x1, s2;
	s11 =	smul.u32 $0x140, s14  }
0x4: {  	s3 =	rddreg [dreg:$0x3];
	s12 =	sor.u32 $0x10, s14;
	s7 =	smul.u32 $0x9C40, s6  }
0x5: {  	s2 =	rddreg [dreg:$0x2];
	s25 =	sor.u32 $0x20, s14;
	s22 =	smul.u32 $0x2800, s12  }
0x6: {  	s15 =	sor.u32 $0x30, s14;
	s18 =	sor.u32 $0x40, s14;
	s24 =	smul.u32 $0x140, s12  }
0x7: {  	s28 =	sadd.s32 $0x4B0, s1;
	s29 =	sadd.s32 $0x2800, s0;
	s26 =	smul.u32 $0x2800, s25  }
0x8: {  	s30 =	sadd.s32 $0x206B0, s0;
	p0 =	sne.s32 s14, $0xF;
	s12 =	smul.u32 $0x140, s25  }
0x9: {  	p1 =	sgt.u32 s14, $0xC;
	s4 =	sshll.u32 s6, $0x4;
	s13 =	smul.u32 $0x2800, s15  }
0xa: {  	s8 =	ssub.s32 $0x2, s6;
	s17 =	smul.u32 $0x140, s15;
	p5 =	seq.s32 s6, $0x1  }
0xb: {  	s5 =	sor.u32 s14, s4;
	s4 =	simm.s32 $0x0;
	s20 =	sshrl.u32 s8, $0x1  }
0xc: {  	s9 =	sshrl.u32 s9, $0x2;
	s23 =	sshrl.u32 s11, $0x2;
	p2 =	por !p5, !p0  }
0xd: {  	p3 =	por p5, !p0;
	p4 =	por !p5, p0;
	p5 =	por p5, p0  }
0xe: {  	s5 =	smul.u32 $0x4E2, s5;
	[smem:$0x7FF] =	sst s4;
	s7 =	sadd.s32 s7, s0  }
0xf: {  	s21 =	sadd.s32 s9, s2;
	s9 =	sadd.s32 s23, s3;
	s11 =	sshrl.u32 s24, $0x2  }
0x10: {  	s16 =	sshrl.u32 s13, $0x2;
	s23 =	sor.u32 $0x50, s14;
	s13 =	sor.u32 $0x60, s14  }
0x11: {  	_ =	strace $0x80000047;
	[dreg:$0x5] =	wrdreg s21;
	s24 =	smul.u32 $0x2800, s23  }
0x12: {  	[dreg:$0x6] =	wrdreg s9;
	s9 =	sshrl.u32 s26, $0x2;
	s26 =	smul.u32 $0x140, s23  }
0x13: {  	s11 =	sadd.s32 s11, s3;
	s19 =	sadd.s32 s16, s2;
	s16 =	smul.u32 $0x2800, s13  }
0x14: {  	s21 =	sshrl.u32 s17, $0x2;
	s17 =	smul.u32 $0x140, s13;
	s13 =	simm.s32 $0x2  }
0x15: {  	s10 =	sadd.s32 s5, s0;
	s5 =	ssub.s32 s8, s20;
	s8 =	sshrl.u32 s22, $0x2  }
0x16: {  	[dreg:$0x8] =	wrdreg s11;
	s9 =	sadd.s32 s9, s2;
	s20 =	smul.u32 $0x2800, s18  }
0x17: {  	[dreg:$0xb] =	wrdreg s19;
	s22 =	smul.u32 $0x140, s18;
	s18 =	sor.u32 $0x70, s14  }
0x18: {  	s8 =	sadd.s32 s8, s2;
	[dreg:$0x9] =	wrdreg s9;
	s9 =	sadd.s32 s21, s3  }
0x19: {  	s15 =	sshrl.u32 s26, $0x2;
	s11 =	sshrl.u32 s16, $0x2;
	s19 =	smul.u32 $0x2800, s18  }
0x1a: {  	s21 =	sadd.s32 $0xC600, s10;
	s31 =	smax.u32 s5, $0x1;
	[dreg:$0x7] =	wrdreg s8  }
0x1b: {  	s5 =	sadd.s32 $0x4B000, s2;
	s8 =	sshrl.u32 s12, $0x2;
	[dreg:$0xc] =	wrdreg s9  }
0x1c: {  	s25 =	sshrl.u32 s22, $0x2;
	s12 =	sshrl.u32 s24, $0x2;
	s9 =	smul.u32 $0x140, s18  }
0x1d: {  	s11 =	sadd.s32 s11, s2;
	s24 =	smul.u32 $0x5000, s14;
	s22 =	sadd.s32 $0x16400, s10  }
0x1e: {  	s5 =	sshrl.u32 @!p0 s5, $0x3;
	s10 =	simm.s32 $0x50;
	s8 =	sadd.s32 s8, s3  }
0x1f: {  	[dreg:$0x11] =	wrdreg s11;
	s6 =	sshrl.u32 s19, $0x2;
	s11 =	simm.s32 $0x5820  }
0x20: {  	[dreg:$0xa] =	wrdreg s8;
	s8 =	sshrl.u32 s20, $0x2;
	s20 =	smul.u32 $0x280, s14  }
0x21: {  	s6 =	sadd.s32 s6, s2;
	s23 =	sshrl.u32 s9, $0x2;
	s9 =	sadd.s32 s24, s2  }
0x22: {  	s14 =	simm.s32 $0x4DD0;
	s8 =	sadd.s32 s8, s2;
	[dreg:$0x13] =	wrdreg s6  }
0x23: {  	s6 =	sadd.s32 s23, s3;
	s23 =	sadd.s32 $0x20800, s7;
	[dreg:$0xd] =	wrdreg s8  }
0x24: {  	s7 =	sshrl.u32 s24, $0x3;
	s8 =	sadd.s32 s25, s3;
	[dreg:$0x14] =	wrdreg s6  }
0x25: {  	s25 =	sshrl.u32 s20, $0x3;
	s6 =	sadd.s32 $0x2580, s3;
	[dreg:$0xe] =	wrdreg s8  }
0x26: {  	s8 =	sadd.s32 s12, s2;
	s26 =	sadd.s32 s25, s0;
	s24 =	sadd.s32 s1, s25  }
0x27: {  	s25 =	sadd.s32 s20, s3;
	s1 =	sadd.s32 @p0 s7, s23;
	s0 =	sshrl.u32 @p0 s9, $0x3  }
0x28: {  	s7 =	simm.s32 $0x4E20;
	[dreg:$0xf] =	wrdreg s8;
	s8 =	sadd.s32 s15, s3  }
0x29: {  	s9 =	simm.s32 $0x6220;
	[dreg:$0x10] =	wrdreg s8;
	s8 =	sshrl.u32 s17, $0x2  }
0x2a: {  	s12 =	simm.s32 $0x1;
	s26 =	sadd.s32 $0x20200, s26;
	s8 =	sadd.s32 s8, s3  }
0x2b: {  	v0 =	vimm.f32 $0.0e+00;
	v1 =	vimm.f32 $1.000000000e+00;
	s15 =	simm.s32 $0x0;
	[dreg:$0x12] =	wrdreg s8;
	s8 =	simm.s32 $0x3  }
.LBB2_1:
0x2c: {  	[tilespmem:$0x4E20] =	vst v0  }
0x2d: {  	[tilespmem:$0x4E30] =	vst v0  }
0x2e: {  	[tilespmem:$0x4E40] =	vst v0  }
0x2f: {  	[tilespmem:$0x4E50] =	vst v0  }
0x30: {  	[tilespmem:$0x4E60] =	vst v0  }
0x31: {  	[tilespmem:$0x4E70] =	vst v0  }
0x32: {  	[tilespmem:$0x4E80] =	vst v0  }
0x33: {  	[tilespmem:$0x4E90] =	vst v0  }
0x34: {  	[tilespmem:$0x4EA0] =	vst v0  }
0x35: {  	[tilespmem:$0x4EB0] =	vst v0  }
0x36: {  	[tilespmem:$0x4EC0] =	vst v0  }
0x37: {  	[tilespmem:$0x4ED0] =	vst v0  }
0x38: {  	[tilespmem:$0x4EE0] =	vst v0  }
0x39: {  	[tilespmem:$0x4EF0] =	vst v0  }
0x3a: {  	[tilespmem:$0x4F00] =	vst v0  }
0x3b: {  	[tilespmem:$0x4F10] =	vst v0  }
0x3c: {  	[tilespmem:$0x4F20] =	vst v0  }
0x3d: {  	[tilespmem:$0x4F30] =	vst v0  }
0x3e: {  	[tilespmem:$0x4F40] =	vst v0  }
0x3f: {  	[tilespmem:$0x4F50] =	vst v0  }
0x40: {  	[tilespmem:$0x4F60] =	vst v0  }
0x41: {  	[tilespmem:$0x4F70] =	vst v0  }
0x42: {  	[tilespmem:$0x4F80] =	vst v0  }
0x43: {  	[tilespmem:$0x4F90] =	vst v0  }
0x44: {  	[tilespmem:$0x4FA0] =	vst v0  }
0x45: {  	[tilespmem:$0x4FB0] =	vst v0  }
0x46: {  	[tilespmem:$0x4FC0] =	vst v0  }
0x47: {  	[tilespmem:$0x4FD0] =	vst v0  }
0x48: {  	[tilespmem:$0x4FE0] =	vst v0  }
0x49: {  	[tilespmem:$0x4FF0] =	vst v0  }
0x4a: {  	[tilespmem:$0x5000] =	vst v0  }
0x4b: {  	[tilespmem:$0x5010] =	vst v0  }
0x4c: {  	[tilespmem:$0x5020] =	vst v0  }
0x4d: {  	[tilespmem:$0x5030] =	vst v0  }
0x4e: {  	[tilespmem:$0x5040] =	vst v0  }
0x4f: {  	[tilespmem:$0x5050] =	vst v0  }
0x50: {  	[tilespmem:$0x5060] =	vst v0  }
0x51: {  	[tilespmem:$0x5070] =	vst v0  }
0x52: {  	[tilespmem:$0x5080] =	vst v0  }
0x53: {  	[tilespmem:$0x5090] =	vst v0  }
0x54: {  	[tilespmem:$0x50A0] =	vst v0  }
0x55: {  	[tilespmem:$0x50B0] =	vst v0  }
0x56: {  	[tilespmem:$0x50C0] =	vst v0  }
0x57: {  	[tilespmem:$0x50D0] =	vst v0  }
0x58: {  	[tilespmem:$0x50E0] =	vst v0  }
0x59: {  	[tilespmem:$0x50F0] =	vst v0  }
0x5a: {  	[tilespmem:$0x5100] =	vst v0  }
0x5b: {  	[tilespmem:$0x5110] =	vst v0  }
0x5c: {  	[tilespmem:$0x5120] =	vst v0  }
0x5d: {  	[tilespmem:$0x5130] =	vst v0  }
0x5e: {  	[tilespmem:$0x5140] =	vst v0  }
0x5f: {  	[tilespmem:$0x5150] =	vst v0  }
0x60: {  	[tilespmem:$0x5160] =	vst v0  }
0x61: {  	[tilespmem:$0x5170] =	vst v0  }
0x62: {  	[tilespmem:$0x5180] =	vst v0  }
0x63: {  	[tilespmem:$0x5190] =	vst v0  }
0x64: {  	[tilespmem:$0x51A0] =	vst v0  }
0x65: {  	[tilespmem:$0x51B0] =	vst v0  }
0x66: {  	[tilespmem:$0x51C0] =	vst v0  }
0x67: {  	[tilespmem:$0x51D0] =	vst v0  }
0x68: {  	[tilespmem:$0x51E0] =	vst v0  }
0x69: {  	[tilespmem:$0x51F0] =	vst v0  }
0x6a: {  	[tilespmem:$0x5200] =	vst v0  }
0x6b: {  	[tilespmem:$0x5210] =	vst v0  }
0x6c: {  	[tilespmem:$0x5220] =	vst v0  }
0x6d: {  	[tilespmem:$0x5230] =	vst v0  }
0x6e: {  	[tilespmem:$0x5240] =	vst v0  }
0x6f: {  	[tilespmem:$0x5250] =	vst v0  }
0x70: {  	[tilespmem:$0x5260] =	vst v0  }
0x71: {  	[tilespmem:$0x5270] =	vst v0  }
0x72: {  	[tilespmem:$0x5280] =	vst v0  }
0x73: {  	[tilespmem:$0x5290] =	vst v0  }
0x74: {  	[tilespmem:$0x52A0] =	vst v0  }
0x75: {  	[tilespmem:$0x52B0] =	vst v0  }
0x76: {  	[tilespmem:$0x52C0] =	vst v0  }
0x77: {  	[tilespmem:$0x52D0] =	vst v0  }
0x78: {  	[tilespmem:$0x52E0] =	vst v0  }
0x79: {  	[tilespmem:$0x52F0] =	vst v0  }
0x7a: {  	[tilespmem:$0x5300] =	vst v0  }
0x7b: {  	[tilespmem:$0x5310] =	vst v0  }
0x7c: {  	[tilespmem:$0x5320] =	vst v0  }
0x7d: {  	[tilespmem:$0x5330] =	vst v0  }
0x7e: {  	[tilespmem:$0x5340] =	vst v0  }
0x7f: {  	[tilespmem:$0x5350] =	vst v0  }
0x80: {  	[tilespmem:$0x5360] =	vst v0  }
0x81: {  	[tilespmem:$0x5370] =	vst v0  }
0x82: {  	[tilespmem:$0x5380] =	vst v0  }
0x83: {  	[tilespmem:$0x5390] =	vst v0  }
0x84: {  	[tilespmem:$0x53A0] =	vst v0  }
0x85: {  	[tilespmem:$0x53B0] =	vst v0  }
0x86: {  	[tilespmem:$0x53C0] =	vst v0  }
0x87: {  	[tilespmem:$0x53D0] =	vst v0  }
0x88: {  	[tilespmem:$0x53E0] =	vst v0  }
0x89: {  	[tilespmem:$0x53F0] =	vst v0  }
0x8a: {  	[tilespmem:$0x5400] =	vst v0  }
0x8b: {  	[tilespmem:$0x5410] =	vst v0  }
0x8c: {  	[tilespmem:$0x5420] =	vst v0  }
0x8d: {  	[tilespmem:$0x5430] =	vst v0  }
0x8e: {  	[tilespmem:$0x5440] =	vst v0  }
0x8f: {  	[tilespmem:$0x5450] =	vst v0  }
0x90: {  	[tilespmem:$0x5460] =	vst v0  }
0x91: {  	[tilespmem:$0x5470] =	vst v0  }
0x92: {  	[tilespmem:$0x5480] =	vst v0  }
0x93: {  	[tilespmem:$0x5490] =	vst v0  }
0x94: {  	[tilespmem:$0x54A0] =	vst v0  }
0x95: {  	[tilespmem:$0x54B0] =	vst v0  }
0x96: {  	[tilespmem:$0x54C0] =	vst v0  }
0x97: {  	[tilespmem:$0x54D0] =	vst v0  }
0x98: {  	[tilespmem:$0x54E0] =	vst v0  }
0x99: {  	[tilespmem:$0x54F0] =	vst v0  }
0x9a: {  	[tilespmem:$0x5500] =	vst v0  }
0x9b: {  	[tilespmem:$0x5510] =	vst v0  }
0x9c: {  	[tilespmem:$0x5520] =	vst v0  }
0x9d: {  	[tilespmem:$0x5530] =	vst v0  }
0x9e: {  	[tilespmem:$0x5540] =	vst v0  }
0x9f: {  	[tilespmem:$0x5550] =	vst v0  }
0xa0: {  	[tilespmem:$0x5560] =	vst v0  }
0xa1: {  	[tilespmem:$0x5570] =	vst v0  }
0xa2: {  	[tilespmem:$0x5580] =	vst v0  }
0xa3: {  	[tilespmem:$0x5590] =	vst v0  }
0xa4: {  	[tilespmem:$0x55A0] =	vst v0  }
0xa5: {  	[tilespmem:$0x55B0] =	vst v0  }
0xa6: {  	[tilespmem:$0x55C0] =	vst v0  }
0xa7: {  	[tilespmem:$0x55D0] =	vst v0  }
0xa8: {  	[tilespmem:$0x55E0] =	vst v0  }
0xa9: {  	[tilespmem:$0x55F0] =	vst v0  }
0xaa: {  	[tilespmem:$0x5600] =	vst v0  }
0xab: {  	[tilespmem:$0x5610] =	vst v0  }
0xac: {  	[tilespmem:$0x5620] =	vst v0  }
0xad: {  	[tilespmem:$0x5630] =	vst v0  }
0xae: {  	[tilespmem:$0x5640] =	vst v0  }
0xaf: {  	[tilespmem:$0x5650] =	vst v0  }
0xb0: {  	[tilespmem:$0x5660] =	vst v0  }
0xb1: {  	[tilespmem:$0x5670] =	vst v0  }
0xb2: {  	[tilespmem:$0x5680] =	vst v0  }
0xb3: {  	[tilespmem:$0x5690] =	vst v0  }
0xb4: {  	[tilespmem:$0x56A0] =	vst v0  }
0xb5: {  	[tilespmem:$0x56B0] =	vst v0  }
0xb6: {  	[tilespmem:$0x56C0] =	vst v0  }
0xb7: {  	[tilespmem:$0x56D0] =	vst v0  }
0xb8: {  	[tilespmem:$0x56E0] =	vst v0  }
0xb9: {  	[tilespmem:$0x56F0] =	vst v0  }
0xba: {  	[tilespmem:$0x5700] =	vst v0  }
0xbb: {  	[tilespmem:$0x5710] =	vst v0  }
0xbc: {  	[tilespmem:$0x5720] =	vst v0  }
0xbd: {  	[tilespmem:$0x5730] =	vst v0  }
0xbe: {  	[tilespmem:$0x5740] =	vst v0  }
0xbf: {  	[tilespmem:$0x5750] =	vst v0  }
0xc0: {  	[tilespmem:$0x5760] =	vst v0  }
0xc1: {  	[tilespmem:$0x5770] =	vst v0  }
0xc2: {  	[tilespmem:$0x5780] =	vst v0  }
0xc3: {  	[tilespmem:$0x5790] =	vst v0  }
0xc4: {  	[tilespmem:$0x57A0] =	vst v0  }
0xc5: {  	[tilespmem:$0x57B0] =	vst v0  }
0xc6: {  	[tilespmem:$0x57C0] =	vst v0  }
0xc7: {  	[tilespmem:$0x57D0] =	vst v0  }
0xc8: {  	[tilespmem:$0x57E0] =	vst v0  }
0xc9: {  	[tilespmem:$0x57F0] =	vst v0  }
0xca: {  	[tilespmem:$0x5800] =	vst v0  }
0xcb: {  	[tilespmem:$0x5810] =	vst v0  }
0xcc: {  	[tilespmem:$0x6220] =	vst v0  }
0xcd: {  	[tilespmem:$0x6230] =	vst v0  }
0xce: {  	[tilespmem:$0x6240] =	vst v0  }
0xcf: {  	[tilespmem:$0x6250] =	vst v0  }
0xd0: {  	[tilespmem:$0x6260] =	vst v0;
	s16 =	rddreg [dreg:$0x5]  }
0xd1: {  	[spmem:s16] =	stream.linear.scatter [tilespmem:s7], [sflag:$0x3], $0xA00, $0x38;
	[tilespmem:$0xB308] =	vst v63  }
0xd2: {  	_ =	swait.ge [sflag:s8], $0xA00  }
0xd3: {  	[sflag:s8] =	ssyncset.done $0x0  }
0xd4: {  	s19 =	rddreg [dreg:$0x6];
	[sflag:s8] =	ssyncadd.s32 $0xFFFFF600  }
0xd5: {  	[spmem:s19] =	stream.linear.scatter [tilespmem:s9], [sflag:$0x3], $0x50, $0x38;
	[tilespmem:$0xB308] =	vst v63  }
0xd6: {  	_ =	swait.ge [sflag:s8], $0x50  }
0xd7: {  	[sflag:s8] =	ssyncset.done $0x0  }
0xd8: {  	s20 =	rddreg [dreg:$0x7];
	[sflag:s8] =	ssyncadd.s32 $0xFFFFFFB0  }
0xd9: {  	[spmem:s20] =	stream.linear.scatter [tilespmem:s7], [sflag:$0x3], $0xA00, $0x38;
	[tilespmem:$0xB308] =	vst v63  }
0xda: {  	_ =	swait.ge [sflag:s8], $0xA00  }
0xdb: {  	[sflag:s8] =	ssyncset.done $0x0  }
0xdc: {  	s17 =	rddreg [dreg:$0x8];
	[sflag:s8] =	ssyncadd.s32 $0xFFFFF600  }
0xdd: {  	[spmem:s17] =	stream.linear.scatter [tilespmem:s9], [sflag:$0x3], $0x50, $0x38;
	[tilespmem:$0xB308] =	vst v63  }
0xde: {  	_ =	swait.ge [sflag:s8], $0x50  }
0xdf: {  	[sflag:s8] =	ssyncset.done $0x0  }
0xe0: {  	s18 =	rddreg [dreg:$0x9];
	[sflag:s8] =	ssyncadd.s32 $0xFFFFFFB0  }
0xe1: {  	[spmem:s18] =	stream.linear.scatter [tilespmem:s7], [sflag:$0x3], $0xA00, $0x38;
	[tilespmem:$0xB308] =	vst v63  }
0xe2: {  	_ =	swait.ge [sflag:s8], $0xA00  }
0xe3: {  	[sflag:s8] =	ssyncset.done $0x0  }
0xe4: {  	s19 =	rddreg [dreg:$0xa];
	[sflag:s8] =	ssyncadd.s32 $0xFFFFF600  }
0xe5: {  	[spmem:s19] =	stream.linear.scatter [tilespmem:s9], [sflag:$0x3], $0x50, $0x38;
	[tilespmem:$0xB308] =	vst v63  }
0xe6: {  	_ =	swait.ge [sflag:s8], $0x50  }
0xe7: {  	[sflag:s8] =	ssyncset.done $0x0  }
0xe8: {  	s20 =	rddreg [dreg:$0xb];
	[sflag:s8] =	ssyncadd.s32 $0xFFFFFFB0  }
0xe9: {  	[spmem:s20] =	stream.linear.scatter [tilespmem:s7], [sflag:$0x3], $0xA00, $0x38;
	[tilespmem:$0xB308] =	vst v63  }
0xea: {  	_ =	swait.ge [sflag:s8], $0xA00  }
0xeb: {  	[sflag:s8] =	ssyncset.done $0x0  }
0xec: {  	s17 =	rddreg [dreg:$0xc];
	[sflag:s8] =	ssyncadd.s32 $0xFFFFF600  }
0xed: {  	[spmem:s17] =	stream.linear.scatter [tilespmem:s9], [sflag:$0x3], $0x50, $0x38;
	[tilespmem:$0xB308] =	vst v63  }
0xee: {  	_ =	swait.ge [sflag:s8], $0x50  }
0xef: {  	[sflag:s8] =	ssyncset.done $0x0  }
0xf0: {  	s18 =	rddreg [dreg:$0xd];
	[sflag:s8] =	ssyncadd.s32 $0xFFFFFFB0  }
0xf1: {  	[spmem:s18] =	stream.linear.scatter [tilespmem:s7], [sflag:$0x3], $0xA00, $0x38;
	[tilespmem:$0xB308] =	vst v63  }
0xf2: {  	_ =	swait.ge [sflag:s8], $0xA00  }
0xf3: {  	[sflag:s8] =	ssyncset.done $0x0  }
0xf4: {  	s19 =	rddreg [dreg:$0xe];
	[sflag:s8] =	ssyncadd.s32 $0xFFFFF600  }
0xf5: {  	[spmem:s19] =	stream.linear.scatter [tilespmem:s9], [sflag:$0x3], $0x50, $0x38;
	[tilespmem:$0xB308] =	vst v63  }
0xf6: {  	_ =	swait.ge [sflag:s8], $0x50  }
0xf7: {  	[sflag:s8] =	ssyncset.done $0x0  }
0xf8: {  	s20 =	rddreg [dreg:$0xf];
	[sflag:s8] =	ssyncadd.s32 $0xFFFFFFB0  }
0xf9: {  	[spmem:s20] =	stream.linear.scatter [tilespmem:s7], [sflag:$0x3], $0xA00, $0x38;
	[tilespmem:$0xB308] =	vst v63  }
0xfa: {  	_ =	swait.ge [sflag:s8], $0xA00  }
0xfb: {  	[sflag:s8] =	ssyncset.done $0x0  }
0xfc: {  	s17 =	rddreg [dreg:$0x10];
	[sflag:s8] =	ssyncadd.s32 $0xFFFFF600  }
0xfd: {  	[spmem:s17] =	stream.linear.scatter [tilespmem:s9], [sflag:$0x3], $0x50, $0x38;
	[tilespmem:$0xB308] =	vst v63  }
0xfe: {  	_ =	swait.ge [sflag:s8], $0x50  }
0xff: {  	[sflag:s8] =	ssyncset.done $0x0  }
0x100: {  	s18 =	rddreg [dreg:$0x11];
	[sflag:s8] =	ssyncadd.s32 $0xFFFFFFB0  }
0x101: {  	[spmem:s18] =	stream.linear.scatter [tilespmem:s7], [sflag:$0x3], $0xA00, $0x38;
	[tilespmem:$0xB308] =	vst v63  }
0x102: {  	_ =	swait.ge [sflag:s8], $0xA00  }
0x103: {  	[sflag:s8] =	ssyncset.done $0x0  }
0x104: {  	s19 =	rddreg [dreg:$0x12];
	[sflag:s8] =	ssyncadd.s32 $0xFFFFF600  }
0x105: {  	[spmem:s19] =	stream.linear.scatter [tilespmem:s9], [sflag:$0x3], $0x50, $0x38;
	[tilespmem:$0xB308] =	vst v63  }
0x106: {  	_ =	swait.ge [sflag:s8], $0x50  }
0x107: {  	[sflag:s8] =	ssyncset.done $0x0  }
0x108: {  	s16 =	simm.s32 @!p1 $0x4E20;
	s17 =	rddreg [dreg:$0x13];
	[sflag:s8] =	ssyncadd.s32 $0xFFFFFFB0  }
0x109: {  	[spmem:s17] =	stream.linear.scatter @!p1 [tilespmem:s16], [sflag:$0x3], $0xA00, $0x38;
	[tilespmem:$0xB308] =	vst v63  }
0x10a: {  	s16 =	simm.s32 @!p1 $0x3  }
0x10b: {  	_ =	swait.ge @!p1 [sflag:s16], $0xA00  }
0x10c: {  	[sflag:s16] =	ssyncset.done @!p1 $0x0  }
0x10d: {  	s17 =	simm.s32 @!p1 $0x6220;
	s18 =	rddreg [dreg:$0x14];
	[sflag:s16] =	ssyncadd.s32 @!p1 $0xFFFFF600  }
0x10e: {  	[spmem:s18] =	stream.linear.scatter @!p1 [tilespmem:s17], [sflag:$0x3], $0x50, $0x38;
	[tilespmem:$0xB308] =	vst v63  }
0x10f: {  	_ =	swait.ge @!p1 [sflag:s16], $0x50  }
0x110: {  	[sflag:s16] =	ssyncset.done @!p1 $0x0  }
0x111: {  	[sflag:s16] =	ssyncadd.s32 @!p1 $0xFFFFFFB0  }
0x112: {  	[tilespmem:$0x6220] =	vst v1  }
0x113: {  	[tilespmem:$0x6230] =	vst v1  }
0x114: {  	[tilespmem:$0x6240] =	vst v1  }
0x115: {  	[tilespmem:$0x6250] =	vst v1  }
0x116: {  	[tilespmem:$0x6260] =	vst v1  }
0x117: {  	[tilespmem:s4], [sflag:$0x3] =	stream.linear.gather [hbm4b:s21+s4], $0x2710, $0x38;
	[tilespmem:$0xB308] =	vst v63  }
0x118: {  	_ =	swait.ge [sflag:s8], $0x2710  }
0x119: {  	[sflag:s8] =	ssyncset.done $0x0  }
0x11a: {  	s20 =	simm.s32 $0x2710;
	[sflag:s8] =	ssyncadd.s32 $0xFFFFD8F0  }
0x11b: {  	[tilespmem:s20], [sflag:$0x3] =	stream.linear.gather [hbm4b:s22+s4], $0x2710, $0x38;
	[tilespmem:$0xB308] =	vst v63  }
0x11c: {  	_ =	swait.ge [sflag:s8], $0x2710  }
0x11d: {  	[sflag:s8] =	ssyncset.done $0x0  }
0x11e: {  	[sflag:s8] =	ssyncadd.s32 $0xFFFFD8F0  }
0x11f: {  	[bflag:$0x0] =	sbarrier.arrive $0xFFFF  }
0x120: {  	[tilespmem:s7], [sflag:$0x1] =	stream.indirect.gather [hbm4b:s29+s10], $0x20, s4, s10, $0xb8;
	[tilespmem:$0xB308] =	vst v63  }
0x121: {  	s17 =	simm.s32 $0x50  }
0x122: {  	[tilespmem:s11], [sflag:$0x2] =	stream.indirect.gather [hbm4b:s29+s10], $0x20, s17, s10, $0xb8;
	[tilespmem:$0xB308] =	vst v63  }
0x123: {  	_ =	swait.ge [sflag:s12], $0xA00  }
0x124: {  	[sflag:s12] =	ssyncset.done $0x0  }
0x125: {  	s18 =	simm.s32 $0x2710;
	[sflag:s12] =	ssyncadd.s32 $0xFFFFF600  }
0x126: {  	[spmem:s2] =	stream.indirect.scatter.add.f32 [tilespmem:s7], [sflag:$0x3], $0x20, s18, s10, $0xb8;
	[tilespmem:$0xB308] =	vst v63  }
0x127: {  	_ =	swait.ge [sflag:s8], $0xA00  }
0x128: {  	[sflag:s8] =	ssyncset.done $0x0  }
0x129: {  	[sflag:s8] =	ssyncadd.s32 $0xFFFFF600  }
0x12a: {  	[spmem:s3] =	stream.indirect.scatter.add.f32 [tilespmem:s9], [sflag:$0x3], $0x1, s18, s10, $0xb8;
	[tilespmem:$0xB308] =	vst v63  }
0x12b: {  	_ =	swait.ge [sflag:s8], $0x50  }
0x12c: {  	[sflag:s8] =	ssyncset.done $0x0  }
0x12d: {  	s19 =	simm.s32 $0xA0;
	[sflag:s8] =	ssyncadd.s32 $0xFFFFFFB0  }
0x12e: {  	[tilespmem:s7], [sflag:$0x1] =	stream.indirect.gather [hbm4b:s29+s10], $0x20, s19, s10, $0xb8;
	[tilespmem:$0xB308] =	vst v63  }
0x12f: {  	_ =	swait.ge [sflag:s13], $0xA00  }
0x130: {  	[sflag:s13] =	ssyncset.done $0x0  }
0x131: {  	s20 =	simm.s32 $0x2760;
	[sflag:s13] =	ssyncadd.s32 $0xFFFFF600  }
0x132: {  	[spmem:s2] =	stream.indirect.scatter.add.f32 [tilespmem:s11], [sflag:$0x3], $0x20, s20, s10, $0xb8;
	[tilespmem:$0xB308] =	vst v63  }
0x133: {  	_ =	swait.ge [sflag:s8], $0xA00  }
0x134: {  	[sflag:s8] =	ssyncset.done $0x0  }
0x135: {  	[sflag:s8] =	ssyncadd.s32 $0xFFFFF600  }
0x136: {  	[spmem:s3] =	stream.indirect.scatter.add.f32 [tilespmem:s9], [sflag:$0x3], $0x1, s20, s10, $0xb8;
	[tilespmem:$0xB308] =	vst v63  }
0x137: {  	_ =	swait.ge [sflag:s8], $0x50  }
0x138: {  	s16 =	simm.s32 $0xA0;
	s17 =	simm.s32 $0x500;
	[sflag:s8] =	ssyncset.done $0x0  }
.LBB2_2:
0x139: {  	s18 =	sadd.s32 $0x50, s16  }
0x13a: {  	[sflag:s8] =	ssyncadd.s32 $0xFFFFFFB0;
	s19 =	smov.u32 s17;
	s20 =	sadd.s32 $0x280, s17  }
0x13b: {  	[tilespmem:s11], [sflag:$0x2] =	stream.indirect.gather [hbm4b:s29+s10], $0x20, s18, s10, $0xb8;
	[tilespmem:$0xB308] =	vst v63  }
0x13c: {  	p6 =	sne.s32 s17, $0x9880;
	_ =	swait.ge [sflag:s12], $0xA00  }
0x13d: {  	[sflag:s12] =	ssyncset.done $0x0  }
0x13e: {  	s17 =	sadd.s32 $0x2710, s16;
	[sflag:s12] =	ssyncadd.s32 $0xFFFFF600  }
0x13f: {  	[spmem:s2] =	stream.indirect.scatter.add.f32 [tilespmem:s7], [sflag:$0x3], $0x20, s17, s10, $0xb8;
	[tilespmem:$0xB308] =	vst v63  }
0x140: {  	_ =	swait.ge [sflag:s8], $0xA00  }
0x141: {  	[sflag:s8] =	ssyncset.done $0x0  }
0x142: {  	[sflag:s8] =	ssyncadd.s32 $0xFFFFF600  }
0x143: {  	[spmem:s3] =	stream.indirect.scatter.add.f32 [tilespmem:s9], [sflag:$0x3], $0x1, s17, s10, $0xb8;
	[tilespmem:$0xB308] =	vst v63  }
0x144: {  	_ =	swait.ge [sflag:s8], $0x50  }
0x145: {  	[sflag:s8] =	ssyncset.done $0x0  }
0x146: {  	s17 =	sadd.s32 $0xA0, s16;
	[sflag:s8] =	ssyncadd.s32 $0xFFFFFFB0  }
0x147: {  	[tilespmem:s7], [sflag:$0x1] =	stream.indirect.gather [hbm4b:s29+s10], $0x20, s17, s10, $0xb8;
	[tilespmem:$0xB308] =	vst v63  }
0x148: {  	_ =	swait.ge [sflag:s13], $0xA00  }
0x149: {  	[sflag:s13] =	ssyncset.done $0x0  }
0x14a: {  	s16 =	sadd.s32 $0x2760, s16;
	[sflag:s13] =	ssyncadd.s32 $0xFFFFF600  }
0x14b: {  	[spmem:s2] =	stream.indirect.scatter.add.f32 [tilespmem:s11], [sflag:$0x3], $0x20, s16, s10, $0xb8;
	[tilespmem:$0xB308] =	vst v63  }
0x14c: {  	_ =	swait.ge [sflag:s8], $0xA00  }
.Ltmp0:
0x14d: {  	[sflag:s8] =	ssyncset.done $0x0;
	(pc) =	sbr.rel @p6 .LBB2_2-.Ltmp0, $4  }
0x14e: {  	[sflag:s8] =	ssyncadd.s32 $0xFFFFF600  }
0x14f: {  	[spmem:s3] =	stream.indirect.scatter.add.f32 [tilespmem:s9], [sflag:$0x3], $0x1, s16, s10, $0xb8;
	[tilespmem:$0xB308] =	vst v63  }
0x150: {  	_ =	swait.ge [sflag:s8], $0x50  }
0x151: {  	s17 =	smov.u32 s20;
	s16 =	sshra.s32 s19, $0x2;
	[sflag:s8] =	ssyncset.done $0x0  }
0x152: {  	s17 =	sadd.s32 $0x50, s16;
	[sflag:s8] =	ssyncadd.s32 $0xFFFFFFB0  }
0x153: {  	[tilespmem:s11], [sflag:$0x2] =	stream.indirect.gather [hbm4b:s29+s10], $0x20, s17, s10, $0xb8;
	[tilespmem:$0xB308] =	vst v63  }
0x154: {  	_ =	swait.ge [sflag:s12], $0xA00  }
0x155: {  	[sflag:s12] =	ssyncset.done $0x0  }
0x156: {  	s18 =	sadd.s32 $0x2710, s16;
	[sflag:s12] =	ssyncadd.s32 $0xFFFFF600  }
0x157: {  	[spmem:s2] =	stream.indirect.scatter.add.f32 [tilespmem:s7], [sflag:$0x3], $0x20, s18, s10, $0xb8;
	[tilespmem:$0xB308] =	vst v63  }
0x158: {  	_ =	swait.ge [sflag:s8], $0xA00  }
0x159: {  	[sflag:s8] =	ssyncset.done $0x0  }
0x15a: {  	[sflag:s8] =	ssyncadd.s32 $0xFFFFF600  }
0x15b: {  	[spmem:s3] =	stream.indirect.scatter.add.f32 [tilespmem:s9], [sflag:$0x3], $0x1, s18, s10, $0xb8;
	[tilespmem:$0xB308] =	vst v63  }
0x15c: {  	_ =	swait.ge [sflag:s8], $0x50  }
0x15d: {  	[sflag:s8] =	ssyncset.done $0x0  }
0x15e: {  	s19 =	sadd.s32 $0xA0, s16;
	[sflag:s8] =	ssyncadd.s32 $0xFFFFFFB0  }
0x15f: {  	[tilespmem:s7], [sflag:$0x1] =	stream.indirect.gather [hbm4b:s29+s10], $0x20, s19, s10, $0xb8;
	[tilespmem:$0xB308] =	vst v63  }
0x160: {  	_ =	swait.ge [sflag:s13], $0xA00  }
0x161: {  	[sflag:s13] =	ssyncset.done $0x0  }
0x162: {  	s20 =	sadd.s32 $0x2760, s16;
	[sflag:s13] =	ssyncadd.s32 $0xFFFFF600  }
0x163: {  	[spmem:s2] =	stream.indirect.scatter.add.f32 [tilespmem:s11], [sflag:$0x3], $0x20, s20, s10, $0xb8;
	[tilespmem:$0xB308] =	vst v63  }
0x164: {  	_ =	swait.ge [sflag:s8], $0xA00  }
0x165: {  	[sflag:s8] =	ssyncset.done $0x0  }
0x166: {  	[sflag:s8] =	ssyncadd.s32 $0xFFFFF600  }
0x167: {  	[spmem:s3] =	stream.indirect.scatter.add.f32 [tilespmem:s9], [sflag:$0x3], $0x1, s20, s10, $0xb8;
	[tilespmem:$0xB308] =	vst v63  }
0x168: {  	_ =	swait.ge [sflag:s8], $0x50  }
0x169: {  	[sflag:s8] =	ssyncset.done $0x0  }
0x16a: {  	[sflag:s8] =	ssyncadd.s32 $0xFFFFFFB0  }
0x16b: {  	_ =	swait.ge [sflag:s12], $0xA00  }
0x16c: {  	[sflag:s12] =	ssyncset.done $0x0  }
0x16d: {  	[sflag:s12] =	ssyncadd.s32 $0xFFFFF600  }
0x16e: {  	[spmem:s2] =	stream.indirect.scatter.add.f32 [tilespmem:s7], [sflag:$0x3], $0x20, s14, s10, $0xb8;
	[tilespmem:$0xB308] =	vst v63  }
0x16f: {  	_ =	swait.ge [sflag:s8], $0xA00  }
0x170: {  	[sflag:s8] =	ssyncset.done $0x0  }
0x171: {  	[sflag:s8] =	ssyncadd.s32 $0xFFFFF600  }
0x172: {  	[spmem:s3] =	stream.indirect.scatter.add.f32 [tilespmem:s9], [sflag:$0x3], $0x1, s14, s10, $0xb8;
	[tilespmem:$0xB308] =	vst v63  }
0x173: {  	_ =	swait.ge [sflag:s8], $0x50  }
0x174: {  	s16 =	stileid.u32;
	[sflag:s8] =	ssyncset.done $0x0  }
0x175: {  	s16 =	sshll.u32 @p0 s16, $0x6;
	[sflag:s8] =	ssyncadd.s32 $0xFFFFFFB0  }
0x176: {  	s17 =	simm.s32 @p0 $0x3;
	s16 =	sor.u32 @p0 $0x1C03, s16;
	[bflag:$0x0] =	sbarrier.arrive $0xFFFF  }
0x177: {  	[hbm:s1], [sflag:s16] =	dma.local @p0 [spmem:s0], $0xA00  }
0x178: {  	_ =	swait.ge @p0 [sflag:s17], $0xA00  }
0x179: {  	[sflag:s17] =	ssyncset.done @p0 $0x0  }
0x17a: {  	[sflag:s17] =	ssyncadd.s32 @p0 $0xFFFFF600;
	s17 =	sshrl.u32 @!p2 s25, $0x3  }
0x17b: {  	[hbm:s26], [sflag:s16] =	dma.local @!p2 [spmem:s17], $0x50  }
0x17c: {  	s17 =	simm.s32 @!p2 $0x3  }
0x17d: {  	_ =	swait.ge @!p2 [sflag:s17], $0x50  }
0x17e: {  	[sflag:s17] =	ssyncset.done @!p2 $0x0  }
0x17f: {  	[sflag:s17] =	ssyncadd.s32 @!p2 $0xFFFFFFB0;
	s17 =	sshrl.u32 @!p3 s25, $0x3  }
0x180: {  	[hbm:s24], [sflag:s16] =	dma.local @!p3 [spmem:s17], $0x50  }
0x181: {  	s16 =	simm.s32 @!p3 $0x3  }
0x182: {  	_ =	swait.ge @!p3 [sflag:s16], $0x50  }
0x183: {  	[sflag:s16] =	ssyncset.done @!p3 $0x0  }
0x184: {  	s17 =	simm.s32 @!p0 $0x1FC3;
	[sflag:s16] =	ssyncadd.s32 @!p3 $0xFFFFFFB0;
	s16 =	sadd.s32 @!p0 $0x9600, s23  }
0x185: {  	[hbm:s16], [sflag:s17] =	dma.local @!p0 [spmem:s5], $0x640  }
0x186: {  	s16 =	simm.s32 @!p0 $0x3  }
0x187: {  	_ =	swait.ge @!p0 [sflag:s16], $0x640  }
0x188: {  	[sflag:s16] =	ssyncset.done @!p0 $0x0  }
0x189: {  	[sflag:s16] =	ssyncadd.s32 @!p0 $0xFFFFF9C0;
	s16 =	sshrl.u32 @!p4 s6, $0x3  }
0x18a: {  	[hbm:s30], [sflag:s17] =	dma.local @!p4 [spmem:s16], $0x32  }
0x18b: {  	s16 =	simm.s32 @!p4 $0x3  }
0x18c: {  	_ =	swait.ge @!p4 [sflag:s16], $0x32  }
0x18d: {  	s15 =	sadd.s32 $0x1, s15;
	[sflag:s16] =	ssyncset.done @!p4 $0x0  }
0x18e: {  	p6 =	sne.s32 s15, s31;
	[sflag:s16] =	ssyncadd.s32 @!p4 $0xFFFFFFCE;
	s16 =	sshrl.u32 @!p5 s6, $0x3  }
0x18f: {  	[hbm:s28], [sflag:s17] =	dma.local @!p5 [spmem:s16], $0x32  }
.Ltmp1:
0x190: {  	_ = 	snop;
	(pc) =	sbr.rel @p6 .LBB2_1-.Ltmp1, $4  }
0x191: {  	s16 =	simm.s32 @!p5 $0x3  }
0x192: {  	_ =	swait.ge @!p5 [sflag:s16], $0x32  }
0x193: {  	[sflag:s16] =	ssyncset.done @!p5 $0x0  }
0x194: {  	[sflag:s16] =	ssyncadd.s32 @!p5 $0xFFFFFFCE  }
0x195: {  	_ =	sfence.sel $0x180000  }
0x196: {  	[bflag:$0x0] =	sbarrier.arrive $0xFFFF  }
0x197: {  	_ =	strace $0x90000047  }
0x198: {  	s0 =	stileid.u32;
	[bflag:$0x2] =	sbarrier.arrive $0xFFFF  }
0x199: {  	p0 =	sne.s32 s0, $0x0;
	s0 =	rddreg [dreg:$0x4]  }
0x19a: {  	s0 =	sadd.s32 @!p0 $0x100000, s0  }
0x19b: {  	[sflag:s0] =	ssyncadd.tile.s32 @!p0 $0x1;
	_ =	shalt  }
.Lfunc_end2:
_tile_overlayer_lowered:
.L_overlay_start_2:
0x19c: {  	(tag) =	ssettag $0x2  }
0x19d: {  	s0 =	rddreg [dreg:$0x0];
	s2 =	stileid.u32  }
0x19e: {  	s1 =	rddreg [dreg:$0x1];
	p0 =	sne.s32 s2, $0x0  }
0x19f: {  	s3 =	rddreg [dreg:$0x2];
	[bflag:$0x3] =	sbarrier.arrive $0xFFFF;
	s2 =	simm.s32 @!p0 $0x1C03  }
0x1a0: {  	[timem:s3], [sflag:s2] =	dma.local @!p0 [hbm:s0], s1  }
0x1a1: {  	s0 =	simm.s32 @!p0 $0x3  }
0x1a2: {  	_ =	swait.ge @!p0 [sflag:s0], s1  }
0x1a3: {  	s1 =	ssub.s32 @!p0 $0x0, s1;
	[sflag:s0] =	ssyncset.done @!p0 $0x0  }
0x1a4: {  	[sflag:s0] =	ssyncadd.s32 @!p0 s1  }
0x1a5: {  	[bflag:$0x3] =	sbarrier.arrive $0xFFFF  }
0x1a6: {  	_ =	shalt  }

</sc_bundles>
